<compile_context>
chip_gen: v7x
topology: tpu7x:2x2x1
jax: 0.10.2.dev20260603
libtpu: 0.0.44.dev20260713+nightly
codegen_flags: <defaults>
</compile_context>

<pallas_src>
import functools

import jax
import jax.numpy as jnp
from jax import lax
from jax.experimental import pallas as pl
from jax.experimental.pallas import tpu as pltpu
from jax.experimental.pallas import tpu_sc as plsc

NUM_POSES = 100000
POSE_DIM = 9
BATCH = 16384

_NUM_CORES = 2
_NUM_SUBCORES = 16
_NUM_WORKERS = _NUM_CORES * _NUM_SUBCORES
_B_PER_W = BATCH // _NUM_WORKERS
_COL_BLKS = NUM_POSES // 8
_LANES = 16

_mesh = plsc.VectorSubcoreMesh(core_axis_name="c", subcore_axis_name="s")


@functools.partial(
    pl.kernel,
    mesh=_mesh,
    out_type=jax.ShapeDtypeStruct((POSE_DIM, BATCH), jnp.float32),
    scratch_types=[
        pltpu.VMEM((_B_PER_W,), jnp.int32),
        pltpu.VMEM((_B_PER_W,), jnp.int32),
        pltpu.VMEM((_B_PER_W,), jnp.int32),
        pltpu.VMEM((POSE_DIM * _B_PER_W, 8), jnp.float32),
        pltpu.VMEM((POSE_DIM, _B_PER_W), jnp.float32),
    ] + [pltpu.SemaphoreType.DMA] * POSE_DIM,
    compiler_params=pltpu.CompilerParams(use_tc_tiling_on_sc=False,
                                         needs_layout_passes=False,
                                         skip_device_barrier=True,
                                         disable_bounds_checks=True,
                                         disable_semaphore_checks=True),
)
def _gather_sc(tab_hbm, idx_hbm, out_hbm, idx_v, low_v, blk_v, win_v,
               rows_v, *sems):
    wid = lax.axis_index("s") * _NUM_CORES + lax.axis_index("c")
    base = wid * _B_PER_W
    pltpu.sync_copy(idx_hbm.at[pl.ds(base, _B_PER_W)], idx_v)

    iota = lax.iota(jnp.int32, _LANES)

    for t in range(_B_PER_W // _LANES):
        s = t * _LANES
        v = idx_v[pl.ds(s, _LANES)]
        low_v[pl.ds(s, _LANES)] = lax.bitwise_and(v, 7)
        blk_v[pl.ds(s, _LANES)] = lax.shift_right_logical(v, 3)

    copies = [
        pltpu.async_copy(
            tab_hbm.at[pl.ds(j * _COL_BLKS, _COL_BLKS)].at[blk_v],
            win_v.at[pl.ds(j * _B_PER_W, _B_PER_W)], sems[j])
        for j in range(POSE_DIM)
    ]

    out_copies = []
    for j in range(POSE_DIM):
        copies[j].wait()

        for t in range(_B_PER_W // _LANES):
            s = t * _LANES
            lo = low_v[pl.ds(s, _LANES)]
            rows16 = (j * _B_PER_W + s) + iota
            rows_v[j, pl.ds(s, _LANES)] = (
                plsc.load_gather(win_v, [rows16, lo]))
        out_copies.append(pltpu.async_copy(
            rows_v.at[j], out_hbm.at[j, pl.ds(base, _B_PER_W)], sems[j]))

    for cp in out_copies:
        cp.wait()


def kernel(d9, i):
    tab = d9.T.reshape(NUM_POSES * POSE_DIM // 8, 8)
    out = _gather_sc(tab, i.astype(jnp.int32))
    return out.T

# --- scband reference (transcript-rebuilt; emitter-appended) ---
"""Pipeline reference for scband-camera-poses-71253507441281 (READ-ONLY COPY).

The authoritative reference and input builder live on the scoring server;
editing this copy changes nothing except your own understanding.
"""

import jax, jax.numpy as jnp
import numpy as np

NUM_POSES = 100000
POSE_DIM = 9
BATCH = 16384

def setup_inputs(seed: int = 0) -> dict:
    key = jax.random.key(seed)
    k1, k2 = jax.random.split(key)
    # Learned 9D pose parameter table (t[3] + first two rows of R[6]),
    # as built in __init__ for pose_rep='9D'. We materialize it directly
    # as a random-initialized parameter table of shape [NUM_POSES, 9].
    d9 = jax.random.normal(k1, (NUM_POSES, POSE_DIM), dtype=jnp.float32)
    i = jax.random.randint(k2, (BATCH,), 0, NUM_POSES, dtype=jnp.int64 if jax.config.jax_enable_x64 else jnp.int32)
    return {"d9": d9, "i": i}

def reference(d9, i):
    # forward(i) with pose_rep == '9D' is a pure row gather: self.d9[i]
    return jnp.take(d9, i, axis=0)

if __name__ == "__main__":
    import jax
    _d = setup_inputs()
    print(jax.jit(kernel)(*tuple(_d.values())))

</pallas_src>

<mosaic_0001>
#map = affine_map<(d0, d1) -> (0, 0)>
#map1 = affine_map<(d0, d1) -> (0)>
module attributes {stable_mosaic.version = 14 : i64} {
  func.func @_gather_sc(%arg0: i32, %arg1: i32, %arg2: memref<112500x8xf32, #tpu.memory_space<hbm>>, %arg3: memref<16384xi32, #tpu.memory_space<hbm>>, %arg4: memref<9x16384xf32, #tpu.memory_space<hbm>>, %arg5: memref<512xi32, #tpu.memory_space<vmem>>, %arg6: memref<512xi32, #tpu.memory_space<vmem>>, %arg7: memref<512xi32, #tpu.memory_space<vmem>>, %arg8: memref<4608x8xf32, #tpu.memory_space<vmem>>, %arg9: memref<9x512xf32, #tpu.memory_space<vmem>>, %arg10: memref<!tpu.dma_semaphore, #tpu.memory_space<semaphore_mem>>, %arg11: memref<!tpu.dma_semaphore, #tpu.memory_space<semaphore_mem>>, %arg12: memref<!tpu.dma_semaphore, #tpu.memory_space<semaphore_mem>>, %arg13: memref<!tpu.dma_semaphore, #tpu.memory_space<semaphore_mem>>, %arg14: memref<!tpu.dma_semaphore, #tpu.memory_space<semaphore_mem>>, %arg15: memref<!tpu.dma_semaphore, #tpu.memory_space<semaphore_mem>>, %arg16: memref<!tpu.dma_semaphore, #tpu.memory_space<semaphore_mem>>, %arg17: memref<!tpu.dma_semaphore, #tpu.memory_space<semaphore_mem>>, %arg18: memref<!tpu.dma_semaphore, #tpu.memory_space<semaphore_mem>>) attributes {dimension_semantics = [#tpu.dimension_semantics<core_parallel>, #tpu.dimension_semantics<subcore_parallel>], iteration_bounds = array<i64: 2, 16>, scalar_prefetch = 0 : i64, scratch_operands = 14 : i64, tpu.core_type = #tpu.core_type<sc_vector_subcore>, window_params = [{transform_indices = #map}, {transform_indices = #map1}, {transform_indices = #map}]} {
    %mul3A = arith.constant 2 : i32
    %mul3A_0 = arith.muli %arg1, %mul3A : i32
    %add3A = arith.addi %mul3A_0, %arg0 : i32
    %mul3A_1 = arith.constant 512 : i32
    %mul3A_2 = arith.muli %add3A, %mul3A_1 : i32
    "tpu.region"() ({
      %run_scoped3A = tpu.sem_alloc : memref<!tpu.dma_semaphore, #tpu.memory_space<semaphore_mem>>
      %dma_start3A_3638 = tpu.memref_slice %arg3[%mul3A_2] : memref<16384xi32, #tpu.memory_space<hbm>> -> memref<512xi32, #tpu.memory_space<hbm>>
      %dma_start3A_3639 = tpu.memref_slice %arg3[%mul3A_2] : memref<16384xi32, #tpu.memory_space<hbm>> -> memref<512xi32, #tpu.memory_space<hbm>>
      tpu.enqueue_dma source(%dma_start3A_3639 : memref<512xi32, #tpu.memory_space<hbm>>) target(%arg5 : memref<512xi32, #tpu.memory_space<vmem>>) target_semaphore(%run_scoped3A : memref<!tpu.dma_semaphore, #tpu.memory_space<semaphore_mem>>)
      %dma_wait3A_3640 = tpu.memref_slice %arg3[%mul3A_2] : memref<16384xi32, #tpu.memory_space<hbm>> -> memref<512xi32, #tpu.memory_space<hbm>>
      %dma_wait3A_3641 = tpu.memref_slice %arg3[%mul3A_2] : memref<16384xi32, #tpu.memory_space<hbm>> -> memref<512xi32, #tpu.memory_space<hbm>>
      tpu.wait_dma2 semaphore(%run_scoped3A : memref<!tpu.dma_semaphore, #tpu.memory_space<semaphore_mem>>) src(%dma_wait3A_3641 : memref<512xi32, #tpu.memory_space<hbm>>) dst(%arg5 : memref<512xi32, #tpu.memory_space<vmem>>)
      tpu.yield
    }) : () -> ()
    %iota3A = tpu.iota {dimensions = array<i32: 0>} : vector<16xi32>
    %get3A = arith.constant 0 : index
    %get3A_3 = tpu.vector_load %arg5[%get3A] {strides = array<i32>} : memref<512xi32, #tpu.memory_space<vmem>>, vector<16xi32>,
    %and3A = arith.constant 7 : i32
    %and3A_4 = vector.broadcast %and3A : i32 to vector<16xi32>
    %and3A_5 = arith.andi %get3A_3, %and3A_4 : vector<16xi32>
    %swap3A = arith.constant 0 : index
    %swap3A_6 = tpu.vector_load %arg6[%swap3A] {strides = array<i32>} : memref<512xi32, #tpu.memory_space<vmem>>, vector<16xi32>,
    tpu.vector_store %arg6[%swap3A], %and3A_5 {strides = array<i32>} : memref<512xi32, #tpu.memory_space<vmem>>, vector<16xi32>,
    %shift_right_logical3A = arith.constant 3 : i32
    %shift_right_logical3A_7 = vector.broadcast %shift_right_logical3A : i32 to vector<16xi32>
    %shift_right_logical3A_8 = arith.shrui %get3A_3, %shift_right_logical3A_7 : vector<16xi32>
    %swap3A_9 = arith.constant 0 : index
    %swap3A_10 = tpu.vector_load %arg7[%swap3A_9] {strides = array<i32>} : memref<512xi32, #tpu.memory_space<vmem>>, vector<16xi32>,
    tpu.vector_store %arg7[%swap3A_9], %shift_right_logical3A_8 {strides = array<i32>} : memref<512xi32, #tpu.memory_space<vmem>>, vector<16xi32>,
    %get3A_11 = arith.constant 16 : index
    %get3A_12 = tpu.vector_load %arg5[%get3A_11] {strides = array<i32>} : memref<512xi32, #tpu.memory_space<vmem>>, vector<16xi32>,
    %and3A_13 = arith.constant 7 : i32
    %and3A_14 = vector.broadcast %and3A_13 : i32 to vector<16xi32>
    %and3A_15 = arith.andi %get3A_12, %and3A_14 : vector<16xi32>
    %swap3A_16 = arith.constant 16 : index
    %swap3A_17 = tpu.vector_load %arg6[%swap3A_16] {strides = array<i32>} : memref<512xi32, #tpu.memory_space<vmem>>, vector<16xi32>,
    tpu.vector_store %arg6[%swap3A_16], %and3A_15 {strides = array<i32>} : memref<512xi32, #tpu.memory_space<vmem>>, vector<16xi32>,
    %shift_right_logical3A_18 = arith.constant 3 : i32
    %shift_right_logical3A_19 = vector.broadcast %shift_right_logical3A_18 : i32 to vector<16xi32>
    %shift_right_logical3A_20 = arith.shrui %get3A_12, %shift_right_logical3A_19 : vector<16xi32>
    %swap3A_21 = arith.constant 16 : index
    %swap3A_22 = tpu.vector_load %arg7[%swap3A_21] {strides = array<i32>} : memref<512xi32, #tpu.memory_space<vmem>>, vector<16xi32>,
    tpu.vector_store %arg7[%swap3A_21], %shift_right_logical3A_20 {strides = array<i32>} : memref<512xi32, #tpu.memory_space<vmem>>, vector<16xi32>,
    %get3A_23 = arith.constant 32 : index
    %get3A_24 = tpu.vector_load %arg5[%get3A_23] {strides = array<i32>} : memref<512xi32, #tpu.memory_space<vmem>>, vector<16xi32>,
    %and3A_25 = arith.constant 7 : i32
    %and3A_26 = vector.broadcast %and3A_25 : i32 to vector<16xi32>
    %and3A_27 = arith.andi %get3A_24, %and3A_26 : vector<16xi32>
    %swap3A_28 = arith.constant 32 : index
    %swap3A_29 = tpu.vector_load %arg6[%swap3A_28] {strides = array<i32>} : memref<512xi32, #tpu.memory_space<vmem>>, vector<16xi32>,
    tpu.vector_store %arg6[%swap3A_28], %and3A_27 {strides = array<i32>} : memref<512xi32, #tpu.memory_space<vmem>>, vector<16xi32>,
    %shift_right_logical3A_30 = arith.constant 3 : i32
    %shift_right_logical3A_31 = vector.broadcast %shift_right_logical3A_30 : i32 to vector<16xi32>
    %shift_right_logical3A_32 = arith.shrui %get3A_24, %shift_right_logical3A_31 : vector<16xi32>
    %swap3A_33 = arith.constant 32 : index
    %swap3A_34 = tpu.vector_load %arg7[%swap3A_33] {strides = array<i32>} : memref<512xi32, #tpu.memory_space<vmem>>, vector<16xi32>,
    tpu.vector_store %arg7[%swap3A_33], %shift_right_logical3A_32 {strides = array<i32>} : memref<512xi32, #tpu.memory_space<vmem>>, vector<16xi32>,
    %get3A_35 = arith.constant 48 : index
    %get3A_36 = tpu.vector_load %arg5[%get3A_35] {strides = array<i32>} : memref<512xi32, #tpu.memory_space<vmem>>, vector<16xi32>,
    %and3A_37 = arith.constant 7 : i32
    %and3A_38 = vector.broadcast %and3A_37 : i32 to vector<16xi32>
    %and3A_39 = arith.andi %get3A_36, %and3A_38 : vector<16xi32>
    %swap3A_40 = arith.constant 48 : index
    %swap3A_41 = tpu.vector_load %arg6[%swap3A_40] {strides = array<i32>} : memref<512xi32, #tpu.memory_space<vmem>>, vector<16xi32>,
    tpu.vector_store %arg6[%swap3A_40], %and3A_39 {strides = array<i32>} : memref<512xi32, #tpu.memory_space<vmem>>, vector<16xi32>,
    %shift_right_logical3A_42 = arith.constant 3 : i32
    %shift_right_logical3A_43 = vector.broadcast %shift_right_logical3A_42 : i32 to vector<16xi32>
    %shift_right_logical3A_44 = arith.shrui %get3A_36, %shift_right_logical3A_43 : vector<16xi32>
    %swap3A_45 = arith.constant 48 : index
    %swap3A_46 = tpu.vector_load %arg7[%swap3A_45] {strides = array<i32>} : memref<512xi32, #tpu.memory_space<vmem>>, vector<16xi32>,
    tpu.vector_store %arg7[%swap3A_45], %shift_right_logical3A_44 {strides = array<i32>} : memref<512xi32, #tpu.memory_space<vmem>>, vector<16xi32>,
    %get3A_47 = arith.constant 64 : index
    %get3A_48 = tpu.vector_load %arg5[%get3A_47] {strides = array<i32>} : memref<512xi32, #tpu.memory_space<vmem>>, vector<16xi32>,
    %and3A_49 = arith.constant 7 : i32
    %and3A_50 = vector.broadcast %and3A_49 : i32 to vector<16xi32>
    %and3A_51 = arith.andi %get3A_48, %and3A_50 : vector<16xi32>
    %swap3A_52 = arith.constant 64 : index
    %swap3A_53 = tpu.vector_load %arg6[%swap3A_52] {strides = array<i32>} : memref<512xi32, #tpu.memory_space<vmem>>, vector<16xi32>,
    tpu.vector_store %arg6[%swap3A_52], %and3A_51 {strides = array<i32>} : memref<512xi32, #tpu.memory_space<vmem>>, vector<16xi32>,
    %shift_right_logical3A_54 = arith.constant 3 : i32
    %shift_right_logical3A_55 = vector.broadcast %shift_right_logical3A_54 : i32 to vector<16xi32>
    %shift_right_logical3A_56 = arith.shrui %get3A_48, %shift_right_logical3A_55 : vector<16xi32>
    %swap3A_57 = arith.constant 64 : index
    %swap3A_58 = tpu.vector_load %arg7[%swap3A_57] {strides = array<i32>} : memref<512xi32, #tpu.memory_space<vmem>>, vector<16xi32>,
    tpu.vector_store %arg7[%swap3A_57], %shift_right_logical3A_56 {strides = array<i32>} : memref<512xi32, #tpu.memory_space<vmem>>, vector<16xi32>,
    %get3A_59 = arith.constant 80 : index
    %get3A_60 = tpu.vector_load %arg5[%get3A_59] {strides = array<i32>} : memref<512xi32, #tpu.memory_space<vmem>>, vector<16xi32>,
    %and3A_61 = arith.constant 7 : i32
    %and3A_62 = vector.broadcast %and3A_61 : i32 to vector<16xi32>
    %and3A_63 = arith.andi %get3A_60, %and3A_62 : vector<16xi32>
    %swap3A_64 = arith.constant 80 : index
    %swap3A_65 = tpu.vector_load %arg6[%swap3A_64] {strides = array<i32>} : memref<512xi32, #tpu.memory_space<vmem>>, vector<16xi32>,
    tpu.vector_store %arg6[%swap3A_64], %and3A_63 {strides = array<i32>} : memref<512xi32, #tpu.memory_space<vmem>>, vector<16xi32>,
    %shift_right_logical3A_66 = arith.constant 3 : i32
    %shift_right_logical3A_67 = vector.broadcast %shift_right_logical3A_66 : i32 to vector<16xi32>
    %shift_right_logical3A_68 = arith.shrui %get3A_60, %shift_right_logical3A_67 : vector<16xi32>
    %swap3A_69 = arith.constant 80 : index
    %swap3A_70 = tpu.vector_load %arg7[%swap3A_69] {strides = array<i32>} : memref<512xi32, #tpu.memory_space<vmem>>, vector<16xi32>,
    tpu.vector_store %arg7[%swap3A_69], %shift_right_logical3A_68 {strides = array<i32>} : memref<512xi32, #tpu.memory_space<vmem>>, vector<16xi32>,
    %get3A_71 = arith.constant 96 : index
    %get3A_72 = tpu.vector_load %arg5[%get3A_71] {strides = array<i32>} : memref<512xi32, #tpu.memory_space<vmem>>, vector<16xi32>,
    %and3A_73 = arith.constant 7 : i32
    %and3A_74 = vector.broadcast %and3A_73 : i32 to vector<16xi32>
    %and3A_75 = arith.andi %get3A_72, %and3A_74 : vector<16xi32>
    %swap3A_76 = arith.constant 96 : index
    %swap3A_77 = tpu.vector_load %arg6[%swap3A_76] {strides = array<i32>} : memref<512xi32, #tpu.memory_space<vmem>>, vector<16xi32>,
    tpu.vector_store %arg6[%swap3A_76], %and3A_75 {strides = array<i32>} : memref<512xi32, #tpu.memory_space<vmem>>, vector<16xi32>,
    %shift_right_logical3A_78 = arith.constant 3 : i32
    %shift_right_logical3A_79 = vector.broadcast %shift_right_logical3A_78 : i32 to vector<16xi32>
    %shift_right_logical3A_80 = arith.shrui %get3A_72, %shift_right_logical3A_79 : vector<16xi32>
    %swap3A_81 = arith.constant 96 : index
    %swap3A_82 = tpu.vector_load %arg7[%swap3A_81] {strides = array<i32>} : memref<512xi32, #tpu.memory_space<vmem>>, vector<16xi32>,
    tpu.vector_store %arg7[%swap3A_81], %shift_right_logical3A_80 {strides = array<i32>} : memref<512xi32, #tpu.memory_space<vmem>>, vector<16xi32>,
    %get3A_83 = arith.constant 112 : index
    %get3A_84 = tpu.vector_load %arg5[%get3A_83] {strides = array<i32>} : memref<512xi32, #tpu.memory_space<vmem>>, vector<16xi32>,
    %and3A_85 = arith.constant 7 : i32
    %and3A_86 = vector.broadcast %and3A_85 : i32 to vector<16xi32>
    %and3A_87 = arith.andi %get3A_84, %and3A_86 : vector<16xi32>
    %swap3A_88 = arith.constant 112 : index
    %swap3A_89 = tpu.vector_load %arg6[%swap3A_88] {strides = array<i32>} : memref<512xi32, #tpu.memory_space<vmem>>, vector<16xi32>,
    tpu.vector_store %arg6[%swap3A_88], %and3A_87 {strides = array<i32>} : memref<512xi32, #tpu.memory_space<vmem>>, vector<16xi32>,
    %shift_right_logical3A_90 = arith.constant 3 : i32
    %shift_right_logical3A_91 = vector.broadcast %shift_right_logical3A_90 : i32 to vector<16xi32>
    %shift_right_logical3A_92 = arith.shrui %get3A_84, %shift_right_logical3A_91 : vector<16xi32>
    %swap3A_93 = arith.constant 112 : index
    %swap3A_94 = tpu.vector_load %arg7[%swap3A_93] {strides = array<i32>} : memref<512xi32, #tpu.memory_space<vmem>>, vector<16xi32>,
    tpu.vector_store %arg7[%swap3A_93], %shift_right_logical3A_92 {strides = array<i32>} : memref<512xi32, #tpu.memory_space<vmem>>, vector<16xi32>,
    %get3A_95 = arith.constant 128 : index
    %get3A_96 = tpu.vector_load %arg5[%get3A_95] {strides = array<i32>} : memref<512xi32, #tpu.memory_space<vmem>>, vector<16xi32>,
    %and3A_97 = arith.constant 7 : i32
    %and3A_98 = vector.broadcast %and3A_97 : i32 to vector<16xi32>
    %and3A_99 = arith.andi %get3A_96, %and3A_98 : vector<16xi32>
    %swap3A_100 = arith.constant 128 : index
    %swap3A_101 = tpu.vector_load %arg6[%swap3A_100] {strides = array<i32>} : memref<512xi32, #tpu.memory_space<vmem>>, vector<16xi32>,
    tpu.vector_store %arg6[%swap3A_100], %and3A_99 {strides = array<i32>} : memref<512xi32, #tpu.memory_space<vmem>>, vector<16xi32>,
    %shift_right_logical3A_102 = arith.constant 3 : i32
    %shift_right_logical3A_103 = vector.broadcast %shift_right_logical3A_102 : i32 to vector<16xi32>
    %shift_right_logical3A_104 = arith.shrui %get3A_96, %shift_right_logical3A_103 : vector<16xi32>
    %swap3A_105 = arith.constant 128 : index
    %swap3A_106 = tpu.vector_load %arg7[%swap3A_105] {strides = array<i32>} : memref<512xi32, #tpu.memory_space<vmem>>, vector<16xi32>,
    tpu.vector_store %arg7[%swap3A_105], %shift_right_logical3A_104 {strides = array<i32>} : memref<512xi32, #tpu.memory_space<vmem>>, vector<16xi32>,
    %get3A_107 = arith.constant 144 : index
    %get3A_108 = tpu.vector_load %arg5[%get3A_107] {strides = array<i32>} : memref<512xi32, #tpu.memory_space<vmem>>, vector<16xi32>,
    %and3A_109 = arith.constant 7 : i32
    %and3A_110 = vector.broadcast %and3A_109 : i32 to vector<16xi32>
    %and3A_111 = arith.andi %get3A_108, %and3A_110 : vector<16xi32>
    %swap3A_112 = arith.constant 144 : index
    %swap3A_113 = tpu.vector_load %arg6[%swap3A_112] {strides = array<i32>} : memref<512xi32, #tpu.memory_space<vmem>>, vector<16xi32>,
    tpu.vector_store %arg6[%swap3A_112], %and3A_111 {strides = array<i32>} : memref<512xi32, #tpu.memory_space<vmem>>, vector<16xi32>,
    %shift_right_logical3A_114 = arith.constant 3 : i32
    %shift_right_logical3A_115 = vector.broadcast %shift_right_logical3A_114 : i32 to vector<16xi32>
    %shift_right_logical3A_116 = arith.shrui %get3A_108, %shift_right_logical3A_115 : vector<16xi32>
    %swap3A_117 = arith.constant 144 : index
    %swap3A_118 = tpu.vector_load %arg7[%swap3A_117] {strides = array<i32>} : memref<512xi32, #tpu.memory_space<vmem>>, vector<16xi32>,
    tpu.vector_store %arg7[%swap3A_117], %shift_right_logical3A_116 {strides = array<i32>} : memref<512xi32, #tpu.memory_space<vmem>>, vector<16xi32>,
    %get3A_119 = arith.constant 160 : index
    %get3A_120 = tpu.vector_load %arg5[%get3A_119] {strides = array<i32>} : memref<512xi32, #tpu.memory_space<vmem>>, vector<16xi32>,
    %and3A_121 = arith.constant 7 : i32
    %and3A_122 = vector.broadcast %and3A_121 : i32 to vector<16xi32>
    %and3A_123 = arith.andi %get3A_120, %and3A_122 : vector<16xi32>
    %swap3A_124 = arith.constant 160 : index
    %swap3A_125 = tpu.vector_load %arg6[%swap3A_124] {strides = array<i32>} : memref<512xi32, #tpu.memory_space<vmem>>, vector<16xi32>,
    tpu.vector_store %arg6[%swap3A_124], %and3A_123 {strides = array<i32>} : memref<512xi32, #tpu.memory_space<vmem>>, vector<16xi32>,
    %shift_right_logical3A_126 = arith.constant 3 : i32
    %shift_right_logical3A_127 = vector.broadcast %shift_right_logical3A_126 : i32 to vector<16xi32>
    %shift_right_logical3A_128 = arith.shrui %get3A_120, %shift_right_logical3A_127 : vector<16xi32>
    %swap3A_129 = arith.constant 160 : index
    %swap3A_130 = tpu.vector_load %arg7[%swap3A_129] {strides = array<i32>} : memref<512xi32, #tpu.memory_space<vmem>>, vector<16xi32>,
    tpu.vector_store %arg7[%swap3A_129], %shift_right_logical3A_128 {strides = array<i32>} : memref<512xi32, #tpu.memory_space<vmem>>, vector<16xi32>,
    %get3A_131 = arith.constant 176 : index
    %get3A_132 = tpu.vector_load %arg5[%get3A_131] {strides = array<i32>} : memref<512xi32, #tpu.memory_space<vmem>>, vector<16xi32>,
    %and3A_133 = arith.constant 7 : i32
    %and3A_134 = vector.broadcast %and3A_133 : i32 to vector<16xi32>
    %and3A_135 = arith.andi %get3A_132, %and3A_134 : vector<16xi32>
    %swap3A_136 = arith.constant 176 : index
    %swap3A_137 = tpu.vector_load %arg6[%swap3A_136] {strides = array<i32>} : memref<512xi32, #tpu.memory_space<vmem>>, vector<16xi32>,
    tpu.vector_store %arg6[%swap3A_136], %and3A_135 {strides = array<i32>} : memref<512xi32, #tpu.memory_space<vmem>>, vector<16xi32>,
    %shift_right_logical3A_138 = arith.constant 3 : i32
    %shift_right_logical3A_139 = vector.broadcast %shift_right_logical3A_138 : i32 to vector<16xi32>
    %shift_right_logical3A_140 = arith.shrui %get3A_132, %shift_right_logical3A_139 : vector<16xi32>
    %swap3A_141 = arith.constant 176 : index
    %swap3A_142 = tpu.vector_load %arg7[%swap3A_141] {strides = array<i32>} : memref<512xi32, #tpu.memory_space<vmem>>, vector<16xi32>,
    tpu.vector_store %arg7[%swap3A_141], %shift_right_logical3A_140 {strides = array<i32>} : memref<512xi32, #tpu.memory_space<vmem>>, vector<16xi32>,
    %get3A_143 = arith.constant 192 : index
    %get3A_144 = tpu.vector_load %arg5[%get3A_143] {strides = array<i32>} : memref<512xi32, #tpu.memory_space<vmem>>, vector<16xi32>,
    %and3A_145 = arith.constant 7 : i32
    %and3A_146 = vector.broadcast %and3A_145 : i32 to vector<16xi32>
    %and3A_147 = arith.andi %get3A_144, %and3A_146 : vector<16xi32>
    %swap3A_148 = arith.constant 192 : index
    %swap3A_149 = tpu.vector_load %arg6[%swap3A_148] {strides = array<i32>} : memref<512xi32, #tpu.memory_space<vmem>>, vector<16xi32>,
    tpu.vector_store %arg6[%swap3A_148], %and3A_147 {strides = array<i32>} : memref<512xi32, #tpu.memory_space<vmem>>, vector<16xi32>,
    %shift_right_logical3A_150 = arith.constant 3 : i32
    %shift_right_logical3A_151 = vector.broadcast %shift_right_logical3A_150 : i32 to vector<16xi32>
    %shift_right_logical3A_152 = arith.shrui %get3A_144, %shift_right_logical3A_151 : vector<16xi32>
    %swap3A_153 = arith.constant 192 : index
    %swap3A_154 = tpu.vector_load %arg7[%swap3A_153] {strides = array<i32>} : memref<512xi32, #tpu.memory_space<vmem>>, vector<16xi32>,
    tpu.vector_store %arg7[%swap3A_153], %shift_right_logical3A_152 {strides = array<i32>} : memref<512xi32, #tpu.memory_space<vmem>>, vector<16xi32>,
    %get3A_155 = arith.constant 208 : index
    %get3A_156 = tpu.vector_load %arg5[%get3A_155] {strides = array<i32>} : memref<512xi32, #tpu.memory_space<vmem>>, vector<16xi32>,
    %and3A_157 = arith.constant 7 : i32
    %and3A_158 = vector.broadcast %and3A_157 : i32 to vector<16xi32>
    %and3A_159 = arith.andi %get3A_156, %and3A_158 : vector<16xi32>
    %swap3A_160 = arith.constant 208 : index
    %swap3A_161 = tpu.vector_load %arg6[%swap3A_160] {strides = array<i32>} : memref<512xi32, #tpu.memory_space<vmem>>, vector<16xi32>,
    tpu.vector_store %arg6[%swap3A_160], %and3A_159 {strides = array<i32>} : memref<512xi32, #tpu.memory_space<vmem>>, vector<16xi32>,
    %shift_right_logical3A_162 = arith.constant 3 : i32
    %shift_right_logical3A_163 = vector.broadcast %shift_right_logical3A_162 : i32 to vector<16xi32>
    %shift_right_logical3A_164 = arith.shrui %get3A_156, %shift_right_logical3A_163 : vector<16xi32>
    %swap3A_165 = arith.constant 208 : index
    %swap3A_166 = tpu.vector_load %arg7[%swap3A_165] {strides = array<i32>} : memref<512xi32, #tpu.memory_space<vmem>>, vector<16xi32>,
    tpu.vector_store %arg7[%swap3A_165], %shift_right_logical3A_164 {strides = array<i32>} : memref<512xi32, #tpu.memory_space<vmem>>, vector<16xi32>,
    %get3A_167 = arith.constant 224 : index
    %get3A_168 = tpu.vector_load %arg5[%get3A_167] {strides = array<i32>} : memref<512xi32, #tpu.memory_space<vmem>>, vector<16xi32>,
    %and3A_169 = arith.constant 7 : i32
    %and3A_170 = vector.broadcast %and3A_169 : i32 to vector<16xi32>
    %and3A_171 = arith.andi %get3A_168, %and3A_170 : vector<16xi32>
    %swap3A_172 = arith.constant 224 : index
    %swap3A_173 = tpu.vector_load %arg6[%swap3A_172] {strides = array<i32>} : memref<512xi32, #tpu.memory_space<vmem>>, vector<16xi32>,
    tpu.vector_store %arg6[%swap3A_172], %and3A_171 {strides = array<i32>} : memref<512xi32, #tpu.memory_space<vmem>>, vector<16xi32>,
    %shift_right_logical3A_174 = arith.constant 3 : i32
    %shift_right_logical3A_175 = vector.broadcast %shift_right_logical3A_174 : i32 to vector<16xi32>
    %shift_right_logical3A_176 = arith.shrui %get3A_168, %shift_right_logical3A_175 : vector<16xi32>
    %swap3A_177 = arith.constant 224 : index
    %swap3A_178 = tpu.vector_load %arg7[%swap3A_177] {strides = array<i32>} : memref<512xi32, #tpu.memory_space<vmem>>, vector<16xi32>,
    tpu.vector_store %arg7[%swap3A_177], %shift_right_logical3A_176 {strides = array<i32>} : memref<512xi32, #tpu.memory_space<vmem>>, vector<16xi32>,
    %get3A_179 = arith.constant 240 : index
    %get3A_180 = tpu.vector_load %arg5[%get3A_179] {strides = array<i32>} : memref<512xi32, #tpu.memory_space<vmem>>, vector<16xi32>,
    %and3A_181 = arith.constant 7 : i32
    %and3A_182 = vector.broadcast %and3A_181 : i32 to vector<16xi32>
    %and3A_183 = arith.andi %get3A_180, %and3A_182 : vector<16xi32>
    %swap3A_184 = arith.constant 240 : index
    %swap3A_185 = tpu.vector_load %arg6[%swap3A_184] {strides = array<i32>} : memref<512xi32, #tpu.memory_space<vmem>>, vector<16xi32>,
    tpu.vector_store %arg6[%swap3A_184], %and3A_183 {strides = array<i32>} : memref<512xi32, #tpu.memory_space<vmem>>, vector<16xi32>,
    %shift_right_logical3A_186 = arith.constant 3 : i32
    %shift_right_logical3A_187 = vector.broadcast %shift_right_logical3A_186 : i32 to vector<16xi32>
    %shift_right_logical3A_188 = arith.shrui %get3A_180, %shift_right_logical3A_187 : vector<16xi32>
    %swap3A_189 = arith.constant 240 : index
    %swap3A_190 = tpu.vector_load %arg7[%swap3A_189] {strides = array<i32>} : memref<512xi32, #tpu.memory_space<vmem>>, vector<16xi32>,
    tpu.vector_store %arg7[%swap3A_189], %shift_right_logical3A_188 {strides = array<i32>} : memref<512xi32, #tpu.memory_space<vmem>>, vector<16xi32>,
    %get3A_191 = arith.constant 256 : index
    %get3A_192 = tpu.vector_load %arg5[%get3A_191] {strides = array<i32>} : memref<512xi32, #tpu.memory_space<vmem>>, vector<16xi32>,
    %and3A_193 = arith.constant 7 : i32
    %and3A_194 = vector.broadcast %and3A_193 : i32 to vector<16xi32>
    %and3A_195 = arith.andi %get3A_192, %and3A_194 : vector<16xi32>
    %swap3A_196 = arith.constant 256 : index
    %swap3A_197 = tpu.vector_load %arg6[%swap3A_196] {strides = array<i32>} : memref<512xi32, #tpu.memory_space<vmem>>, vector<16xi32>,
    tpu.vector_store %arg6[%swap3A_196], %and3A_195 {strides = array<i32>} : memref<512xi32, #tpu.memory_space<vmem>>, vector<16xi32>,
    %shift_right_logical3A_198 = arith.constant 3 : i32
    %shift_right_logical3A_199 = vector.broadcast %shift_right_logical3A_198 : i32 to vector<16xi32>
    %shift_right_logical3A_200 = arith.shrui %get3A_192, %shift_right_logical3A_199 : vector<16xi32>
    %swap3A_201 = arith.constant 256 : index
    %swap3A_202 = tpu.vector_load %arg7[%swap3A_201] {strides = array<i32>} : memref<512xi32, #tpu.memory_space<vmem>>, vector<16xi32>,
    tpu.vector_store %arg7[%swap3A_201], %shift_right_logical3A_200 {strides = array<i32>} : memref<512xi32, #tpu.memory_space<vmem>>, vector<16xi32>,
    %get3A_203 = arith.constant 272 : index
    %get3A_204 = tpu.vector_load %arg5[%get3A_203] {strides = array<i32>} : memref<512xi32, #tpu.memory_space<vmem>>, vector<16xi32>,
    %and3A_205 = arith.constant 7 : i32
    %and3A_206 = vector.broadcast %and3A_205 : i32 to vector<16xi32>
    %and3A_207 = arith.andi %get3A_204, %and3A_206 : vector<16xi32>
    %swap3A_208 = arith.constant 272 : index
    %swap3A_209 = tpu.vector_load %arg6[%swap3A_208] {strides = array<i32>} : memref<512xi32, #tpu.memory_space<vmem>>, vector<16xi32>,
    tpu.vector_store %arg6[%swap3A_208], %and3A_207 {strides = array<i32>} : memref<512xi32, #tpu.memory_space<vmem>>, vector<16xi32>,
    %shift_right_logical3A_210 = arith.constant 3 : i32
    %shift_right_logical3A_211 = vector.broadcast %shift_right_logical3A_210 : i32 to vector<16xi32>
    %shift_right_logical3A_212 = arith.shrui %get3A_204, %shift_right_logical3A_211 : vector<16xi32>
    %swap3A_213 = arith.constant 272 : index
    %swap3A_214 = tpu.vector_load %arg7[%swap3A_213] {strides = array<i32>} : memref<512xi32, #tpu.memory_space<vmem>>, vector<16xi32>,
    tpu.vector_store %arg7[%swap3A_213], %shift_right_logical3A_212 {strides = array<i32>} : memref<512xi32, #tpu.memory_space<vmem>>, vector<16xi32>,
    %get3A_215 = arith.constant 288 : index
    %get3A_216 = tpu.vector_load %arg5[%get3A_215] {strides = array<i32>} : memref<512xi32, #tpu.memory_space<vmem>>, vector<16xi32>,
    %and3A_217 = arith.constant 7 : i32
    %and3A_218 = vector.broadcast %and3A_217 : i32 to vector<16xi32>
    %and3A_219 = arith.andi %get3A_216, %and3A_218 : vector<16xi32>
    %swap3A_220 = arith.constant 288 : index
    %swap3A_221 = tpu.vector_load %arg6[%swap3A_220] {strides = array<i32>} : memref<512xi32, #tpu.memory_space<vmem>>, vector<16xi32>,
    tpu.vector_store %arg6[%swap3A_220], %and3A_219 {strides = array<i32>} : memref<512xi32, #tpu.memory_space<vmem>>, vector<16xi32>,
    %shift_right_logical3A_222 = arith.constant 3 : i32
    %shift_right_logical3A_223 = vector.broadcast %shift_right_logical3A_222 : i32 to vector<16xi32>
    %shift_right_logical3A_224 = arith.shrui %get3A_216, %shift_right_logical3A_223 : vector<16xi32>
    %swap3A_225 = arith.constant 288 : index
    %swap3A_226 = tpu.vector_load %arg7[%swap3A_225] {strides = array<i32>} : memref<512xi32, #tpu.memory_space<vmem>>, vector<16xi32>,
    tpu.vector_store %arg7[%swap3A_225], %shift_right_logical3A_224 {strides = array<i32>} : memref<512xi32, #tpu.memory_space<vmem>>, vector<16xi32>,
    %get3A_227 = arith.constant 304 : index
    %get3A_228 = tpu.vector_load %arg5[%get3A_227] {strides = array<i32>} : memref<512xi32, #tpu.memory_space<vmem>>, vector<16xi32>,
    %and3A_229 = arith.constant 7 : i32
    %and3A_230 = vector.broadcast %and3A_229 : i32 to vector<16xi32>
    %and3A_231 = arith.andi %get3A_228, %and3A_230 : vector<16xi32>
    %swap3A_232 = arith.constant 304 : index
    %swap3A_233 = tpu.vector_load %arg6[%swap3A_232] {strides = array<i32>} : memref<512xi32, #tpu.memory_space<vmem>>, vector<16xi32>,
    tpu.vector_store %arg6[%swap3A_232], %and3A_231 {strides = array<i32>} : memref<512xi32, #tpu.memory_space<vmem>>, vector<16xi32>,
    %shift_right_logical3A_234 = arith.constant 3 : i32
    %shift_right_logical3A_235 = vector.broadcast %shift_right_logical3A_234 : i32 to vector<16xi32>
    %shift_right_logical3A_236 = arith.shrui %get3A_228, %shift_right_logical3A_235 : vector<16xi32>
    %swap3A_237 = arith.constant 304 : index
    %swap3A_238 = tpu.vector_load %arg7[%swap3A_237] {strides = array<i32>} : memref<512xi32, #tpu.memory_space<vmem>>, vector<16xi32>,
    tpu.vector_store %arg7[%swap3A_237], %shift_right_logical3A_236 {strides = array<i32>} : memref<512xi32, #tpu.memory_space<vmem>>, vector<16xi32>,
    %get3A_239 = arith.constant 320 : index
    %get3A_240 = tpu.vector_load %arg5[%get3A_239] {strides = array<i32>} : memref<512xi32, #tpu.memory_space<vmem>>, vector<16xi32>,
    %and3A_241 = arith.constant 7 : i32
    %and3A_242 = vector.broadcast %and3A_241 : i32 to vector<16xi32>
    %and3A_243 = arith.andi %get3A_240, %and3A_242 : vector<16xi32>
    %swap3A_244 = arith.constant 320 : index
    %swap3A_245 = tpu.vector_load %arg6[%swap3A_244] {strides = array<i32>} : memref<512xi32, #tpu.memory_space<vmem>>, vector<16xi32>,
    tpu.vector_store %arg6[%swap3A_244], %and3A_243 {strides = array<i32>} : memref<512xi32, #tpu.memory_space<vmem>>, vector<16xi32>,
    %shift_right_logical3A_246 = arith.constant 3 : i32
    %shift_right_logical3A_247 = vector.broadcast %shift_right_logical3A_246 : i32 to vector<16xi32>
    %shift_right_logical3A_248 = arith.shrui %get3A_240, %shift_right_logical3A_247 : vector<16xi32>
    %swap3A_249 = arith.constant 320 : index
    %swap3A_250 = tpu.vector_load %arg7[%swap3A_249] {strides = array<i32>} : memref<512xi32, #tpu.memory_space<vmem>>, vector<16xi32>,
    tpu.vector_store %arg7[%swap3A_249], %shift_right_logical3A_248 {strides = array<i32>} : memref<512xi32, #tpu.memory_space<vmem>>, vector<16xi32>,
    %get3A_251 = arith.constant 336 : index
    %get3A_252 = tpu.vector_load %arg5[%get3A_251] {strides = array<i32>} : memref<512xi32, #tpu.memory_space<vmem>>, vector<16xi32>,
    %and3A_253 = arith.constant 7 : i32
    %and3A_254 = vector.broadcast %and3A_253 : i32 to vector<16xi32>
    %and3A_255 = arith.andi %get3A_252, %and3A_254 : vector<16xi32>
    %swap3A_256 = arith.constant 336 : index
    %swap3A_257 = tpu.vector_load %arg6[%swap3A_256] {strides = array<i32>} : memref<512xi32, #tpu.memory_space<vmem>>, vector<16xi32>,
    tpu.vector_store %arg6[%swap3A_256], %and3A_255 {strides = array<i32>} : memref<512xi32, #tpu.memory_space<vmem>>, vector<16xi32>,
    %shift_right_logical3A_258 = arith.constant 3 : i32
    %shift_right_logical3A_259 = vector.broadcast %shift_right_logical3A_258 : i32 to vector<16xi32>
    %shift_right_logical3A_260 = arith.shrui %get3A_252, %shift_right_logical3A_259 : vector<16xi32>
    %swap3A_261 = arith.constant 336 : index
    %swap3A_262 = tpu.vector_load %arg7[%swap3A_261] {strides = array<i32>} : memref<512xi32, #tpu.memory_space<vmem>>, vector<16xi32>,
    tpu.vector_store %arg7[%swap3A_261], %shift_right_logical3A_260 {strides = array<i32>} : memref<512xi32, #tpu.memory_space<vmem>>, vector<16xi32>,
    %get3A_263 = arith.constant 352 : index
    %get3A_264 = tpu.vector_load %arg5[%get3A_263] {strides = array<i32>} : memref<512xi32, #tpu.memory_space<vmem>>, vector<16xi32>,
    %and3A_265 = arith.constant 7 : i32
    %and3A_266 = vector.broadcast %and3A_265 : i32 to vector<16xi32>
    %and3A_267 = arith.andi %get3A_264, %and3A_266 : vector<16xi32>
    %swap3A_268 = arith.constant 352 : index
    %swap3A_269 = tpu.vector_load %arg6[%swap3A_268] {strides = array<i32>} : memref<512xi32, #tpu.memory_space<vmem>>, vector<16xi32>,
    tpu.vector_store %arg6[%swap3A_268], %and3A_267 {strides = array<i32>} : memref<512xi32, #tpu.memory_space<vmem>>, vector<16xi32>,
    %shift_right_logical3A_270 = arith.constant 3 : i32
    %shift_right_logical3A_271 = vector.broadcast %shift_right_logical3A_270 : i32 to vector<16xi32>
    %shift_right_logical3A_272 = arith.shrui %get3A_264, %shift_right_logical3A_271 : vector<16xi32>
    %swap3A_273 = arith.constant 352 : index
    %swap3A_274 = tpu.vector_load %arg7[%swap3A_273] {strides = array<i32>} : memref<512xi32, #tpu.memory_space<vmem>>, vector<16xi32>,
    tpu.vector_store %arg7[%swap3A_273], %shift_right_logical3A_272 {strides = array<i32>} : memref<512xi32, #tpu.memory_space<vmem>>, vector<16xi32>,
    %get3A_275 = arith.constant 368 : index
    %get3A_276 = tpu.vector_load %arg5[%get3A_275] {strides = array<i32>} : memref<512xi32, #tpu.memory_space<vmem>>, vector<16xi32>,
    %and3A_277 = arith.constant 7 : i32
    %and3A_278 = vector.broadcast %and3A_277 : i32 to vector<16xi32>
    %and3A_279 = arith.andi %get3A_276, %and3A_278 : vector<16xi32>
    %swap3A_280 = arith.constant 368 : index
    %swap3A_281 = tpu.vector_load %arg6[%swap3A_280] {strides = array<i32>} : memref<512xi32, #tpu.memory_space<vmem>>, vector<16xi32>,
    tpu.vector_store %arg6[%swap3A_280], %and3A_279 {strides = array<i32>} : memref<512xi32, #tpu.memory_space<vmem>>, vector<16xi32>,
    %shift_right_logical3A_282 = arith.constant 3 : i32
    %shift_right_logical3A_283 = vector.broadcast %shift_right_logical3A_282 : i32 to vector<16xi32>
    %shift_right_logical3A_284 = arith.shrui %get3A_276, %shift_right_logical3A_283 : vector<16xi32>
    %swap3A_285 = arith.constant 368 : index
    %swap3A_286 = tpu.vector_load %arg7[%swap3A_285] {strides = array<i32>} : memref<512xi32, #tpu.memory_space<vmem>>, vector<16xi32>,
    tpu.vector_store %arg7[%swap3A_285], %shift_right_logical3A_284 {strides = array<i32>} : memref<512xi32, #tpu.memory_space<vmem>>, vector<16xi32>,
    %get3A_287 = arith.constant 384 : index
    %get3A_288 = tpu.vector_load %arg5[%get3A_287] {strides = array<i32>} : memref<512xi32, #tpu.memory_space<vmem>>, vector<16xi32>,
    %and3A_289 = arith.constant 7 : i32
    %and3A_290 = vector.broadcast %and3A_289 : i32 to vector<16xi32>
    %and3A_291 = arith.andi %get3A_288, %and3A_290 : vector<16xi32>
    %swap3A_292 = arith.constant 384 : index
    %swap3A_293 = tpu.vector_load %arg6[%swap3A_292] {strides = array<i32>} : memref<512xi32, #tpu.memory_space<vmem>>, vector<16xi32>,
    tpu.vector_store %arg6[%swap3A_292], %and3A_291 {strides = array<i32>} : memref<512xi32, #tpu.memory_space<vmem>>, vector<16xi32>,
    %shift_right_logical3A_294 = arith.constant 3 : i32
    %shift_right_logical3A_295 = vector.broadcast %shift_right_logical3A_294 : i32 to vector<16xi32>
    %shift_right_logical3A_296 = arith.shrui %get3A_288, %shift_right_logical3A_295 : vector<16xi32>
    %swap3A_297 = arith.constant 384 : index
    %swap3A_298 = tpu.vector_load %arg7[%swap3A_297] {strides = array<i32>} : memref<512xi32, #tpu.memory_space<vmem>>, vector<16xi32>,
    tpu.vector_store %arg7[%swap3A_297], %shift_right_logical3A_296 {strides = array<i32>} : memref<512xi32, #tpu.memory_space<vmem>>, vector<16xi32>,
    %get3A_299 = arith.constant 400 : index
    %get3A_300 = tpu.vector_load %arg5[%get3A_299] {strides = array<i32>} : memref<512xi32, #tpu.memory_space<vmem>>, vector<16xi32>,
    %and3A_301 = arith.constant 7 : i32
    %and3A_302 = vector.broadcast %and3A_301 : i32 to vector<16xi32>
    %and3A_303 = arith.andi %get3A_300, %and3A_302 : vector<16xi32>
    %swap3A_304 = arith.constant 400 : index
    %swap3A_305 = tpu.vector_load %arg6[%swap3A_304] {strides = array<i32>} : memref<512xi32, #tpu.memory_space<vmem>>, vector<16xi32>,
    tpu.vector_store %arg6[%swap3A_304], %and3A_303 {strides = array<i32>} : memref<512xi32, #tpu.memory_space<vmem>>, vector<16xi32>,
    %shift_right_logical3A_306 = arith.constant 3 : i32
    %shift_right_logical3A_307 = vector.broadcast %shift_right_logical3A_306 : i32 to vector<16xi32>
    %shift_right_logical3A_308 = arith.shrui %get3A_300, %shift_right_logical3A_307 : vector<16xi32>
    %swap3A_309 = arith.constant 400 : index
    %swap3A_310 = tpu.vector_load %arg7[%swap3A_309] {strides = array<i32>} : memref<512xi32, #tpu.memory_space<vmem>>, vector<16xi32>,
    tpu.vector_store %arg7[%swap3A_309], %shift_right_logical3A_308 {strides = array<i32>} : memref<512xi32, #tpu.memory_space<vmem>>, vector<16xi32>,
    %get3A_311 = arith.constant 416 : index
    %get3A_312 = tpu.vector_load %arg5[%get3A_311] {strides = array<i32>} : memref<512xi32, #tpu.memory_space<vmem>>, vector<16xi32>,
    %and3A_313 = arith.constant 7 : i32
    %and3A_314 = vector.broadcast %and3A_313 : i32 to vector<16xi32>
    %and3A_315 = arith.andi %get3A_312, %and3A_314 : vector<16xi32>
    %swap3A_316 = arith.constant 416 : index
    %swap3A_317 = tpu.vector_load %arg6[%swap3A_316] {strides = array<i32>} : memref<512xi32, #tpu.memory_space<vmem>>, vector<16xi32>,
    tpu.vector_store %arg6[%swap3A_316], %and3A_315 {strides = array<i32>} : memref<512xi32, #tpu.memory_space<vmem>>, vector<16xi32>,
    %shift_right_logical3A_318 = arith.constant 3 : i32
    %shift_right_logical3A_319 = vector.broadcast %shift_right_logical3A_318 : i32 to vector<16xi32>
    %shift_right_logical3A_320 = arith.shrui %get3A_312, %shift_right_logical3A_319 : vector<16xi32>
    %swap3A_321 = arith.constant 416 : index
    %swap3A_322 = tpu.vector_load %arg7[%swap3A_321] {strides = array<i32>} : memref<512xi32, #tpu.memory_space<vmem>>, vector<16xi32>,
    tpu.vector_store %arg7[%swap3A_321], %shift_right_logical3A_320 {strides = array<i32>} : memref<512xi32, #tpu.memory_space<vmem>>, vector<16xi32>,
    %get3A_323 = arith.constant 432 : index
    %get3A_324 = tpu.vector_load %arg5[%get3A_323] {strides = array<i32>} : memref<512xi32, #tpu.memory_space<vmem>>, vector<16xi32>,
    %and3A_325 = arith.constant 7 : i32
    %and3A_326 = vector.broadcast %and3A_325 : i32 to vector<16xi32>
    %and3A_327 = arith.andi %get3A_324, %and3A_326 : vector<16xi32>
    %swap3A_328 = arith.constant 432 : index
    %swap3A_329 = tpu.vector_load %arg6[%swap3A_328] {strides = array<i32>} : memref<512xi32, #tpu.memory_space<vmem>>, vector<16xi32>,
    tpu.vector_store %arg6[%swap3A_328], %and3A_327 {strides = array<i32>} : memref<512xi32, #tpu.memory_space<vmem>>, vector<16xi32>,
    %shift_right_logical3A_330 = arith.constant 3 : i32
    %shift_right_logical3A_331 = vector.broadcast %shift_right_logical3A_330 : i32 to vector<16xi32>
    %shift_right_logical3A_332 = arith.shrui %get3A_324, %shift_right_logical3A_331 : vector<16xi32>
    %swap3A_333 = arith.constant 432 : index
    %swap3A_334 = tpu.vector_load %arg7[%swap3A_333] {strides = array<i32>} : memref<512xi32, #tpu.memory_space<vmem>>, vector<16xi32>,
    tpu.vector_store %arg7[%swap3A_333], %shift_right_logical3A_332 {strides = array<i32>} : memref<512xi32, #tpu.memory_space<vmem>>, vector<16xi32>,
    %get3A_335 = arith.constant 448 : index
    %get3A_336 = tpu.vector_load %arg5[%get3A_335] {strides = array<i32>} : memref<512xi32, #tpu.memory_space<vmem>>, vector<16xi32>,
    %and3A_337 = arith.constant 7 : i32
    %and3A_338 = vector.broadcast %and3A_337 : i32 to vector<16xi32>
    %and3A_339 = arith.andi %get3A_336, %and3A_338 : vector<16xi32>
    %swap3A_340 = arith.constant 448 : index
    %swap3A_341 = tpu.vector_load %arg6[%swap3A_340] {strides = array<i32>} : memref<512xi32, #tpu.memory_space<vmem>>, vector<16xi32>,
    tpu.vector_store %arg6[%swap3A_340], %and3A_339 {strides = array<i32>} : memref<512xi32, #tpu.memory_space<vmem>>, vector<16xi32>,
    %shift_right_logical3A_342 = arith.constant 3 : i32
    %shift_right_logical3A_343 = vector.broadcast %shift_right_logical3A_342 : i32 to vector<16xi32>
    %shift_right_logical3A_344 = arith.shrui %get3A_336, %shift_right_logical3A_343 : vector<16xi32>
    %swap3A_345 = arith.constant 448 : index
    %swap3A_346 = tpu.vector_load %arg7[%swap3A_345] {strides = array<i32>} : memref<512xi32, #tpu.memory_space<vmem>>, vector<16xi32>,
    tpu.vector_store %arg7[%swap3A_345], %shift_right_logical3A_344 {strides = array<i32>} : memref<512xi32, #tpu.memory_space<vmem>>, vector<16xi32>,
    %get3A_347 = arith.constant 464 : index
    %get3A_348 = tpu.vector_load %arg5[%get3A_347] {strides = array<i32>} : memref<512xi32, #tpu.memory_space<vmem>>, vector<16xi32>,
    %and3A_349 = arith.constant 7 : i32
    %and3A_350 = vector.broadcast %and3A_349 : i32 to vector<16xi32>
    %and3A_351 = arith.andi %get3A_348, %and3A_350 : vector<16xi32>
    %swap3A_352 = arith.constant 464 : index
    %swap3A_353 = tpu.vector_load %arg6[%swap3A_352] {strides = array<i32>} : memref<512xi32, #tpu.memory_space<vmem>>, vector<16xi32>,
    tpu.vector_store %arg6[%swap3A_352], %and3A_351 {strides = array<i32>} : memref<512xi32, #tpu.memory_space<vmem>>, vector<16xi32>,
    %shift_right_logical3A_354 = arith.constant 3 : i32
    %shift_right_logical3A_355 = vector.broadcast %shift_right_logical3A_354 : i32 to vector<16xi32>
    %shift_right_logical3A_356 = arith.shrui %get3A_348, %shift_right_logical3A_355 : vector<16xi32>
    %swap3A_357 = arith.constant 464 : index
    %swap3A_358 = tpu.vector_load %arg7[%swap3A_357] {strides = array<i32>} : memref<512xi32, #tpu.memory_space<vmem>>, vector<16xi32>,
    tpu.vector_store %arg7[%swap3A_357], %shift_right_logical3A_356 {strides = array<i32>} : memref<512xi32, #tpu.memory_space<vmem>>, vector<16xi32>,
    %get3A_359 = arith.constant 480 : index
    %get3A_360 = tpu.vector_load %arg5[%get3A_359] {strides = array<i32>} : memref<512xi32, #tpu.memory_space<vmem>>, vector<16xi32>,
    %and3A_361 = arith.constant 7 : i32
    %and3A_362 = vector.broadcast %and3A_361 : i32 to vector<16xi32>
    %and3A_363 = arith.andi %get3A_360, %and3A_362 : vector<16xi32>
    %swap3A_364 = arith.constant 480 : index
    %swap3A_365 = tpu.vector_load %arg6[%swap3A_364] {strides = array<i32>} : memref<512xi32, #tpu.memory_space<vmem>>, vector<16xi32>,
    tpu.vector_store %arg6[%swap3A_364], %and3A_363 {strides = array<i32>} : memref<512xi32, #tpu.memory_space<vmem>>, vector<16xi32>,
    %shift_right_logical3A_366 = arith.constant 3 : i32
    %shift_right_logical3A_367 = vector.broadcast %shift_right_logical3A_366 : i32 to vector<16xi32>
    %shift_right_logical3A_368 = arith.shrui %get3A_360, %shift_right_logical3A_367 : vector<16xi32>
    %swap3A_369 = arith.constant 480 : index
    %swap3A_370 = tpu.vector_load %arg7[%swap3A_369] {strides = array<i32>} : memref<512xi32, #tpu.memory_space<vmem>>, vector<16xi32>,
    tpu.vector_store %arg7[%swap3A_369], %shift_right_logical3A_368 {strides = array<i32>} : memref<512xi32, #tpu.memory_space<vmem>>, vector<16xi32>,
    %get3A_371 = arith.constant 496 : index
    %get3A_372 = tpu.vector_load %arg5[%get3A_371] {strides = array<i32>} : memref<512xi32, #tpu.memory_space<vmem>>, vector<16xi32>,
    %and3A_373 = arith.constant 7 : i32
    %and3A_374 = vector.broadcast %and3A_373 : i32 to vector<16xi32>
    %and3A_375 = arith.andi %get3A_372, %and3A_374 : vector<16xi32>
    %swap3A_376 = arith.constant 496 : index
    %swap3A_377 = tpu.vector_load %arg6[%swap3A_376] {strides = array<i32>} : memref<512xi32, #tpu.memory_space<vmem>>, vector<16xi32>,
    tpu.vector_store %arg6[%swap3A_376], %and3A_375 {strides = array<i32>} : memref<512xi32, #tpu.memory_space<vmem>>, vector<16xi32>,
    %shift_right_logical3A_378 = arith.constant 3 : i32
    %shift_right_logical3A_379 = vector.broadcast %shift_right_logical3A_378 : i32 to vector<16xi32>
    %shift_right_logical3A_380 = arith.shrui %get3A_372, %shift_right_logical3A_379 : vector<16xi32>
    %swap3A_381 = arith.constant 496 : index
    %swap3A_382 = tpu.vector_load %arg7[%swap3A_381] {strides = array<i32>} : memref<512xi32, #tpu.memory_space<vmem>>, vector<16xi32>,
    tpu.vector_store %arg7[%swap3A_381], %shift_right_logical3A_380 {strides = array<i32>} : memref<512xi32, #tpu.memory_space<vmem>>, vector<16xi32>,
    %dma_start3A = arith.constant 0 : i32
    %dma_start3A_383 = arith.constant 0 : i32
    %dma_start3A_384 = tpu.memref_slice %arg8[%dma_start3A, %dma_start3A_383] : memref<4608x8xf32, #tpu.memory_space<vmem>> -> memref<512x8xf32, #tpu.memory_space<vmem>>
    %dma_start3A_385 = arith.constant 0 : i32
    %dma_start3A_386 = arith.constant 0 : i32
    %dma_start3A_387 = tpu.memref_slice %arg2[%dma_start3A_385, %dma_start3A_386] : memref<112500x8xf32, #tpu.memory_space<hbm>> -> memref<12500x8xf32, #tpu.memory_space<hbm>>
    %dma_start3A_388 = arith.constant 0 : i32
    %dma_start3A_389 = arith.constant 0 : i32
    %dma_start3A_390 = tpu.memref_slice %dma_start3A_387[%dma_start3A_388, %dma_start3A_389] : memref<12500x8xf32, #tpu.memory_space<hbm>> -> memref<12500x8xf32, #tpu.memory_space<hbm>>
    tpu.enqueue_indirect_dma source(%dma_start3A_390 : memref<12500x8xf32, #tpu.memory_space<hbm>>) target(%dma_start3A_384 : memref<512x8xf32, #tpu.memory_space<vmem>>) offsets(%arg7 : memref<512xi32, #tpu.memory_space<vmem>>) semaphore(%arg10 : memref<!tpu.dma_semaphore, #tpu.memory_space<semaphore_mem>>)
    %dma_start3A_391 = arith.constant 512 : i32
    %dma_start3A_392 = arith.constant 0 : i32
    %dma_start3A_393 = tpu.memref_slice %arg8[%dma_start3A_391, %dma_start3A_392] : memref<4608x8xf32, #tpu.memory_space<vmem>> -> memref<512x8xf32, #tpu.memory_space<vmem>>
    %dma_start3A_394 = arith.constant 12500 : i32
    %dma_start3A_395 = arith.constant 0 : i32
    %dma_start3A_396 = tpu.memref_slice %arg2[%dma_start3A_394, %dma_start3A_395] : memref<112500x8xf32, #tpu.memory_space<hbm>> -> memref<12500x8xf32, #tpu.memory_space<hbm>>
    %dma_start3A_397 = arith.constant 0 : i32
    %dma_start3A_398 = arith.constant 0 : i32
    %dma_start3A_399 = tpu.memref_slice %dma_start3A_396[%dma_start3A_397, %dma_start3A_398] : memref<12500x8xf32, #tpu.memory_space<hbm>> -> memref<12500x8xf32, #tpu.memory_space<hbm>>
    tpu.enqueue_indirect_dma source(%dma_start3A_399 : memref<12500x8xf32, #tpu.memory_space<hbm>>) target(%dma_start3A_393 : memref<512x8xf32, #tpu.memory_space<vmem>>) offsets(%arg7 : memref<512xi32, #tpu.memory_space<vmem>>) semaphore(%arg11 : memref<!tpu.dma_semaphore, #tpu.memory_space<semaphore_mem>>)
    %dma_start3A_400 = arith.constant 1024 : i32
    %dma_start3A_401 = arith.constant 0 : i32
    %dma_start3A_402 = tpu.memref_slice %arg8[%dma_start3A_400, %dma_start3A_401] : memref<4608x8xf32, #tpu.memory_space<vmem>> -> memref<512x8xf32, #tpu.memory_space<vmem>>
    %dma_start3A_403 = arith.constant 25000 : i32
    %dma_start3A_404 = arith.constant 0 : i32
    %dma_start3A_405 = tpu.memref_slice %arg2[%dma_start3A_403, %dma_start3A_404] : memref<112500x8xf32, #tpu.memory_space<hbm>> -> memref<12500x8xf32, #tpu.memory_space<hbm>>
    %dma_start3A_406 = arith.constant 0 : i32
    %dma_start3A_407 = arith.constant 0 : i32
    %dma_start3A_408 = tpu.memref_slice %dma_start3A_405[%dma_start3A_406, %dma_start3A_407] : memref<12500x8xf32, #tpu.memory_space<hbm>> -> memref<12500x8xf32, #tpu.memory_space<hbm>>
    tpu.enqueue_indirect_dma source(%dma_start3A_408 : memref<12500x8xf32, #tpu.memory_space<hbm>>) target(%dma_start3A_402 : memref<512x8xf32, #tpu.memory_space<vmem>>) offsets(%arg7 : memref<512xi32, #tpu.memory_space<vmem>>) semaphore(%arg12 : memref<!tpu.dma_semaphore, #tpu.memory_space<semaphore_mem>>)
    %dma_start3A_409 = arith.constant 1536 : i32
    %dma_start3A_410 = arith.constant 0 : i32
    %dma_start3A_411 = tpu.memref_slice %arg8[%dma_start3A_409, %dma_start3A_410] : memref<4608x8xf32, #tpu.memory_space<vmem>> -> memref<512x8xf32, #tpu.memory_space<vmem>>
    %dma_start3A_412 = arith.constant 37500 : i32
    %dma_start3A_413 = arith.constant 0 : i32
    %dma_start3A_414 = tpu.memref_slice %arg2[%dma_start3A_412, %dma_start3A_413] : memref<112500x8xf32, #tpu.memory_space<hbm>> -> memref<12500x8xf32, #tpu.memory_space<hbm>>
    %dma_start3A_415 = arith.constant 0 : i32
    %dma_start3A_416 = arith.constant 0 : i32
    %dma_start3A_417 = tpu.memref_slice %dma_start3A_414[%dma_start3A_415, %dma_start3A_416] : memref<12500x8xf32, #tpu.memory_space<hbm>> -> memref<12500x8xf32, #tpu.memory_space<hbm>>
    tpu.enqueue_indirect_dma source(%dma_start3A_417 : memref<12500x8xf32, #tpu.memory_space<hbm>>) target(%dma_start3A_411 : memref<512x8xf32, #tpu.memory_space<vmem>>) offsets(%arg7 : memref<512xi32, #tpu.memory_space<vmem>>) semaphore(%arg13 : memref<!tpu.dma_semaphore, #tpu.memory_space<semaphore_mem>>)
    %dma_start3A_418 = arith.constant 2048 : i32
    %dma_start3A_419 = arith.constant 0 : i32
    %dma_start3A_420 = tpu.memref_slice %arg8[%dma_start3A_418, %dma_start3A_419] : memref<4608x8xf32, #tpu.memory_space<vmem>> -> memref<512x8xf32, #tpu.memory_space<vmem>>
    %dma_start3A_421 = arith.constant 50000 : i32
    %dma_start3A_422 = arith.constant 0 : i32
    %dma_start3A_423 = tpu.memref_slice %arg2[%dma_start3A_421, %dma_start3A_422] : memref<112500x8xf32, #tpu.memory_space<hbm>> -> memref<12500x8xf32, #tpu.memory_space<hbm>>
    %dma_start3A_424 = arith.constant 0 : i32
    %dma_start3A_425 = arith.constant 0 : i32
    %dma_start3A_426 = tpu.memref_slice %dma_start3A_423[%dma_start3A_424, %dma_start3A_425] : memref<12500x8xf32, #tpu.memory_space<hbm>> -> memref<12500x8xf32, #tpu.memory_space<hbm>>
    tpu.enqueue_indirect_dma source(%dma_start3A_426 : memref<12500x8xf32, #tpu.memory_space<hbm>>) target(%dma_start3A_420 : memref<512x8xf32, #tpu.memory_space<vmem>>) offsets(%arg7 : memref<512xi32, #tpu.memory_space<vmem>>) semaphore(%arg14 : memref<!tpu.dma_semaphore, #tpu.memory_space<semaphore_mem>>)
    %dma_start3A_427 = arith.constant 2560 : i32
    %dma_start3A_428 = arith.constant 0 : i32
    %dma_start3A_429 = tpu.memref_slice %arg8[%dma_start3A_427, %dma_start3A_428] : memref<4608x8xf32, #tpu.memory_space<vmem>> -> memref<512x8xf32, #tpu.memory_space<vmem>>
    %dma_start3A_430 = arith.constant 62500 : i32
    %dma_start3A_431 = arith.constant 0 : i32
    %dma_start3A_432 = tpu.memref_slice %arg2[%dma_start3A_430, %dma_start3A_431] : memref<112500x8xf32, #tpu.memory_space<hbm>> -> memref<12500x8xf32, #tpu.memory_space<hbm>>
    %dma_start3A_433 = arith.constant 0 : i32
    %dma_start3A_434 = arith.constant 0 : i32
    %dma_start3A_435 = tpu.memref_slice %dma_start3A_432[%dma_start3A_433, %dma_start3A_434] : memref<12500x8xf32, #tpu.memory_space<hbm>> -> memref<12500x8xf32, #tpu.memory_space<hbm>>
    tpu.enqueue_indirect_dma source(%dma_start3A_435 : memref<12500x8xf32, #tpu.memory_space<hbm>>) target(%dma_start3A_429 : memref<512x8xf32, #tpu.memory_space<vmem>>) offsets(%arg7 : memref<512xi32, #tpu.memory_space<vmem>>) semaphore(%arg15 : memref<!tpu.dma_semaphore, #tpu.memory_space<semaphore_mem>>)
    %dma_start3A_436 = arith.constant 3072 : i32
    %dma_start3A_437 = arith.constant 0 : i32
    %dma_start3A_438 = tpu.memref_slice %arg8[%dma_start3A_436, %dma_start3A_437] : memref<4608x8xf32, #tpu.memory_space<vmem>> -> memref<512x8xf32, #tpu.memory_space<vmem>>
    %dma_start3A_439 = arith.constant 75000 : i32
    %dma_start3A_440 = arith.constant 0 : i32
    %dma_start3A_441 = tpu.memref_slice %arg2[%dma_start3A_439, %dma_start3A_440] : memref<112500x8xf32, #tpu.memory_space<hbm>> -> memref<12500x8xf32, #tpu.memory_space<hbm>>
    %dma_start3A_442 = arith.constant 0 : i32
    %dma_start3A_443 = arith.constant 0 : i32
    %dma_start3A_444 = tpu.memref_slice %dma_start3A_441[%dma_start3A_442, %dma_start3A_443] : memref<12500x8xf32, #tpu.memory_space<hbm>> -> memref<12500x8xf32, #tpu.memory_space<hbm>>
    tpu.enqueue_indirect_dma source(%dma_start3A_444 : memref<12500x8xf32, #tpu.memory_space<hbm>>) target(%dma_start3A_438 : memref<512x8xf32, #tpu.memory_space<vmem>>) offsets(%arg7 : memref<512xi32, #tpu.memory_space<vmem>>) semaphore(%arg16 : memref<!tpu.dma_semaphore, #tpu.memory_space<semaphore_mem>>)
    %dma_start3A_445 = arith.constant 3584 : i32
    %dma_start3A_446 = arith.constant 0 : i32
    %dma_start3A_447 = tpu.memref_slice %arg8[%dma_start3A_445, %dma_start3A_446] : memref<4608x8xf32, #tpu.memory_space<vmem>> -> memref<512x8xf32, #tpu.memory_space<vmem>>
    %dma_start3A_448 = arith.constant 87500 : i32
    %dma_start3A_449 = arith.constant 0 : i32
    %dma_start3A_450 = tpu.memref_slice %arg2[%dma_start3A_448, %dma_start3A_449] : memref<112500x8xf32, #tpu.memory_space<hbm>> -> memref<12500x8xf32, #tpu.memory_space<hbm>>
    %dma_start3A_451 = arith.constant 0 : i32
    %dma_start3A_452 = arith.constant 0 : i32
    %dma_start3A_453 = tpu.memref_slice %dma_start3A_450[%dma_start3A_451, %dma_start3A_452] : memref<12500x8xf32, #tpu.memory_space<hbm>> -> memref<12500x8xf32, #tpu.memory_space<hbm>>
    tpu.enqueue_indirect_dma source(%dma_start3A_453 : memref<12500x8xf32, #tpu.memory_space<hbm>>) target(%dma_start3A_447 : memref<512x8xf32, #tpu.memory_space<vmem>>) offsets(%arg7 : memref<512xi32, #tpu.memory_space<vmem>>) semaphore(%arg17 : memref<!tpu.dma_semaphore, #tpu.memory_space<semaphore_mem>>)
    %dma_start3A_454 = arith.constant 4096 : i32
    %dma_start3A_455 = arith.constant 0 : i32
    %dma_start3A_456 = tpu.memref_slice %arg8[%dma_start3A_454, %dma_start3A_455] : memref<4608x8xf32, #tpu.memory_space<vmem>> -> memref<512x8xf32, #tpu.memory_space<vmem>>
    %dma_start3A_457 = arith.constant 100000 : i32
    %dma_start3A_458 = arith.constant 0 : i32
    %dma_start3A_459 = tpu.memref_slice %arg2[%dma_start3A_457, %dma_start3A_458] : memref<112500x8xf32, #tpu.memory_space<hbm>> -> memref<12500x8xf32, #tpu.memory_space<hbm>>
    %dma_start3A_460 = arith.constant 0 : i32
    %dma_start3A_461 = arith.constant 0 : i32
    %dma_start3A_462 = tpu.memref_slice %dma_start3A_459[%dma_start3A_460, %dma_start3A_461] : memref<12500x8xf32, #tpu.memory_space<hbm>> -> memref<12500x8xf32, #tpu.memory_space<hbm>>
    tpu.enqueue_indirect_dma source(%dma_start3A_462 : memref<12500x8xf32, #tpu.memory_space<hbm>>) target(%dma_start3A_456 : memref<512x8xf32, #tpu.memory_space<vmem>>) offsets(%arg7 : memref<512xi32, #tpu.memory_space<vmem>>) semaphore(%arg18 : memref<!tpu.dma_semaphore, #tpu.memory_space<semaphore_mem>>)
    %dma_wait3A = arith.constant 0 : i32
    %dma_wait3A_463 = arith.constant 0 : i32
    %dma_wait3A_464 = tpu.memref_slice %arg8[%dma_wait3A, %dma_wait3A_463] : memref<4608x8xf32, #tpu.memory_space<vmem>> -> memref<512x8xf32, #tpu.memory_space<vmem>>
    %dma_wait3A_465 = arith.constant 0 : i32
    %dma_wait3A_466 = arith.constant 0 : i32
    %dma_wait3A_467 = tpu.memref_slice %arg2[%dma_wait3A_465, %dma_wait3A_466] : memref<112500x8xf32, #tpu.memory_space<hbm>> -> memref<12500x8xf32, #tpu.memory_space<hbm>>
    %dma_wait3A_468 = arith.constant 0 : i32
    %dma_wait3A_469 = arith.constant 0 : i32
    %dma_wait3A_470 = tpu.memref_slice %dma_wait3A_467[%dma_wait3A_468, %dma_wait3A_469] : memref<12500x8xf32, #tpu.memory_space<hbm>> -> memref<12500x8xf32, #tpu.memory_space<hbm>>
    tpu.wait_indirect_dma semaphore(%arg10 : memref<!tpu.dma_semaphore, #tpu.memory_space<semaphore_mem>>) src(%dma_wait3A_470 : memref<12500x8xf32, #tpu.memory_space<hbm>>) dst(%dma_wait3A_464 : memref<512x8xf32, #tpu.memory_space<vmem>>)
    %get3A_471 = arith.constant 0 : index
    %get3A_472 = tpu.vector_load %arg6[%get3A_471] {strides = array<i32>} : memref<512xi32, #tpu.memory_space<vmem>>, vector<16xi32>,
    %add3A_473 = arith.constant 0 : i32
    %add3A_474 = vector.broadcast %add3A_473 : i32 to vector<16xi32>
    %add3A_475 = arith.addi %add3A_474, %iota3A : vector<16xi32>
    %gather3A = tpu.vector_load_idx %arg8[%add3A_475, %get3A_472] : memref<4608x8xf32, #tpu.memory_space<vmem>>[vector<16xi32>, vector<16xi32>], vector<16xf32>,
    %swap3A_476 = arith.constant 0 : i32
    %swap3A_477 = arith.index_cast %swap3A_476 : i32 to index
    %swap3A_478 = arith.constant 0 : index
    %swap3A_479 = tpu.vector_load %arg9[%swap3A_477, %swap3A_478] {strides = array<i32>} : memref<9x512xf32, #tpu.memory_space<vmem>>, vector<16xf32>,
    tpu.vector_store %arg9[%swap3A_477, %swap3A_478], %gather3A {strides = array<i32>} : memref<9x512xf32, #tpu.memory_space<vmem>>, vector<16xf32>,
    %get3A_480 = arith.constant 16 : index
    %get3A_481 = tpu.vector_load %arg6[%get3A_480] {strides = array<i32>} : memref<512xi32, #tpu.memory_space<vmem>>, vector<16xi32>,
    %add3A_482 = arith.constant 16 : i32
    %add3A_483 = vector.broadcast %add3A_482 : i32 to vector<16xi32>
    %add3A_484 = arith.addi %add3A_483, %iota3A : vector<16xi32>
    %gather3A_485 = tpu.vector_load_idx %arg8[%add3A_484, %get3A_481] : memref<4608x8xf32, #tpu.memory_space<vmem>>[vector<16xi32>, vector<16xi32>], vector<16xf32>,
    %swap3A_486 = arith.constant 0 : i32
    %swap3A_487 = arith.index_cast %swap3A_486 : i32 to index
    %swap3A_488 = arith.constant 16 : index
    %swap3A_489 = tpu.vector_load %arg9[%swap3A_487, %swap3A_488] {strides = array<i32>} : memref<9x512xf32, #tpu.memory_space<vmem>>, vector<16xf32>,
    tpu.vector_store %arg9[%swap3A_487, %swap3A_488], %gather3A_485 {strides = array<i32>} : memref<9x512xf32, #tpu.memory_space<vmem>>, vector<16xf32>,
    %get3A_490 = arith.constant 32 : index
    %get3A_491 = tpu.vector_load %arg6[%get3A_490] {strides = array<i32>} : memref<512xi32, #tpu.memory_space<vmem>>, vector<16xi32>,
    %add3A_492 = arith.constant 32 : i32
    %add3A_493 = vector.broadcast %add3A_492 : i32 to vector<16xi32>
    %add3A_494 = arith.addi %add3A_493, %iota3A : vector<16xi32>
    %gather3A_495 = tpu.vector_load_idx %arg8[%add3A_494, %get3A_491] : memref<4608x8xf32, #tpu.memory_space<vmem>>[vector<16xi32>, vector<16xi32>], vector<16xf32>,
    %swap3A_496 = arith.constant 0 : i32
    %swap3A_497 = arith.index_cast %swap3A_496 : i32 to index
    %swap3A_498 = arith.constant 32 : index
    %swap3A_499 = tpu.vector_load %arg9[%swap3A_497, %swap3A_498] {strides = array<i32>} : memref<9x512xf32, #tpu.memory_space<vmem>>, vector<16xf32>,
    tpu.vector_store %arg9[%swap3A_497, %swap3A_498], %gather3A_495 {strides = array<i32>} : memref<9x512xf32, #tpu.memory_space<vmem>>, vector<16xf32>,
    %get3A_500 = arith.constant 48 : index
    %get3A_501 = tpu.vector_load %arg6[%get3A_500] {strides = array<i32>} : memref<512xi32, #tpu.memory_space<vmem>>, vector<16xi32>,
    %add3A_502 = arith.constant 48 : i32
    %add3A_503 = vector.broadcast %add3A_502 : i32 to vector<16xi32>
    %add3A_504 = arith.addi %add3A_503, %iota3A : vector<16xi32>
    %gather3A_505 = tpu.vector_load_idx %arg8[%add3A_504, %get3A_501] : memref<4608x8xf32, #tpu.memory_space<vmem>>[vector<16xi32>, vector<16xi32>], vector<16xf32>,
    %swap3A_506 = arith.constant 0 : i32
    %swap3A_507 = arith.index_cast %swap3A_506 : i32 to index
    %swap3A_508 = arith.constant 48 : index
    %swap3A_509 = tpu.vector_load %arg9[%swap3A_507, %swap3A_508] {strides = array<i32>} : memref<9x512xf32, #tpu.memory_space<vmem>>, vector<16xf32>,
    tpu.vector_store %arg9[%swap3A_507, %swap3A_508], %gather3A_505 {strides = array<i32>} : memref<9x512xf32, #tpu.memory_space<vmem>>, vector<16xf32>,
    %get3A_510 = arith.constant 64 : index
    %get3A_511 = tpu.vector_load %arg6[%get3A_510] {strides = array<i32>} : memref<512xi32, #tpu.memory_space<vmem>>, vector<16xi32>,
    %add3A_512 = arith.constant 64 : i32
    %add3A_513 = vector.broadcast %add3A_512 : i32 to vector<16xi32>
    %add3A_514 = arith.addi %add3A_513, %iota3A : vector<16xi32>
    %gather3A_515 = tpu.vector_load_idx %arg8[%add3A_514, %get3A_511] : memref<4608x8xf32, #tpu.memory_space<vmem>>[vector<16xi32>, vector<16xi32>], vector<16xf32>,
    %swap3A_516 = arith.constant 0 : i32
    %swap3A_517 = arith.index_cast %swap3A_516 : i32 to index
    %swap3A_518 = arith.constant 64 : index
    %swap3A_519 = tpu.vector_load %arg9[%swap3A_517, %swap3A_518] {strides = array<i32>} : memref<9x512xf32, #tpu.memory_space<vmem>>, vector<16xf32>,
    tpu.vector_store %arg9[%swap3A_517, %swap3A_518], %gather3A_515 {strides = array<i32>} : memref<9x512xf32, #tpu.memory_space<vmem>>, vector<16xf32>,
    %get3A_520 = arith.constant 80 : index
    %get3A_521 = tpu.vector_load %arg6[%get3A_520] {strides = array<i32>} : memref<512xi32, #tpu.memory_space<vmem>>, vector<16xi32>,
    %add3A_522 = arith.constant 80 : i32
    %add3A_523 = vector.broadcast %add3A_522 : i32 to vector<16xi32>
    %add3A_524 = arith.addi %add3A_523, %iota3A : vector<16xi32>
    %gather3A_525 = tpu.vector_load_idx %arg8[%add3A_524, %get3A_521] : memref<4608x8xf32, #tpu.memory_space<vmem>>[vector<16xi32>, vector<16xi32>], vector<16xf32>,
    %swap3A_526 = arith.constant 0 : i32
    %swap3A_527 = arith.index_cast %swap3A_526 : i32 to index
    %swap3A_528 = arith.constant 80 : index
    %swap3A_529 = tpu.vector_load %arg9[%swap3A_527, %swap3A_528] {strides = array<i32>} : memref<9x512xf32, #tpu.memory_space<vmem>>, vector<16xf32>,
    tpu.vector_store %arg9[%swap3A_527, %swap3A_528], %gather3A_525 {strides = array<i32>} : memref<9x512xf32, #tpu.memory_space<vmem>>, vector<16xf32>,
    %get3A_530 = arith.constant 96 : index
    %get3A_531 = tpu.vector_load %arg6[%get3A_530] {strides = array<i32>} : memref<512xi32, #tpu.memory_space<vmem>>, vector<16xi32>,
    %add3A_532 = arith.constant 96 : i32
    %add3A_533 = vector.broadcast %add3A_532 : i32 to vector<16xi32>
    %add3A_534 = arith.addi %add3A_533, %iota3A : vector<16xi32>
    %gather3A_535 = tpu.vector_load_idx %arg8[%add3A_534, %get3A_531] : memref<4608x8xf32, #tpu.memory_space<vmem>>[vector<16xi32>, vector<16xi32>], vector<16xf32>,
    %swap3A_536 = arith.constant 0 : i32
    %swap3A_537 = arith.index_cast %swap3A_536 : i32 to index
    %swap3A_538 = arith.constant 96 : index
    %swap3A_539 = tpu.vector_load %arg9[%swap3A_537, %swap3A_538] {strides = array<i32>} : memref<9x512xf32, #tpu.memory_space<vmem>>, vector<16xf32>,
    tpu.vector_store %arg9[%swap3A_537, %swap3A_538], %gather3A_535 {strides = array<i32>} : memref<9x512xf32, #tpu.memory_space<vmem>>, vector<16xf32>,
    %get3A_540 = arith.constant 112 : index
    %get3A_541 = tpu.vector_load %arg6[%get3A_540] {strides = array<i32>} : memref<512xi32, #tpu.memory_space<vmem>>, vector<16xi32>,
    %add3A_542 = arith.constant 112 : i32
    %add3A_543 = vector.broadcast %add3A_542 : i32 to vector<16xi32>
    %add3A_544 = arith.addi %add3A_543, %iota3A : vector<16xi32>
    %gather3A_545 = tpu.vector_load_idx %arg8[%add3A_544, %get3A_541] : memref<4608x8xf32, #tpu.memory_space<vmem>>[vector<16xi32>, vector<16xi32>], vector<16xf32>,
    %swap3A_546 = arith.constant 0 : i32
    %swap3A_547 = arith.index_cast %swap3A_546 : i32 to index
    %swap3A_548 = arith.constant 112 : index
    %swap3A_549 = tpu.vector_load %arg9[%swap3A_547, %swap3A_548] {strides = array<i32>} : memref<9x512xf32, #tpu.memory_space<vmem>>, vector<16xf32>,
    tpu.vector_store %arg9[%swap3A_547, %swap3A_548], %gather3A_545 {strides = array<i32>} : memref<9x512xf32, #tpu.memory_space<vmem>>, vector<16xf32>,
    %get3A_550 = arith.constant 128 : index
    %get3A_551 = tpu.vector_load %arg6[%get3A_550] {strides = array<i32>} : memref<512xi32, #tpu.memory_space<vmem>>, vector<16xi32>,
    %add3A_552 = arith.constant 128 : i32
    %add3A_553 = vector.broadcast %add3A_552 : i32 to vector<16xi32>
    %add3A_554 = arith.addi %add3A_553, %iota3A : vector<16xi32>
    %gather3A_555 = tpu.vector_load_idx %arg8[%add3A_554, %get3A_551] : memref<4608x8xf32, #tpu.memory_space<vmem>>[vector<16xi32>, vector<16xi32>], vector<16xf32>,
    %swap3A_556 = arith.constant 0 : i32
    %swap3A_557 = arith.index_cast %swap3A_556 : i32 to index
    %swap3A_558 = arith.constant 128 : index
    %swap3A_559 = tpu.vector_load %arg9[%swap3A_557, %swap3A_558] {strides = array<i32>} : memref<9x512xf32, #tpu.memory_space<vmem>>, vector<16xf32>,
    tpu.vector_store %arg9[%swap3A_557, %swap3A_558], %gather3A_555 {strides = array<i32>} : memref<9x512xf32, #tpu.memory_space<vmem>>, vector<16xf32>,
    %get3A_560 = arith.constant 144 : index
    %get3A_561 = tpu.vector_load %arg6[%get3A_560] {strides = array<i32>} : memref<512xi32, #tpu.memory_space<vmem>>, vector<16xi32>,
    %add3A_562 = arith.constant 144 : i32
    %add3A_563 = vector.broadcast %add3A_562 : i32 to vector<16xi32>
    %add3A_564 = arith.addi %add3A_563, %iota3A : vector<16xi32>
    %gather3A_565 = tpu.vector_load_idx %arg8[%add3A_564, %get3A_561] : memref<4608x8xf32, #tpu.memory_space<vmem>>[vector<16xi32>, vector<16xi32>], vector<16xf32>,
    %swap3A_566 = arith.constant 0 : i32
    %swap3A_567 = arith.index_cast %swap3A_566 : i32 to index
    %swap3A_568 = arith.constant 144 : index
    %swap3A_569 = tpu.vector_load %arg9[%swap3A_567, %swap3A_568] {strides = array<i32>} : memref<9x512xf32, #tpu.memory_space<vmem>>, vector<16xf32>,
    tpu.vector_store %arg9[%swap3A_567, %swap3A_568], %gather3A_565 {strides = array<i32>} : memref<9x512xf32, #tpu.memory_space<vmem>>, vector<16xf32>,
    %get3A_570 = arith.constant 160 : index
    %get3A_571 = tpu.vector_load %arg6[%get3A_570] {strides = array<i32>} : memref<512xi32, #tpu.memory_space<vmem>>, vector<16xi32>,
    %add3A_572 = arith.constant 160 : i32
    %add3A_573 = vector.broadcast %add3A_572 : i32 to vector<16xi32>
    %add3A_574 = arith.addi %add3A_573, %iota3A : vector<16xi32>
    %gather3A_575 = tpu.vector_load_idx %arg8[%add3A_574, %get3A_571] : memref<4608x8xf32, #tpu.memory_space<vmem>>[vector<16xi32>, vector<16xi32>], vector<16xf32>,
    %swap3A_576 = arith.constant 0 : i32
    %swap3A_577 = arith.index_cast %swap3A_576 : i32 to index
    %swap3A_578 = arith.constant 160 : index
    %swap3A_579 = tpu.vector_load %arg9[%swap3A_577, %swap3A_578] {strides = array<i32>} : memref<9x512xf32, #tpu.memory_space<vmem>>, vector<16xf32>,
    tpu.vector_store %arg9[%swap3A_577, %swap3A_578], %gather3A_575 {strides = array<i32>} : memref<9x512xf32, #tpu.memory_space<vmem>>, vector<16xf32>,
    %get3A_580 = arith.constant 176 : index
    %get3A_581 = tpu.vector_load %arg6[%get3A_580] {strides = array<i32>} : memref<512xi32, #tpu.memory_space<vmem>>, vector<16xi32>,
    %add3A_582 = arith.constant 176 : i32
    %add3A_583 = vector.broadcast %add3A_582 : i32 to vector<16xi32>
    %add3A_584 = arith.addi %add3A_583, %iota3A : vector<16xi32>
    %gather3A_585 = tpu.vector_load_idx %arg8[%add3A_584, %get3A_581] : memref<4608x8xf32, #tpu.memory_space<vmem>>[vector<16xi32>, vector<16xi32>], vector<16xf32>,
    %swap3A_586 = arith.constant 0 : i32
    %swap3A_587 = arith.index_cast %swap3A_586 : i32 to index
    %swap3A_588 = arith.constant 176 : index
    %swap3A_589 = tpu.vector_load %arg9[%swap3A_587, %swap3A_588] {strides = array<i32>} : memref<9x512xf32, #tpu.memory_space<vmem>>, vector<16xf32>,
    tpu.vector_store %arg9[%swap3A_587, %swap3A_588], %gather3A_585 {strides = array<i32>} : memref<9x512xf32, #tpu.memory_space<vmem>>, vector<16xf32>,
    %get3A_590 = arith.constant 192 : index
    %get3A_591 = tpu.vector_load %arg6[%get3A_590] {strides = array<i32>} : memref<512xi32, #tpu.memory_space<vmem>>, vector<16xi32>,
    %add3A_592 = arith.constant 192 : i32
    %add3A_593 = vector.broadcast %add3A_592 : i32 to vector<16xi32>
    %add3A_594 = arith.addi %add3A_593, %iota3A : vector<16xi32>
    %gather3A_595 = tpu.vector_load_idx %arg8[%add3A_594, %get3A_591] : memref<4608x8xf32, #tpu.memory_space<vmem>>[vector<16xi32>, vector<16xi32>], vector<16xf32>,
    %swap3A_596 = arith.constant 0 : i32
    %swap3A_597 = arith.index_cast %swap3A_596 : i32 to index
    %swap3A_598 = arith.constant 192 : index
    %swap3A_599 = tpu.vector_load %arg9[%swap3A_597, %swap3A_598] {strides = array<i32>} : memref<9x512xf32, #tpu.memory_space<vmem>>, vector<16xf32>,
    tpu.vector_store %arg9[%swap3A_597, %swap3A_598], %gather3A_595 {strides = array<i32>} : memref<9x512xf32, #tpu.memory_space<vmem>>, vector<16xf32>,
    %get3A_600 = arith.constant 208 : index
    %get3A_601 = tpu.vector_load %arg6[%get3A_600] {strides = array<i32>} : memref<512xi32, #tpu.memory_space<vmem>>, vector<16xi32>,
    %add3A_602 = arith.constant 208 : i32
    %add3A_603 = vector.broadcast %add3A_602 : i32 to vector<16xi32>
    %add3A_604 = arith.addi %add3A_603, %iota3A : vector<16xi32>
    %gather3A_605 = tpu.vector_load_idx %arg8[%add3A_604, %get3A_601] : memref<4608x8xf32, #tpu.memory_space<vmem>>[vector<16xi32>, vector<16xi32>], vector<16xf32>,
    %swap3A_606 = arith.constant 0 : i32
    %swap3A_607 = arith.index_cast %swap3A_606 : i32 to index
    %swap3A_608 = arith.constant 208 : index
    %swap3A_609 = tpu.vector_load %arg9[%swap3A_607, %swap3A_608] {strides = array<i32>} : memref<9x512xf32, #tpu.memory_space<vmem>>, vector<16xf32>,
    tpu.vector_store %arg9[%swap3A_607, %swap3A_608], %gather3A_605 {strides = array<i32>} : memref<9x512xf32, #tpu.memory_space<vmem>>, vector<16xf32>,
    %get3A_610 = arith.constant 224 : index
    %get3A_611 = tpu.vector_load %arg6[%get3A_610] {strides = array<i32>} : memref<512xi32, #tpu.memory_space<vmem>>, vector<16xi32>,
    %add3A_612 = arith.constant 224 : i32
    %add3A_613 = vector.broadcast %add3A_612 : i32 to vector<16xi32>
    %add3A_614 = arith.addi %add3A_613, %iota3A : vector<16xi32>
    %gather3A_615 = tpu.vector_load_idx %arg8[%add3A_614, %get3A_611] : memref<4608x8xf32, #tpu.memory_space<vmem>>[vector<16xi32>, vector<16xi32>], vector<16xf32>,
    %swap3A_616 = arith.constant 0 : i32
    %swap3A_617 = arith.index_cast %swap3A_616 : i32 to index
    %swap3A_618 = arith.constant 224 : index
    %swap3A_619 = tpu.vector_load %arg9[%swap3A_617, %swap3A_618] {strides = array<i32>} : memref<9x512xf32, #tpu.memory_space<vmem>>, vector<16xf32>,
    tpu.vector_store %arg9[%swap3A_617, %swap3A_618], %gather3A_615 {strides = array<i32>} : memref<9x512xf32, #tpu.memory_space<vmem>>, vector<16xf32>,
    %get3A_620 = arith.constant 240 : index
    %get3A_621 = tpu.vector_load %arg6[%get3A_620] {strides = array<i32>} : memref<512xi32, #tpu.memory_space<vmem>>, vector<16xi32>,
    %add3A_622 = arith.constant 240 : i32
    %add3A_623 = vector.broadcast %add3A_622 : i32 to vector<16xi32>
    %add3A_624 = arith.addi %add3A_623, %iota3A : vector<16xi32>
    %gather3A_625 = tpu.vector_load_idx %arg8[%add3A_624, %get3A_621] : memref<4608x8xf32, #tpu.memory_space<vmem>>[vector<16xi32>, vector<16xi32>], vector<16xf32>,
    %swap3A_626 = arith.constant 0 : i32
    %swap3A_627 = arith.index_cast %swap3A_626 : i32 to index
    %swap3A_628 = arith.constant 240 : index
    %swap3A_629 = tpu.vector_load %arg9[%swap3A_627, %swap3A_628] {strides = array<i32>} : memref<9x512xf32, #tpu.memory_space<vmem>>, vector<16xf32>,
    tpu.vector_store %arg9[%swap3A_627, %swap3A_628], %gather3A_625 {strides = array<i32>} : memref<9x512xf32, #tpu.memory_space<vmem>>, vector<16xf32>,
    %get3A_630 = arith.constant 256 : index
    %get3A_631 = tpu.vector_load %arg6[%get3A_630] {strides = array<i32>} : memref<512xi32, #tpu.memory_space<vmem>>, vector<16xi32>,
    %add3A_632 = arith.constant 256 : i32
    %add3A_633 = vector.broadcast %add3A_632 : i32 to vector<16xi32>
    %add3A_634 = arith.addi %add3A_633, %iota3A : vector<16xi32>
    %gather3A_635 = tpu.vector_load_idx %arg8[%add3A_634, %get3A_631] : memref<4608x8xf32, #tpu.memory_space<vmem>>[vector<16xi32>, vector<16xi32>], vector<16xf32>,
    %swap3A_636 = arith.constant 0 : i32
    %swap3A_637 = arith.index_cast %swap3A_636 : i32 to index
    %swap3A_638 = arith.constant 256 : index
    %swap3A_639 = tpu.vector_load %arg9[%swap3A_637, %swap3A_638] {strides = array<i32>} : memref<9x512xf32, #tpu.memory_space<vmem>>, vector<16xf32>,
    tpu.vector_store %arg9[%swap3A_637, %swap3A_638], %gather3A_635 {strides = array<i32>} : memref<9x512xf32, #tpu.memory_space<vmem>>, vector<16xf32>,
    %get3A_640 = arith.constant 272 : index
    %get3A_641 = tpu.vector_load %arg6[%get3A_640] {strides = array<i32>} : memref<512xi32, #tpu.memory_space<vmem>>, vector<16xi32>,
    %add3A_642 = arith.constant 272 : i32
    %add3A_643 = vector.broadcast %add3A_642 : i32 to vector<16xi32>
    %add3A_644 = arith.addi %add3A_643, %iota3A : vector<16xi32>
    %gather3A_645 = tpu.vector_load_idx %arg8[%add3A_644, %get3A_641] : memref<4608x8xf32, #tpu.memory_space<vmem>>[vector<16xi32>, vector<16xi32>], vector<16xf32>,
    %swap3A_646 = arith.constant 0 : i32
    %swap3A_647 = arith.index_cast %swap3A_646 : i32 to index
    %swap3A_648 = arith.constant 272 : index
    %swap3A_649 = tpu.vector_load %arg9[%swap3A_647, %swap3A_648] {strides = array<i32>} : memref<9x512xf32, #tpu.memory_space<vmem>>, vector<16xf32>,
    tpu.vector_store %arg9[%swap3A_647, %swap3A_648], %gather3A_645 {strides = array<i32>} : memref<9x512xf32, #tpu.memory_space<vmem>>, vector<16xf32>,
    %get3A_650 = arith.constant 288 : index
    %get3A_651 = tpu.vector_load %arg6[%get3A_650] {strides = array<i32>} : memref<512xi32, #tpu.memory_space<vmem>>, vector<16xi32>,
    %add3A_652 = arith.constant 288 : i32
    %add3A_653 = vector.broadcast %add3A_652 : i32 to vector<16xi32>
    %add3A_654 = arith.addi %add3A_653, %iota3A : vector<16xi32>
    %gather3A_655 = tpu.vector_load_idx %arg8[%add3A_654, %get3A_651] : memref<4608x8xf32, #tpu.memory_space<vmem>>[vector<16xi32>, vector<16xi32>], vector<16xf32>,
    %swap3A_656 = arith.constant 0 : i32
    %swap3A_657 = arith.index_cast %swap3A_656 : i32 to index
    %swap3A_658 = arith.constant 288 : index
    %swap3A_659 = tpu.vector_load %arg9[%swap3A_657, %swap3A_658] {strides = array<i32>} : memref<9x512xf32, #tpu.memory_space<vmem>>, vector<16xf32>,
    tpu.vector_store %arg9[%swap3A_657, %swap3A_658], %gather3A_655 {strides = array<i32>} : memref<9x512xf32, #tpu.memory_space<vmem>>, vector<16xf32>,
    %get3A_660 = arith.constant 304 : index
    %get3A_661 = tpu.vector_load %arg6[%get3A_660] {strides = array<i32>} : memref<512xi32, #tpu.memory_space<vmem>>, vector<16xi32>,
    %add3A_662 = arith.constant 304 : i32
    %add3A_663 = vector.broadcast %add3A_662 : i32 to vector<16xi32>
    %add3A_664 = arith.addi %add3A_663, %iota3A : vector<16xi32>
    %gather3A_665 = tpu.vector_load_idx %arg8[%add3A_664, %get3A_661] : memref<4608x8xf32, #tpu.memory_space<vmem>>[vector<16xi32>, vector<16xi32>], vector<16xf32>,
    %swap3A_666 = arith.constant 0 : i32
    %swap3A_667 = arith.index_cast %swap3A_666 : i32 to index
    %swap3A_668 = arith.constant 304 : index
    %swap3A_669 = tpu.vector_load %arg9[%swap3A_667, %swap3A_668] {strides = array<i32>} : memref<9x512xf32, #tpu.memory_space<vmem>>, vector<16xf32>,
    tpu.vector_store %arg9[%swap3A_667, %swap3A_668], %gather3A_665 {strides = array<i32>} : memref<9x512xf32, #tpu.memory_space<vmem>>, vector<16xf32>,
    %get3A_670 = arith.constant 320 : index
    %get3A_671 = tpu.vector_load %arg6[%get3A_670] {strides = array<i32>} : memref<512xi32, #tpu.memory_space<vmem>>, vector<16xi32>,
    %add3A_672 = arith.constant 320 : i32
    %add3A_673 = vector.broadcast %add3A_672 : i32 to vector<16xi32>
    %add3A_674 = arith.addi %add3A_673, %iota3A : vector<16xi32>
    %gather3A_675 = tpu.vector_load_idx %arg8[%add3A_674, %get3A_671] : memref<4608x8xf32, #tpu.memory_space<vmem>>[vector<16xi32>, vector<16xi32>], vector<16xf32>,
    %swap3A_676 = arith.constant 0 : i32
    %swap3A_677 = arith.index_cast %swap3A_676 : i32 to index
    %swap3A_678 = arith.constant 320 : index
    %swap3A_679 = tpu.vector_load %arg9[%swap3A_677, %swap3A_678] {strides = array<i32>} : memref<9x512xf32, #tpu.memory_space<vmem>>, vector<16xf32>,
    tpu.vector_store %arg9[%swap3A_677, %swap3A_678], %gather3A_675 {strides = array<i32>} : memref<9x512xf32, #tpu.memory_space<vmem>>, vector<16xf32>,
    %get3A_680 = arith.constant 336 : index
    %get3A_681 = tpu.vector_load %arg6[%get3A_680] {strides = array<i32>} : memref<512xi32, #tpu.memory_space<vmem>>, vector<16xi32>,
    %add3A_682 = arith.constant 336 : i32
    %add3A_683 = vector.broadcast %add3A_682 : i32 to vector<16xi32>
    %add3A_684 = arith.addi %add3A_683, %iota3A : vector<16xi32>
    %gather3A_685 = tpu.vector_load_idx %arg8[%add3A_684, %get3A_681] : memref<4608x8xf32, #tpu.memory_space<vmem>>[vector<16xi32>, vector<16xi32>], vector<16xf32>,
    %swap3A_686 = arith.constant 0 : i32
    %swap3A_687 = arith.index_cast %swap3A_686 : i32 to index
    %swap3A_688 = arith.constant 336 : index
    %swap3A_689 = tpu.vector_load %arg9[%swap3A_687, %swap3A_688] {strides = array<i32>} : memref<9x512xf32, #tpu.memory_space<vmem>>, vector<16xf32>,
    tpu.vector_store %arg9[%swap3A_687, %swap3A_688], %gather3A_685 {strides = array<i32>} : memref<9x512xf32, #tpu.memory_space<vmem>>, vector<16xf32>,
    %get3A_690 = arith.constant 352 : index
    %get3A_691 = tpu.vector_load %arg6[%get3A_690] {strides = array<i32>} : memref<512xi32, #tpu.memory_space<vmem>>, vector<16xi32>,
    %add3A_692 = arith.constant 352 : i32
    %add3A_693 = vector.broadcast %add3A_692 : i32 to vector<16xi32>
    %add3A_694 = arith.addi %add3A_693, %iota3A : vector<16xi32>
    %gather3A_695 = tpu.vector_load_idx %arg8[%add3A_694, %get3A_691] : memref<4608x8xf32, #tpu.memory_space<vmem>>[vector<16xi32>, vector<16xi32>], vector<16xf32>,
    %swap3A_696 = arith.constant 0 : i32
    %swap3A_697 = arith.index_cast %swap3A_696 : i32 to index
    %swap3A_698 = arith.constant 352 : index
    %swap3A_699 = tpu.vector_load %arg9[%swap3A_697, %swap3A_698] {strides = array<i32>} : memref<9x512xf32, #tpu.memory_space<vmem>>, vector<16xf32>,
    tpu.vector_store %arg9[%swap3A_697, %swap3A_698], %gather3A_695 {strides = array<i32>} : memref<9x512xf32, #tpu.memory_space<vmem>>, vector<16xf32>,
    %get3A_700 = arith.constant 368 : index
    %get3A_701 = tpu.vector_load %arg6[%get3A_700] {strides = array<i32>} : memref<512xi32, #tpu.memory_space<vmem>>, vector<16xi32>,
    %add3A_702 = arith.constant 368 : i32
    %add3A_703 = vector.broadcast %add3A_702 : i32 to vector<16xi32>
    %add3A_704 = arith.addi %add3A_703, %iota3A : vector<16xi32>
    %gather3A_705 = tpu.vector_load_idx %arg8[%add3A_704, %get3A_701] : memref<4608x8xf32, #tpu.memory_space<vmem>>[vector<16xi32>, vector<16xi32>], vector<16xf32>,
    %swap3A_706 = arith.constant 0 : i32
    %swap3A_707 = arith.index_cast %swap3A_706 : i32 to index
    %swap3A_708 = arith.constant 368 : index
    %swap3A_709 = tpu.vector_load %arg9[%swap3A_707, %swap3A_708] {strides = array<i32>} : memref<9x512xf32, #tpu.memory_space<vmem>>, vector<16xf32>,
    tpu.vector_store %arg9[%swap3A_707, %swap3A_708], %gather3A_705 {strides = array<i32>} : memref<9x512xf32, #tpu.memory_space<vmem>>, vector<16xf32>,
    %get3A_710 = arith.constant 384 : index
    %get3A_711 = tpu.vector_load %arg6[%get3A_710] {strides = array<i32>} : memref<512xi32, #tpu.memory_space<vmem>>, vector<16xi32>,
    %add3A_712 = arith.constant 384 : i32
    %add3A_713 = vector.broadcast %add3A_712 : i32 to vector<16xi32>
    %add3A_714 = arith.addi %add3A_713, %iota3A : vector<16xi32>
    %gather3A_715 = tpu.vector_load_idx %arg8[%add3A_714, %get3A_711] : memref<4608x8xf32, #tpu.memory_space<vmem>>[vector<16xi32>, vector<16xi32>], vector<16xf32>,
    %swap3A_716 = arith.constant 0 : i32
    %swap3A_717 = arith.index_cast %swap3A_716 : i32 to index
    %swap3A_718 = arith.constant 384 : index
    %swap3A_719 = tpu.vector_load %arg9[%swap3A_717, %swap3A_718] {strides = array<i32>} : memref<9x512xf32, #tpu.memory_space<vmem>>, vector<16xf32>,
    tpu.vector_store %arg9[%swap3A_717, %swap3A_718], %gather3A_715 {strides = array<i32>} : memref<9x512xf32, #tpu.memory_space<vmem>>, vector<16xf32>,
    %get3A_720 = arith.constant 400 : index
    %get3A_721 = tpu.vector_load %arg6[%get3A_720] {strides = array<i32>} : memref<512xi32, #tpu.memory_space<vmem>>, vector<16xi32>,
    %add3A_722 = arith.constant 400 : i32
    %add3A_723 = vector.broadcast %add3A_722 : i32 to vector<16xi32>
    %add3A_724 = arith.addi %add3A_723, %iota3A : vector<16xi32>
    %gather3A_725 = tpu.vector_load_idx %arg8[%add3A_724, %get3A_721] : memref<4608x8xf32, #tpu.memory_space<vmem>>[vector<16xi32>, vector<16xi32>], vector<16xf32>,
    %swap3A_726 = arith.constant 0 : i32
    %swap3A_727 = arith.index_cast %swap3A_726 : i32 to index
    %swap3A_728 = arith.constant 400 : index
    %swap3A_729 = tpu.vector_load %arg9[%swap3A_727, %swap3A_728] {strides = array<i32>} : memref<9x512xf32, #tpu.memory_space<vmem>>, vector<16xf32>,
    tpu.vector_store %arg9[%swap3A_727, %swap3A_728], %gather3A_725 {strides = array<i32>} : memref<9x512xf32, #tpu.memory_space<vmem>>, vector<16xf32>,
    %get3A_730 = arith.constant 416 : index
    %get3A_731 = tpu.vector_load %arg6[%get3A_730] {strides = array<i32>} : memref<512xi32, #tpu.memory_space<vmem>>, vector<16xi32>,
    %add3A_732 = arith.constant 416 : i32
    %add3A_733 = vector.broadcast %add3A_732 : i32 to vector<16xi32>
    %add3A_734 = arith.addi %add3A_733, %iota3A : vector<16xi32>
    %gather3A_735 = tpu.vector_load_idx %arg8[%add3A_734, %get3A_731] : memref<4608x8xf32, #tpu.memory_space<vmem>>[vector<16xi32>, vector<16xi32>], vector<16xf32>,
    %swap3A_736 = arith.constant 0 : i32
    %swap3A_737 = arith.index_cast %swap3A_736 : i32 to index
    %swap3A_738 = arith.constant 416 : index
    %swap3A_739 = tpu.vector_load %arg9[%swap3A_737, %swap3A_738] {strides = array<i32>} : memref<9x512xf32, #tpu.memory_space<vmem>>, vector<16xf32>,
    tpu.vector_store %arg9[%swap3A_737, %swap3A_738], %gather3A_735 {strides = array<i32>} : memref<9x512xf32, #tpu.memory_space<vmem>>, vector<16xf32>,
    %get3A_740 = arith.constant 432 : index
    %get3A_741 = tpu.vector_load %arg6[%get3A_740] {strides = array<i32>} : memref<512xi32, #tpu.memory_space<vmem>>, vector<16xi32>,
    %add3A_742 = arith.constant 432 : i32
    %add3A_743 = vector.broadcast %add3A_742 : i32 to vector<16xi32>
    %add3A_744 = arith.addi %add3A_743, %iota3A : vector<16xi32>
    %gather3A_745 = tpu.vector_load_idx %arg8[%add3A_744, %get3A_741] : memref<4608x8xf32, #tpu.memory_space<vmem>>[vector<16xi32>, vector<16xi32>], vector<16xf32>,
    %swap3A_746 = arith.constant 0 : i32
    %swap3A_747 = arith.index_cast %swap3A_746 : i32 to index
    %swap3A_748 = arith.constant 432 : index
    %swap3A_749 = tpu.vector_load %arg9[%swap3A_747, %swap3A_748] {strides = array<i32>} : memref<9x512xf32, #tpu.memory_space<vmem>>, vector<16xf32>,
    tpu.vector_store %arg9[%swap3A_747, %swap3A_748], %gather3A_745 {strides = array<i32>} : memref<9x512xf32, #tpu.memory_space<vmem>>, vector<16xf32>,
    %get3A_750 = arith.constant 448 : index
    %get3A_751 = tpu.vector_load %arg6[%get3A_750] {strides = array<i32>} : memref<512xi32, #tpu.memory_space<vmem>>, vector<16xi32>,
    %add3A_752 = arith.constant 448 : i32
    %add3A_753 = vector.broadcast %add3A_752 : i32 to vector<16xi32>
    %add3A_754 = arith.addi %add3A_753, %iota3A : vector<16xi32>
    %gather3A_755 = tpu.vector_load_idx %arg8[%add3A_754, %get3A_751] : memref<4608x8xf32, #tpu.memory_space<vmem>>[vector<16xi32>, vector<16xi32>], vector<16xf32>,
    %swap3A_756 = arith.constant 0 : i32
    %swap3A_757 = arith.index_cast %swap3A_756 : i32 to index
    %swap3A_758 = arith.constant 448 : index
    %swap3A_759 = tpu.vector_load %arg9[%swap3A_757, %swap3A_758] {strides = array<i32>} : memref<9x512xf32, #tpu.memory_space<vmem>>, vector<16xf32>,
    tpu.vector_store %arg9[%swap3A_757, %swap3A_758], %gather3A_755 {strides = array<i32>} : memref<9x512xf32, #tpu.memory_space<vmem>>, vector<16xf32>,
    %get3A_760 = arith.constant 464 : index
    %get3A_761 = tpu.vector_load %arg6[%get3A_760] {strides = array<i32>} : memref<512xi32, #tpu.memory_space<vmem>>, vector<16xi32>,
    %add3A_762 = arith.constant 464 : i32
    %add3A_763 = vector.broadcast %add3A_762 : i32 to vector<16xi32>
    %add3A_764 = arith.addi %add3A_763, %iota3A : vector<16xi32>
    %gather3A_765 = tpu.vector_load_idx %arg8[%add3A_764, %get3A_761] : memref<4608x8xf32, #tpu.memory_space<vmem>>[vector<16xi32>, vector<16xi32>], vector<16xf32>,
    %swap3A_766 = arith.constant 0 : i32
    %swap3A_767 = arith.index_cast %swap3A_766 : i32 to index
    %swap3A_768 = arith.constant 464 : index
    %swap3A_769 = tpu.vector_load %arg9[%swap3A_767, %swap3A_768] {strides = array<i32>} : memref<9x512xf32, #tpu.memory_space<vmem>>, vector<16xf32>,
    tpu.vector_store %arg9[%swap3A_767, %swap3A_768], %gather3A_765 {strides = array<i32>} : memref<9x512xf32, #tpu.memory_space<vmem>>, vector<16xf32>,
    %get3A_770 = arith.constant 480 : index
    %get3A_771 = tpu.vector_load %arg6[%get3A_770] {strides = array<i32>} : memref<512xi32, #tpu.memory_space<vmem>>, vector<16xi32>,
    %add3A_772 = arith.constant 480 : i32
    %add3A_773 = vector.broadcast %add3A_772 : i32 to vector<16xi32>
    %add3A_774 = arith.addi %add3A_773, %iota3A : vector<16xi32>
    %gather3A_775 = tpu.vector_load_idx %arg8[%add3A_774, %get3A_771] : memref<4608x8xf32, #tpu.memory_space<vmem>>[vector<16xi32>, vector<16xi32>], vector<16xf32>,
    %swap3A_776 = arith.constant 0 : i32
    %swap3A_777 = arith.index_cast %swap3A_776 : i32 to index
    %swap3A_778 = arith.constant 480 : index
    %swap3A_779 = tpu.vector_load %arg9[%swap3A_777, %swap3A_778] {strides = array<i32>} : memref<9x512xf32, #tpu.memory_space<vmem>>, vector<16xf32>,
    tpu.vector_store %arg9[%swap3A_777, %swap3A_778], %gather3A_775 {strides = array<i32>} : memref<9x512xf32, #tpu.memory_space<vmem>>, vector<16xf32>,
    %get3A_780 = arith.constant 496 : index
    %get3A_781 = tpu.vector_load %arg6[%get3A_780] {strides = array<i32>} : memref<512xi32, #tpu.memory_space<vmem>>, vector<16xi32>,
    %add3A_782 = arith.constant 496 : i32
    %add3A_783 = vector.broadcast %add3A_782 : i32 to vector<16xi32>
    %add3A_784 = arith.addi %add3A_783, %iota3A : vector<16xi32>
    %gather3A_785 = tpu.vector_load_idx %arg8[%add3A_784, %get3A_781] : memref<4608x8xf32, #tpu.memory_space<vmem>>[vector<16xi32>, vector<16xi32>], vector<16xf32>,
    %swap3A_786 = arith.constant 0 : i32
    %swap3A_787 = arith.index_cast %swap3A_786 : i32 to index
    %swap3A_788 = arith.constant 496 : index
    %swap3A_789 = tpu.vector_load %arg9[%swap3A_787, %swap3A_788] {strides = array<i32>} : memref<9x512xf32, #tpu.memory_space<vmem>>, vector<16xf32>,
    tpu.vector_store %arg9[%swap3A_787, %swap3A_788], %gather3A_785 {strides = array<i32>} : memref<9x512xf32, #tpu.memory_space<vmem>>, vector<16xf32>,
    %dma_start3A_790 = arith.constant 0 : i32
    %dma_start3A_791 = arith.constant 0 : i32
    %dma_start3A_792 = arith.constant 0 : i32
    %dma_start3A_793 = tpu.memref_slice %arg9[%dma_start3A_790, %dma_start3A_792] : memref<9x512xf32, #tpu.memory_space<vmem>> -> memref<1x512xf32, #tpu.memory_space<vmem>>
    %dma_start3A_794 = tpu.memref_squeeze %dma_start3A_793 : memref<1x512xf32, #tpu.memory_space<vmem>> -> memref<512xf32, #tpu.memory_space<vmem>>
    %dma_start3A_795 = tpu.memref_slice %arg4[%dma_start3A_791, %mul3A_2] : memref<9x16384xf32, #tpu.memory_space<hbm>> -> memref<1x512xf32, #tpu.memory_space<hbm>>
    %dma_start3A_796 = tpu.memref_squeeze %dma_start3A_795 : memref<1x512xf32, #tpu.memory_space<hbm>> -> memref<512xf32, #tpu.memory_space<hbm>>
    %dma_start3A_797 = tpu.memref_slice %arg4[%dma_start3A_791, %mul3A_2] : memref<9x16384xf32, #tpu.memory_space<hbm>> -> memref<1x512xf32, #tpu.memory_space<hbm>>
    %dma_start3A_798 = tpu.memref_squeeze %dma_start3A_797 : memref<1x512xf32, #tpu.memory_space<hbm>> -> memref<512xf32, #tpu.memory_space<hbm>>
    %dma_start3A_799 = arith.constant 0 : i32
    %dma_start3A_800 = tpu.memref_slice %arg9[%dma_start3A_790, %dma_start3A_799] : memref<9x512xf32, #tpu.memory_space<vmem>> -> memref<1x512xf32, #tpu.memory_space<vmem>>
    %dma_start3A_801 = tpu.memref_squeeze %dma_start3A_800 : memref<1x512xf32, #tpu.memory_space<vmem>> -> memref<512xf32, #tpu.memory_space<vmem>>
    tpu.enqueue_dma source(%dma_start3A_801 : memref<512xf32, #tpu.memory_space<vmem>>) target(%dma_start3A_798 : memref<512xf32, #tpu.memory_space<hbm>>) target_semaphore(%arg10 : memref<!tpu.dma_semaphore, #tpu.memory_space<semaphore_mem>>)
    %dma_wait3A_802 = arith.constant 512 : i32
    %dma_wait3A_803 = arith.constant 0 : i32
    %dma_wait3A_804 = tpu.memref_slice %arg8[%dma_wait3A_802, %dma_wait3A_803] : memref<4608x8xf32, #tpu.memory_space<vmem>> -> memref<512x8xf32, #tpu.memory_space<vmem>>
    %dma_wait3A_805 = arith.constant 12500 : i32
    %dma_wait3A_806 = arith.constant 0 : i32
    %dma_wait3A_807 = tpu.memref_slice %arg2[%dma_wait3A_805, %dma_wait3A_806] : memref<112500x8xf32, #tpu.memory_space<hbm>> -> memref<12500x8xf32, #tpu.memory_space<hbm>>
    %dma_wait3A_808 = arith.constant 0 : i32
    %dma_wait3A_809 = arith.constant 0 : i32
    %dma_wait3A_810 = tpu.memref_slice %dma_wait3A_807[%dma_wait3A_808, %dma_wait3A_809] : memref<12500x8xf32, #tpu.memory_space<hbm>> -> memref<12500x8xf32, #tpu.memory_space<hbm>>
    tpu.wait_indirect_dma semaphore(%arg11 : memref<!tpu.dma_semaphore, #tpu.memory_space<semaphore_mem>>) src(%dma_wait3A_810 : memref<12500x8xf32, #tpu.memory_space<hbm>>) dst(%dma_wait3A_804 : memref<512x8xf32, #tpu.memory_space<vmem>>)
    %get3A_811 = arith.constant 0 : index
    %get3A_812 = tpu.vector_load %arg6[%get3A_811] {strides = array<i32>} : memref<512xi32, #tpu.memory_space<vmem>>, vector<16xi32>,
    %add3A_813 = arith.constant 512 : i32
    %add3A_814 = vector.broadcast %add3A_813 : i32 to vector<16xi32>
    %add3A_815 = arith.addi %add3A_814, %iota3A : vector<16xi32>
    %gather3A_816 = tpu.vector_load_idx %arg8[%add3A_815, %get3A_812] : memref<4608x8xf32, #tpu.memory_space<vmem>>[vector<16xi32>, vector<16xi32>], vector<16xf32>,
    %swap3A_817 = arith.constant 1 : i32
    %swap3A_818 = arith.index_cast %swap3A_817 : i32 to index
    %swap3A_819 = arith.constant 0 : index
    %swap3A_820 = tpu.vector_load %arg9[%swap3A_818, %swap3A_819] {strides = array<i32>} : memref<9x512xf32, #tpu.memory_space<vmem>>, vector<16xf32>,
    tpu.vector_store %arg9[%swap3A_818, %swap3A_819], %gather3A_816 {strides = array<i32>} : memref<9x512xf32, #tpu.memory_space<vmem>>, vector<16xf32>,
    %get3A_821 = arith.constant 16 : index
    %get3A_822 = tpu.vector_load %arg6[%get3A_821] {strides = array<i32>} : memref<512xi32, #tpu.memory_space<vmem>>, vector<16xi32>,
    %add3A_823 = arith.constant 528 : i32
    %add3A_824 = vector.broadcast %add3A_823 : i32 to vector<16xi32>
    %add3A_825 = arith.addi %add3A_824, %iota3A : vector<16xi32>
    %gather3A_826 = tpu.vector_load_idx %arg8[%add3A_825, %get3A_822] : memref<4608x8xf32, #tpu.memory_space<vmem>>[vector<16xi32>, vector<16xi32>], vector<16xf32>,
    %swap3A_827 = arith.constant 1 : i32
    %swap3A_828 = arith.index_cast %swap3A_827 : i32 to index
    %swap3A_829 = arith.constant 16 : index
    %swap3A_830 = tpu.vector_load %arg9[%swap3A_828, %swap3A_829] {strides = array<i32>} : memref<9x512xf32, #tpu.memory_space<vmem>>, vector<16xf32>,
    tpu.vector_store %arg9[%swap3A_828, %swap3A_829], %gather3A_826 {strides = array<i32>} : memref<9x512xf32, #tpu.memory_space<vmem>>, vector<16xf32>,
    %get3A_831 = arith.constant 32 : index
    %get3A_832 = tpu.vector_load %arg6[%get3A_831] {strides = array<i32>} : memref<512xi32, #tpu.memory_space<vmem>>, vector<16xi32>,
    %add3A_833 = arith.constant 544 : i32
    %add3A_834 = vector.broadcast %add3A_833 : i32 to vector<16xi32>
    %add3A_835 = arith.addi %add3A_834, %iota3A : vector<16xi32>
    %gather3A_836 = tpu.vector_load_idx %arg8[%add3A_835, %get3A_832] : memref<4608x8xf32, #tpu.memory_space<vmem>>[vector<16xi32>, vector<16xi32>], vector<16xf32>,
    %swap3A_837 = arith.constant 1 : i32
    %swap3A_838 = arith.index_cast %swap3A_837 : i32 to index
    %swap3A_839 = arith.constant 32 : index
    %swap3A_840 = tpu.vector_load %arg9[%swap3A_838, %swap3A_839] {strides = array<i32>} : memref<9x512xf32, #tpu.memory_space<vmem>>, vector<16xf32>,
    tpu.vector_store %arg9[%swap3A_838, %swap3A_839], %gather3A_836 {strides = array<i32>} : memref<9x512xf32, #tpu.memory_space<vmem>>, vector<16xf32>,
    %get3A_841 = arith.constant 48 : index
    %get3A_842 = tpu.vector_load %arg6[%get3A_841] {strides = array<i32>} : memref<512xi32, #tpu.memory_space<vmem>>, vector<16xi32>,
    %add3A_843 = arith.constant 560 : i32
    %add3A_844 = vector.broadcast %add3A_843 : i32 to vector<16xi32>
    %add3A_845 = arith.addi %add3A_844, %iota3A : vector<16xi32>
    %gather3A_846 = tpu.vector_load_idx %arg8[%add3A_845, %get3A_842] : memref<4608x8xf32, #tpu.memory_space<vmem>>[vector<16xi32>, vector<16xi32>], vector<16xf32>,
    %swap3A_847 = arith.constant 1 : i32
    %swap3A_848 = arith.index_cast %swap3A_847 : i32 to index
    %swap3A_849 = arith.constant 48 : index
    %swap3A_850 = tpu.vector_load %arg9[%swap3A_848, %swap3A_849] {strides = array<i32>} : memref<9x512xf32, #tpu.memory_space<vmem>>, vector<16xf32>,
    tpu.vector_store %arg9[%swap3A_848, %swap3A_849], %gather3A_846 {strides = array<i32>} : memref<9x512xf32, #tpu.memory_space<vmem>>, vector<16xf32>,
    %get3A_851 = arith.constant 64 : index
    %get3A_852 = tpu.vector_load %arg6[%get3A_851] {strides = array<i32>} : memref<512xi32, #tpu.memory_space<vmem>>, vector<16xi32>,
    %add3A_853 = arith.constant 576 : i32
    %add3A_854 = vector.broadcast %add3A_853 : i32 to vector<16xi32>
    %add3A_855 = arith.addi %add3A_854, %iota3A : vector<16xi32>
    %gather3A_856 = tpu.vector_load_idx %arg8[%add3A_855, %get3A_852] : memref<4608x8xf32, #tpu.memory_space<vmem>>[vector<16xi32>, vector<16xi32>], vector<16xf32>,
    %swap3A_857 = arith.constant 1 : i32
    %swap3A_858 = arith.index_cast %swap3A_857 : i32 to index
    %swap3A_859 = arith.constant 64 : index
    %swap3A_860 = tpu.vector_load %arg9[%swap3A_858, %swap3A_859] {strides = array<i32>} : memref<9x512xf32, #tpu.memory_space<vmem>>, vector<16xf32>,
    tpu.vector_store %arg9[%swap3A_858, %swap3A_859], %gather3A_856 {strides = array<i32>} : memref<9x512xf32, #tpu.memory_space<vmem>>, vector<16xf32>,
    %get3A_861 = arith.constant 80 : index
    %get3A_862 = tpu.vector_load %arg6[%get3A_861] {strides = array<i32>} : memref<512xi32, #tpu.memory_space<vmem>>, vector<16xi32>,
    %add3A_863 = arith.constant 592 : i32
    %add3A_864 = vector.broadcast %add3A_863 : i32 to vector<16xi32>
    %add3A_865 = arith.addi %add3A_864, %iota3A : vector<16xi32>
    %gather3A_866 = tpu.vector_load_idx %arg8[%add3A_865, %get3A_862] : memref<4608x8xf32, #tpu.memory_space<vmem>>[vector<16xi32>, vector<16xi32>], vector<16xf32>,
    %swap3A_867 = arith.constant 1 : i32
    %swap3A_868 = arith.index_cast %swap3A_867 : i32 to index
    %swap3A_869 = arith.constant 80 : index
    %swap3A_870 = tpu.vector_load %arg9[%swap3A_868, %swap3A_869] {strides = array<i32>} : memref<9x512xf32, #tpu.memory_space<vmem>>, vector<16xf32>,
    tpu.vector_store %arg9[%swap3A_868, %swap3A_869], %gather3A_866 {strides = array<i32>} : memref<9x512xf32, #tpu.memory_space<vmem>>, vector<16xf32>,
    %get3A_871 = arith.constant 96 : index
    %get3A_872 = tpu.vector_load %arg6[%get3A_871] {strides = array<i32>} : memref<512xi32, #tpu.memory_space<vmem>>, vector<16xi32>,
    %add3A_873 = arith.constant 608 : i32
    %add3A_874 = vector.broadcast %add3A_873 : i32 to vector<16xi32>
    %add3A_875 = arith.addi %add3A_874, %iota3A : vector<16xi32>
    %gather3A_876 = tpu.vector_load_idx %arg8[%add3A_875, %get3A_872] : memref<4608x8xf32, #tpu.memory_space<vmem>>[vector<16xi32>, vector<16xi32>], vector<16xf32>,
    %swap3A_877 = arith.constant 1 : i32
    %swap3A_878 = arith.index_cast %swap3A_877 : i32 to index
    %swap3A_879 = arith.constant 96 : index
    %swap3A_880 = tpu.vector_load %arg9[%swap3A_878, %swap3A_879] {strides = array<i32>} : memref<9x512xf32, #tpu.memory_space<vmem>>, vector<16xf32>,
    tpu.vector_store %arg9[%swap3A_878, %swap3A_879], %gather3A_876 {strides = array<i32>} : memref<9x512xf32, #tpu.memory_space<vmem>>, vector<16xf32>,
    %get3A_881 = arith.constant 112 : index
    %get3A_882 = tpu.vector_load %arg6[%get3A_881] {strides = array<i32>} : memref<512xi32, #tpu.memory_space<vmem>>, vector<16xi32>,
    %add3A_883 = arith.constant 624 : i32
    %add3A_884 = vector.broadcast %add3A_883 : i32 to vector<16xi32>
    %add3A_885 = arith.addi %add3A_884, %iota3A : vector<16xi32>
    %gather3A_886 = tpu.vector_load_idx %arg8[%add3A_885, %get3A_882] : memref<4608x8xf32, #tpu.memory_space<vmem>>[vector<16xi32>, vector<16xi32>], vector<16xf32>,
    %swap3A_887 = arith.constant 1 : i32
    %swap3A_888 = arith.index_cast %swap3A_887 : i32 to index
    %swap3A_889 = arith.constant 112 : index
    %swap3A_890 = tpu.vector_load %arg9[%swap3A_888, %swap3A_889] {strides = array<i32>} : memref<9x512xf32, #tpu.memory_space<vmem>>, vector<16xf32>,
    tpu.vector_store %arg9[%swap3A_888, %swap3A_889], %gather3A_886 {strides = array<i32>} : memref<9x512xf32, #tpu.memory_space<vmem>>, vector<16xf32>,
    %get3A_891 = arith.constant 128 : index
    %get3A_892 = tpu.vector_load %arg6[%get3A_891] {strides = array<i32>} : memref<512xi32, #tpu.memory_space<vmem>>, vector<16xi32>,
    %add3A_893 = arith.constant 640 : i32
    %add3A_894 = vector.broadcast %add3A_893 : i32 to vector<16xi32>
    %add3A_895 = arith.addi %add3A_894, %iota3A : vector<16xi32>
    %gather3A_896 = tpu.vector_load_idx %arg8[%add3A_895, %get3A_892] : memref<4608x8xf32, #tpu.memory_space<vmem>>[vector<16xi32>, vector<16xi32>], vector<16xf32>,
    %swap3A_897 = arith.constant 1 : i32
    %swap3A_898 = arith.index_cast %swap3A_897 : i32 to index
    %swap3A_899 = arith.constant 128 : index
    %swap3A_900 = tpu.vector_load %arg9[%swap3A_898, %swap3A_899] {strides = array<i32>} : memref<9x512xf32, #tpu.memory_space<vmem>>, vector<16xf32>,
    tpu.vector_store %arg9[%swap3A_898, %swap3A_899], %gather3A_896 {strides = array<i32>} : memref<9x512xf32, #tpu.memory_space<vmem>>, vector<16xf32>,
    %get3A_901 = arith.constant 144 : index
    %get3A_902 = tpu.vector_load %arg6[%get3A_901] {strides = array<i32>} : memref<512xi32, #tpu.memory_space<vmem>>, vector<16xi32>,
    %add3A_903 = arith.constant 656 : i32
    %add3A_904 = vector.broadcast %add3A_903 : i32 to vector<16xi32>
    %add3A_905 = arith.addi %add3A_904, %iota3A : vector<16xi32>
    %gather3A_906 = tpu.vector_load_idx %arg8[%add3A_905, %get3A_902] : memref<4608x8xf32, #tpu.memory_space<vmem>>[vector<16xi32>, vector<16xi32>], vector<16xf32>,
    %swap3A_907 = arith.constant 1 : i32
    %swap3A_908 = arith.index_cast %swap3A_907 : i32 to index
    %swap3A_909 = arith.constant 144 : index
    %swap3A_910 = tpu.vector_load %arg9[%swap3A_908, %swap3A_909] {strides = array<i32>} : memref<9x512xf32, #tpu.memory_space<vmem>>, vector<16xf32>,
    tpu.vector_store %arg9[%swap3A_908, %swap3A_909], %gather3A_906 {strides = array<i32>} : memref<9x512xf32, #tpu.memory_space<vmem>>, vector<16xf32>,
    %get3A_911 = arith.constant 160 : index
    %get3A_912 = tpu.vector_load %arg6[%get3A_911] {strides = array<i32>} : memref<512xi32, #tpu.memory_space<vmem>>, vector<16xi32>,
    %add3A_913 = arith.constant 672 : i32
    %add3A_914 = vector.broadcast %add3A_913 : i32 to vector<16xi32>
    %add3A_915 = arith.addi %add3A_914, %iota3A : vector<16xi32>
    %gather3A_916 = tpu.vector_load_idx %arg8[%add3A_915, %get3A_912] : memref<4608x8xf32, #tpu.memory_space<vmem>>[vector<16xi32>, vector<16xi32>], vector<16xf32>,
    %swap3A_917 = arith.constant 1 : i32
    %swap3A_918 = arith.index_cast %swap3A_917 : i32 to index
    %swap3A_919 = arith.constant 160 : index
    %swap3A_920 = tpu.vector_load %arg9[%swap3A_918, %swap3A_919] {strides = array<i32>} : memref<9x512xf32, #tpu.memory_space<vmem>>, vector<16xf32>,
    tpu.vector_store %arg9[%swap3A_918, %swap3A_919], %gather3A_916 {strides = array<i32>} : memref<9x512xf32, #tpu.memory_space<vmem>>, vector<16xf32>,
    %get3A_921 = arith.constant 176 : index
    %get3A_922 = tpu.vector_load %arg6[%get3A_921] {strides = array<i32>} : memref<512xi32, #tpu.memory_space<vmem>>, vector<16xi32>,
    %add3A_923 = arith.constant 688 : i32
    %add3A_924 = vector.broadcast %add3A_923 : i32 to vector<16xi32>
    %add3A_925 = arith.addi %add3A_924, %iota3A : vector<16xi32>
    %gather3A_926 = tpu.vector_load_idx %arg8[%add3A_925, %get3A_922] : memref<4608x8xf32, #tpu.memory_space<vmem>>[vector<16xi32>, vector<16xi32>], vector<16xf32>,
    %swap3A_927 = arith.constant 1 : i32
    %swap3A_928 = arith.index_cast %swap3A_927 : i32 to index
    %swap3A_929 = arith.constant 176 : index
    %swap3A_930 = tpu.vector_load %arg9[%swap3A_928, %swap3A_929] {strides = array<i32>} : memref<9x512xf32, #tpu.memory_space<vmem>>, vector<16xf32>,
    tpu.vector_store %arg9[%swap3A_928, %swap3A_929], %gather3A_926 {strides = array<i32>} : memref<9x512xf32, #tpu.memory_space<vmem>>, vector<16xf32>,
    %get3A_931 = arith.constant 192 : index
    %get3A_932 = tpu.vector_load %arg6[%get3A_931] {strides = array<i32>} : memref<512xi32, #tpu.memory_space<vmem>>, vector<16xi32>,
    %add3A_933 = arith.constant 704 : i32
    %add3A_934 = vector.broadcast %add3A_933 : i32 to vector<16xi32>
    %add3A_935 = arith.addi %add3A_934, %iota3A : vector<16xi32>
    %gather3A_936 = tpu.vector_load_idx %arg8[%add3A_935, %get3A_932] : memref<4608x8xf32, #tpu.memory_space<vmem>>[vector<16xi32>, vector<16xi32>], vector<16xf32>,
    %swap3A_937 = arith.constant 1 : i32
    %swap3A_938 = arith.index_cast %swap3A_937 : i32 to index
    %swap3A_939 = arith.constant 192 : index
    %swap3A_940 = tpu.vector_load %arg9[%swap3A_938, %swap3A_939] {strides = array<i32>} : memref<9x512xf32, #tpu.memory_space<vmem>>, vector<16xf32>,
    tpu.vector_store %arg9[%swap3A_938, %swap3A_939], %gather3A_936 {strides = array<i32>} : memref<9x512xf32, #tpu.memory_space<vmem>>, vector<16xf32>,
    %get3A_941 = arith.constant 208 : index
    %get3A_942 = tpu.vector_load %arg6[%get3A_941] {strides = array<i32>} : memref<512xi32, #tpu.memory_space<vmem>>, vector<16xi32>,
    %add3A_943 = arith.constant 720 : i32
    %add3A_944 = vector.broadcast %add3A_943 : i32 to vector<16xi32>
    %add3A_945 = arith.addi %add3A_944, %iota3A : vector<16xi32>
    %gather3A_946 = tpu.vector_load_idx %arg8[%add3A_945, %get3A_942] : memref<4608x8xf32, #tpu.memory_space<vmem>>[vector<16xi32>, vector<16xi32>], vector<16xf32>,
    %swap3A_947 = arith.constant 1 : i32
    %swap3A_948 = arith.index_cast %swap3A_947 : i32 to index
    %swap3A_949 = arith.constant 208 : index
    %swap3A_950 = tpu.vector_load %arg9[%swap3A_948, %swap3A_949] {strides = array<i32>} : memref<9x512xf32, #tpu.memory_space<vmem>>, vector<16xf32>,
    tpu.vector_store %arg9[%swap3A_948, %swap3A_949], %gather3A_946 {strides = array<i32>} : memref<9x512xf32, #tpu.memory_space<vmem>>, vector<16xf32>,
    %get3A_951 = arith.constant 224 : index
    %get3A_952 = tpu.vector_load %arg6[%get3A_951] {strides = array<i32>} : memref<512xi32, #tpu.memory_space<vmem>>, vector<16xi32>,
    %add3A_953 = arith.constant 736 : i32
    %add3A_954 = vector.broadcast %add3A_953 : i32 to vector<16xi32>
    %add3A_955 = arith.addi %add3A_954, %iota3A : vector<16xi32>
    %gather3A_956 = tpu.vector_load_idx %arg8[%add3A_955, %get3A_952] : memref<4608x8xf32, #tpu.memory_space<vmem>>[vector<16xi32>, vector<16xi32>], vector<16xf32>,
    %swap3A_957 = arith.constant 1 : i32
    %swap3A_958 = arith.index_cast %swap3A_957 : i32 to index
    %swap3A_959 = arith.constant 224 : index
    %swap3A_960 = tpu.vector_load %arg9[%swap3A_958, %swap3A_959] {strides = array<i32>} : memref<9x512xf32, #tpu.memory_space<vmem>>, vector<16xf32>,
    tpu.vector_store %arg9[%swap3A_958, %swap3A_959], %gather3A_956 {strides = array<i32>} : memref<9x512xf32, #tpu.memory_space<vmem>>, vector<16xf32>,
    %get3A_961 = arith.constant 240 : index
    %get3A_962 = tpu.vector_load %arg6[%get3A_961] {strides = array<i32>} : memref<512xi32, #tpu.memory_space<vmem>>, vector<16xi32>,
    %add3A_963 = arith.constant 752 : i32
    %add3A_964 = vector.broadcast %add3A_963 : i32 to vector<16xi32>
    %add3A_965 = arith.addi %add3A_964, %iota3A : vector<16xi32>
    %gather3A_966 = tpu.vector_load_idx %arg8[%add3A_965, %get3A_962] : memref<4608x8xf32, #tpu.memory_space<vmem>>[vector<16xi32>, vector<16xi32>], vector<16xf32>,
    %swap3A_967 = arith.constant 1 : i32
    %swap3A_968 = arith.index_cast %swap3A_967 : i32 to index
    %swap3A_969 = arith.constant 240 : index
    %swap3A_970 = tpu.vector_load %arg9[%swap3A_968, %swap3A_969] {strides = array<i32>} : memref<9x512xf32, #tpu.memory_space<vmem>>, vector<16xf32>,
    tpu.vector_store %arg9[%swap3A_968, %swap3A_969], %gather3A_966 {strides = array<i32>} : memref<9x512xf32, #tpu.memory_space<vmem>>, vector<16xf32>,
    %get3A_971 = arith.constant 256 : index
    %get3A_972 = tpu.vector_load %arg6[%get3A_971] {strides = array<i32>} : memref<512xi32, #tpu.memory_space<vmem>>, vector<16xi32>,
    %add3A_973 = arith.constant 768 : i32
    %add3A_974 = vector.broadcast %add3A_973 : i32 to vector<16xi32>
    %add3A_975 = arith.addi %add3A_974, %iota3A : vector<16xi32>
    %gather3A_976 = tpu.vector_load_idx %arg8[%add3A_975, %get3A_972] : memref<4608x8xf32, #tpu.memory_space<vmem>>[vector<16xi32>, vector<16xi32>], vector<16xf32>,
    %swap3A_977 = arith.constant 1 : i32
    %swap3A_978 = arith.index_cast %swap3A_977 : i32 to index
    %swap3A_979 = arith.constant 256 : index
    %swap3A_980 = tpu.vector_load %arg9[%swap3A_978, %swap3A_979] {strides = array<i32>} : memref<9x512xf32, #tpu.memory_space<vmem>>, vector<16xf32>,
    tpu.vector_store %arg9[%swap3A_978, %swap3A_979], %gather3A_976 {strides = array<i32>} : memref<9x512xf32, #tpu.memory_space<vmem>>, vector<16xf32>,
    %get3A_981 = arith.constant 272 : index
    %get3A_982 = tpu.vector_load %arg6[%get3A_981] {strides = array<i32>} : memref<512xi32, #tpu.memory_space<vmem>>, vector<16xi32>,
    %add3A_983 = arith.constant 784 : i32
    %add3A_984 = vector.broadcast %add3A_983 : i32 to vector<16xi32>
    %add3A_985 = arith.addi %add3A_984, %iota3A : vector<16xi32>
    %gather3A_986 = tpu.vector_load_idx %arg8[%add3A_985, %get3A_982] : memref<4608x8xf32, #tpu.memory_space<vmem>>[vector<16xi32>, vector<16xi32>], vector<16xf32>,
    %swap3A_987 = arith.constant 1 : i32
    %swap3A_988 = arith.index_cast %swap3A_987 : i32 to index
    %swap3A_989 = arith.constant 272 : index
    %swap3A_990 = tpu.vector_load %arg9[%swap3A_988, %swap3A_989] {strides = array<i32>} : memref<9x512xf32, #tpu.memory_space<vmem>>, vector<16xf32>,
    tpu.vector_store %arg9[%swap3A_988, %swap3A_989], %gather3A_986 {strides = array<i32>} : memref<9x512xf32, #tpu.memory_space<vmem>>, vector<16xf32>,
    %get3A_991 = arith.constant 288 : index
    %get3A_992 = tpu.vector_load %arg6[%get3A_991] {strides = array<i32>} : memref<512xi32, #tpu.memory_space<vmem>>, vector<16xi32>,
    %add3A_993 = arith.constant 800 : i32
    %add3A_994 = vector.broadcast %add3A_993 : i32 to vector<16xi32>
    %add3A_995 = arith.addi %add3A_994, %iota3A : vector<16xi32>
    %gather3A_996 = tpu.vector_load_idx %arg8[%add3A_995, %get3A_992] : memref<4608x8xf32, #tpu.memory_space<vmem>>[vector<16xi32>, vector<16xi32>], vector<16xf32>,
    %swap3A_997 = arith.constant 1 : i32
    %swap3A_998 = arith.index_cast %swap3A_997 : i32 to index
    %swap3A_999 = arith.constant 288 : index
    %swap3A_1000 = tpu.vector_load %arg9[%swap3A_998, %swap3A_999] {strides = array<i32>} : memref<9x512xf32, #tpu.memory_space<vmem>>, vector<16xf32>,
    tpu.vector_store %arg9[%swap3A_998, %swap3A_999], %gather3A_996 {strides = array<i32>} : memref<9x512xf32, #tpu.memory_space<vmem>>, vector<16xf32>,
    %get3A_1001 = arith.constant 304 : index
    %get3A_1002 = tpu.vector_load %arg6[%get3A_1001] {strides = array<i32>} : memref<512xi32, #tpu.memory_space<vmem>>, vector<16xi32>,
    %add3A_1003 = arith.constant 816 : i32
    %add3A_1004 = vector.broadcast %add3A_1003 : i32 to vector<16xi32>
    %add3A_1005 = arith.addi %add3A_1004, %iota3A : vector<16xi32>
    %gather3A_1006 = tpu.vector_load_idx %arg8[%add3A_1005, %get3A_1002] : memref<4608x8xf32, #tpu.memory_space<vmem>>[vector<16xi32>, vector<16xi32>], vector<16xf32>,
    %swap3A_1007 = arith.constant 1 : i32
    %swap3A_1008 = arith.index_cast %swap3A_1007 : i32 to index
    %swap3A_1009 = arith.constant 304 : index
    %swap3A_1010 = tpu.vector_load %arg9[%swap3A_1008, %swap3A_1009] {strides = array<i32>} : memref<9x512xf32, #tpu.memory_space<vmem>>, vector<16xf32>,
    tpu.vector_store %arg9[%swap3A_1008, %swap3A_1009], %gather3A_1006 {strides = array<i32>} : memref<9x512xf32, #tpu.memory_space<vmem>>, vector<16xf32>,
    %get3A_1011 = arith.constant 320 : index
    %get3A_1012 = tpu.vector_load %arg6[%get3A_1011] {strides = array<i32>} : memref<512xi32, #tpu.memory_space<vmem>>, vector<16xi32>,
    %add3A_1013 = arith.constant 832 : i32
    %add3A_1014 = vector.broadcast %add3A_1013 : i32 to vector<16xi32>
    %add3A_1015 = arith.addi %add3A_1014, %iota3A : vector<16xi32>
    %gather3A_1016 = tpu.vector_load_idx %arg8[%add3A_1015, %get3A_1012] : memref<4608x8xf32, #tpu.memory_space<vmem>>[vector<16xi32>, vector<16xi32>], vector<16xf32>,
    %swap3A_1017 = arith.constant 1 : i32
    %swap3A_1018 = arith.index_cast %swap3A_1017 : i32 to index
    %swap3A_1019 = arith.constant 320 : index
    %swap3A_1020 = tpu.vector_load %arg9[%swap3A_1018, %swap3A_1019] {strides = array<i32>} : memref<9x512xf32, #tpu.memory_space<vmem>>, vector<16xf32>,
    tpu.vector_store %arg9[%swap3A_1018, %swap3A_1019], %gather3A_1016 {strides = array<i32>} : memref<9x512xf32, #tpu.memory_space<vmem>>, vector<16xf32>,
    %get3A_1021 = arith.constant 336 : index
    %get3A_1022 = tpu.vector_load %arg6[%get3A_1021] {strides = array<i32>} : memref<512xi32, #tpu.memory_space<vmem>>, vector<16xi32>,
    %add3A_1023 = arith.constant 848 : i32
    %add3A_1024 = vector.broadcast %add3A_1023 : i32 to vector<16xi32>
    %add3A_1025 = arith.addi %add3A_1024, %iota3A : vector<16xi32>
    %gather3A_1026 = tpu.vector_load_idx %arg8[%add3A_1025, %get3A_1022] : memref<4608x8xf32, #tpu.memory_space<vmem>>[vector<16xi32>, vector<16xi32>], vector<16xf32>,
    %swap3A_1027 = arith.constant 1 : i32
    %swap3A_1028 = arith.index_cast %swap3A_1027 : i32 to index
    %swap3A_1029 = arith.constant 336 : index
    %swap3A_1030 = tpu.vector_load %arg9[%swap3A_1028, %swap3A_1029] {strides = array<i32>} : memref<9x512xf32, #tpu.memory_space<vmem>>, vector<16xf32>,
    tpu.vector_store %arg9[%swap3A_1028, %swap3A_1029], %gather3A_1026 {strides = array<i32>} : memref<9x512xf32, #tpu.memory_space<vmem>>, vector<16xf32>,
    %get3A_1031 = arith.constant 352 : index
    %get3A_1032 = tpu.vector_load %arg6[%get3A_1031] {strides = array<i32>} : memref<512xi32, #tpu.memory_space<vmem>>, vector<16xi32>,
    %add3A_1033 = arith.constant 864 : i32
    %add3A_1034 = vector.broadcast %add3A_1033 : i32 to vector<16xi32>
    %add3A_1035 = arith.addi %add3A_1034, %iota3A : vector<16xi32>
    %gather3A_1036 = tpu.vector_load_idx %arg8[%add3A_1035, %get3A_1032] : memref<4608x8xf32, #tpu.memory_space<vmem>>[vector<16xi32>, vector<16xi32>], vector<16xf32>,
    %swap3A_1037 = arith.constant 1 : i32
    %swap3A_1038 = arith.index_cast %swap3A_1037 : i32 to index
    %swap3A_1039 = arith.constant 352 : index
    %swap3A_1040 = tpu.vector_load %arg9[%swap3A_1038, %swap3A_1039] {strides = array<i32>} : memref<9x512xf32, #tpu.memory_space<vmem>>, vector<16xf32>,
    tpu.vector_store %arg9[%swap3A_1038, %swap3A_1039], %gather3A_1036 {strides = array<i32>} : memref<9x512xf32, #tpu.memory_space<vmem>>, vector<16xf32>,
    %get3A_1041 = arith.constant 368 : index
    %get3A_1042 = tpu.vector_load %arg6[%get3A_1041] {strides = array<i32>} : memref<512xi32, #tpu.memory_space<vmem>>, vector<16xi32>,
    %add3A_1043 = arith.constant 880 : i32
    %add3A_1044 = vector.broadcast %add3A_1043 : i32 to vector<16xi32>
    %add3A_1045 = arith.addi %add3A_1044, %iota3A : vector<16xi32>
    %gather3A_1046 = tpu.vector_load_idx %arg8[%add3A_1045, %get3A_1042] : memref<4608x8xf32, #tpu.memory_space<vmem>>[vector<16xi32>, vector<16xi32>], vector<16xf32>,
    %swap3A_1047 = arith.constant 1 : i32
    %swap3A_1048 = arith.index_cast %swap3A_1047 : i32 to index
    %swap3A_1049 = arith.constant 368 : index
    %swap3A_1050 = tpu.vector_load %arg9[%swap3A_1048, %swap3A_1049] {strides = array<i32>} : memref<9x512xf32, #tpu.memory_space<vmem>>, vector<16xf32>,
    tpu.vector_store %arg9[%swap3A_1048, %swap3A_1049], %gather3A_1046 {strides = array<i32>} : memref<9x512xf32, #tpu.memory_space<vmem>>, vector<16xf32>,
    %get3A_1051 = arith.constant 384 : index
    %get3A_1052 = tpu.vector_load %arg6[%get3A_1051] {strides = array<i32>} : memref<512xi32, #tpu.memory_space<vmem>>, vector<16xi32>,
    %add3A_1053 = arith.constant 896 : i32
    %add3A_1054 = vector.broadcast %add3A_1053 : i32 to vector<16xi32>
    %add3A_1055 = arith.addi %add3A_1054, %iota3A : vector<16xi32>
    %gather3A_1056 = tpu.vector_load_idx %arg8[%add3A_1055, %get3A_1052] : memref<4608x8xf32, #tpu.memory_space<vmem>>[vector<16xi32>, vector<16xi32>], vector<16xf32>,
    %swap3A_1057 = arith.constant 1 : i32
    %swap3A_1058 = arith.index_cast %swap3A_1057 : i32 to index
    %swap3A_1059 = arith.constant 384 : index
    %swap3A_1060 = tpu.vector_load %arg9[%swap3A_1058, %swap3A_1059] {strides = array<i32>} : memref<9x512xf32, #tpu.memory_space<vmem>>, vector<16xf32>,
    tpu.vector_store %arg9[%swap3A_1058, %swap3A_1059], %gather3A_1056 {strides = array<i32>} : memref<9x512xf32, #tpu.memory_space<vmem>>, vector<16xf32>,
    %get3A_1061 = arith.constant 400 : index
    %get3A_1062 = tpu.vector_load %arg6[%get3A_1061] {strides = array<i32>} : memref<512xi32, #tpu.memory_space<vmem>>, vector<16xi32>,
    %add3A_1063 = arith.constant 912 : i32
    %add3A_1064 = vector.broadcast %add3A_1063 : i32 to vector<16xi32>
    %add3A_1065 = arith.addi %add3A_1064, %iota3A : vector<16xi32>
    %gather3A_1066 = tpu.vector_load_idx %arg8[%add3A_1065, %get3A_1062] : memref<4608x8xf32, #tpu.memory_space<vmem>>[vector<16xi32>, vector<16xi32>], vector<16xf32>,
    %swap3A_1067 = arith.constant 1 : i32
    %swap3A_1068 = arith.index_cast %swap3A_1067 : i32 to index
    %swap3A_1069 = arith.constant 400 : index
    %swap3A_1070 = tpu.vector_load %arg9[%swap3A_1068, %swap3A_1069] {strides = array<i32>} : memref<9x512xf32, #tpu.memory_space<vmem>>, vector<16xf32>,
    tpu.vector_store %arg9[%swap3A_1068, %swap3A_1069], %gather3A_1066 {strides = array<i32>} : memref<9x512xf32, #tpu.memory_space<vmem>>, vector<16xf32>,
    %get3A_1071 = arith.constant 416 : index
    %get3A_1072 = tpu.vector_load %arg6[%get3A_1071] {strides = array<i32>} : memref<512xi32, #tpu.memory_space<vmem>>, vector<16xi32>,
    %add3A_1073 = arith.constant 928 : i32
    %add3A_1074 = vector.broadcast %add3A_1073 : i32 to vector<16xi32>
    %add3A_1075 = arith.addi %add3A_1074, %iota3A : vector<16xi32>
    %gather3A_1076 = tpu.vector_load_idx %arg8[%add3A_1075, %get3A_1072] : memref<4608x8xf32, #tpu.memory_space<vmem>>[vector<16xi32>, vector<16xi32>], vector<16xf32>,
    %swap3A_1077 = arith.constant 1 : i32
    %swap3A_1078 = arith.index_cast %swap3A_1077 : i32 to index
    %swap3A_1079 = arith.constant 416 : index
    %swap3A_1080 = tpu.vector_load %arg9[%swap3A_1078, %swap3A_1079] {strides = array<i32>} : memref<9x512xf32, #tpu.memory_space<vmem>>, vector<16xf32>,
    tpu.vector_store %arg9[%swap3A_1078, %swap3A_1079], %gather3A_1076 {strides = array<i32>} : memref<9x512xf32, #tpu.memory_space<vmem>>, vector<16xf32>,
    %get3A_1081 = arith.constant 432 : index
    %get3A_1082 = tpu.vector_load %arg6[%get3A_1081] {strides = array<i32>} : memref<512xi32, #tpu.memory_space<vmem>>, vector<16xi32>,
    %add3A_1083 = arith.constant 944 : i32
    %add3A_1084 = vector.broadcast %add3A_1083 : i32 to vector<16xi32>
    %add3A_1085 = arith.addi %add3A_1084, %iota3A : vector<16xi32>
    %gather3A_1086 = tpu.vector_load_idx %arg8[%add3A_1085, %get3A_1082] : memref<4608x8xf32, #tpu.memory_space<vmem>>[vector<16xi32>, vector<16xi32>], vector<16xf32>,
    %swap3A_1087 = arith.constant 1 : i32
    %swap3A_1088 = arith.index_cast %swap3A_1087 : i32 to index
    %swap3A_1089 = arith.constant 432 : index
    %swap3A_1090 = tpu.vector_load %arg9[%swap3A_1088, %swap3A_1089] {strides = array<i32>} : memref<9x512xf32, #tpu.memory_space<vmem>>, vector<16xf32>,
    tpu.vector_store %arg9[%swap3A_1088, %swap3A_1089], %gather3A_1086 {strides = array<i32>} : memref<9x512xf32, #tpu.memory_space<vmem>>, vector<16xf32>,
    %get3A_1091 = arith.constant 448 : index
    %get3A_1092 = tpu.vector_load %arg6[%get3A_1091] {strides = array<i32>} : memref<512xi32, #tpu.memory_space<vmem>>, vector<16xi32>,
    %add3A_1093 = arith.constant 960 : i32
    %add3A_1094 = vector.broadcast %add3A_1093 : i32 to vector<16xi32>
    %add3A_1095 = arith.addi %add3A_1094, %iota3A : vector<16xi32>
    %gather3A_1096 = tpu.vector_load_idx %arg8[%add3A_1095, %get3A_1092] : memref<4608x8xf32, #tpu.memory_space<vmem>>[vector<16xi32>, vector<16xi32>], vector<16xf32>,
    %swap3A_1097 = arith.constant 1 : i32
    %swap3A_1098 = arith.index_cast %swap3A_1097 : i32 to index
    %swap3A_1099 = arith.constant 448 : index
    %swap3A_1100 = tpu.vector_load %arg9[%swap3A_1098, %swap3A_1099] {strides = array<i32>} : memref<9x512xf32, #tpu.memory_space<vmem>>, vector<16xf32>,
    tpu.vector_store %arg9[%swap3A_1098, %swap3A_1099], %gather3A_1096 {strides = array<i32>} : memref<9x512xf32, #tpu.memory_space<vmem>>, vector<16xf32>,
    %get3A_1101 = arith.constant 464 : index
    %get3A_1102 = tpu.vector_load %arg6[%get3A_1101] {strides = array<i32>} : memref<512xi32, #tpu.memory_space<vmem>>, vector<16xi32>,
    %add3A_1103 = arith.constant 976 : i32
    %add3A_1104 = vector.broadcast %add3A_1103 : i32 to vector<16xi32>
    %add3A_1105 = arith.addi %add3A_1104, %iota3A : vector<16xi32>
    %gather3A_1106 = tpu.vector_load_idx %arg8[%add3A_1105, %get3A_1102] : memref<4608x8xf32, #tpu.memory_space<vmem>>[vector<16xi32>, vector<16xi32>], vector<16xf32>,
    %swap3A_1107 = arith.constant 1 : i32
    %swap3A_1108 = arith.index_cast %swap3A_1107 : i32 to index
    %swap3A_1109 = arith.constant 464 : index
    %swap3A_1110 = tpu.vector_load %arg9[%swap3A_1108, %swap3A_1109] {strides = array<i32>} : memref<9x512xf32, #tpu.memory_space<vmem>>, vector<16xf32>,
    tpu.vector_store %arg9[%swap3A_1108, %swap3A_1109], %gather3A_1106 {strides = array<i32>} : memref<9x512xf32, #tpu.memory_space<vmem>>, vector<16xf32>,
    %get3A_1111 = arith.constant 480 : index
    %get3A_1112 = tpu.vector_load %arg6[%get3A_1111] {strides = array<i32>} : memref<512xi32, #tpu.memory_space<vmem>>, vector<16xi32>,
    %add3A_1113 = arith.constant 992 : i32
    %add3A_1114 = vector.broadcast %add3A_1113 : i32 to vector<16xi32>
    %add3A_1115 = arith.addi %add3A_1114, %iota3A : vector<16xi32>
    %gather3A_1116 = tpu.vector_load_idx %arg8[%add3A_1115, %get3A_1112] : memref<4608x8xf32, #tpu.memory_space<vmem>>[vector<16xi32>, vector<16xi32>], vector<16xf32>,
    %swap3A_1117 = arith.constant 1 : i32
    %swap3A_1118 = arith.index_cast %swap3A_1117 : i32 to index
    %swap3A_1119 = arith.constant 480 : index
    %swap3A_1120 = tpu.vector_load %arg9[%swap3A_1118, %swap3A_1119] {strides = array<i32>} : memref<9x512xf32, #tpu.memory_space<vmem>>, vector<16xf32>,
    tpu.vector_store %arg9[%swap3A_1118, %swap3A_1119], %gather3A_1116 {strides = array<i32>} : memref<9x512xf32, #tpu.memory_space<vmem>>, vector<16xf32>,
    %get3A_1121 = arith.constant 496 : index
    %get3A_1122 = tpu.vector_load %arg6[%get3A_1121] {strides = array<i32>} : memref<512xi32, #tpu.memory_space<vmem>>, vector<16xi32>,
    %add3A_1123 = arith.constant 1008 : i32
    %add3A_1124 = vector.broadcast %add3A_1123 : i32 to vector<16xi32>
    %add3A_1125 = arith.addi %add3A_1124, %iota3A : vector<16xi32>
    %gather3A_1126 = tpu.vector_load_idx %arg8[%add3A_1125, %get3A_1122] : memref<4608x8xf32, #tpu.memory_space<vmem>>[vector<16xi32>, vector<16xi32>], vector<16xf32>,
    %swap3A_1127 = arith.constant 1 : i32
    %swap3A_1128 = arith.index_cast %swap3A_1127 : i32 to index
    %swap3A_1129 = arith.constant 496 : index
    %swap3A_1130 = tpu.vector_load %arg9[%swap3A_1128, %swap3A_1129] {strides = array<i32>} : memref<9x512xf32, #tpu.memory_space<vmem>>, vector<16xf32>,
    tpu.vector_store %arg9[%swap3A_1128, %swap3A_1129], %gather3A_1126 {strides = array<i32>} : memref<9x512xf32, #tpu.memory_space<vmem>>, vector<16xf32>,
    %dma_start3A_1131 = arith.constant 1 : i32
    %dma_start3A_1132 = arith.constant 1 : i32
    %dma_start3A_1133 = arith.constant 0 : i32
    %dma_start3A_1134 = tpu.memref_slice %arg9[%dma_start3A_1131, %dma_start3A_1133] : memref<9x512xf32, #tpu.memory_space<vmem>> -> memref<1x512xf32, #tpu.memory_space<vmem>>
    %dma_start3A_1135 = tpu.memref_squeeze %dma_start3A_1134 : memref<1x512xf32, #tpu.memory_space<vmem>> -> memref<512xf32, #tpu.memory_space<vmem>>
    %dma_start3A_1136 = tpu.memref_slice %arg4[%dma_start3A_1132, %mul3A_2] : memref<9x16384xf32, #tpu.memory_space<hbm>> -> memref<1x512xf32, #tpu.memory_space<hbm>>
    %dma_start3A_1137 = tpu.memref_squeeze %dma_start3A_1136 : memref<1x512xf32, #tpu.memory_space<hbm>> -> memref<512xf32, #tpu.memory_space<hbm>>
    %dma_start3A_1138 = tpu.memref_slice %arg4[%dma_start3A_1132, %mul3A_2] : memref<9x16384xf32, #tpu.memory_space<hbm>> -> memref<1x512xf32, #tpu.memory_space<hbm>>
    %dma_start3A_1139 = tpu.memref_squeeze %dma_start3A_1138 : memref<1x512xf32, #tpu.memory_space<hbm>> -> memref<512xf32, #tpu.memory_space<hbm>>
    %dma_start3A_1140 = arith.constant 0 : i32
    %dma_start3A_1141 = tpu.memref_slice %arg9[%dma_start3A_1131, %dma_start3A_1140] : memref<9x512xf32, #tpu.memory_space<vmem>> -> memref<1x512xf32, #tpu.memory_space<vmem>>
    %dma_start3A_1142 = tpu.memref_squeeze %dma_start3A_1141 : memref<1x512xf32, #tpu.memory_space<vmem>> -> memref<512xf32, #tpu.memory_space<vmem>>
    tpu.enqueue_dma source(%dma_start3A_1142 : memref<512xf32, #tpu.memory_space<vmem>>) target(%dma_start3A_1139 : memref<512xf32, #tpu.memory_space<hbm>>) target_semaphore(%arg11 : memref<!tpu.dma_semaphore, #tpu.memory_space<semaphore_mem>>)
    %dma_wait3A_1143 = arith.constant 1024 : i32
    %dma_wait3A_1144 = arith.constant 0 : i32
    %dma_wait3A_1145 = tpu.memref_slice %arg8[%dma_wait3A_1143, %dma_wait3A_1144] : memref<4608x8xf32, #tpu.memory_space<vmem>> -> memref<512x8xf32, #tpu.memory_space<vmem>>
    %dma_wait3A_1146 = arith.constant 25000 : i32
    %dma_wait3A_1147 = arith.constant 0 : i32
    %dma_wait3A_1148 = tpu.memref_slice %arg2[%dma_wait3A_1146, %dma_wait3A_1147] : memref<112500x8xf32, #tpu.memory_space<hbm>> -> memref<12500x8xf32, #tpu.memory_space<hbm>>
    %dma_wait3A_1149 = arith.constant 0 : i32
    %dma_wait3A_1150 = arith.constant 0 : i32
    %dma_wait3A_1151 = tpu.memref_slice %dma_wait3A_1148[%dma_wait3A_1149, %dma_wait3A_1150] : memref<12500x8xf32, #tpu.memory_space<hbm>> -> memref<12500x8xf32, #tpu.memory_space<hbm>>
    tpu.wait_indirect_dma semaphore(%arg12 : memref<!tpu.dma_semaphore, #tpu.memory_space<semaphore_mem>>) src(%dma_wait3A_1151 : memref<12500x8xf32, #tpu.memory_space<hbm>>) dst(%dma_wait3A_1145 : memref<512x8xf32, #tpu.memory_space<vmem>>)
    %get3A_1152 = arith.constant 0 : index
    %get3A_1153 = tpu.vector_load %arg6[%get3A_1152] {strides = array<i32>} : memref<512xi32, #tpu.memory_space<vmem>>, vector<16xi32>,
    %add3A_1154 = arith.constant 1024 : i32
    %add3A_1155 = vector.broadcast %add3A_1154 : i32 to vector<16xi32>
    %add3A_1156 = arith.addi %add3A_1155, %iota3A : vector<16xi32>
    %gather3A_1157 = tpu.vector_load_idx %arg8[%add3A_1156, %get3A_1153] : memref<4608x8xf32, #tpu.memory_space<vmem>>[vector<16xi32>, vector<16xi32>], vector<16xf32>,
    %swap3A_1158 = arith.constant 2 : i32
    %swap3A_1159 = arith.index_cast %swap3A_1158 : i32 to index
    %swap3A_1160 = arith.constant 0 : index
    %swap3A_1161 = tpu.vector_load %arg9[%swap3A_1159, %swap3A_1160] {strides = array<i32>} : memref<9x512xf32, #tpu.memory_space<vmem>>, vector<16xf32>,
    tpu.vector_store %arg9[%swap3A_1159, %swap3A_1160], %gather3A_1157 {strides = array<i32>} : memref<9x512xf32, #tpu.memory_space<vmem>>, vector<16xf32>,
    %get3A_1162 = arith.constant 16 : index
    %get3A_1163 = tpu.vector_load %arg6[%get3A_1162] {strides = array<i32>} : memref<512xi32, #tpu.memory_space<vmem>>, vector<16xi32>,
    %add3A_1164 = arith.constant 1040 : i32
    %add3A_1165 = vector.broadcast %add3A_1164 : i32 to vector<16xi32>
    %add3A_1166 = arith.addi %add3A_1165, %iota3A : vector<16xi32>
    %gather3A_1167 = tpu.vector_load_idx %arg8[%add3A_1166, %get3A_1163] : memref<4608x8xf32, #tpu.memory_space<vmem>>[vector<16xi32>, vector<16xi32>], vector<16xf32>,
    %swap3A_1168 = arith.constant 2 : i32
    %swap3A_1169 = arith.index_cast %swap3A_1168 : i32 to index
    %swap3A_1170 = arith.constant 16 : index
    %swap3A_1171 = tpu.vector_load %arg9[%swap3A_1169, %swap3A_1170] {strides = array<i32>} : memref<9x512xf32, #tpu.memory_space<vmem>>, vector<16xf32>,
    tpu.vector_store %arg9[%swap3A_1169, %swap3A_1170], %gather3A_1167 {strides = array<i32>} : memref<9x512xf32, #tpu.memory_space<vmem>>, vector<16xf32>,
    %get3A_1172 = arith.constant 32 : index
    %get3A_1173 = tpu.vector_load %arg6[%get3A_1172] {strides = array<i32>} : memref<512xi32, #tpu.memory_space<vmem>>, vector<16xi32>,
    %add3A_1174 = arith.constant 1056 : i32
    %add3A_1175 = vector.broadcast %add3A_1174 : i32 to vector<16xi32>
    %add3A_1176 = arith.addi %add3A_1175, %iota3A : vector<16xi32>
    %gather3A_1177 = tpu.vector_load_idx %arg8[%add3A_1176, %get3A_1173] : memref<4608x8xf32, #tpu.memory_space<vmem>>[vector<16xi32>, vector<16xi32>], vector<16xf32>,
    %swap3A_1178 = arith.constant 2 : i32
    %swap3A_1179 = arith.index_cast %swap3A_1178 : i32 to index
    %swap3A_1180 = arith.constant 32 : index
    %swap3A_1181 = tpu.vector_load %arg9[%swap3A_1179, %swap3A_1180] {strides = array<i32>} : memref<9x512xf32, #tpu.memory_space<vmem>>, vector<16xf32>,
    tpu.vector_store %arg9[%swap3A_1179, %swap3A_1180], %gather3A_1177 {strides = array<i32>} : memref<9x512xf32, #tpu.memory_space<vmem>>, vector<16xf32>,
    %get3A_1182 = arith.constant 48 : index
    %get3A_1183 = tpu.vector_load %arg6[%get3A_1182] {strides = array<i32>} : memref<512xi32, #tpu.memory_space<vmem>>, vector<16xi32>,
    %add3A_1184 = arith.constant 1072 : i32
    %add3A_1185 = vector.broadcast %add3A_1184 : i32 to vector<16xi32>
    %add3A_1186 = arith.addi %add3A_1185, %iota3A : vector<16xi32>
    %gather3A_1187 = tpu.vector_load_idx %arg8[%add3A_1186, %get3A_1183] : memref<4608x8xf32, #tpu.memory_space<vmem>>[vector<16xi32>, vector<16xi32>], vector<16xf32>,
    %swap3A_1188 = arith.constant 2 : i32
    %swap3A_1189 = arith.index_cast %swap3A_1188 : i32 to index
    %swap3A_1190 = arith.constant 48 : index
    %swap3A_1191 = tpu.vector_load %arg9[%swap3A_1189, %swap3A_1190] {strides = array<i32>} : memref<9x512xf32, #tpu.memory_space<vmem>>, vector<16xf32>,
    tpu.vector_store %arg9[%swap3A_1189, %swap3A_1190], %gather3A_1187 {strides = array<i32>} : memref<9x512xf32, #tpu.memory_space<vmem>>, vector<16xf32>,
    %get3A_1192 = arith.constant 64 : index
    %get3A_1193 = tpu.vector_load %arg6[%get3A_1192] {strides = array<i32>} : memref<512xi32, #tpu.memory_space<vmem>>, vector<16xi32>,
    %add3A_1194 = arith.constant 1088 : i32
    %add3A_1195 = vector.broadcast %add3A_1194 : i32 to vector<16xi32>
    %add3A_1196 = arith.addi %add3A_1195, %iota3A : vector<16xi32>
    %gather3A_1197 = tpu.vector_load_idx %arg8[%add3A_1196, %get3A_1193] : memref<4608x8xf32, #tpu.memory_space<vmem>>[vector<16xi32>, vector<16xi32>], vector<16xf32>,
    %swap3A_1198 = arith.constant 2 : i32
    %swap3A_1199 = arith.index_cast %swap3A_1198 : i32 to index
    %swap3A_1200 = arith.constant 64 : index
    %swap3A_1201 = tpu.vector_load %arg9[%swap3A_1199, %swap3A_1200] {strides = array<i32>} : memref<9x512xf32, #tpu.memory_space<vmem>>, vector<16xf32>,
    tpu.vector_store %arg9[%swap3A_1199, %swap3A_1200], %gather3A_1197 {strides = array<i32>} : memref<9x512xf32, #tpu.memory_space<vmem>>, vector<16xf32>,
    %get3A_1202 = arith.constant 80 : index
    %get3A_1203 = tpu.vector_load %arg6[%get3A_1202] {strides = array<i32>} : memref<512xi32, #tpu.memory_space<vmem>>, vector<16xi32>,
    %add3A_1204 = arith.constant 1104 : i32
    %add3A_1205 = vector.broadcast %add3A_1204 : i32 to vector<16xi32>
    %add3A_1206 = arith.addi %add3A_1205, %iota3A : vector<16xi32>
    %gather3A_1207 = tpu.vector_load_idx %arg8[%add3A_1206, %get3A_1203] : memref<4608x8xf32, #tpu.memory_space<vmem>>[vector<16xi32>, vector<16xi32>], vector<16xf32>,
    %swap3A_1208 = arith.constant 2 : i32
    %swap3A_1209 = arith.index_cast %swap3A_1208 : i32 to index
    %swap3A_1210 = arith.constant 80 : index
    %swap3A_1211 = tpu.vector_load %arg9[%swap3A_1209, %swap3A_1210] {strides = array<i32>} : memref<9x512xf32, #tpu.memory_space<vmem>>, vector<16xf32>,
    tpu.vector_store %arg9[%swap3A_1209, %swap3A_1210], %gather3A_1207 {strides = array<i32>} : memref<9x512xf32, #tpu.memory_space<vmem>>, vector<16xf32>,
    %get3A_1212 = arith.constant 96 : index
    %get3A_1213 = tpu.vector_load %arg6[%get3A_1212] {strides = array<i32>} : memref<512xi32, #tpu.memory_space<vmem>>, vector<16xi32>,
    %add3A_1214 = arith.constant 1120 : i32
    %add3A_1215 = vector.broadcast %add3A_1214 : i32 to vector<16xi32>
    %add3A_1216 = arith.addi %add3A_1215, %iota3A : vector<16xi32>
    %gather3A_1217 = tpu.vector_load_idx %arg8[%add3A_1216, %get3A_1213] : memref<4608x8xf32, #tpu.memory_space<vmem>>[vector<16xi32>, vector<16xi32>], vector<16xf32>,
    %swap3A_1218 = arith.constant 2 : i32
    %swap3A_1219 = arith.index_cast %swap3A_1218 : i32 to index
    %swap3A_1220 = arith.constant 96 : index
    %swap3A_1221 = tpu.vector_load %arg9[%swap3A_1219, %swap3A_1220] {strides = array<i32>} : memref<9x512xf32, #tpu.memory_space<vmem>>, vector<16xf32>,
    tpu.vector_store %arg9[%swap3A_1219, %swap3A_1220], %gather3A_1217 {strides = array<i32>} : memref<9x512xf32, #tpu.memory_space<vmem>>, vector<16xf32>,
    %get3A_1222 = arith.constant 112 : index
    %get3A_1223 = tpu.vector_load %arg6[%get3A_1222] {strides = array<i32>} : memref<512xi32, #tpu.memory_space<vmem>>, vector<16xi32>,
    %add3A_1224 = arith.constant 1136 : i32
    %add3A_1225 = vector.broadcast %add3A_1224 : i32 to vector<16xi32>
    %add3A_1226 = arith.addi %add3A_1225, %iota3A : vector<16xi32>
    %gather3A_1227 = tpu.vector_load_idx %arg8[%add3A_1226, %get3A_1223] : memref<4608x8xf32, #tpu.memory_space<vmem>>[vector<16xi32>, vector<16xi32>], vector<16xf32>,
    %swap3A_1228 = arith.constant 2 : i32
    %swap3A_1229 = arith.index_cast %swap3A_1228 : i32 to index
    %swap3A_1230 = arith.constant 112 : index
    %swap3A_1231 = tpu.vector_load %arg9[%swap3A_1229, %swap3A_1230] {strides = array<i32>} : memref<9x512xf32, #tpu.memory_space<vmem>>, vector<16xf32>,
    tpu.vector_store %arg9[%swap3A_1229, %swap3A_1230], %gather3A_1227 {strides = array<i32>} : memref<9x512xf32, #tpu.memory_space<vmem>>, vector<16xf32>,
    %get3A_1232 = arith.constant 128 : index
    %get3A_1233 = tpu.vector_load %arg6[%get3A_1232] {strides = array<i32>} : memref<512xi32, #tpu.memory_space<vmem>>, vector<16xi32>,
    %add3A_1234 = arith.constant 1152 : i32
    %add3A_1235 = vector.broadcast %add3A_1234 : i32 to vector<16xi32>
    %add3A_1236 = arith.addi %add3A_1235, %iota3A : vector<16xi32>
    %gather3A_1237 = tpu.vector_load_idx %arg8[%add3A_1236, %get3A_1233] : memref<4608x8xf32, #tpu.memory_space<vmem>>[vector<16xi32>, vector<16xi32>], vector<16xf32>,
    %swap3A_1238 = arith.constant 2 : i32
    %swap3A_1239 = arith.index_cast %swap3A_1238 : i32 to index
    %swap3A_1240 = arith.constant 128 : index
    %swap3A_1241 = tpu.vector_load %arg9[%swap3A_1239, %swap3A_1240] {strides = array<i32>} : memref<9x512xf32, #tpu.memory_space<vmem>>, vector<16xf32>,
    tpu.vector_store %arg9[%swap3A_1239, %swap3A_1240], %gather3A_1237 {strides = array<i32>} : memref<9x512xf32, #tpu.memory_space<vmem>>, vector<16xf32>,
    %get3A_1242 = arith.constant 144 : index
    %get3A_1243 = tpu.vector_load %arg6[%get3A_1242] {strides = array<i32>} : memref<512xi32, #tpu.memory_space<vmem>>, vector<16xi32>,
    %add3A_1244 = arith.constant 1168 : i32
    %add3A_1245 = vector.broadcast %add3A_1244 : i32 to vector<16xi32>
    %add3A_1246 = arith.addi %add3A_1245, %iota3A : vector<16xi32>
    %gather3A_1247 = tpu.vector_load_idx %arg8[%add3A_1246, %get3A_1243] : memref<4608x8xf32, #tpu.memory_space<vmem>>[vector<16xi32>, vector<16xi32>], vector<16xf32>,
    %swap3A_1248 = arith.constant 2 : i32
    %swap3A_1249 = arith.index_cast %swap3A_1248 : i32 to index
    %swap3A_1250 = arith.constant 144 : index
    %swap3A_1251 = tpu.vector_load %arg9[%swap3A_1249, %swap3A_1250] {strides = array<i32>} : memref<9x512xf32, #tpu.memory_space<vmem>>, vector<16xf32>,
    tpu.vector_store %arg9[%swap3A_1249, %swap3A_1250], %gather3A_1247 {strides = array<i32>} : memref<9x512xf32, #tpu.memory_space<vmem>>, vector<16xf32>,
    %get3A_1252 = arith.constant 160 : index
    %get3A_1253 = tpu.vector_load %arg6[%get3A_1252] {strides = array<i32>} : memref<512xi32, #tpu.memory_space<vmem>>, vector<16xi32>,
    %add3A_1254 = arith.constant 1184 : i32
    %add3A_1255 = vector.broadcast %add3A_1254 : i32 to vector<16xi32>
    %add3A_1256 = arith.addi %add3A_1255, %iota3A : vector<16xi32>
    %gather3A_1257 = tpu.vector_load_idx %arg8[%add3A_1256, %get3A_1253] : memref<4608x8xf32, #tpu.memory_space<vmem>>[vector<16xi32>, vector<16xi32>], vector<16xf32>,
    %swap3A_1258 = arith.constant 2 : i32
    %swap3A_1259 = arith.index_cast %swap3A_1258 : i32 to index
    %swap3A_1260 = arith.constant 160 : index
    %swap3A_1261 = tpu.vector_load %arg9[%swap3A_1259, %swap3A_1260] {strides = array<i32>} : memref<9x512xf32, #tpu.memory_space<vmem>>, vector<16xf32>,
    tpu.vector_store %arg9[%swap3A_1259, %swap3A_1260], %gather3A_1257 {strides = array<i32>} : memref<9x512xf32, #tpu.memory_space<vmem>>, vector<16xf32>,
    %get3A_1262 = arith.constant 176 : index
    %get3A_1263 = tpu.vector_load %arg6[%get3A_1262] {strides = array<i32>} : memref<512xi32, #tpu.memory_space<vmem>>, vector<16xi32>,
    %add3A_1264 = arith.constant 1200 : i32
    %add3A_1265 = vector.broadcast %add3A_1264 : i32 to vector<16xi32>
    %add3A_1266 = arith.addi %add3A_1265, %iota3A : vector<16xi32>
    %gather3A_1267 = tpu.vector_load_idx %arg8[%add3A_1266, %get3A_1263] : memref<4608x8xf32, #tpu.memory_space<vmem>>[vector<16xi32>, vector<16xi32>], vector<16xf32>,
    %swap3A_1268 = arith.constant 2 : i32
    %swap3A_1269 = arith.index_cast %swap3A_1268 : i32 to index
    %swap3A_1270 = arith.constant 176 : index
    %swap3A_1271 = tpu.vector_load %arg9[%swap3A_1269, %swap3A_1270] {strides = array<i32>} : memref<9x512xf32, #tpu.memory_space<vmem>>, vector<16xf32>,
    tpu.vector_store %arg9[%swap3A_1269, %swap3A_1270], %gather3A_1267 {strides = array<i32>} : memref<9x512xf32, #tpu.memory_space<vmem>>, vector<16xf32>,
    %get3A_1272 = arith.constant 192 : index
    %get3A_1273 = tpu.vector_load %arg6[%get3A_1272] {strides = array<i32>} : memref<512xi32, #tpu.memory_space<vmem>>, vector<16xi32>,
    %add3A_1274 = arith.constant 1216 : i32
    %add3A_1275 = vector.broadcast %add3A_1274 : i32 to vector<16xi32>
    %add3A_1276 = arith.addi %add3A_1275, %iota3A : vector<16xi32>
    %gather3A_1277 = tpu.vector_load_idx %arg8[%add3A_1276, %get3A_1273] : memref<4608x8xf32, #tpu.memory_space<vmem>>[vector<16xi32>, vector<16xi32>], vector<16xf32>,
    %swap3A_1278 = arith.constant 2 : i32
    %swap3A_1279 = arith.index_cast %swap3A_1278 : i32 to index
    %swap3A_1280 = arith.constant 192 : index
    %swap3A_1281 = tpu.vector_load %arg9[%swap3A_1279, %swap3A_1280] {strides = array<i32>} : memref<9x512xf32, #tpu.memory_space<vmem>>, vector<16xf32>,
    tpu.vector_store %arg9[%swap3A_1279, %swap3A_1280], %gather3A_1277 {strides = array<i32>} : memref<9x512xf32, #tpu.memory_space<vmem>>, vector<16xf32>,
    %get3A_1282 = arith.constant 208 : index
    %get3A_1283 = tpu.vector_load %arg6[%get3A_1282] {strides = array<i32>} : memref<512xi32, #tpu.memory_space<vmem>>, vector<16xi32>,
    %add3A_1284 = arith.constant 1232 : i32
    %add3A_1285 = vector.broadcast %add3A_1284 : i32 to vector<16xi32>
    %add3A_1286 = arith.addi %add3A_1285, %iota3A : vector<16xi32>
    %gather3A_1287 = tpu.vector_load_idx %arg8[%add3A_1286, %get3A_1283] : memref<4608x8xf32, #tpu.memory_space<vmem>>[vector<16xi32>, vector<16xi32>], vector<16xf32>,
    %swap3A_1288 = arith.constant 2 : i32
    %swap3A_1289 = arith.index_cast %swap3A_1288 : i32 to index
    %swap3A_1290 = arith.constant 208 : index
    %swap3A_1291 = tpu.vector_load %arg9[%swap3A_1289, %swap3A_1290] {strides = array<i32>} : memref<9x512xf32, #tpu.memory_space<vmem>>, vector<16xf32>,
    tpu.vector_store %arg9[%swap3A_1289, %swap3A_1290], %gather3A_1287 {strides = array<i32>} : memref<9x512xf32, #tpu.memory_space<vmem>>, vector<16xf32>,
    %get3A_1292 = arith.constant 224 : index
    %get3A_1293 = tpu.vector_load %arg6[%get3A_1292] {strides = array<i32>} : memref<512xi32, #tpu.memory_space<vmem>>, vector<16xi32>,
    %add3A_1294 = arith.constant 1248 : i32
    %add3A_1295 = vector.broadcast %add3A_1294 : i32 to vector<16xi32>
    %add3A_1296 = arith.addi %add3A_1295, %iota3A : vector<16xi32>
    %gather3A_1297 = tpu.vector_load_idx %arg8[%add3A_1296, %get3A_1293] : memref<4608x8xf32, #tpu.memory_space<vmem>>[vector<16xi32>, vector<16xi32>], vector<16xf32>,
    %swap3A_1298 = arith.constant 2 : i32
    %swap3A_1299 = arith.index_cast %swap3A_1298 : i32 to index
    %swap3A_1300 = arith.constant 224 : index
    %swap3A_1301 = tpu.vector_load %arg9[%swap3A_1299, %swap3A_1300] {strides = array<i32>} : memref<9x512xf32, #tpu.memory_space<vmem>>, vector<16xf32>,
    tpu.vector_store %arg9[%swap3A_1299, %swap3A_1300], %gather3A_1297 {strides = array<i32>} : memref<9x512xf32, #tpu.memory_space<vmem>>, vector<16xf32>,
    %get3A_1302 = arith.constant 240 : index
    %get3A_1303 = tpu.vector_load %arg6[%get3A_1302] {strides = array<i32>} : memref<512xi32, #tpu.memory_space<vmem>>, vector<16xi32>,
    %add3A_1304 = arith.constant 1264 : i32
    %add3A_1305 = vector.broadcast %add3A_1304 : i32 to vector<16xi32>
    %add3A_1306 = arith.addi %add3A_1305, %iota3A : vector<16xi32>
    %gather3A_1307 = tpu.vector_load_idx %arg8[%add3A_1306, %get3A_1303] : memref<4608x8xf32, #tpu.memory_space<vmem>>[vector<16xi32>, vector<16xi32>], vector<16xf32>,
    %swap3A_1308 = arith.constant 2 : i32
    %swap3A_1309 = arith.index_cast %swap3A_1308 : i32 to index
    %swap3A_1310 = arith.constant 240 : index
    %swap3A_1311 = tpu.vector_load %arg9[%swap3A_1309, %swap3A_1310] {strides = array<i32>} : memref<9x512xf32, #tpu.memory_space<vmem>>, vector<16xf32>,
    tpu.vector_store %arg9[%swap3A_1309, %swap3A_1310], %gather3A_1307 {strides = array<i32>} : memref<9x512xf32, #tpu.memory_space<vmem>>, vector<16xf32>,
    %get3A_1312 = arith.constant 256 : index
    %get3A_1313 = tpu.vector_load %arg6[%get3A_1312] {strides = array<i32>} : memref<512xi32, #tpu.memory_space<vmem>>, vector<16xi32>,
    %add3A_1314 = arith.constant 1280 : i32
    %add3A_1315 = vector.broadcast %add3A_1314 : i32 to vector<16xi32>
    %add3A_1316 = arith.addi %add3A_1315, %iota3A : vector<16xi32>
    %gather3A_1317 = tpu.vector_load_idx %arg8[%add3A_1316, %get3A_1313] : memref<4608x8xf32, #tpu.memory_space<vmem>>[vector<16xi32>, vector<16xi32>], vector<16xf32>,
    %swap3A_1318 = arith.constant 2 : i32
    %swap3A_1319 = arith.index_cast %swap3A_1318 : i32 to index
    %swap3A_1320 = arith.constant 256 : index
    %swap3A_1321 = tpu.vector_load %arg9[%swap3A_1319, %swap3A_1320] {strides = array<i32>} : memref<9x512xf32, #tpu.memory_space<vmem>>, vector<16xf32>,
    tpu.vector_store %arg9[%swap3A_1319, %swap3A_1320], %gather3A_1317 {strides = array<i32>} : memref<9x512xf32, #tpu.memory_space<vmem>>, vector<16xf32>,
    %get3A_1322 = arith.constant 272 : index
    %get3A_1323 = tpu.vector_load %arg6[%get3A_1322] {strides = array<i32>} : memref<512xi32, #tpu.memory_space<vmem>>, vector<16xi32>,
    %add3A_1324 = arith.constant 1296 : i32
    %add3A_1325 = vector.broadcast %add3A_1324 : i32 to vector<16xi32>
    %add3A_1326 = arith.addi %add3A_1325, %iota3A : vector<16xi32>
    %gather3A_1327 = tpu.vector_load_idx %arg8[%add3A_1326, %get3A_1323] : memref<4608x8xf32, #tpu.memory_space<vmem>>[vector<16xi32>, vector<16xi32>], vector<16xf32>,
    %swap3A_1328 = arith.constant 2 : i32
    %swap3A_1329 = arith.index_cast %swap3A_1328 : i32 to index
    %swap3A_1330 = arith.constant 272 : index
    %swap3A_1331 = tpu.vector_load %arg9[%swap3A_1329, %swap3A_1330] {strides = array<i32>} : memref<9x512xf32, #tpu.memory_space<vmem>>, vector<16xf32>,
    tpu.vector_store %arg9[%swap3A_1329, %swap3A_1330], %gather3A_1327 {strides = array<i32>} : memref<9x512xf32, #tpu.memory_space<vmem>>, vector<16xf32>,
    %get3A_1332 = arith.constant 288 : index
    %get3A_1333 = tpu.vector_load %arg6[%get3A_1332] {strides = array<i32>} : memref<512xi32, #tpu.memory_space<vmem>>, vector<16xi32>,
    %add3A_1334 = arith.constant 1312 : i32
    %add3A_1335 = vector.broadcast %add3A_1334 : i32 to vector<16xi32>
    %add3A_1336 = arith.addi %add3A_1335, %iota3A : vector<16xi32>
    %gather3A_1337 = tpu.vector_load_idx %arg8[%add3A_1336, %get3A_1333] : memref<4608x8xf32, #tpu.memory_space<vmem>>[vector<16xi32>, vector<16xi32>], vector<16xf32>,
    %swap3A_1338 = arith.constant 2 : i32
    %swap3A_1339 = arith.index_cast %swap3A_1338 : i32 to index
    %swap3A_1340 = arith.constant 288 : index
    %swap3A_1341 = tpu.vector_load %arg9[%swap3A_1339, %swap3A_1340] {strides = array<i32>} : memref<9x512xf32, #tpu.memory_space<vmem>>, vector<16xf32>,
    tpu.vector_store %arg9[%swap3A_1339, %swap3A_1340], %gather3A_1337 {strides = array<i32>} : memref<9x512xf32, #tpu.memory_space<vmem>>, vector<16xf32>,
    %get3A_1342 = arith.constant 304 : index
    %get3A_1343 = tpu.vector_load %arg6[%get3A_1342] {strides = array<i32>} : memref<512xi32, #tpu.memory_space<vmem>>, vector<16xi32>,
    %add3A_1344 = arith.constant 1328 : i32
    %add3A_1345 = vector.broadcast %add3A_1344 : i32 to vector<16xi32>
    %add3A_1346 = arith.addi %add3A_1345, %iota3A : vector<16xi32>
    %gather3A_1347 = tpu.vector_load_idx %arg8[%add3A_1346, %get3A_1343] : memref<4608x8xf32, #tpu.memory_space<vmem>>[vector<16xi32>, vector<16xi32>], vector<16xf32>,
    %swap3A_1348 = arith.constant 2 : i32
    %swap3A_1349 = arith.index_cast %swap3A_1348 : i32 to index
    %swap3A_1350 = arith.constant 304 : index
    %swap3A_1351 = tpu.vector_load %arg9[%swap3A_1349, %swap3A_1350] {strides = array<i32>} : memref<9x512xf32, #tpu.memory_space<vmem>>, vector<16xf32>,
    tpu.vector_store %arg9[%swap3A_1349, %swap3A_1350], %gather3A_1347 {strides = array<i32>} : memref<9x512xf32, #tpu.memory_space<vmem>>, vector<16xf32>,
    %get3A_1352 = arith.constant 320 : index
    %get3A_1353 = tpu.vector_load %arg6[%get3A_1352] {strides = array<i32>} : memref<512xi32, #tpu.memory_space<vmem>>, vector<16xi32>,
    %add3A_1354 = arith.constant 1344 : i32
    %add3A_1355 = vector.broadcast %add3A_1354 : i32 to vector<16xi32>
    %add3A_1356 = arith.addi %add3A_1355, %iota3A : vector<16xi32>
    %gather3A_1357 = tpu.vector_load_idx %arg8[%add3A_1356, %get3A_1353] : memref<4608x8xf32, #tpu.memory_space<vmem>>[vector<16xi32>, vector<16xi32>], vector<16xf32>,
    %swap3A_1358 = arith.constant 2 : i32
    %swap3A_1359 = arith.index_cast %swap3A_1358 : i32 to index
    %swap3A_1360 = arith.constant 320 : index
    %swap3A_1361 = tpu.vector_load %arg9[%swap3A_1359, %swap3A_1360] {strides = array<i32>} : memref<9x512xf32, #tpu.memory_space<vmem>>, vector<16xf32>,
    tpu.vector_store %arg9[%swap3A_1359, %swap3A_1360], %gather3A_1357 {strides = array<i32>} : memref<9x512xf32, #tpu.memory_space<vmem>>, vector<16xf32>,
    %get3A_1362 = arith.constant 336 : index
    %get3A_1363 = tpu.vector_load %arg6[%get3A_1362] {strides = array<i32>} : memref<512xi32, #tpu.memory_space<vmem>>, vector<16xi32>,
    %add3A_1364 = arith.constant 1360 : i32
    %add3A_1365 = vector.broadcast %add3A_1364 : i32 to vector<16xi32>
    %add3A_1366 = arith.addi %add3A_1365, %iota3A : vector<16xi32>
    %gather3A_1367 = tpu.vector_load_idx %arg8[%add3A_1366, %get3A_1363] : memref<4608x8xf32, #tpu.memory_space<vmem>>[vector<16xi32>, vector<16xi32>], vector<16xf32>,
    %swap3A_1368 = arith.constant 2 : i32
    %swap3A_1369 = arith.index_cast %swap3A_1368 : i32 to index
    %swap3A_1370 = arith.constant 336 : index
    %swap3A_1371 = tpu.vector_load %arg9[%swap3A_1369, %swap3A_1370] {strides = array<i32>} : memref<9x512xf32, #tpu.memory_space<vmem>>, vector<16xf32>,
    tpu.vector_store %arg9[%swap3A_1369, %swap3A_1370], %gather3A_1367 {strides = array<i32>} : memref<9x512xf32, #tpu.memory_space<vmem>>, vector<16xf32>,
    %get3A_1372 = arith.constant 352 : index
    %get3A_1373 = tpu.vector_load %arg6[%get3A_1372] {strides = array<i32>} : memref<512xi32, #tpu.memory_space<vmem>>, vector<16xi32>,
    %add3A_1374 = arith.constant 1376 : i32
    %add3A_1375 = vector.broadcast %add3A_1374 : i32 to vector<16xi32>
    %add3A_1376 = arith.addi %add3A_1375, %iota3A : vector<16xi32>
    %gather3A_1377 = tpu.vector_load_idx %arg8[%add3A_1376, %get3A_1373] : memref<4608x8xf32, #tpu.memory_space<vmem>>[vector<16xi32>, vector<16xi32>], vector<16xf32>,
    %swap3A_1378 = arith.constant 2 : i32
    %swap3A_1379 = arith.index_cast %swap3A_1378 : i32 to index
    %swap3A_1380 = arith.constant 352 : index
    %swap3A_1381 = tpu.vector_load %arg9[%swap3A_1379, %swap3A_1380] {strides = array<i32>} : memref<9x512xf32, #tpu.memory_space<vmem>>, vector<16xf32>,
    tpu.vector_store %arg9[%swap3A_1379, %swap3A_1380], %gather3A_1377 {strides = array<i32>} : memref<9x512xf32, #tpu.memory_space<vmem>>, vector<16xf32>,
    %get3A_1382 = arith.constant 368 : index
    %get3A_1383 = tpu.vector_load %arg6[%get3A_1382] {strides = array<i32>} : memref<512xi32, #tpu.memory_space<vmem>>, vector<16xi32>,
    %add3A_1384 = arith.constant 1392 : i32
    %add3A_1385 = vector.broadcast %add3A_1384 : i32 to vector<16xi32>
    %add3A_1386 = arith.addi %add3A_1385, %iota3A : vector<16xi32>
    %gather3A_1387 = tpu.vector_load_idx %arg8[%add3A_1386, %get3A_1383] : memref<4608x8xf32, #tpu.memory_space<vmem>>[vector<16xi32>, vector<16xi32>], vector<16xf32>,
    %swap3A_1388 = arith.constant 2 : i32
    %swap3A_1389 = arith.index_cast %swap3A_1388 : i32 to index
    %swap3A_1390 = arith.constant 368 : index
    %swap3A_1391 = tpu.vector_load %arg9[%swap3A_1389, %swap3A_1390] {strides = array<i32>} : memref<9x512xf32, #tpu.memory_space<vmem>>, vector<16xf32>,
    tpu.vector_store %arg9[%swap3A_1389, %swap3A_1390], %gather3A_1387 {strides = array<i32>} : memref<9x512xf32, #tpu.memory_space<vmem>>, vector<16xf32>,
    %get3A_1392 = arith.constant 384 : index
    %get3A_1393 = tpu.vector_load %arg6[%get3A_1392] {strides = array<i32>} : memref<512xi32, #tpu.memory_space<vmem>>, vector<16xi32>,
    %add3A_1394 = arith.constant 1408 : i32
    %add3A_1395 = vector.broadcast %add3A_1394 : i32 to vector<16xi32>
    %add3A_1396 = arith.addi %add3A_1395, %iota3A : vector<16xi32>
    %gather3A_1397 = tpu.vector_load_idx %arg8[%add3A_1396, %get3A_1393] : memref<4608x8xf32, #tpu.memory_space<vmem>>[vector<16xi32>, vector<16xi32>], vector<16xf32>,
    %swap3A_1398 = arith.constant 2 : i32
    %swap3A_1399 = arith.index_cast %swap3A_1398 : i32 to index
    %swap3A_1400 = arith.constant 384 : index
    %swap3A_1401 = tpu.vector_load %arg9[%swap3A_1399, %swap3A_1400] {strides = array<i32>} : memref<9x512xf32, #tpu.memory_space<vmem>>, vector<16xf32>,
    tpu.vector_store %arg9[%swap3A_1399, %swap3A_1400], %gather3A_1397 {strides = array<i32>} : memref<9x512xf32, #tpu.memory_space<vmem>>, vector<16xf32>,
    %get3A_1402 = arith.constant 400 : index
    %get3A_1403 = tpu.vector_load %arg6[%get3A_1402] {strides = array<i32>} : memref<512xi32, #tpu.memory_space<vmem>>, vector<16xi32>,
    %add3A_1404 = arith.constant 1424 : i32
    %add3A_1405 = vector.broadcast %add3A_1404 : i32 to vector<16xi32>
    %add3A_1406 = arith.addi %add3A_1405, %iota3A : vector<16xi32>
    %gather3A_1407 = tpu.vector_load_idx %arg8[%add3A_1406, %get3A_1403] : memref<4608x8xf32, #tpu.memory_space<vmem>>[vector<16xi32>, vector<16xi32>], vector<16xf32>,
    %swap3A_1408 = arith.constant 2 : i32
    %swap3A_1409 = arith.index_cast %swap3A_1408 : i32 to index
    %swap3A_1410 = arith.constant 400 : index
    %swap3A_1411 = tpu.vector_load %arg9[%swap3A_1409, %swap3A_1410] {strides = array<i32>} : memref<9x512xf32, #tpu.memory_space<vmem>>, vector<16xf32>,
    tpu.vector_store %arg9[%swap3A_1409, %swap3A_1410], %gather3A_1407 {strides = array<i32>} : memref<9x512xf32, #tpu.memory_space<vmem>>, vector<16xf32>,
    %get3A_1412 = arith.constant 416 : index
    %get3A_1413 = tpu.vector_load %arg6[%get3A_1412] {strides = array<i32>} : memref<512xi32, #tpu.memory_space<vmem>>, vector<16xi32>,
    %add3A_1414 = arith.constant 1440 : i32
    %add3A_1415 = vector.broadcast %add3A_1414 : i32 to vector<16xi32>
    %add3A_1416 = arith.addi %add3A_1415, %iota3A : vector<16xi32>
    %gather3A_1417 = tpu.vector_load_idx %arg8[%add3A_1416, %get3A_1413] : memref<4608x8xf32, #tpu.memory_space<vmem>>[vector<16xi32>, vector<16xi32>], vector<16xf32>,
    %swap3A_1418 = arith.constant 2 : i32
    %swap3A_1419 = arith.index_cast %swap3A_1418 : i32 to index
    %swap3A_1420 = arith.constant 416 : index
    %swap3A_1421 = tpu.vector_load %arg9[%swap3A_1419, %swap3A_1420] {strides = array<i32>} : memref<9x512xf32, #tpu.memory_space<vmem>>, vector<16xf32>,
    tpu.vector_store %arg9[%swap3A_1419, %swap3A_1420], %gather3A_1417 {strides = array<i32>} : memref<9x512xf32, #tpu.memory_space<vmem>>, vector<16xf32>,
    %get3A_1422 = arith.constant 432 : index
    %get3A_1423 = tpu.vector_load %arg6[%get3A_1422] {strides = array<i32>} : memref<512xi32, #tpu.memory_space<vmem>>, vector<16xi32>,
    %add3A_1424 = arith.constant 1456 : i32
    %add3A_1425 = vector.broadcast %add3A_1424 : i32 to vector<16xi32>
    %add3A_1426 = arith.addi %add3A_1425, %iota3A : vector<16xi32>
    %gather3A_1427 = tpu.vector_load_idx %arg8[%add3A_1426, %get3A_1423] : memref<4608x8xf32, #tpu.memory_space<vmem>>[vector<16xi32>, vector<16xi32>], vector<16xf32>,
    %swap3A_1428 = arith.constant 2 : i32
    %swap3A_1429 = arith.index_cast %swap3A_1428 : i32 to index
    %swap3A_1430 = arith.constant 432 : index
    %swap3A_1431 = tpu.vector_load %arg9[%swap3A_1429, %swap3A_1430] {strides = array<i32>} : memref<9x512xf32, #tpu.memory_space<vmem>>, vector<16xf32>,
    tpu.vector_store %arg9[%swap3A_1429, %swap3A_1430], %gather3A_1427 {strides = array<i32>} : memref<9x512xf32, #tpu.memory_space<vmem>>, vector<16xf32>,
    %get3A_1432 = arith.constant 448 : index
    %get3A_1433 = tpu.vector_load %arg6[%get3A_1432] {strides = array<i32>} : memref<512xi32, #tpu.memory_space<vmem>>, vector<16xi32>,
    %add3A_1434 = arith.constant 1472 : i32
    %add3A_1435 = vector.broadcast %add3A_1434 : i32 to vector<16xi32>
    %add3A_1436 = arith.addi %add3A_1435, %iota3A : vector<16xi32>
    %gather3A_1437 = tpu.vector_load_idx %arg8[%add3A_1436, %get3A_1433] : memref<4608x8xf32, #tpu.memory_space<vmem>>[vector<16xi32>, vector<16xi32>], vector<16xf32>,
    %swap3A_1438 = arith.constant 2 : i32
    %swap3A_1439 = arith.index_cast %swap3A_1438 : i32 to index
    %swap3A_1440 = arith.constant 448 : index
    %swap3A_1441 = tpu.vector_load %arg9[%swap3A_1439, %swap3A_1440] {strides = array<i32>} : memref<9x512xf32, #tpu.memory_space<vmem>>, vector<16xf32>,
    tpu.vector_store %arg9[%swap3A_1439, %swap3A_1440], %gather3A_1437 {strides = array<i32>} : memref<9x512xf32, #tpu.memory_space<vmem>>, vector<16xf32>,
    %get3A_1442 = arith.constant 464 : index
    %get3A_1443 = tpu.vector_load %arg6[%get3A_1442] {strides = array<i32>} : memref<512xi32, #tpu.memory_space<vmem>>, vector<16xi32>,
    %add3A_1444 = arith.constant 1488 : i32
    %add3A_1445 = vector.broadcast %add3A_1444 : i32 to vector<16xi32>
    %add3A_1446 = arith.addi %add3A_1445, %iota3A : vector<16xi32>
    %gather3A_1447 = tpu.vector_load_idx %arg8[%add3A_1446, %get3A_1443] : memref<4608x8xf32, #tpu.memory_space<vmem>>[vector<16xi32>, vector<16xi32>], vector<16xf32>,
    %swap3A_1448 = arith.constant 2 : i32
    %swap3A_1449 = arith.index_cast %swap3A_1448 : i32 to index
    %swap3A_1450 = arith.constant 464 : index
    %swap3A_1451 = tpu.vector_load %arg9[%swap3A_1449, %swap3A_1450] {strides = array<i32>} : memref<9x512xf32, #tpu.memory_space<vmem>>, vector<16xf32>,
    tpu.vector_store %arg9[%swap3A_1449, %swap3A_1450], %gather3A_1447 {strides = array<i32>} : memref<9x512xf32, #tpu.memory_space<vmem>>, vector<16xf32>,
    %get3A_1452 = arith.constant 480 : index
    %get3A_1453 = tpu.vector_load %arg6[%get3A_1452] {strides = array<i32>} : memref<512xi32, #tpu.memory_space<vmem>>, vector<16xi32>,
    %add3A_1454 = arith.constant 1504 : i32
    %add3A_1455 = vector.broadcast %add3A_1454 : i32 to vector<16xi32>
    %add3A_1456 = arith.addi %add3A_1455, %iota3A : vector<16xi32>
    %gather3A_1457 = tpu.vector_load_idx %arg8[%add3A_1456, %get3A_1453] : memref<4608x8xf32, #tpu.memory_space<vmem>>[vector<16xi32>, vector<16xi32>], vector<16xf32>,
    %swap3A_1458 = arith.constant 2 : i32
    %swap3A_1459 = arith.index_cast %swap3A_1458 : i32 to index
    %swap3A_1460 = arith.constant 480 : index
    %swap3A_1461 = tpu.vector_load %arg9[%swap3A_1459, %swap3A_1460] {strides = array<i32>} : memref<9x512xf32, #tpu.memory_space<vmem>>, vector<16xf32>,
    tpu.vector_store %arg9[%swap3A_1459, %swap3A_1460], %gather3A_1457 {strides = array<i32>} : memref<9x512xf32, #tpu.memory_space<vmem>>, vector<16xf32>,
    %get3A_1462 = arith.constant 496 : index
    %get3A_1463 = tpu.vector_load %arg6[%get3A_1462] {strides = array<i32>} : memref<512xi32, #tpu.memory_space<vmem>>, vector<16xi32>,
    %add3A_1464 = arith.constant 1520 : i32
    %add3A_1465 = vector.broadcast %add3A_1464 : i32 to vector<16xi32>
    %add3A_1466 = arith.addi %add3A_1465, %iota3A : vector<16xi32>
    %gather3A_1467 = tpu.vector_load_idx %arg8[%add3A_1466, %get3A_1463] : memref<4608x8xf32, #tpu.memory_space<vmem>>[vector<16xi32>, vector<16xi32>], vector<16xf32>,
    %swap3A_1468 = arith.constant 2 : i32
    %swap3A_1469 = arith.index_cast %swap3A_1468 : i32 to index
    %swap3A_1470 = arith.constant 496 : index
    %swap3A_1471 = tpu.vector_load %arg9[%swap3A_1469, %swap3A_1470] {strides = array<i32>} : memref<9x512xf32, #tpu.memory_space<vmem>>, vector<16xf32>,
    tpu.vector_store %arg9[%swap3A_1469, %swap3A_1470], %gather3A_1467 {strides = array<i32>} : memref<9x512xf32, #tpu.memory_space<vmem>>, vector<16xf32>,
    %dma_start3A_1472 = arith.constant 2 : i32
    %dma_start3A_1473 = arith.constant 2 : i32
    %dma_start3A_1474 = arith.constant 0 : i32
    %dma_start3A_1475 = tpu.memref_slice %arg9[%dma_start3A_1472, %dma_start3A_1474] : memref<9x512xf32, #tpu.memory_space<vmem>> -> memref<1x512xf32, #tpu.memory_space<vmem>>
    %dma_start3A_1476 = tpu.memref_squeeze %dma_start3A_1475 : memref<1x512xf32, #tpu.memory_space<vmem>> -> memref<512xf32, #tpu.memory_space<vmem>>
    %dma_start3A_1477 = tpu.memref_slice %arg4[%dma_start3A_1473, %mul3A_2] : memref<9x16384xf32, #tpu.memory_space<hbm>> -> memref<1x512xf32, #tpu.memory_space<hbm>>
    %dma_start3A_1478 = tpu.memref_squeeze %dma_start3A_1477 : memref<1x512xf32, #tpu.memory_space<hbm>> -> memref<512xf32, #tpu.memory_space<hbm>>
    %dma_start3A_1479 = tpu.memref_slice %arg4[%dma_start3A_1473, %mul3A_2] : memref<9x16384xf32, #tpu.memory_space<hbm>> -> memref<1x512xf32, #tpu.memory_space<hbm>>
    %dma_start3A_1480 = tpu.memref_squeeze %dma_start3A_1479 : memref<1x512xf32, #tpu.memory_space<hbm>> -> memref<512xf32, #tpu.memory_space<hbm>>
    %dma_start3A_1481 = arith.constant 0 : i32
    %dma_start3A_1482 = tpu.memref_slice %arg9[%dma_start3A_1472, %dma_start3A_1481] : memref<9x512xf32, #tpu.memory_space<vmem>> -> memref<1x512xf32, #tpu.memory_space<vmem>>
    %dma_start3A_1483 = tpu.memref_squeeze %dma_start3A_1482 : memref<1x512xf32, #tpu.memory_space<vmem>> -> memref<512xf32, #tpu.memory_space<vmem>>
    tpu.enqueue_dma source(%dma_start3A_1483 : memref<512xf32, #tpu.memory_space<vmem>>) target(%dma_start3A_1480 : memref<512xf32, #tpu.memory_space<hbm>>) target_semaphore(%arg12 : memref<!tpu.dma_semaphore, #tpu.memory_space<semaphore_mem>>)
    %dma_wait3A_1484 = arith.constant 1536 : i32
    %dma_wait3A_1485 = arith.constant 0 : i32
    %dma_wait3A_1486 = tpu.memref_slice %arg8[%dma_wait3A_1484, %dma_wait3A_1485] : memref<4608x8xf32, #tpu.memory_space<vmem>> -> memref<512x8xf32, #tpu.memory_space<vmem>>
    %dma_wait3A_1487 = arith.constant 37500 : i32
    %dma_wait3A_1488 = arith.constant 0 : i32
    %dma_wait3A_1489 = tpu.memref_slice %arg2[%dma_wait3A_1487, %dma_wait3A_1488] : memref<112500x8xf32, #tpu.memory_space<hbm>> -> memref<12500x8xf32, #tpu.memory_space<hbm>>
    %dma_wait3A_1490 = arith.constant 0 : i32
    %dma_wait3A_1491 = arith.constant 0 : i32
    %dma_wait3A_1492 = tpu.memref_slice %dma_wait3A_1489[%dma_wait3A_1490, %dma_wait3A_1491] : memref<12500x8xf32, #tpu.memory_space<hbm>> -> memref<12500x8xf32, #tpu.memory_space<hbm>>
    tpu.wait_indirect_dma semaphore(%arg13 : memref<!tpu.dma_semaphore, #tpu.memory_space<semaphore_mem>>) src(%dma_wait3A_1492 : memref<12500x8xf32, #tpu.memory_space<hbm>>) dst(%dma_wait3A_1486 : memref<512x8xf32, #tpu.memory_space<vmem>>)
    %get3A_1493 = arith.constant 0 : index
    %get3A_1494 = tpu.vector_load %arg6[%get3A_1493] {strides = array<i32>} : memref<512xi32, #tpu.memory_space<vmem>>, vector<16xi32>,
    %add3A_1495 = arith.constant 1536 : i32
    %add3A_1496 = vector.broadcast %add3A_1495 : i32 to vector<16xi32>
    %add3A_1497 = arith.addi %add3A_1496, %iota3A : vector<16xi32>
    %gather3A_1498 = tpu.vector_load_idx %arg8[%add3A_1497, %get3A_1494] : memref<4608x8xf32, #tpu.memory_space<vmem>>[vector<16xi32>, vector<16xi32>], vector<16xf32>,
    %swap3A_1499 = arith.constant 3 : i32
    %swap3A_1500 = arith.index_cast %swap3A_1499 : i32 to index
    %swap3A_1501 = arith.constant 0 : index
    %swap3A_1502 = tpu.vector_load %arg9[%swap3A_1500, %swap3A_1501] {strides = array<i32>} : memref<9x512xf32, #tpu.memory_space<vmem>>, vector<16xf32>,
    tpu.vector_store %arg9[%swap3A_1500, %swap3A_1501], %gather3A_1498 {strides = array<i32>} : memref<9x512xf32, #tpu.memory_space<vmem>>, vector<16xf32>,
    %get3A_1503 = arith.constant 16 : index
    %get3A_1504 = tpu.vector_load %arg6[%get3A_1503] {strides = array<i32>} : memref<512xi32, #tpu.memory_space<vmem>>, vector<16xi32>,
    %add3A_1505 = arith.constant 1552 : i32
    %add3A_1506 = vector.broadcast %add3A_1505 : i32 to vector<16xi32>
    %add3A_1507 = arith.addi %add3A_1506, %iota3A : vector<16xi32>
    %gather3A_1508 = tpu.vector_load_idx %arg8[%add3A_1507, %get3A_1504] : memref<4608x8xf32, #tpu.memory_space<vmem>>[vector<16xi32>, vector<16xi32>], vector<16xf32>,
    %swap3A_1509 = arith.constant 3 : i32
    %swap3A_1510 = arith.index_cast %swap3A_1509 : i32 to index
    %swap3A_1511 = arith.constant 16 : index
    %swap3A_1512 = tpu.vector_load %arg9[%swap3A_1510, %swap3A_1511] {strides = array<i32>} : memref<9x512xf32, #tpu.memory_space<vmem>>, vector<16xf32>,
    tpu.vector_store %arg9[%swap3A_1510, %swap3A_1511], %gather3A_1508 {strides = array<i32>} : memref<9x512xf32, #tpu.memory_space<vmem>>, vector<16xf32>,
    %get3A_1513 = arith.constant 32 : index
    %get3A_1514 = tpu.vector_load %arg6[%get3A_1513] {strides = array<i32>} : memref<512xi32, #tpu.memory_space<vmem>>, vector<16xi32>,
    %add3A_1515 = arith.constant 1568 : i32
    %add3A_1516 = vector.broadcast %add3A_1515 : i32 to vector<16xi32>
    %add3A_1517 = arith.addi %add3A_1516, %iota3A : vector<16xi32>
    %gather3A_1518 = tpu.vector_load_idx %arg8[%add3A_1517, %get3A_1514] : memref<4608x8xf32, #tpu.memory_space<vmem>>[vector<16xi32>, vector<16xi32>], vector<16xf32>,
    %swap3A_1519 = arith.constant 3 : i32
    %swap3A_1520 = arith.index_cast %swap3A_1519 : i32 to index
    %swap3A_1521 = arith.constant 32 : index
    %swap3A_1522 = tpu.vector_load %arg9[%swap3A_1520, %swap3A_1521] {strides = array<i32>} : memref<9x512xf32, #tpu.memory_space<vmem>>, vector<16xf32>,
    tpu.vector_store %arg9[%swap3A_1520, %swap3A_1521], %gather3A_1518 {strides = array<i32>} : memref<9x512xf32, #tpu.memory_space<vmem>>, vector<16xf32>,
    %get3A_1523 = arith.constant 48 : index
    %get3A_1524 = tpu.vector_load %arg6[%get3A_1523] {strides = array<i32>} : memref<512xi32, #tpu.memory_space<vmem>>, vector<16xi32>,
    %add3A_1525 = arith.constant 1584 : i32
    %add3A_1526 = vector.broadcast %add3A_1525 : i32 to vector<16xi32>
    %add3A_1527 = arith.addi %add3A_1526, %iota3A : vector<16xi32>
    %gather3A_1528 = tpu.vector_load_idx %arg8[%add3A_1527, %get3A_1524] : memref<4608x8xf32, #tpu.memory_space<vmem>>[vector<16xi32>, vector<16xi32>], vector<16xf32>,
    %swap3A_1529 = arith.constant 3 : i32
    %swap3A_1530 = arith.index_cast %swap3A_1529 : i32 to index
    %swap3A_1531 = arith.constant 48 : index
    %swap3A_1532 = tpu.vector_load %arg9[%swap3A_1530, %swap3A_1531] {strides = array<i32>} : memref<9x512xf32, #tpu.memory_space<vmem>>, vector<16xf32>,
    tpu.vector_store %arg9[%swap3A_1530, %swap3A_1531], %gather3A_1528 {strides = array<i32>} : memref<9x512xf32, #tpu.memory_space<vmem>>, vector<16xf32>,
    %get3A_1533 = arith.constant 64 : index
    %get3A_1534 = tpu.vector_load %arg6[%get3A_1533] {strides = array<i32>} : memref<512xi32, #tpu.memory_space<vmem>>, vector<16xi32>,
    %add3A_1535 = arith.constant 1600 : i32
    %add3A_1536 = vector.broadcast %add3A_1535 : i32 to vector<16xi32>
    %add3A_1537 = arith.addi %add3A_1536, %iota3A : vector<16xi32>
    %gather3A_1538 = tpu.vector_load_idx %arg8[%add3A_1537, %get3A_1534] : memref<4608x8xf32, #tpu.memory_space<vmem>>[vector<16xi32>, vector<16xi32>], vector<16xf32>,
    %swap3A_1539 = arith.constant 3 : i32
    %swap3A_1540 = arith.index_cast %swap3A_1539 : i32 to index
    %swap3A_1541 = arith.constant 64 : index
    %swap3A_1542 = tpu.vector_load %arg9[%swap3A_1540, %swap3A_1541] {strides = array<i32>} : memref<9x512xf32, #tpu.memory_space<vmem>>, vector<16xf32>,
    tpu.vector_store %arg9[%swap3A_1540, %swap3A_1541], %gather3A_1538 {strides = array<i32>} : memref<9x512xf32, #tpu.memory_space<vmem>>, vector<16xf32>,
    %get3A_1543 = arith.constant 80 : index
    %get3A_1544 = tpu.vector_load %arg6[%get3A_1543] {strides = array<i32>} : memref<512xi32, #tpu.memory_space<vmem>>, vector<16xi32>,
    %add3A_1545 = arith.constant 1616 : i32
    %add3A_1546 = vector.broadcast %add3A_1545 : i32 to vector<16xi32>
    %add3A_1547 = arith.addi %add3A_1546, %iota3A : vector<16xi32>
    %gather3A_1548 = tpu.vector_load_idx %arg8[%add3A_1547, %get3A_1544] : memref<4608x8xf32, #tpu.memory_space<vmem>>[vector<16xi32>, vector<16xi32>], vector<16xf32>,
    %swap3A_1549 = arith.constant 3 : i32
    %swap3A_1550 = arith.index_cast %swap3A_1549 : i32 to index
    %swap3A_1551 = arith.constant 80 : index
    %swap3A_1552 = tpu.vector_load %arg9[%swap3A_1550, %swap3A_1551] {strides = array<i32>} : memref<9x512xf32, #tpu.memory_space<vmem>>, vector<16xf32>,
    tpu.vector_store %arg9[%swap3A_1550, %swap3A_1551], %gather3A_1548 {strides = array<i32>} : memref<9x512xf32, #tpu.memory_space<vmem>>, vector<16xf32>,
    %get3A_1553 = arith.constant 96 : index
    %get3A_1554 = tpu.vector_load %arg6[%get3A_1553] {strides = array<i32>} : memref<512xi32, #tpu.memory_space<vmem>>, vector<16xi32>,
    %add3A_1555 = arith.constant 1632 : i32
    %add3A_1556 = vector.broadcast %add3A_1555 : i32 to vector<16xi32>
    %add3A_1557 = arith.addi %add3A_1556, %iota3A : vector<16xi32>
    %gather3A_1558 = tpu.vector_load_idx %arg8[%add3A_1557, %get3A_1554] : memref<4608x8xf32, #tpu.memory_space<vmem>>[vector<16xi32>, vector<16xi32>], vector<16xf32>,
    %swap3A_1559 = arith.constant 3 : i32
    %swap3A_1560 = arith.index_cast %swap3A_1559 : i32 to index
    %swap3A_1561 = arith.constant 96 : index
    %swap3A_1562 = tpu.vector_load %arg9[%swap3A_1560, %swap3A_1561] {strides = array<i32>} : memref<9x512xf32, #tpu.memory_space<vmem>>, vector<16xf32>,
    tpu.vector_store %arg9[%swap3A_1560, %swap3A_1561], %gather3A_1558 {strides = array<i32>} : memref<9x512xf32, #tpu.memory_space<vmem>>, vector<16xf32>,
    %get3A_1563 = arith.constant 112 : index
    %get3A_1564 = tpu.vector_load %arg6[%get3A_1563] {strides = array<i32>} : memref<512xi32, #tpu.memory_space<vmem>>, vector<16xi32>,
    %add3A_1565 = arith.constant 1648 : i32
    %add3A_1566 = vector.broadcast %add3A_1565 : i32 to vector<16xi32>
    %add3A_1567 = arith.addi %add3A_1566, %iota3A : vector<16xi32>
    %gather3A_1568 = tpu.vector_load_idx %arg8[%add3A_1567, %get3A_1564] : memref<4608x8xf32, #tpu.memory_space<vmem>>[vector<16xi32>, vector<16xi32>], vector<16xf32>,
    %swap3A_1569 = arith.constant 3 : i32
    %swap3A_1570 = arith.index_cast %swap3A_1569 : i32 to index
    %swap3A_1571 = arith.constant 112 : index
    %swap3A_1572 = tpu.vector_load %arg9[%swap3A_1570, %swap3A_1571] {strides = array<i32>} : memref<9x512xf32, #tpu.memory_space<vmem>>, vector<16xf32>,
    tpu.vector_store %arg9[%swap3A_1570, %swap3A_1571], %gather3A_1568 {strides = array<i32>} : memref<9x512xf32, #tpu.memory_space<vmem>>, vector<16xf32>,
    %get3A_1573 = arith.constant 128 : index
    %get3A_1574 = tpu.vector_load %arg6[%get3A_1573] {strides = array<i32>} : memref<512xi32, #tpu.memory_space<vmem>>, vector<16xi32>,
    %add3A_1575 = arith.constant 1664 : i32
    %add3A_1576 = vector.broadcast %add3A_1575 : i32 to vector<16xi32>
    %add3A_1577 = arith.addi %add3A_1576, %iota3A : vector<16xi32>
    %gather3A_1578 = tpu.vector_load_idx %arg8[%add3A_1577, %get3A_1574] : memref<4608x8xf32, #tpu.memory_space<vmem>>[vector<16xi32>, vector<16xi32>], vector<16xf32>,
    %swap3A_1579 = arith.constant 3 : i32
    %swap3A_1580 = arith.index_cast %swap3A_1579 : i32 to index
    %swap3A_1581 = arith.constant 128 : index
    %swap3A_1582 = tpu.vector_load %arg9[%swap3A_1580, %swap3A_1581] {strides = array<i32>} : memref<9x512xf32, #tpu.memory_space<vmem>>, vector<16xf32>,
    tpu.vector_store %arg9[%swap3A_1580, %swap3A_1581], %gather3A_1578 {strides = array<i32>} : memref<9x512xf32, #tpu.memory_space<vmem>>, vector<16xf32>,
    %get3A_1583 = arith.constant 144 : index
    %get3A_1584 = tpu.vector_load %arg6[%get3A_1583] {strides = array<i32>} : memref<512xi32, #tpu.memory_space<vmem>>, vector<16xi32>,
    %add3A_1585 = arith.constant 1680 : i32
    %add3A_1586 = vector.broadcast %add3A_1585 : i32 to vector<16xi32>
    %add3A_1587 = arith.addi %add3A_1586, %iota3A : vector<16xi32>
    %gather3A_1588 = tpu.vector_load_idx %arg8[%add3A_1587, %get3A_1584] : memref<4608x8xf32, #tpu.memory_space<vmem>>[vector<16xi32>, vector<16xi32>], vector<16xf32>,
    %swap3A_1589 = arith.constant 3 : i32
    %swap3A_1590 = arith.index_cast %swap3A_1589 : i32 to index
    %swap3A_1591 = arith.constant 144 : index
    %swap3A_1592 = tpu.vector_load %arg9[%swap3A_1590, %swap3A_1591] {strides = array<i32>} : memref<9x512xf32, #tpu.memory_space<vmem>>, vector<16xf32>,
    tpu.vector_store %arg9[%swap3A_1590, %swap3A_1591], %gather3A_1588 {strides = array<i32>} : memref<9x512xf32, #tpu.memory_space<vmem>>, vector<16xf32>,
    %get3A_1593 = arith.constant 160 : index
    %get3A_1594 = tpu.vector_load %arg6[%get3A_1593] {strides = array<i32>} : memref<512xi32, #tpu.memory_space<vmem>>, vector<16xi32>,
    %add3A_1595 = arith.constant 1696 : i32
    %add3A_1596 = vector.broadcast %add3A_1595 : i32 to vector<16xi32>
    %add3A_1597 = arith.addi %add3A_1596, %iota3A : vector<16xi32>
    %gather3A_1598 = tpu.vector_load_idx %arg8[%add3A_1597, %get3A_1594] : memref<4608x8xf32, #tpu.memory_space<vmem>>[vector<16xi32>, vector<16xi32>], vector<16xf32>,
    %swap3A_1599 = arith.constant 3 : i32
    %swap3A_1600 = arith.index_cast %swap3A_1599 : i32 to index
    %swap3A_1601 = arith.constant 160 : index
    %swap3A_1602 = tpu.vector_load %arg9[%swap3A_1600, %swap3A_1601] {strides = array<i32>} : memref<9x512xf32, #tpu.memory_space<vmem>>, vector<16xf32>,
    tpu.vector_store %arg9[%swap3A_1600, %swap3A_1601], %gather3A_1598 {strides = array<i32>} : memref<9x512xf32, #tpu.memory_space<vmem>>, vector<16xf32>,
    %get3A_1603 = arith.constant 176 : index
    %get3A_1604 = tpu.vector_load %arg6[%get3A_1603] {strides = array<i32>} : memref<512xi32, #tpu.memory_space<vmem>>, vector<16xi32>,
    %add3A_1605 = arith.constant 1712 : i32
    %add3A_1606 = vector.broadcast %add3A_1605 : i32 to vector<16xi32>
    %add3A_1607 = arith.addi %add3A_1606, %iota3A : vector<16xi32>
    %gather3A_1608 = tpu.vector_load_idx %arg8[%add3A_1607, %get3A_1604] : memref<4608x8xf32, #tpu.memory_space<vmem>>[vector<16xi32>, vector<16xi32>], vector<16xf32>,
    %swap3A_1609 = arith.constant 3 : i32
    %swap3A_1610 = arith.index_cast %swap3A_1609 : i32 to index
    %swap3A_1611 = arith.constant 176 : index
    %swap3A_1612 = tpu.vector_load %arg9[%swap3A_1610, %swap3A_1611] {strides = array<i32>} : memref<9x512xf32, #tpu.memory_space<vmem>>, vector<16xf32>,
    tpu.vector_store %arg9[%swap3A_1610, %swap3A_1611], %gather3A_1608 {strides = array<i32>} : memref<9x512xf32, #tpu.memory_space<vmem>>, vector<16xf32>,
    %get3A_1613 = arith.constant 192 : index
    %get3A_1614 = tpu.vector_load %arg6[%get3A_1613] {strides = array<i32>} : memref<512xi32, #tpu.memory_space<vmem>>, vector<16xi32>,
    %add3A_1615 = arith.constant 1728 : i32
    %add3A_1616 = vector.broadcast %add3A_1615 : i32 to vector<16xi32>
    %add3A_1617 = arith.addi %add3A_1616, %iota3A : vector<16xi32>
    %gather3A_1618 = tpu.vector_load_idx %arg8[%add3A_1617, %get3A_1614] : memref<4608x8xf32, #tpu.memory_space<vmem>>[vector<16xi32>, vector<16xi32>], vector<16xf32>,
    %swap3A_1619 = arith.constant 3 : i32
    %swap3A_1620 = arith.index_cast %swap3A_1619 : i32 to index
    %swap3A_1621 = arith.constant 192 : index
    %swap3A_1622 = tpu.vector_load %arg9[%swap3A_1620, %swap3A_1621] {strides = array<i32>} : memref<9x512xf32, #tpu.memory_space<vmem>>, vector<16xf32>,
    tpu.vector_store %arg9[%swap3A_1620, %swap3A_1621], %gather3A_1618 {strides = array<i32>} : memref<9x512xf32, #tpu.memory_space<vmem>>, vector<16xf32>,
    %get3A_1623 = arith.constant 208 : index
    %get3A_1624 = tpu.vector_load %arg6[%get3A_1623] {strides = array<i32>} : memref<512xi32, #tpu.memory_space<vmem>>, vector<16xi32>,
    %add3A_1625 = arith.constant 1744 : i32
    %add3A_1626 = vector.broadcast %add3A_1625 : i32 to vector<16xi32>
    %add3A_1627 = arith.addi %add3A_1626, %iota3A : vector<16xi32>
    %gather3A_1628 = tpu.vector_load_idx %arg8[%add3A_1627, %get3A_1624] : memref<4608x8xf32, #tpu.memory_space<vmem>>[vector<16xi32>, vector<16xi32>], vector<16xf32>,
    %swap3A_1629 = arith.constant 3 : i32
    %swap3A_1630 = arith.index_cast %swap3A_1629 : i32 to index
    %swap3A_1631 = arith.constant 208 : index
    %swap3A_1632 = tpu.vector_load %arg9[%swap3A_1630, %swap3A_1631] {strides = array<i32>} : memref<9x512xf32, #tpu.memory_space<vmem>>, vector<16xf32>,
    tpu.vector_store %arg9[%swap3A_1630, %swap3A_1631], %gather3A_1628 {strides = array<i32>} : memref<9x512xf32, #tpu.memory_space<vmem>>, vector<16xf32>,
    %get3A_1633 = arith.constant 224 : index
    %get3A_1634 = tpu.vector_load %arg6[%get3A_1633] {strides = array<i32>} : memref<512xi32, #tpu.memory_space<vmem>>, vector<16xi32>,
    %add3A_1635 = arith.constant 1760 : i32
    %add3A_1636 = vector.broadcast %add3A_1635 : i32 to vector<16xi32>
    %add3A_1637 = arith.addi %add3A_1636, %iota3A : vector<16xi32>
    %gather3A_1638 = tpu.vector_load_idx %arg8[%add3A_1637, %get3A_1634] : memref<4608x8xf32, #tpu.memory_space<vmem>>[vector<16xi32>, vector<16xi32>], vector<16xf32>,
    %swap3A_1639 = arith.constant 3 : i32
    %swap3A_1640 = arith.index_cast %swap3A_1639 : i32 to index
    %swap3A_1641 = arith.constant 224 : index
    %swap3A_1642 = tpu.vector_load %arg9[%swap3A_1640, %swap3A_1641] {strides = array<i32>} : memref<9x512xf32, #tpu.memory_space<vmem>>, vector<16xf32>,
    tpu.vector_store %arg9[%swap3A_1640, %swap3A_1641], %gather3A_1638 {strides = array<i32>} : memref<9x512xf32, #tpu.memory_space<vmem>>, vector<16xf32>,
    %get3A_1643 = arith.constant 240 : index
    %get3A_1644 = tpu.vector_load %arg6[%get3A_1643] {strides = array<i32>} : memref<512xi32, #tpu.memory_space<vmem>>, vector<16xi32>,
    %add3A_1645 = arith.constant 1776 : i32
    %add3A_1646 = vector.broadcast %add3A_1645 : i32 to vector<16xi32>
    %add3A_1647 = arith.addi %add3A_1646, %iota3A : vector<16xi32>
    %gather3A_1648 = tpu.vector_load_idx %arg8[%add3A_1647, %get3A_1644] : memref<4608x8xf32, #tpu.memory_space<vmem>>[vector<16xi32>, vector<16xi32>], vector<16xf32>,
    %swap3A_1649 = arith.constant 3 : i32
    %swap3A_1650 = arith.index_cast %swap3A_1649 : i32 to index
    %swap3A_1651 = arith.constant 240 : index
    %swap3A_1652 = tpu.vector_load %arg9[%swap3A_1650, %swap3A_1651] {strides = array<i32>} : memref<9x512xf32, #tpu.memory_space<vmem>>, vector<16xf32>,
    tpu.vector_store %arg9[%swap3A_1650, %swap3A_1651], %gather3A_1648 {strides = array<i32>} : memref<9x512xf32, #tpu.memory_space<vmem>>, vector<16xf32>,
    %get3A_1653 = arith.constant 256 : index
    %get3A_1654 = tpu.vector_load %arg6[%get3A_1653] {strides = array<i32>} : memref<512xi32, #tpu.memory_space<vmem>>, vector<16xi32>,
    %add3A_1655 = arith.constant 1792 : i32
    %add3A_1656 = vector.broadcast %add3A_1655 : i32 to vector<16xi32>
    %add3A_1657 = arith.addi %add3A_1656, %iota3A : vector<16xi32>
    %gather3A_1658 = tpu.vector_load_idx %arg8[%add3A_1657, %get3A_1654] : memref<4608x8xf32, #tpu.memory_space<vmem>>[vector<16xi32>, vector<16xi32>], vector<16xf32>,
    %swap3A_1659 = arith.constant 3 : i32
    %swap3A_1660 = arith.index_cast %swap3A_1659 : i32 to index
    %swap3A_1661 = arith.constant 256 : index
    %swap3A_1662 = tpu.vector_load %arg9[%swap3A_1660, %swap3A_1661] {strides = array<i32>} : memref<9x512xf32, #tpu.memory_space<vmem>>, vector<16xf32>,
    tpu.vector_store %arg9[%swap3A_1660, %swap3A_1661], %gather3A_1658 {strides = array<i32>} : memref<9x512xf32, #tpu.memory_space<vmem>>, vector<16xf32>,
    %get3A_1663 = arith.constant 272 : index
    %get3A_1664 = tpu.vector_load %arg6[%get3A_1663] {strides = array<i32>} : memref<512xi32, #tpu.memory_space<vmem>>, vector<16xi32>,
    %add3A_1665 = arith.constant 1808 : i32
    %add3A_1666 = vector.broadcast %add3A_1665 : i32 to vector<16xi32>
    %add3A_1667 = arith.addi %add3A_1666, %iota3A : vector<16xi32>
    %gather3A_1668 = tpu.vector_load_idx %arg8[%add3A_1667, %get3A_1664] : memref<4608x8xf32, #tpu.memory_space<vmem>>[vector<16xi32>, vector<16xi32>], vector<16xf32>,
    %swap3A_1669 = arith.constant 3 : i32
    %swap3A_1670 = arith.index_cast %swap3A_1669 : i32 to index
    %swap3A_1671 = arith.constant 272 : index
    %swap3A_1672 = tpu.vector_load %arg9[%swap3A_1670, %swap3A_1671] {strides = array<i32>} : memref<9x512xf32, #tpu.memory_space<vmem>>, vector<16xf32>,
    tpu.vector_store %arg9[%swap3A_1670, %swap3A_1671], %gather3A_1668 {strides = array<i32>} : memref<9x512xf32, #tpu.memory_space<vmem>>, vector<16xf32>,
    %get3A_1673 = arith.constant 288 : index
    %get3A_1674 = tpu.vector_load %arg6[%get3A_1673] {strides = array<i32>} : memref<512xi32, #tpu.memory_space<vmem>>, vector<16xi32>,
    %add3A_1675 = arith.constant 1824 : i32
    %add3A_1676 = vector.broadcast %add3A_1675 : i32 to vector<16xi32>
    %add3A_1677 = arith.addi %add3A_1676, %iota3A : vector<16xi32>
    %gather3A_1678 = tpu.vector_load_idx %arg8[%add3A_1677, %get3A_1674] : memref<4608x8xf32, #tpu.memory_space<vmem>>[vector<16xi32>, vector<16xi32>], vector<16xf32>,
    %swap3A_1679 = arith.constant 3 : i32
    %swap3A_1680 = arith.index_cast %swap3A_1679 : i32 to index
    %swap3A_1681 = arith.constant 288 : index
    %swap3A_1682 = tpu.vector_load %arg9[%swap3A_1680, %swap3A_1681] {strides = array<i32>} : memref<9x512xf32, #tpu.memory_space<vmem>>, vector<16xf32>,
    tpu.vector_store %arg9[%swap3A_1680, %swap3A_1681], %gather3A_1678 {strides = array<i32>} : memref<9x512xf32, #tpu.memory_space<vmem>>, vector<16xf32>,
    %get3A_1683 = arith.constant 304 : index
    %get3A_1684 = tpu.vector_load %arg6[%get3A_1683] {strides = array<i32>} : memref<512xi32, #tpu.memory_space<vmem>>, vector<16xi32>,
    %add3A_1685 = arith.constant 1840 : i32
    %add3A_1686 = vector.broadcast %add3A_1685 : i32 to vector<16xi32>
    %add3A_1687 = arith.addi %add3A_1686, %iota3A : vector<16xi32>
    %gather3A_1688 = tpu.vector_load_idx %arg8[%add3A_1687, %get3A_1684] : memref<4608x8xf32, #tpu.memory_space<vmem>>[vector<16xi32>, vector<16xi32>], vector<16xf32>,
    %swap3A_1689 = arith.constant 3 : i32
    %swap3A_1690 = arith.index_cast %swap3A_1689 : i32 to index
    %swap3A_1691 = arith.constant 304 : index
    %swap3A_1692 = tpu.vector_load %arg9[%swap3A_1690, %swap3A_1691] {strides = array<i32>} : memref<9x512xf32, #tpu.memory_space<vmem>>, vector<16xf32>,
    tpu.vector_store %arg9[%swap3A_1690, %swap3A_1691], %gather3A_1688 {strides = array<i32>} : memref<9x512xf32, #tpu.memory_space<vmem>>, vector<16xf32>,
    %get3A_1693 = arith.constant 320 : index
    %get3A_1694 = tpu.vector_load %arg6[%get3A_1693] {strides = array<i32>} : memref<512xi32, #tpu.memory_space<vmem>>, vector<16xi32>,
    %add3A_1695 = arith.constant 1856 : i32
    %add3A_1696 = vector.broadcast %add3A_1695 : i32 to vector<16xi32>
    %add3A_1697 = arith.addi %add3A_1696, %iota3A : vector<16xi32>
    %gather3A_1698 = tpu.vector_load_idx %arg8[%add3A_1697, %get3A_1694] : memref<4608x8xf32, #tpu.memory_space<vmem>>[vector<16xi32>, vector<16xi32>], vector<16xf32>,
    %swap3A_1699 = arith.constant 3 : i32
    %swap3A_1700 = arith.index_cast %swap3A_1699 : i32 to index
    %swap3A_1701 = arith.constant 320 : index
    %swap3A_1702 = tpu.vector_load %arg9[%swap3A_1700, %swap3A_1701] {strides = array<i32>} : memref<9x512xf32, #tpu.memory_space<vmem>>, vector<16xf32>,
    tpu.vector_store %arg9[%swap3A_1700, %swap3A_1701], %gather3A_1698 {strides = array<i32>} : memref<9x512xf32, #tpu.memory_space<vmem>>, vector<16xf32>,
    %get3A_1703 = arith.constant 336 : index
    %get3A_1704 = tpu.vector_load %arg6[%get3A_1703] {strides = array<i32>} : memref<512xi32, #tpu.memory_space<vmem>>, vector<16xi32>,
    %add3A_1705 = arith.constant 1872 : i32
    %add3A_1706 = vector.broadcast %add3A_1705 : i32 to vector<16xi32>
    %add3A_1707 = arith.addi %add3A_1706, %iota3A : vector<16xi32>
    %gather3A_1708 = tpu.vector_load_idx %arg8[%add3A_1707, %get3A_1704] : memref<4608x8xf32, #tpu.memory_space<vmem>>[vector<16xi32>, vector<16xi32>], vector<16xf32>,
    %swap3A_1709 = arith.constant 3 : i32
    %swap3A_1710 = arith.index_cast %swap3A_1709 : i32 to index
    %swap3A_1711 = arith.constant 336 : index
    %swap3A_1712 = tpu.vector_load %arg9[%swap3A_1710, %swap3A_1711] {strides = array<i32>} : memref<9x512xf32, #tpu.memory_space<vmem>>, vector<16xf32>,
    tpu.vector_store %arg9[%swap3A_1710, %swap3A_1711], %gather3A_1708 {strides = array<i32>} : memref<9x512xf32, #tpu.memory_space<vmem>>, vector<16xf32>,
    %get3A_1713 = arith.constant 352 : index
    %get3A_1714 = tpu.vector_load %arg6[%get3A_1713] {strides = array<i32>} : memref<512xi32, #tpu.memory_space<vmem>>, vector<16xi32>,
    %add3A_1715 = arith.constant 1888 : i32
    %add3A_1716 = vector.broadcast %add3A_1715 : i32 to vector<16xi32>
    %add3A_1717 = arith.addi %add3A_1716, %iota3A : vector<16xi32>
    %gather3A_1718 = tpu.vector_load_idx %arg8[%add3A_1717, %get3A_1714] : memref<4608x8xf32, #tpu.memory_space<vmem>>[vector<16xi32>, vector<16xi32>], vector<16xf32>,
    %swap3A_1719 = arith.constant 3 : i32
    %swap3A_1720 = arith.index_cast %swap3A_1719 : i32 to index
    %swap3A_1721 = arith.constant 352 : index
    %swap3A_1722 = tpu.vector_load %arg9[%swap3A_1720, %swap3A_1721] {strides = array<i32>} : memref<9x512xf32, #tpu.memory_space<vmem>>, vector<16xf32>,
    tpu.vector_store %arg9[%swap3A_1720, %swap3A_1721], %gather3A_1718 {strides = array<i32>} : memref<9x512xf32, #tpu.memory_space<vmem>>, vector<16xf32>,
    %get3A_1723 = arith.constant 368 : index
    %get3A_1724 = tpu.vector_load %arg6[%get3A_1723] {strides = array<i32>} : memref<512xi32, #tpu.memory_space<vmem>>, vector<16xi32>,
    %add3A_1725 = arith.constant 1904 : i32
    %add3A_1726 = vector.broadcast %add3A_1725 : i32 to vector<16xi32>
    %add3A_1727 = arith.addi %add3A_1726, %iota3A : vector<16xi32>
    %gather3A_1728 = tpu.vector_load_idx %arg8[%add3A_1727, %get3A_1724] : memref<4608x8xf32, #tpu.memory_space<vmem>>[vector<16xi32>, vector<16xi32>], vector<16xf32>,
    %swap3A_1729 = arith.constant 3 : i32
    %swap3A_1730 = arith.index_cast %swap3A_1729 : i32 to index
    %swap3A_1731 = arith.constant 368 : index
    %swap3A_1732 = tpu.vector_load %arg9[%swap3A_1730, %swap3A_1731] {strides = array<i32>} : memref<9x512xf32, #tpu.memory_space<vmem>>, vector<16xf32>,
    tpu.vector_store %arg9[%swap3A_1730, %swap3A_1731], %gather3A_1728 {strides = array<i32>} : memref<9x512xf32, #tpu.memory_space<vmem>>, vector<16xf32>,
    %get3A_1733 = arith.constant 384 : index
    %get3A_1734 = tpu.vector_load %arg6[%get3A_1733] {strides = array<i32>} : memref<512xi32, #tpu.memory_space<vmem>>, vector<16xi32>,
    %add3A_1735 = arith.constant 1920 : i32
    %add3A_1736 = vector.broadcast %add3A_1735 : i32 to vector<16xi32>
    %add3A_1737 = arith.addi %add3A_1736, %iota3A : vector<16xi32>
    %gather3A_1738 = tpu.vector_load_idx %arg8[%add3A_1737, %get3A_1734] : memref<4608x8xf32, #tpu.memory_space<vmem>>[vector<16xi32>, vector<16xi32>], vector<16xf32>,
    %swap3A_1739 = arith.constant 3 : i32
    %swap3A_1740 = arith.index_cast %swap3A_1739 : i32 to index
    %swap3A_1741 = arith.constant 384 : index
    %swap3A_1742 = tpu.vector_load %arg9[%swap3A_1740, %swap3A_1741] {strides = array<i32>} : memref<9x512xf32, #tpu.memory_space<vmem>>, vector<16xf32>,
    tpu.vector_store %arg9[%swap3A_1740, %swap3A_1741], %gather3A_1738 {strides = array<i32>} : memref<9x512xf32, #tpu.memory_space<vmem>>, vector<16xf32>,
    %get3A_1743 = arith.constant 400 : index
    %get3A_1744 = tpu.vector_load %arg6[%get3A_1743] {strides = array<i32>} : memref<512xi32, #tpu.memory_space<vmem>>, vector<16xi32>,
    %add3A_1745 = arith.constant 1936 : i32
    %add3A_1746 = vector.broadcast %add3A_1745 : i32 to vector<16xi32>
    %add3A_1747 = arith.addi %add3A_1746, %iota3A : vector<16xi32>
    %gather3A_1748 = tpu.vector_load_idx %arg8[%add3A_1747, %get3A_1744] : memref<4608x8xf32, #tpu.memory_space<vmem>>[vector<16xi32>, vector<16xi32>], vector<16xf32>,
    %swap3A_1749 = arith.constant 3 : i32
    %swap3A_1750 = arith.index_cast %swap3A_1749 : i32 to index
    %swap3A_1751 = arith.constant 400 : index
    %swap3A_1752 = tpu.vector_load %arg9[%swap3A_1750, %swap3A_1751] {strides = array<i32>} : memref<9x512xf32, #tpu.memory_space<vmem>>, vector<16xf32>,
    tpu.vector_store %arg9[%swap3A_1750, %swap3A_1751], %gather3A_1748 {strides = array<i32>} : memref<9x512xf32, #tpu.memory_space<vmem>>, vector<16xf32>,
    %get3A_1753 = arith.constant 416 : index
    %get3A_1754 = tpu.vector_load %arg6[%get3A_1753] {strides = array<i32>} : memref<512xi32, #tpu.memory_space<vmem>>, vector<16xi32>,
    %add3A_1755 = arith.constant 1952 : i32
    %add3A_1756 = vector.broadcast %add3A_1755 : i32 to vector<16xi32>
    %add3A_1757 = arith.addi %add3A_1756, %iota3A : vector<16xi32>
    %gather3A_1758 = tpu.vector_load_idx %arg8[%add3A_1757, %get3A_1754] : memref<4608x8xf32, #tpu.memory_space<vmem>>[vector<16xi32>, vector<16xi32>], vector<16xf32>,
    %swap3A_1759 = arith.constant 3 : i32
    %swap3A_1760 = arith.index_cast %swap3A_1759 : i32 to index
    %swap3A_1761 = arith.constant 416 : index
    %swap3A_1762 = tpu.vector_load %arg9[%swap3A_1760, %swap3A_1761] {strides = array<i32>} : memref<9x512xf32, #tpu.memory_space<vmem>>, vector<16xf32>,
    tpu.vector_store %arg9[%swap3A_1760, %swap3A_1761], %gather3A_1758 {strides = array<i32>} : memref<9x512xf32, #tpu.memory_space<vmem>>, vector<16xf32>,
    %get3A_1763 = arith.constant 432 : index
    %get3A_1764 = tpu.vector_load %arg6[%get3A_1763] {strides = array<i32>} : memref<512xi32, #tpu.memory_space<vmem>>, vector<16xi32>,
    %add3A_1765 = arith.constant 1968 : i32
    %add3A_1766 = vector.broadcast %add3A_1765 : i32 to vector<16xi32>
    %add3A_1767 = arith.addi %add3A_1766, %iota3A : vector<16xi32>
    %gather3A_1768 = tpu.vector_load_idx %arg8[%add3A_1767, %get3A_1764] : memref<4608x8xf32, #tpu.memory_space<vmem>>[vector<16xi32>, vector<16xi32>], vector<16xf32>,
    %swap3A_1769 = arith.constant 3 : i32
    %swap3A_1770 = arith.index_cast %swap3A_1769 : i32 to index
    %swap3A_1771 = arith.constant 432 : index
    %swap3A_1772 = tpu.vector_load %arg9[%swap3A_1770, %swap3A_1771] {strides = array<i32>} : memref<9x512xf32, #tpu.memory_space<vmem>>, vector<16xf32>,
    tpu.vector_store %arg9[%swap3A_1770, %swap3A_1771], %gather3A_1768 {strides = array<i32>} : memref<9x512xf32, #tpu.memory_space<vmem>>, vector<16xf32>,
    %get3A_1773 = arith.constant 448 : index
    %get3A_1774 = tpu.vector_load %arg6[%get3A_1773] {strides = array<i32>} : memref<512xi32, #tpu.memory_space<vmem>>, vector<16xi32>,
    %add3A_1775 = arith.constant 1984 : i32
    %add3A_1776 = vector.broadcast %add3A_1775 : i32 to vector<16xi32>
    %add3A_1777 = arith.addi %add3A_1776, %iota3A : vector<16xi32>
    %gather3A_1778 = tpu.vector_load_idx %arg8[%add3A_1777, %get3A_1774] : memref<4608x8xf32, #tpu.memory_space<vmem>>[vector<16xi32>, vector<16xi32>], vector<16xf32>,
    %swap3A_1779 = arith.constant 3 : i32
    %swap3A_1780 = arith.index_cast %swap3A_1779 : i32 to index
    %swap3A_1781 = arith.constant 448 : index
    %swap3A_1782 = tpu.vector_load %arg9[%swap3A_1780, %swap3A_1781] {strides = array<i32>} : memref<9x512xf32, #tpu.memory_space<vmem>>, vector<16xf32>,
    tpu.vector_store %arg9[%swap3A_1780, %swap3A_1781], %gather3A_1778 {strides = array<i32>} : memref<9x512xf32, #tpu.memory_space<vmem>>, vector<16xf32>,
    %get3A_1783 = arith.constant 464 : index
    %get3A_1784 = tpu.vector_load %arg6[%get3A_1783] {strides = array<i32>} : memref<512xi32, #tpu.memory_space<vmem>>, vector<16xi32>,
    %add3A_1785 = arith.constant 2000 : i32
    %add3A_1786 = vector.broadcast %add3A_1785 : i32 to vector<16xi32>
    %add3A_1787 = arith.addi %add3A_1786, %iota3A : vector<16xi32>
    %gather3A_1788 = tpu.vector_load_idx %arg8[%add3A_1787, %get3A_1784] : memref<4608x8xf32, #tpu.memory_space<vmem>>[vector<16xi32>, vector<16xi32>], vector<16xf32>,
    %swap3A_1789 = arith.constant 3 : i32
    %swap3A_1790 = arith.index_cast %swap3A_1789 : i32 to index
    %swap3A_1791 = arith.constant 464 : index
    %swap3A_1792 = tpu.vector_load %arg9[%swap3A_1790, %swap3A_1791] {strides = array<i32>} : memref<9x512xf32, #tpu.memory_space<vmem>>, vector<16xf32>,
    tpu.vector_store %arg9[%swap3A_1790, %swap3A_1791], %gather3A_1788 {strides = array<i32>} : memref<9x512xf32, #tpu.memory_space<vmem>>, vector<16xf32>,
    %get3A_1793 = arith.constant 480 : index
    %get3A_1794 = tpu.vector_load %arg6[%get3A_1793] {strides = array<i32>} : memref<512xi32, #tpu.memory_space<vmem>>, vector<16xi32>,
    %add3A_1795 = arith.constant 2016 : i32
    %add3A_1796 = vector.broadcast %add3A_1795 : i32 to vector<16xi32>
    %add3A_1797 = arith.addi %add3A_1796, %iota3A : vector<16xi32>
    %gather3A_1798 = tpu.vector_load_idx %arg8[%add3A_1797, %get3A_1794] : memref<4608x8xf32, #tpu.memory_space<vmem>>[vector<16xi32>, vector<16xi32>], vector<16xf32>,
    %swap3A_1799 = arith.constant 3 : i32
    %swap3A_1800 = arith.index_cast %swap3A_1799 : i32 to index
    %swap3A_1801 = arith.constant 480 : index
    %swap3A_1802 = tpu.vector_load %arg9[%swap3A_1800, %swap3A_1801] {strides = array<i32>} : memref<9x512xf32, #tpu.memory_space<vmem>>, vector<16xf32>,
    tpu.vector_store %arg9[%swap3A_1800, %swap3A_1801], %gather3A_1798 {strides = array<i32>} : memref<9x512xf32, #tpu.memory_space<vmem>>, vector<16xf32>,
    %get3A_1803 = arith.constant 496 : index
    %get3A_1804 = tpu.vector_load %arg6[%get3A_1803] {strides = array<i32>} : memref<512xi32, #tpu.memory_space<vmem>>, vector<16xi32>,
    %add3A_1805 = arith.constant 2032 : i32
    %add3A_1806 = vector.broadcast %add3A_1805 : i32 to vector<16xi32>
    %add3A_1807 = arith.addi %add3A_1806, %iota3A : vector<16xi32>
    %gather3A_1808 = tpu.vector_load_idx %arg8[%add3A_1807, %get3A_1804] : memref<4608x8xf32, #tpu.memory_space<vmem>>[vector<16xi32>, vector<16xi32>], vector<16xf32>,
    %swap3A_1809 = arith.constant 3 : i32
    %swap3A_1810 = arith.index_cast %swap3A_1809 : i32 to index
    %swap3A_1811 = arith.constant 496 : index
    %swap3A_1812 = tpu.vector_load %arg9[%swap3A_1810, %swap3A_1811] {strides = array<i32>} : memref<9x512xf32, #tpu.memory_space<vmem>>, vector<16xf32>,
    tpu.vector_store %arg9[%swap3A_1810, %swap3A_1811], %gather3A_1808 {strides = array<i32>} : memref<9x512xf32, #tpu.memory_space<vmem>>, vector<16xf32>,
    %dma_start3A_1813 = arith.constant 3 : i32
    %dma_start3A_1814 = arith.constant 3 : i32
    %dma_start3A_1815 = arith.constant 0 : i32
    %dma_start3A_1816 = tpu.memref_slice %arg9[%dma_start3A_1813, %dma_start3A_1815] : memref<9x512xf32, #tpu.memory_space<vmem>> -> memref<1x512xf32, #tpu.memory_space<vmem>>
    %dma_start3A_1817 = tpu.memref_squeeze %dma_start3A_1816 : memref<1x512xf32, #tpu.memory_space<vmem>> -> memref<512xf32, #tpu.memory_space<vmem>>
    %dma_start3A_1818 = tpu.memref_slice %arg4[%dma_start3A_1814, %mul3A_2] : memref<9x16384xf32, #tpu.memory_space<hbm>> -> memref<1x512xf32, #tpu.memory_space<hbm>>
    %dma_start3A_1819 = tpu.memref_squeeze %dma_start3A_1818 : memref<1x512xf32, #tpu.memory_space<hbm>> -> memref<512xf32, #tpu.memory_space<hbm>>
    %dma_start3A_1820 = tpu.memref_slice %arg4[%dma_start3A_1814, %mul3A_2] : memref<9x16384xf32, #tpu.memory_space<hbm>> -> memref<1x512xf32, #tpu.memory_space<hbm>>
    %dma_start3A_1821 = tpu.memref_squeeze %dma_start3A_1820 : memref<1x512xf32, #tpu.memory_space<hbm>> -> memref<512xf32, #tpu.memory_space<hbm>>
    %dma_start3A_1822 = arith.constant 0 : i32
    %dma_start3A_1823 = tpu.memref_slice %arg9[%dma_start3A_1813, %dma_start3A_1822] : memref<9x512xf32, #tpu.memory_space<vmem>> -> memref<1x512xf32, #tpu.memory_space<vmem>>
    %dma_start3A_1824 = tpu.memref_squeeze %dma_start3A_1823 : memref<1x512xf32, #tpu.memory_space<vmem>> -> memref<512xf32, #tpu.memory_space<vmem>>
    tpu.enqueue_dma source(%dma_start3A_1824 : memref<512xf32, #tpu.memory_space<vmem>>) target(%dma_start3A_1821 : memref<512xf32, #tpu.memory_space<hbm>>) target_semaphore(%arg13 : memref<!tpu.dma_semaphore, #tpu.memory_space<semaphore_mem>>)
    %dma_wait3A_1825 = arith.constant 2048 : i32
    %dma_wait3A_1826 = arith.constant 0 : i32
    %dma_wait3A_1827 = tpu.memref_slice %arg8[%dma_wait3A_1825, %dma_wait3A_1826] : memref<4608x8xf32, #tpu.memory_space<vmem>> -> memref<512x8xf32, #tpu.memory_space<vmem>>
    %dma_wait3A_1828 = arith.constant 50000 : i32
    %dma_wait3A_1829 = arith.constant 0 : i32
    %dma_wait3A_1830 = tpu.memref_slice %arg2[%dma_wait3A_1828, %dma_wait3A_1829] : memref<112500x8xf32, #tpu.memory_space<hbm>> -> memref<12500x8xf32, #tpu.memory_space<hbm>>
    %dma_wait3A_1831 = arith.constant 0 : i32
    %dma_wait3A_1832 = arith.constant 0 : i32
    %dma_wait3A_1833 = tpu.memref_slice %dma_wait3A_1830[%dma_wait3A_1831, %dma_wait3A_1832] : memref<12500x8xf32, #tpu.memory_space<hbm>> -> memref<12500x8xf32, #tpu.memory_space<hbm>>
    tpu.wait_indirect_dma semaphore(%arg14 : memref<!tpu.dma_semaphore, #tpu.memory_space<semaphore_mem>>) src(%dma_wait3A_1833 : memref<12500x8xf32, #tpu.memory_space<hbm>>) dst(%dma_wait3A_1827 : memref<512x8xf32, #tpu.memory_space<vmem>>)
    %get3A_1834 = arith.constant 0 : index
    %get3A_1835 = tpu.vector_load %arg6[%get3A_1834] {strides = array<i32>} : memref<512xi32, #tpu.memory_space<vmem>>, vector<16xi32>,
    %add3A_1836 = arith.constant 2048 : i32
    %add3A_1837 = vector.broadcast %add3A_1836 : i32 to vector<16xi32>
    %add3A_1838 = arith.addi %add3A_1837, %iota3A : vector<16xi32>
    %gather3A_1839 = tpu.vector_load_idx %arg8[%add3A_1838, %get3A_1835] : memref<4608x8xf32, #tpu.memory_space<vmem>>[vector<16xi32>, vector<16xi32>], vector<16xf32>,
    %swap3A_1840 = arith.constant 4 : i32
    %swap3A_1841 = arith.index_cast %swap3A_1840 : i32 to index
    %swap3A_1842 = arith.constant 0 : index
    %swap3A_1843 = tpu.vector_load %arg9[%swap3A_1841, %swap3A_1842] {strides = array<i32>} : memref<9x512xf32, #tpu.memory_space<vmem>>, vector<16xf32>,
    tpu.vector_store %arg9[%swap3A_1841, %swap3A_1842], %gather3A_1839 {strides = array<i32>} : memref<9x512xf32, #tpu.memory_space<vmem>>, vector<16xf32>,
    %get3A_1844 = arith.constant 16 : index
    %get3A_1845 = tpu.vector_load %arg6[%get3A_1844] {strides = array<i32>} : memref<512xi32, #tpu.memory_space<vmem>>, vector<16xi32>,
    %add3A_1846 = arith.constant 2064 : i32
    %add3A_1847 = vector.broadcast %add3A_1846 : i32 to vector<16xi32>
    %add3A_1848 = arith.addi %add3A_1847, %iota3A : vector<16xi32>
    %gather3A_1849 = tpu.vector_load_idx %arg8[%add3A_1848, %get3A_1845] : memref<4608x8xf32, #tpu.memory_space<vmem>>[vector<16xi32>, vector<16xi32>], vector<16xf32>,
    %swap3A_1850 = arith.constant 4 : i32
    %swap3A_1851 = arith.index_cast %swap3A_1850 : i32 to index
    %swap3A_1852 = arith.constant 16 : index
    %swap3A_1853 = tpu.vector_load %arg9[%swap3A_1851, %swap3A_1852] {strides = array<i32>} : memref<9x512xf32, #tpu.memory_space<vmem>>, vector<16xf32>,
    tpu.vector_store %arg9[%swap3A_1851, %swap3A_1852], %gather3A_1849 {strides = array<i32>} : memref<9x512xf32, #tpu.memory_space<vmem>>, vector<16xf32>,
    %get3A_1854 = arith.constant 32 : index
    %get3A_1855 = tpu.vector_load %arg6[%get3A_1854] {strides = array<i32>} : memref<512xi32, #tpu.memory_space<vmem>>, vector<16xi32>,
    %add3A_1856 = arith.constant 2080 : i32
    %add3A_1857 = vector.broadcast %add3A_1856 : i32 to vector<16xi32>
    %add3A_1858 = arith.addi %add3A_1857, %iota3A : vector<16xi32>
    %gather3A_1859 = tpu.vector_load_idx %arg8[%add3A_1858, %get3A_1855] : memref<4608x8xf32, #tpu.memory_space<vmem>>[vector<16xi32>, vector<16xi32>], vector<16xf32>,
    %swap3A_1860 = arith.constant 4 : i32
    %swap3A_1861 = arith.index_cast %swap3A_1860 : i32 to index
    %swap3A_1862 = arith.constant 32 : index
    %swap3A_1863 = tpu.vector_load %arg9[%swap3A_1861, %swap3A_1862] {strides = array<i32>} : memref<9x512xf32, #tpu.memory_space<vmem>>, vector<16xf32>,
    tpu.vector_store %arg9[%swap3A_1861, %swap3A_1862], %gather3A_1859 {strides = array<i32>} : memref<9x512xf32, #tpu.memory_space<vmem>>, vector<16xf32>,
    %get3A_1864 = arith.constant 48 : index
    %get3A_1865 = tpu.vector_load %arg6[%get3A_1864] {strides = array<i32>} : memref<512xi32, #tpu.memory_space<vmem>>, vector<16xi32>,
    %add3A_1866 = arith.constant 2096 : i32
    %add3A_1867 = vector.broadcast %add3A_1866 : i32 to vector<16xi32>
    %add3A_1868 = arith.addi %add3A_1867, %iota3A : vector<16xi32>
    %gather3A_1869 = tpu.vector_load_idx %arg8[%add3A_1868, %get3A_1865] : memref<4608x8xf32, #tpu.memory_space<vmem>>[vector<16xi32>, vector<16xi32>], vector<16xf32>,
    %swap3A_1870 = arith.constant 4 : i32
    %swap3A_1871 = arith.index_cast %swap3A_1870 : i32 to index
    %swap3A_1872 = arith.constant 48 : index
    %swap3A_1873 = tpu.vector_load %arg9[%swap3A_1871, %swap3A_1872] {strides = array<i32>} : memref<9x512xf32, #tpu.memory_space<vmem>>, vector<16xf32>,
    tpu.vector_store %arg9[%swap3A_1871, %swap3A_1872], %gather3A_1869 {strides = array<i32>} : memref<9x512xf32, #tpu.memory_space<vmem>>, vector<16xf32>,
    %get3A_1874 = arith.constant 64 : index
    %get3A_1875 = tpu.vector_load %arg6[%get3A_1874] {strides = array<i32>} : memref<512xi32, #tpu.memory_space<vmem>>, vector<16xi32>,
    %add3A_1876 = arith.constant 2112 : i32
    %add3A_1877 = vector.broadcast %add3A_1876 : i32 to vector<16xi32>
    %add3A_1878 = arith.addi %add3A_1877, %iota3A : vector<16xi32>
    %gather3A_1879 = tpu.vector_load_idx %arg8[%add3A_1878, %get3A_1875] : memref<4608x8xf32, #tpu.memory_space<vmem>>[vector<16xi32>, vector<16xi32>], vector<16xf32>,
    %swap3A_1880 = arith.constant 4 : i32
    %swap3A_1881 = arith.index_cast %swap3A_1880 : i32 to index
    %swap3A_1882 = arith.constant 64 : index
    %swap3A_1883 = tpu.vector_load %arg9[%swap3A_1881, %swap3A_1882] {strides = array<i32>} : memref<9x512xf32, #tpu.memory_space<vmem>>, vector<16xf32>,
    tpu.vector_store %arg9[%swap3A_1881, %swap3A_1882], %gather3A_1879 {strides = array<i32>} : memref<9x512xf32, #tpu.memory_space<vmem>>, vector<16xf32>,
    %get3A_1884 = arith.constant 80 : index
    %get3A_1885 = tpu.vector_load %arg6[%get3A_1884] {strides = array<i32>} : memref<512xi32, #tpu.memory_space<vmem>>, vector<16xi32>,
    %add3A_1886 = arith.constant 2128 : i32
    %add3A_1887 = vector.broadcast %add3A_1886 : i32 to vector<16xi32>
    %add3A_1888 = arith.addi %add3A_1887, %iota3A : vector<16xi32>
    %gather3A_1889 = tpu.vector_load_idx %arg8[%add3A_1888, %get3A_1885] : memref<4608x8xf32, #tpu.memory_space<vmem>>[vector<16xi32>, vector<16xi32>], vector<16xf32>,
    %swap3A_1890 = arith.constant 4 : i32
    %swap3A_1891 = arith.index_cast %swap3A_1890 : i32 to index
    %swap3A_1892 = arith.constant 80 : index
    %swap3A_1893 = tpu.vector_load %arg9[%swap3A_1891, %swap3A_1892] {strides = array<i32>} : memref<9x512xf32, #tpu.memory_space<vmem>>, vector<16xf32>,
    tpu.vector_store %arg9[%swap3A_1891, %swap3A_1892], %gather3A_1889 {strides = array<i32>} : memref<9x512xf32, #tpu.memory_space<vmem>>, vector<16xf32>,
    %get3A_1894 = arith.constant 96 : index
    %get3A_1895 = tpu.vector_load %arg6[%get3A_1894] {strides = array<i32>} : memref<512xi32, #tpu.memory_space<vmem>>, vector<16xi32>,
    %add3A_1896 = arith.constant 2144 : i32
    %add3A_1897 = vector.broadcast %add3A_1896 : i32 to vector<16xi32>
    %add3A_1898 = arith.addi %add3A_1897, %iota3A : vector<16xi32>
    %gather3A_1899 = tpu.vector_load_idx %arg8[%add3A_1898, %get3A_1895] : memref<4608x8xf32, #tpu.memory_space<vmem>>[vector<16xi32>, vector<16xi32>], vector<16xf32>,
    %swap3A_1900 = arith.constant 4 : i32
    %swap3A_1901 = arith.index_cast %swap3A_1900 : i32 to index
    %swap3A_1902 = arith.constant 96 : index
    %swap3A_1903 = tpu.vector_load %arg9[%swap3A_1901, %swap3A_1902] {strides = array<i32>} : memref<9x512xf32, #tpu.memory_space<vmem>>, vector<16xf32>,
    tpu.vector_store %arg9[%swap3A_1901, %swap3A_1902], %gather3A_1899 {strides = array<i32>} : memref<9x512xf32, #tpu.memory_space<vmem>>, vector<16xf32>,
    %get3A_1904 = arith.constant 112 : index
    %get3A_1905 = tpu.vector_load %arg6[%get3A_1904] {strides = array<i32>} : memref<512xi32, #tpu.memory_space<vmem>>, vector<16xi32>,
    %add3A_1906 = arith.constant 2160 : i32
    %add3A_1907 = vector.broadcast %add3A_1906 : i32 to vector<16xi32>
    %add3A_1908 = arith.addi %add3A_1907, %iota3A : vector<16xi32>
    %gather3A_1909 = tpu.vector_load_idx %arg8[%add3A_1908, %get3A_1905] : memref<4608x8xf32, #tpu.memory_space<vmem>>[vector<16xi32>, vector<16xi32>], vector<16xf32>,
    %swap3A_1910 = arith.constant 4 : i32
    %swap3A_1911 = arith.index_cast %swap3A_1910 : i32 to index
    %swap3A_1912 = arith.constant 112 : index
    %swap3A_1913 = tpu.vector_load %arg9[%swap3A_1911, %swap3A_1912] {strides = array<i32>} : memref<9x512xf32, #tpu.memory_space<vmem>>, vector<16xf32>,
    tpu.vector_store %arg9[%swap3A_1911, %swap3A_1912], %gather3A_1909 {strides = array<i32>} : memref<9x512xf32, #tpu.memory_space<vmem>>, vector<16xf32>,
    %get3A_1914 = arith.constant 128 : index
    %get3A_1915 = tpu.vector_load %arg6[%get3A_1914] {strides = array<i32>} : memref<512xi32, #tpu.memory_space<vmem>>, vector<16xi32>,
    %add3A_1916 = arith.constant 2176 : i32
    %add3A_1917 = vector.broadcast %add3A_1916 : i32 to vector<16xi32>
    %add3A_1918 = arith.addi %add3A_1917, %iota3A : vector<16xi32>
    %gather3A_1919 = tpu.vector_load_idx %arg8[%add3A_1918, %get3A_1915] : memref<4608x8xf32, #tpu.memory_space<vmem>>[vector<16xi32>, vector<16xi32>], vector<16xf32>,
    %swap3A_1920 = arith.constant 4 : i32
    %swap3A_1921 = arith.index_cast %swap3A_1920 : i32 to index
    %swap3A_1922 = arith.constant 128 : index
    %swap3A_1923 = tpu.vector_load %arg9[%swap3A_1921, %swap3A_1922] {strides = array<i32>} : memref<9x512xf32, #tpu.memory_space<vmem>>, vector<16xf32>,
    tpu.vector_store %arg9[%swap3A_1921, %swap3A_1922], %gather3A_1919 {strides = array<i32>} : memref<9x512xf32, #tpu.memory_space<vmem>>, vector<16xf32>,
    %get3A_1924 = arith.constant 144 : index
    %get3A_1925 = tpu.vector_load %arg6[%get3A_1924] {strides = array<i32>} : memref<512xi32, #tpu.memory_space<vmem>>, vector<16xi32>,
    %add3A_1926 = arith.constant 2192 : i32
    %add3A_1927 = vector.broadcast %add3A_1926 : i32 to vector<16xi32>
    %add3A_1928 = arith.addi %add3A_1927, %iota3A : vector<16xi32>
    %gather3A_1929 = tpu.vector_load_idx %arg8[%add3A_1928, %get3A_1925] : memref<4608x8xf32, #tpu.memory_space<vmem>>[vector<16xi32>, vector<16xi32>], vector<16xf32>,
    %swap3A_1930 = arith.constant 4 : i32
    %swap3A_1931 = arith.index_cast %swap3A_1930 : i32 to index
    %swap3A_1932 = arith.constant 144 : index
    %swap3A_1933 = tpu.vector_load %arg9[%swap3A_1931, %swap3A_1932] {strides = array<i32>} : memref<9x512xf32, #tpu.memory_space<vmem>>, vector<16xf32>,
    tpu.vector_store %arg9[%swap3A_1931, %swap3A_1932], %gather3A_1929 {strides = array<i32>} : memref<9x512xf32, #tpu.memory_space<vmem>>, vector<16xf32>,
    %get3A_1934 = arith.constant 160 : index
    %get3A_1935 = tpu.vector_load %arg6[%get3A_1934] {strides = array<i32>} : memref<512xi32, #tpu.memory_space<vmem>>, vector<16xi32>,
    %add3A_1936 = arith.constant 2208 : i32
    %add3A_1937 = vector.broadcast %add3A_1936 : i32 to vector<16xi32>
    %add3A_1938 = arith.addi %add3A_1937, %iota3A : vector<16xi32>
    %gather3A_1939 = tpu.vector_load_idx %arg8[%add3A_1938, %get3A_1935] : memref<4608x8xf32, #tpu.memory_space<vmem>>[vector<16xi32>, vector<16xi32>], vector<16xf32>,
    %swap3A_1940 = arith.constant 4 : i32
    %swap3A_1941 = arith.index_cast %swap3A_1940 : i32 to index
    %swap3A_1942 = arith.constant 160 : index
    %swap3A_1943 = tpu.vector_load %arg9[%swap3A_1941, %swap3A_1942] {strides = array<i32>} : memref<9x512xf32, #tpu.memory_space<vmem>>, vector<16xf32>,
    tpu.vector_store %arg9[%swap3A_1941, %swap3A_1942], %gather3A_1939 {strides = array<i32>} : memref<9x512xf32, #tpu.memory_space<vmem>>, vector<16xf32>,
    %get3A_1944 = arith.constant 176 : index
    %get3A_1945 = tpu.vector_load %arg6[%get3A_1944] {strides = array<i32>} : memref<512xi32, #tpu.memory_space<vmem>>, vector<16xi32>,
    %add3A_1946 = arith.constant 2224 : i32
    %add3A_1947 = vector.broadcast %add3A_1946 : i32 to vector<16xi32>
    %add3A_1948 = arith.addi %add3A_1947, %iota3A : vector<16xi32>
    %gather3A_1949 = tpu.vector_load_idx %arg8[%add3A_1948, %get3A_1945] : memref<4608x8xf32, #tpu.memory_space<vmem>>[vector<16xi32>, vector<16xi32>], vector<16xf32>,
    %swap3A_1950 = arith.constant 4 : i32
    %swap3A_1951 = arith.index_cast %swap3A_1950 : i32 to index
    %swap3A_1952 = arith.constant 176 : index
    %swap3A_1953 = tpu.vector_load %arg9[%swap3A_1951, %swap3A_1952] {strides = array<i32>} : memref<9x512xf32, #tpu.memory_space<vmem>>, vector<16xf32>,
    tpu.vector_store %arg9[%swap3A_1951, %swap3A_1952], %gather3A_1949 {strides = array<i32>} : memref<9x512xf32, #tpu.memory_space<vmem>>, vector<16xf32>,
    %get3A_1954 = arith.constant 192 : index
    %get3A_1955 = tpu.vector_load %arg6[%get3A_1954] {strides = array<i32>} : memref<512xi32, #tpu.memory_space<vmem>>, vector<16xi32>,
    %add3A_1956 = arith.constant 2240 : i32
    %add3A_1957 = vector.broadcast %add3A_1956 : i32 to vector<16xi32>
    %add3A_1958 = arith.addi %add3A_1957, %iota3A : vector<16xi32>
    %gather3A_1959 = tpu.vector_load_idx %arg8[%add3A_1958, %get3A_1955] : memref<4608x8xf32, #tpu.memory_space<vmem>>[vector<16xi32>, vector<16xi32>], vector<16xf32>,
    %swap3A_1960 = arith.constant 4 : i32
    %swap3A_1961 = arith.index_cast %swap3A_1960 : i32 to index
    %swap3A_1962 = arith.constant 192 : index
    %swap3A_1963 = tpu.vector_load %arg9[%swap3A_1961, %swap3A_1962] {strides = array<i32>} : memref<9x512xf32, #tpu.memory_space<vmem>>, vector<16xf32>,
    tpu.vector_store %arg9[%swap3A_1961, %swap3A_1962], %gather3A_1959 {strides = array<i32>} : memref<9x512xf32, #tpu.memory_space<vmem>>, vector<16xf32>,
    %get3A_1964 = arith.constant 208 : index
    %get3A_1965 = tpu.vector_load %arg6[%get3A_1964] {strides = array<i32>} : memref<512xi32, #tpu.memory_space<vmem>>, vector<16xi32>,
    %add3A_1966 = arith.constant 2256 : i32
    %add3A_1967 = vector.broadcast %add3A_1966 : i32 to vector<16xi32>
    %add3A_1968 = arith.addi %add3A_1967, %iota3A : vector<16xi32>
    %gather3A_1969 = tpu.vector_load_idx %arg8[%add3A_1968, %get3A_1965] : memref<4608x8xf32, #tpu.memory_space<vmem>>[vector<16xi32>, vector<16xi32>], vector<16xf32>,
    %swap3A_1970 = arith.constant 4 : i32
    %swap3A_1971 = arith.index_cast %swap3A_1970 : i32 to index
    %swap3A_1972 = arith.constant 208 : index
    %swap3A_1973 = tpu.vector_load %arg9[%swap3A_1971, %swap3A_1972] {strides = array<i32>} : memref<9x512xf32, #tpu.memory_space<vmem>>, vector<16xf32>,
    tpu.vector_store %arg9[%swap3A_1971, %swap3A_1972], %gather3A_1969 {strides = array<i32>} : memref<9x512xf32, #tpu.memory_space<vmem>>, vector<16xf32>,
    %get3A_1974 = arith.constant 224 : index
    %get3A_1975 = tpu.vector_load %arg6[%get3A_1974] {strides = array<i32>} : memref<512xi32, #tpu.memory_space<vmem>>, vector<16xi32>,
    %add3A_1976 = arith.constant 2272 : i32
    %add3A_1977 = vector.broadcast %add3A_1976 : i32 to vector<16xi32>
    %add3A_1978 = arith.addi %add3A_1977, %iota3A : vector<16xi32>
    %gather3A_1979 = tpu.vector_load_idx %arg8[%add3A_1978, %get3A_1975] : memref<4608x8xf32, #tpu.memory_space<vmem>>[vector<16xi32>, vector<16xi32>], vector<16xf32>,
    %swap3A_1980 = arith.constant 4 : i32
    %swap3A_1981 = arith.index_cast %swap3A_1980 : i32 to index
    %swap3A_1982 = arith.constant 224 : index
    %swap3A_1983 = tpu.vector_load %arg9[%swap3A_1981, %swap3A_1982] {strides = array<i32>} : memref<9x512xf32, #tpu.memory_space<vmem>>, vector<16xf32>,
    tpu.vector_store %arg9[%swap3A_1981, %swap3A_1982], %gather3A_1979 {strides = array<i32>} : memref<9x512xf32, #tpu.memory_space<vmem>>, vector<16xf32>,
    %get3A_1984 = arith.constant 240 : index
    %get3A_1985 = tpu.vector_load %arg6[%get3A_1984] {strides = array<i32>} : memref<512xi32, #tpu.memory_space<vmem>>, vector<16xi32>,
    %add3A_1986 = arith.constant 2288 : i32
    %add3A_1987 = vector.broadcast %add3A_1986 : i32 to vector<16xi32>
    %add3A_1988 = arith.addi %add3A_1987, %iota3A : vector<16xi32>
    %gather3A_1989 = tpu.vector_load_idx %arg8[%add3A_1988, %get3A_1985] : memref<4608x8xf32, #tpu.memory_space<vmem>>[vector<16xi32>, vector<16xi32>], vector<16xf32>,
    %swap3A_1990 = arith.constant 4 : i32
    %swap3A_1991 = arith.index_cast %swap3A_1990 : i32 to index
    %swap3A_1992 = arith.constant 240 : index
    %swap3A_1993 = tpu.vector_load %arg9[%swap3A_1991, %swap3A_1992] {strides = array<i32>} : memref<9x512xf32, #tpu.memory_space<vmem>>, vector<16xf32>,
    tpu.vector_store %arg9[%swap3A_1991, %swap3A_1992], %gather3A_1989 {strides = array<i32>} : memref<9x512xf32, #tpu.memory_space<vmem>>, vector<16xf32>,
    %get3A_1994 = arith.constant 256 : index
    %get3A_1995 = tpu.vector_load %arg6[%get3A_1994] {strides = array<i32>} : memref<512xi32, #tpu.memory_space<vmem>>, vector<16xi32>,
    %add3A_1996 = arith.constant 2304 : i32
    %add3A_1997 = vector.broadcast %add3A_1996 : i32 to vector<16xi32>
    %add3A_1998 = arith.addi %add3A_1997, %iota3A : vector<16xi32>
    %gather3A_1999 = tpu.vector_load_idx %arg8[%add3A_1998, %get3A_1995] : memref<4608x8xf32, #tpu.memory_space<vmem>>[vector<16xi32>, vector<16xi32>], vector<16xf32>,
    %swap3A_2000 = arith.constant 4 : i32
    %swap3A_2001 = arith.index_cast %swap3A_2000 : i32 to index
    %swap3A_2002 = arith.constant 256 : index
    %swap3A_2003 = tpu.vector_load %arg9[%swap3A_2001, %swap3A_2002] {strides = array<i32>} : memref<9x512xf32, #tpu.memory_space<vmem>>, vector<16xf32>,
    tpu.vector_store %arg9[%swap3A_2001, %swap3A_2002], %gather3A_1999 {strides = array<i32>} : memref<9x512xf32, #tpu.memory_space<vmem>>, vector<16xf32>,
    %get3A_2004 = arith.constant 272 : index
    %get3A_2005 = tpu.vector_load %arg6[%get3A_2004] {strides = array<i32>} : memref<512xi32, #tpu.memory_space<vmem>>, vector<16xi32>,
    %add3A_2006 = arith.constant 2320 : i32
    %add3A_2007 = vector.broadcast %add3A_2006 : i32 to vector<16xi32>
    %add3A_2008 = arith.addi %add3A_2007, %iota3A : vector<16xi32>
    %gather3A_2009 = tpu.vector_load_idx %arg8[%add3A_2008, %get3A_2005] : memref<4608x8xf32, #tpu.memory_space<vmem>>[vector<16xi32>, vector<16xi32>], vector<16xf32>,
    %swap3A_2010 = arith.constant 4 : i32
    %swap3A_2011 = arith.index_cast %swap3A_2010 : i32 to index
    %swap3A_2012 = arith.constant 272 : index
    %swap3A_2013 = tpu.vector_load %arg9[%swap3A_2011, %swap3A_2012] {strides = array<i32>} : memref<9x512xf32, #tpu.memory_space<vmem>>, vector<16xf32>,
    tpu.vector_store %arg9[%swap3A_2011, %swap3A_2012], %gather3A_2009 {strides = array<i32>} : memref<9x512xf32, #tpu.memory_space<vmem>>, vector<16xf32>,
    %get3A_2014 = arith.constant 288 : index
    %get3A_2015 = tpu.vector_load %arg6[%get3A_2014] {strides = array<i32>} : memref<512xi32, #tpu.memory_space<vmem>>, vector<16xi32>,
    %add3A_2016 = arith.constant 2336 : i32
    %add3A_2017 = vector.broadcast %add3A_2016 : i32 to vector<16xi32>
    %add3A_2018 = arith.addi %add3A_2017, %iota3A : vector<16xi32>
    %gather3A_2019 = tpu.vector_load_idx %arg8[%add3A_2018, %get3A_2015] : memref<4608x8xf32, #tpu.memory_space<vmem>>[vector<16xi32>, vector<16xi32>], vector<16xf32>,
    %swap3A_2020 = arith.constant 4 : i32
    %swap3A_2021 = arith.index_cast %swap3A_2020 : i32 to index
    %swap3A_2022 = arith.constant 288 : index
    %swap3A_2023 = tpu.vector_load %arg9[%swap3A_2021, %swap3A_2022] {strides = array<i32>} : memref<9x512xf32, #tpu.memory_space<vmem>>, vector<16xf32>,
    tpu.vector_store %arg9[%swap3A_2021, %swap3A_2022], %gather3A_2019 {strides = array<i32>} : memref<9x512xf32, #tpu.memory_space<vmem>>, vector<16xf32>,
    %get3A_2024 = arith.constant 304 : index
    %get3A_2025 = tpu.vector_load %arg6[%get3A_2024] {strides = array<i32>} : memref<512xi32, #tpu.memory_space<vmem>>, vector<16xi32>,
    %add3A_2026 = arith.constant 2352 : i32
    %add3A_2027 = vector.broadcast %add3A_2026 : i32 to vector<16xi32>
    %add3A_2028 = arith.addi %add3A_2027, %iota3A : vector<16xi32>
    %gather3A_2029 = tpu.vector_load_idx %arg8[%add3A_2028, %get3A_2025] : memref<4608x8xf32, #tpu.memory_space<vmem>>[vector<16xi32>, vector<16xi32>], vector<16xf32>,
    %swap3A_2030 = arith.constant 4 : i32
    %swap3A_2031 = arith.index_cast %swap3A_2030 : i32 to index
    %swap3A_2032 = arith.constant 304 : index
    %swap3A_2033 = tpu.vector_load %arg9[%swap3A_2031, %swap3A_2032] {strides = array<i32>} : memref<9x512xf32, #tpu.memory_space<vmem>>, vector<16xf32>,
    tpu.vector_store %arg9[%swap3A_2031, %swap3A_2032], %gather3A_2029 {strides = array<i32>} : memref<9x512xf32, #tpu.memory_space<vmem>>, vector<16xf32>,
    %get3A_2034 = arith.constant 320 : index
    %get3A_2035 = tpu.vector_load %arg6[%get3A_2034] {strides = array<i32>} : memref<512xi32, #tpu.memory_space<vmem>>, vector<16xi32>,
    %add3A_2036 = arith.constant 2368 : i32
    %add3A_2037 = vector.broadcast %add3A_2036 : i32 to vector<16xi32>
    %add3A_2038 = arith.addi %add3A_2037, %iota3A : vector<16xi32>
    %gather3A_2039 = tpu.vector_load_idx %arg8[%add3A_2038, %get3A_2035] : memref<4608x8xf32, #tpu.memory_space<vmem>>[vector<16xi32>, vector<16xi32>], vector<16xf32>,
    %swap3A_2040 = arith.constant 4 : i32
    %swap3A_2041 = arith.index_cast %swap3A_2040 : i32 to index
    %swap3A_2042 = arith.constant 320 : index
    %swap3A_2043 = tpu.vector_load %arg9[%swap3A_2041, %swap3A_2042] {strides = array<i32>} : memref<9x512xf32, #tpu.memory_space<vmem>>, vector<16xf32>,
    tpu.vector_store %arg9[%swap3A_2041, %swap3A_2042], %gather3A_2039 {strides = array<i32>} : memref<9x512xf32, #tpu.memory_space<vmem>>, vector<16xf32>,
    %get3A_2044 = arith.constant 336 : index
    %get3A_2045 = tpu.vector_load %arg6[%get3A_2044] {strides = array<i32>} : memref<512xi32, #tpu.memory_space<vmem>>, vector<16xi32>,
    %add3A_2046 = arith.constant 2384 : i32
    %add3A_2047 = vector.broadcast %add3A_2046 : i32 to vector<16xi32>
    %add3A_2048 = arith.addi %add3A_2047, %iota3A : vector<16xi32>
    %gather3A_2049 = tpu.vector_load_idx %arg8[%add3A_2048, %get3A_2045] : memref<4608x8xf32, #tpu.memory_space<vmem>>[vector<16xi32>, vector<16xi32>], vector<16xf32>,
    %swap3A_2050 = arith.constant 4 : i32
    %swap3A_2051 = arith.index_cast %swap3A_2050 : i32 to index
    %swap3A_2052 = arith.constant 336 : index
    %swap3A_2053 = tpu.vector_load %arg9[%swap3A_2051, %swap3A_2052] {strides = array<i32>} : memref<9x512xf32, #tpu.memory_space<vmem>>, vector<16xf32>,
    tpu.vector_store %arg9[%swap3A_2051, %swap3A_2052], %gather3A_2049 {strides = array<i32>} : memref<9x512xf32, #tpu.memory_space<vmem>>, vector<16xf32>,
    %get3A_2054 = arith.constant 352 : index
    %get3A_2055 = tpu.vector_load %arg6[%get3A_2054] {strides = array<i32>} : memref<512xi32, #tpu.memory_space<vmem>>, vector<16xi32>,
    %add3A_2056 = arith.constant 2400 : i32
    %add3A_2057 = vector.broadcast %add3A_2056 : i32 to vector<16xi32>
    %add3A_2058 = arith.addi %add3A_2057, %iota3A : vector<16xi32>
    %gather3A_2059 = tpu.vector_load_idx %arg8[%add3A_2058, %get3A_2055] : memref<4608x8xf32, #tpu.memory_space<vmem>>[vector<16xi32>, vector<16xi32>], vector<16xf32>,
    %swap3A_2060 = arith.constant 4 : i32
    %swap3A_2061 = arith.index_cast %swap3A_2060 : i32 to index
    %swap3A_2062 = arith.constant 352 : index
    %swap3A_2063 = tpu.vector_load %arg9[%swap3A_2061, %swap3A_2062] {strides = array<i32>} : memref<9x512xf32, #tpu.memory_space<vmem>>, vector<16xf32>,
    tpu.vector_store %arg9[%swap3A_2061, %swap3A_2062], %gather3A_2059 {strides = array<i32>} : memref<9x512xf32, #tpu.memory_space<vmem>>, vector<16xf32>,
    %get3A_2064 = arith.constant 368 : index
    %get3A_2065 = tpu.vector_load %arg6[%get3A_2064] {strides = array<i32>} : memref<512xi32, #tpu.memory_space<vmem>>, vector<16xi32>,
    %add3A_2066 = arith.constant 2416 : i32
    %add3A_2067 = vector.broadcast %add3A_2066 : i32 to vector<16xi32>
    %add3A_2068 = arith.addi %add3A_2067, %iota3A : vector<16xi32>
    %gather3A_2069 = tpu.vector_load_idx %arg8[%add3A_2068, %get3A_2065] : memref<4608x8xf32, #tpu.memory_space<vmem>>[vector<16xi32>, vector<16xi32>], vector<16xf32>,
    %swap3A_2070 = arith.constant 4 : i32
    %swap3A_2071 = arith.index_cast %swap3A_2070 : i32 to index
    %swap3A_2072 = arith.constant 368 : index
    %swap3A_2073 = tpu.vector_load %arg9[%swap3A_2071, %swap3A_2072] {strides = array<i32>} : memref<9x512xf32, #tpu.memory_space<vmem>>, vector<16xf32>,
    tpu.vector_store %arg9[%swap3A_2071, %swap3A_2072], %gather3A_2069 {strides = array<i32>} : memref<9x512xf32, #tpu.memory_space<vmem>>, vector<16xf32>,
    %get3A_2074 = arith.constant 384 : index
    %get3A_2075 = tpu.vector_load %arg6[%get3A_2074] {strides = array<i32>} : memref<512xi32, #tpu.memory_space<vmem>>, vector<16xi32>,
    %add3A_2076 = arith.constant 2432 : i32
    %add3A_2077 = vector.broadcast %add3A_2076 : i32 to vector<16xi32>
    %add3A_2078 = arith.addi %add3A_2077, %iota3A : vector<16xi32>
    %gather3A_2079 = tpu.vector_load_idx %arg8[%add3A_2078, %get3A_2075] : memref<4608x8xf32, #tpu.memory_space<vmem>>[vector<16xi32>, vector<16xi32>], vector<16xf32>,
    %swap3A_2080 = arith.constant 4 : i32
    %swap3A_2081 = arith.index_cast %swap3A_2080 : i32 to index
    %swap3A_2082 = arith.constant 384 : index
    %swap3A_2083 = tpu.vector_load %arg9[%swap3A_2081, %swap3A_2082] {strides = array<i32>} : memref<9x512xf32, #tpu.memory_space<vmem>>, vector<16xf32>,
    tpu.vector_store %arg9[%swap3A_2081, %swap3A_2082], %gather3A_2079 {strides = array<i32>} : memref<9x512xf32, #tpu.memory_space<vmem>>, vector<16xf32>,
    %get3A_2084 = arith.constant 400 : index
    %get3A_2085 = tpu.vector_load %arg6[%get3A_2084] {strides = array<i32>} : memref<512xi32, #tpu.memory_space<vmem>>, vector<16xi32>,
    %add3A_2086 = arith.constant 2448 : i32
    %add3A_2087 = vector.broadcast %add3A_2086 : i32 to vector<16xi32>
    %add3A_2088 = arith.addi %add3A_2087, %iota3A : vector<16xi32>
    %gather3A_2089 = tpu.vector_load_idx %arg8[%add3A_2088, %get3A_2085] : memref<4608x8xf32, #tpu.memory_space<vmem>>[vector<16xi32>, vector<16xi32>], vector<16xf32>,
    %swap3A_2090 = arith.constant 4 : i32
    %swap3A_2091 = arith.index_cast %swap3A_2090 : i32 to index
    %swap3A_2092 = arith.constant 400 : index
    %swap3A_2093 = tpu.vector_load %arg9[%swap3A_2091, %swap3A_2092] {strides = array<i32>} : memref<9x512xf32, #tpu.memory_space<vmem>>, vector<16xf32>,
    tpu.vector_store %arg9[%swap3A_2091, %swap3A_2092], %gather3A_2089 {strides = array<i32>} : memref<9x512xf32, #tpu.memory_space<vmem>>, vector<16xf32>,
    %get3A_2094 = arith.constant 416 : index
    %get3A_2095 = tpu.vector_load %arg6[%get3A_2094] {strides = array<i32>} : memref<512xi32, #tpu.memory_space<vmem>>, vector<16xi32>,
    %add3A_2096 = arith.constant 2464 : i32
    %add3A_2097 = vector.broadcast %add3A_2096 : i32 to vector<16xi32>
    %add3A_2098 = arith.addi %add3A_2097, %iota3A : vector<16xi32>
    %gather3A_2099 = tpu.vector_load_idx %arg8[%add3A_2098, %get3A_2095] : memref<4608x8xf32, #tpu.memory_space<vmem>>[vector<16xi32>, vector<16xi32>], vector<16xf32>,
    %swap3A_2100 = arith.constant 4 : i32
    %swap3A_2101 = arith.index_cast %swap3A_2100 : i32 to index
    %swap3A_2102 = arith.constant 416 : index
    %swap3A_2103 = tpu.vector_load %arg9[%swap3A_2101, %swap3A_2102] {strides = array<i32>} : memref<9x512xf32, #tpu.memory_space<vmem>>, vector<16xf32>,
    tpu.vector_store %arg9[%swap3A_2101, %swap3A_2102], %gather3A_2099 {strides = array<i32>} : memref<9x512xf32, #tpu.memory_space<vmem>>, vector<16xf32>,
    %get3A_2104 = arith.constant 432 : index
    %get3A_2105 = tpu.vector_load %arg6[%get3A_2104] {strides = array<i32>} : memref<512xi32, #tpu.memory_space<vmem>>, vector<16xi32>,
    %add3A_2106 = arith.constant 2480 : i32
    %add3A_2107 = vector.broadcast %add3A_2106 : i32 to vector<16xi32>
    %add3A_2108 = arith.addi %add3A_2107, %iota3A : vector<16xi32>
    %gather3A_2109 = tpu.vector_load_idx %arg8[%add3A_2108, %get3A_2105] : memref<4608x8xf32, #tpu.memory_space<vmem>>[vector<16xi32>, vector<16xi32>], vector<16xf32>,
    %swap3A_2110 = arith.constant 4 : i32
    %swap3A_2111 = arith.index_cast %swap3A_2110 : i32 to index
    %swap3A_2112 = arith.constant 432 : index
    %swap3A_2113 = tpu.vector_load %arg9[%swap3A_2111, %swap3A_2112] {strides = array<i32>} : memref<9x512xf32, #tpu.memory_space<vmem>>, vector<16xf32>,
    tpu.vector_store %arg9[%swap3A_2111, %swap3A_2112], %gather3A_2109 {strides = array<i32>} : memref<9x512xf32, #tpu.memory_space<vmem>>, vector<16xf32>,
    %get3A_2114 = arith.constant 448 : index
    %get3A_2115 = tpu.vector_load %arg6[%get3A_2114] {strides = array<i32>} : memref<512xi32, #tpu.memory_space<vmem>>, vector<16xi32>,
    %add3A_2116 = arith.constant 2496 : i32
    %add3A_2117 = vector.broadcast %add3A_2116 : i32 to vector<16xi32>
    %add3A_2118 = arith.addi %add3A_2117, %iota3A : vector<16xi32>
    %gather3A_2119 = tpu.vector_load_idx %arg8[%add3A_2118, %get3A_2115] : memref<4608x8xf32, #tpu.memory_space<vmem>>[vector<16xi32>, vector<16xi32>], vector<16xf32>,
    %swap3A_2120 = arith.constant 4 : i32
    %swap3A_2121 = arith.index_cast %swap3A_2120 : i32 to index
    %swap3A_2122 = arith.constant 448 : index
    %swap3A_2123 = tpu.vector_load %arg9[%swap3A_2121, %swap3A_2122] {strides = array<i32>} : memref<9x512xf32, #tpu.memory_space<vmem>>, vector<16xf32>,
    tpu.vector_store %arg9[%swap3A_2121, %swap3A_2122], %gather3A_2119 {strides = array<i32>} : memref<9x512xf32, #tpu.memory_space<vmem>>, vector<16xf32>,
    %get3A_2124 = arith.constant 464 : index
    %get3A_2125 = tpu.vector_load %arg6[%get3A_2124] {strides = array<i32>} : memref<512xi32, #tpu.memory_space<vmem>>, vector<16xi32>,
    %add3A_2126 = arith.constant 2512 : i32
    %add3A_2127 = vector.broadcast %add3A_2126 : i32 to vector<16xi32>
    %add3A_2128 = arith.addi %add3A_2127, %iota3A : vector<16xi32>
    %gather3A_2129 = tpu.vector_load_idx %arg8[%add3A_2128, %get3A_2125] : memref<4608x8xf32, #tpu.memory_space<vmem>>[vector<16xi32>, vector<16xi32>], vector<16xf32>,
    %swap3A_2130 = arith.constant 4 : i32
    %swap3A_2131 = arith.index_cast %swap3A_2130 : i32 to index
    %swap3A_2132 = arith.constant 464 : index
    %swap3A_2133 = tpu.vector_load %arg9[%swap3A_2131, %swap3A_2132] {strides = array<i32>} : memref<9x512xf32, #tpu.memory_space<vmem>>, vector<16xf32>,
    tpu.vector_store %arg9[%swap3A_2131, %swap3A_2132], %gather3A_2129 {strides = array<i32>} : memref<9x512xf32, #tpu.memory_space<vmem>>, vector<16xf32>,
    %get3A_2134 = arith.constant 480 : index
    %get3A_2135 = tpu.vector_load %arg6[%get3A_2134] {strides = array<i32>} : memref<512xi32, #tpu.memory_space<vmem>>, vector<16xi32>,
    %add3A_2136 = arith.constant 2528 : i32
    %add3A_2137 = vector.broadcast %add3A_2136 : i32 to vector<16xi32>
    %add3A_2138 = arith.addi %add3A_2137, %iota3A : vector<16xi32>
    %gather3A_2139 = tpu.vector_load_idx %arg8[%add3A_2138, %get3A_2135] : memref<4608x8xf32, #tpu.memory_space<vmem>>[vector<16xi32>, vector<16xi32>], vector<16xf32>,
    %swap3A_2140 = arith.constant 4 : i32
    %swap3A_2141 = arith.index_cast %swap3A_2140 : i32 to index
    %swap3A_2142 = arith.constant 480 : index
    %swap3A_2143 = tpu.vector_load %arg9[%swap3A_2141, %swap3A_2142] {strides = array<i32>} : memref<9x512xf32, #tpu.memory_space<vmem>>, vector<16xf32>,
    tpu.vector_store %arg9[%swap3A_2141, %swap3A_2142], %gather3A_2139 {strides = array<i32>} : memref<9x512xf32, #tpu.memory_space<vmem>>, vector<16xf32>,
    %get3A_2144 = arith.constant 496 : index
    %get3A_2145 = tpu.vector_load %arg6[%get3A_2144] {strides = array<i32>} : memref<512xi32, #tpu.memory_space<vmem>>, vector<16xi32>,
    %add3A_2146 = arith.constant 2544 : i32
    %add3A_2147 = vector.broadcast %add3A_2146 : i32 to vector<16xi32>
    %add3A_2148 = arith.addi %add3A_2147, %iota3A : vector<16xi32>
    %gather3A_2149 = tpu.vector_load_idx %arg8[%add3A_2148, %get3A_2145] : memref<4608x8xf32, #tpu.memory_space<vmem>>[vector<16xi32>, vector<16xi32>], vector<16xf32>,
    %swap3A_2150 = arith.constant 4 : i32
    %swap3A_2151 = arith.index_cast %swap3A_2150 : i32 to index
    %swap3A_2152 = arith.constant 496 : index
    %swap3A_2153 = tpu.vector_load %arg9[%swap3A_2151, %swap3A_2152] {strides = array<i32>} : memref<9x512xf32, #tpu.memory_space<vmem>>, vector<16xf32>,
    tpu.vector_store %arg9[%swap3A_2151, %swap3A_2152], %gather3A_2149 {strides = array<i32>} : memref<9x512xf32, #tpu.memory_space<vmem>>, vector<16xf32>,
    %dma_start3A_2154 = arith.constant 4 : i32
    %dma_start3A_2155 = arith.constant 4 : i32
    %dma_start3A_2156 = arith.constant 0 : i32
    %dma_start3A_2157 = tpu.memref_slice %arg9[%dma_start3A_2154, %dma_start3A_2156] : memref<9x512xf32, #tpu.memory_space<vmem>> -> memref<1x512xf32, #tpu.memory_space<vmem>>
    %dma_start3A_2158 = tpu.memref_squeeze %dma_start3A_2157 : memref<1x512xf32, #tpu.memory_space<vmem>> -> memref<512xf32, #tpu.memory_space<vmem>>
    %dma_start3A_2159 = tpu.memref_slice %arg4[%dma_start3A_2155, %mul3A_2] : memref<9x16384xf32, #tpu.memory_space<hbm>> -> memref<1x512xf32, #tpu.memory_space<hbm>>
    %dma_start3A_2160 = tpu.memref_squeeze %dma_start3A_2159 : memref<1x512xf32, #tpu.memory_space<hbm>> -> memref<512xf32, #tpu.memory_space<hbm>>
    %dma_start3A_2161 = tpu.memref_slice %arg4[%dma_start3A_2155, %mul3A_2] : memref<9x16384xf32, #tpu.memory_space<hbm>> -> memref<1x512xf32, #tpu.memory_space<hbm>>
    %dma_start3A_2162 = tpu.memref_squeeze %dma_start3A_2161 : memref<1x512xf32, #tpu.memory_space<hbm>> -> memref<512xf32, #tpu.memory_space<hbm>>
    %dma_start3A_2163 = arith.constant 0 : i32
    %dma_start3A_2164 = tpu.memref_slice %arg9[%dma_start3A_2154, %dma_start3A_2163] : memref<9x512xf32, #tpu.memory_space<vmem>> -> memref<1x512xf32, #tpu.memory_space<vmem>>
    %dma_start3A_2165 = tpu.memref_squeeze %dma_start3A_2164 : memref<1x512xf32, #tpu.memory_space<vmem>> -> memref<512xf32, #tpu.memory_space<vmem>>
    tpu.enqueue_dma source(%dma_start3A_2165 : memref<512xf32, #tpu.memory_space<vmem>>) target(%dma_start3A_2162 : memref<512xf32, #tpu.memory_space<hbm>>) target_semaphore(%arg14 : memref<!tpu.dma_semaphore, #tpu.memory_space<semaphore_mem>>)
    %dma_wait3A_2166 = arith.constant 2560 : i32
    %dma_wait3A_2167 = arith.constant 0 : i32
    %dma_wait3A_2168 = tpu.memref_slice %arg8[%dma_wait3A_2166, %dma_wait3A_2167] : memref<4608x8xf32, #tpu.memory_space<vmem>> -> memref<512x8xf32, #tpu.memory_space<vmem>>
    %dma_wait3A_2169 = arith.constant 62500 : i32
    %dma_wait3A_2170 = arith.constant 0 : i32
    %dma_wait3A_2171 = tpu.memref_slice %arg2[%dma_wait3A_2169, %dma_wait3A_2170] : memref<112500x8xf32, #tpu.memory_space<hbm>> -> memref<12500x8xf32, #tpu.memory_space<hbm>>
    %dma_wait3A_2172 = arith.constant 0 : i32
    %dma_wait3A_2173 = arith.constant 0 : i32
    %dma_wait3A_2174 = tpu.memref_slice %dma_wait3A_2171[%dma_wait3A_2172, %dma_wait3A_2173] : memref<12500x8xf32, #tpu.memory_space<hbm>> -> memref<12500x8xf32, #tpu.memory_space<hbm>>
    tpu.wait_indirect_dma semaphore(%arg15 : memref<!tpu.dma_semaphore, #tpu.memory_space<semaphore_mem>>) src(%dma_wait3A_2174 : memref<12500x8xf32, #tpu.memory_space<hbm>>) dst(%dma_wait3A_2168 : memref<512x8xf32, #tpu.memory_space<vmem>>)
    %get3A_2175 = arith.constant 0 : index
    %get3A_2176 = tpu.vector_load %arg6[%get3A_2175] {strides = array<i32>} : memref<512xi32, #tpu.memory_space<vmem>>, vector<16xi32>,
    %add3A_2177 = arith.constant 2560 : i32
    %add3A_2178 = vector.broadcast %add3A_2177 : i32 to vector<16xi32>
    %add3A_2179 = arith.addi %add3A_2178, %iota3A : vector<16xi32>
    %gather3A_2180 = tpu.vector_load_idx %arg8[%add3A_2179, %get3A_2176] : memref<4608x8xf32, #tpu.memory_space<vmem>>[vector<16xi32>, vector<16xi32>], vector<16xf32>,
    %swap3A_2181 = arith.constant 5 : i32
    %swap3A_2182 = arith.index_cast %swap3A_2181 : i32 to index
    %swap3A_2183 = arith.constant 0 : index
    %swap3A_2184 = tpu.vector_load %arg9[%swap3A_2182, %swap3A_2183] {strides = array<i32>} : memref<9x512xf32, #tpu.memory_space<vmem>>, vector<16xf32>,
    tpu.vector_store %arg9[%swap3A_2182, %swap3A_2183], %gather3A_2180 {strides = array<i32>} : memref<9x512xf32, #tpu.memory_space<vmem>>, vector<16xf32>,
    %get3A_2185 = arith.constant 16 : index
    %get3A_2186 = tpu.vector_load %arg6[%get3A_2185] {strides = array<i32>} : memref<512xi32, #tpu.memory_space<vmem>>, vector<16xi32>,
    %add3A_2187 = arith.constant 2576 : i32
    %add3A_2188 = vector.broadcast %add3A_2187 : i32 to vector<16xi32>
    %add3A_2189 = arith.addi %add3A_2188, %iota3A : vector<16xi32>
    %gather3A_2190 = tpu.vector_load_idx %arg8[%add3A_2189, %get3A_2186] : memref<4608x8xf32, #tpu.memory_space<vmem>>[vector<16xi32>, vector<16xi32>], vector<16xf32>,
    %swap3A_2191 = arith.constant 5 : i32
    %swap3A_2192 = arith.index_cast %swap3A_2191 : i32 to index
    %swap3A_2193 = arith.constant 16 : index
    %swap3A_2194 = tpu.vector_load %arg9[%swap3A_2192, %swap3A_2193] {strides = array<i32>} : memref<9x512xf32, #tpu.memory_space<vmem>>, vector<16xf32>,
    tpu.vector_store %arg9[%swap3A_2192, %swap3A_2193], %gather3A_2190 {strides = array<i32>} : memref<9x512xf32, #tpu.memory_space<vmem>>, vector<16xf32>,
    %get3A_2195 = arith.constant 32 : index
    %get3A_2196 = tpu.vector_load %arg6[%get3A_2195] {strides = array<i32>} : memref<512xi32, #tpu.memory_space<vmem>>, vector<16xi32>,
    %add3A_2197 = arith.constant 2592 : i32
    %add3A_2198 = vector.broadcast %add3A_2197 : i32 to vector<16xi32>
    %add3A_2199 = arith.addi %add3A_2198, %iota3A : vector<16xi32>
    %gather3A_2200 = tpu.vector_load_idx %arg8[%add3A_2199, %get3A_2196] : memref<4608x8xf32, #tpu.memory_space<vmem>>[vector<16xi32>, vector<16xi32>], vector<16xf32>,
    %swap3A_2201 = arith.constant 5 : i32
    %swap3A_2202 = arith.index_cast %swap3A_2201 : i32 to index
    %swap3A_2203 = arith.constant 32 : index
    %swap3A_2204 = tpu.vector_load %arg9[%swap3A_2202, %swap3A_2203] {strides = array<i32>} : memref<9x512xf32, #tpu.memory_space<vmem>>, vector<16xf32>,
    tpu.vector_store %arg9[%swap3A_2202, %swap3A_2203], %gather3A_2200 {strides = array<i32>} : memref<9x512xf32, #tpu.memory_space<vmem>>, vector<16xf32>,
    %get3A_2205 = arith.constant 48 : index
    %get3A_2206 = tpu.vector_load %arg6[%get3A_2205] {strides = array<i32>} : memref<512xi32, #tpu.memory_space<vmem>>, vector<16xi32>,
    %add3A_2207 = arith.constant 2608 : i32
    %add3A_2208 = vector.broadcast %add3A_2207 : i32 to vector<16xi32>
    %add3A_2209 = arith.addi %add3A_2208, %iota3A : vector<16xi32>
    %gather3A_2210 = tpu.vector_load_idx %arg8[%add3A_2209, %get3A_2206] : memref<4608x8xf32, #tpu.memory_space<vmem>>[vector<16xi32>, vector<16xi32>], vector<16xf32>,
    %swap3A_2211 = arith.constant 5 : i32
    %swap3A_2212 = arith.index_cast %swap3A_2211 : i32 to index
    %swap3A_2213 = arith.constant 48 : index
    %swap3A_2214 = tpu.vector_load %arg9[%swap3A_2212, %swap3A_2213] {strides = array<i32>} : memref<9x512xf32, #tpu.memory_space<vmem>>, vector<16xf32>,
    tpu.vector_store %arg9[%swap3A_2212, %swap3A_2213], %gather3A_2210 {strides = array<i32>} : memref<9x512xf32, #tpu.memory_space<vmem>>, vector<16xf32>,
    %get3A_2215 = arith.constant 64 : index
    %get3A_2216 = tpu.vector_load %arg6[%get3A_2215] {strides = array<i32>} : memref<512xi32, #tpu.memory_space<vmem>>, vector<16xi32>,
    %add3A_2217 = arith.constant 2624 : i32
    %add3A_2218 = vector.broadcast %add3A_2217 : i32 to vector<16xi32>
    %add3A_2219 = arith.addi %add3A_2218, %iota3A : vector<16xi32>
    %gather3A_2220 = tpu.vector_load_idx %arg8[%add3A_2219, %get3A_2216] : memref<4608x8xf32, #tpu.memory_space<vmem>>[vector<16xi32>, vector<16xi32>], vector<16xf32>,
    %swap3A_2221 = arith.constant 5 : i32
    %swap3A_2222 = arith.index_cast %swap3A_2221 : i32 to index
    %swap3A_2223 = arith.constant 64 : index
    %swap3A_2224 = tpu.vector_load %arg9[%swap3A_2222, %swap3A_2223] {strides = array<i32>} : memref<9x512xf32, #tpu.memory_space<vmem>>, vector<16xf32>,
    tpu.vector_store %arg9[%swap3A_2222, %swap3A_2223], %gather3A_2220 {strides = array<i32>} : memref<9x512xf32, #tpu.memory_space<vmem>>, vector<16xf32>,
    %get3A_2225 = arith.constant 80 : index
    %get3A_2226 = tpu.vector_load %arg6[%get3A_2225] {strides = array<i32>} : memref<512xi32, #tpu.memory_space<vmem>>, vector<16xi32>,
    %add3A_2227 = arith.constant 2640 : i32
    %add3A_2228 = vector.broadcast %add3A_2227 : i32 to vector<16xi32>
    %add3A_2229 = arith.addi %add3A_2228, %iota3A : vector<16xi32>
    %gather3A_2230 = tpu.vector_load_idx %arg8[%add3A_2229, %get3A_2226] : memref<4608x8xf32, #tpu.memory_space<vmem>>[vector<16xi32>, vector<16xi32>], vector<16xf32>,
    %swap3A_2231 = arith.constant 5 : i32
    %swap3A_2232 = arith.index_cast %swap3A_2231 : i32 to index
    %swap3A_2233 = arith.constant 80 : index
    %swap3A_2234 = tpu.vector_load %arg9[%swap3A_2232, %swap3A_2233] {strides = array<i32>} : memref<9x512xf32, #tpu.memory_space<vmem>>, vector<16xf32>,
    tpu.vector_store %arg9[%swap3A_2232, %swap3A_2233], %gather3A_2230 {strides = array<i32>} : memref<9x512xf32, #tpu.memory_space<vmem>>, vector<16xf32>,
    %get3A_2235 = arith.constant 96 : index
    %get3A_2236 = tpu.vector_load %arg6[%get3A_2235] {strides = array<i32>} : memref<512xi32, #tpu.memory_space<vmem>>, vector<16xi32>,
    %add3A_2237 = arith.constant 2656 : i32
    %add3A_2238 = vector.broadcast %add3A_2237 : i32 to vector<16xi32>
    %add3A_2239 = arith.addi %add3A_2238, %iota3A : vector<16xi32>
    %gather3A_2240 = tpu.vector_load_idx %arg8[%add3A_2239, %get3A_2236] : memref<4608x8xf32, #tpu.memory_space<vmem>>[vector<16xi32>, vector<16xi32>], vector<16xf32>,
    %swap3A_2241 = arith.constant 5 : i32
    %swap3A_2242 = arith.index_cast %swap3A_2241 : i32 to index
    %swap3A_2243 = arith.constant 96 : index
    %swap3A_2244 = tpu.vector_load %arg9[%swap3A_2242, %swap3A_2243] {strides = array<i32>} : memref<9x512xf32, #tpu.memory_space<vmem>>, vector<16xf32>,
    tpu.vector_store %arg9[%swap3A_2242, %swap3A_2243], %gather3A_2240 {strides = array<i32>} : memref<9x512xf32, #tpu.memory_space<vmem>>, vector<16xf32>,
    %get3A_2245 = arith.constant 112 : index
    %get3A_2246 = tpu.vector_load %arg6[%get3A_2245] {strides = array<i32>} : memref<512xi32, #tpu.memory_space<vmem>>, vector<16xi32>,
    %add3A_2247 = arith.constant 2672 : i32
    %add3A_2248 = vector.broadcast %add3A_2247 : i32 to vector<16xi32>
    %add3A_2249 = arith.addi %add3A_2248, %iota3A : vector<16xi32>
    %gather3A_2250 = tpu.vector_load_idx %arg8[%add3A_2249, %get3A_2246] : memref<4608x8xf32, #tpu.memory_space<vmem>>[vector<16xi32>, vector<16xi32>], vector<16xf32>,
    %swap3A_2251 = arith.constant 5 : i32
    %swap3A_2252 = arith.index_cast %swap3A_2251 : i32 to index
    %swap3A_2253 = arith.constant 112 : index
    %swap3A_2254 = tpu.vector_load %arg9[%swap3A_2252, %swap3A_2253] {strides = array<i32>} : memref<9x512xf32, #tpu.memory_space<vmem>>, vector<16xf32>,
    tpu.vector_store %arg9[%swap3A_2252, %swap3A_2253], %gather3A_2250 {strides = array<i32>} : memref<9x512xf32, #tpu.memory_space<vmem>>, vector<16xf32>,
    %get3A_2255 = arith.constant 128 : index
    %get3A_2256 = tpu.vector_load %arg6[%get3A_2255] {strides = array<i32>} : memref<512xi32, #tpu.memory_space<vmem>>, vector<16xi32>,
    %add3A_2257 = arith.constant 2688 : i32
    %add3A_2258 = vector.broadcast %add3A_2257 : i32 to vector<16xi32>
    %add3A_2259 = arith.addi %add3A_2258, %iota3A : vector<16xi32>
    %gather3A_2260 = tpu.vector_load_idx %arg8[%add3A_2259, %get3A_2256] : memref<4608x8xf32, #tpu.memory_space<vmem>>[vector<16xi32>, vector<16xi32>], vector<16xf32>,
    %swap3A_2261 = arith.constant 5 : i32
    %swap3A_2262 = arith.index_cast %swap3A_2261 : i32 to index
    %swap3A_2263 = arith.constant 128 : index
    %swap3A_2264 = tpu.vector_load %arg9[%swap3A_2262, %swap3A_2263] {strides = array<i32>} : memref<9x512xf32, #tpu.memory_space<vmem>>, vector<16xf32>,
    tpu.vector_store %arg9[%swap3A_2262, %swap3A_2263], %gather3A_2260 {strides = array<i32>} : memref<9x512xf32, #tpu.memory_space<vmem>>, vector<16xf32>,
    %get3A_2265 = arith.constant 144 : index
    %get3A_2266 = tpu.vector_load %arg6[%get3A_2265] {strides = array<i32>} : memref<512xi32, #tpu.memory_space<vmem>>, vector<16xi32>,
    %add3A_2267 = arith.constant 2704 : i32
    %add3A_2268 = vector.broadcast %add3A_2267 : i32 to vector<16xi32>
    %add3A_2269 = arith.addi %add3A_2268, %iota3A : vector<16xi32>
    %gather3A_2270 = tpu.vector_load_idx %arg8[%add3A_2269, %get3A_2266] : memref<4608x8xf32, #tpu.memory_space<vmem>>[vector<16xi32>, vector<16xi32>], vector<16xf32>,
    %swap3A_2271 = arith.constant 5 : i32
    %swap3A_2272 = arith.index_cast %swap3A_2271 : i32 to index
    %swap3A_2273 = arith.constant 144 : index
    %swap3A_2274 = tpu.vector_load %arg9[%swap3A_2272, %swap3A_2273] {strides = array<i32>} : memref<9x512xf32, #tpu.memory_space<vmem>>, vector<16xf32>,
    tpu.vector_store %arg9[%swap3A_2272, %swap3A_2273], %gather3A_2270 {strides = array<i32>} : memref<9x512xf32, #tpu.memory_space<vmem>>, vector<16xf32>,
    %get3A_2275 = arith.constant 160 : index
    %get3A_2276 = tpu.vector_load %arg6[%get3A_2275] {strides = array<i32>} : memref<512xi32, #tpu.memory_space<vmem>>, vector<16xi32>,
    %add3A_2277 = arith.constant 2720 : i32
    %add3A_2278 = vector.broadcast %add3A_2277 : i32 to vector<16xi32>
    %add3A_2279 = arith.addi %add3A_2278, %iota3A : vector<16xi32>
    %gather3A_2280 = tpu.vector_load_idx %arg8[%add3A_2279, %get3A_2276] : memref<4608x8xf32, #tpu.memory_space<vmem>>[vector<16xi32>, vector<16xi32>], vector<16xf32>,
    %swap3A_2281 = arith.constant 5 : i32
    %swap3A_2282 = arith.index_cast %swap3A_2281 : i32 to index
    %swap3A_2283 = arith.constant 160 : index
    %swap3A_2284 = tpu.vector_load %arg9[%swap3A_2282, %swap3A_2283] {strides = array<i32>} : memref<9x512xf32, #tpu.memory_space<vmem>>, vector<16xf32>,
    tpu.vector_store %arg9[%swap3A_2282, %swap3A_2283], %gather3A_2280 {strides = array<i32>} : memref<9x512xf32, #tpu.memory_space<vmem>>, vector<16xf32>,
    %get3A_2285 = arith.constant 176 : index
    %get3A_2286 = tpu.vector_load %arg6[%get3A_2285] {strides = array<i32>} : memref<512xi32, #tpu.memory_space<vmem>>, vector<16xi32>,
    %add3A_2287 = arith.constant 2736 : i32
    %add3A_2288 = vector.broadcast %add3A_2287 : i32 to vector<16xi32>
    %add3A_2289 = arith.addi %add3A_2288, %iota3A : vector<16xi32>
    %gather3A_2290 = tpu.vector_load_idx %arg8[%add3A_2289, %get3A_2286] : memref<4608x8xf32, #tpu.memory_space<vmem>>[vector<16xi32>, vector<16xi32>], vector<16xf32>,
    %swap3A_2291 = arith.constant 5 : i32
    %swap3A_2292 = arith.index_cast %swap3A_2291 : i32 to index
    %swap3A_2293 = arith.constant 176 : index
    %swap3A_2294 = tpu.vector_load %arg9[%swap3A_2292, %swap3A_2293] {strides = array<i32>} : memref<9x512xf32, #tpu.memory_space<vmem>>, vector<16xf32>,
    tpu.vector_store %arg9[%swap3A_2292, %swap3A_2293], %gather3A_2290 {strides = array<i32>} : memref<9x512xf32, #tpu.memory_space<vmem>>, vector<16xf32>,
    %get3A_2295 = arith.constant 192 : index
    %get3A_2296 = tpu.vector_load %arg6[%get3A_2295] {strides = array<i32>} : memref<512xi32, #tpu.memory_space<vmem>>, vector<16xi32>,
    %add3A_2297 = arith.constant 2752 : i32
    %add3A_2298 = vector.broadcast %add3A_2297 : i32 to vector<16xi32>
    %add3A_2299 = arith.addi %add3A_2298, %iota3A : vector<16xi32>
    %gather3A_2300 = tpu.vector_load_idx %arg8[%add3A_2299, %get3A_2296] : memref<4608x8xf32, #tpu.memory_space<vmem>>[vector<16xi32>, vector<16xi32>], vector<16xf32>,
    %swap3A_2301 = arith.constant 5 : i32
    %swap3A_2302 = arith.index_cast %swap3A_2301 : i32 to index
    %swap3A_2303 = arith.constant 192 : index
    %swap3A_2304 = tpu.vector_load %arg9[%swap3A_2302, %swap3A_2303] {strides = array<i32>} : memref<9x512xf32, #tpu.memory_space<vmem>>, vector<16xf32>,
    tpu.vector_store %arg9[%swap3A_2302, %swap3A_2303], %gather3A_2300 {strides = array<i32>} : memref<9x512xf32, #tpu.memory_space<vmem>>, vector<16xf32>,
    %get3A_2305 = arith.constant 208 : index
    %get3A_2306 = tpu.vector_load %arg6[%get3A_2305] {strides = array<i32>} : memref<512xi32, #tpu.memory_space<vmem>>, vector<16xi32>,
    %add3A_2307 = arith.constant 2768 : i32
    %add3A_2308 = vector.broadcast %add3A_2307 : i32 to vector<16xi32>
    %add3A_2309 = arith.addi %add3A_2308, %iota3A : vector<16xi32>
    %gather3A_2310 = tpu.vector_load_idx %arg8[%add3A_2309, %get3A_2306] : memref<4608x8xf32, #tpu.memory_space<vmem>>[vector<16xi32>, vector<16xi32>], vector<16xf32>,
    %swap3A_2311 = arith.constant 5 : i32
    %swap3A_2312 = arith.index_cast %swap3A_2311 : i32 to index
    %swap3A_2313 = arith.constant 208 : index
    %swap3A_2314 = tpu.vector_load %arg9[%swap3A_2312, %swap3A_2313] {strides = array<i32>} : memref<9x512xf32, #tpu.memory_space<vmem>>, vector<16xf32>,
    tpu.vector_store %arg9[%swap3A_2312, %swap3A_2313], %gather3A_2310 {strides = array<i32>} : memref<9x512xf32, #tpu.memory_space<vmem>>, vector<16xf32>,
    %get3A_2315 = arith.constant 224 : index
    %get3A_2316 = tpu.vector_load %arg6[%get3A_2315] {strides = array<i32>} : memref<512xi32, #tpu.memory_space<vmem>>, vector<16xi32>,
    %add3A_2317 = arith.constant 2784 : i32
    %add3A_2318 = vector.broadcast %add3A_2317 : i32 to vector<16xi32>
    %add3A_2319 = arith.addi %add3A_2318, %iota3A : vector<16xi32>
    %gather3A_2320 = tpu.vector_load_idx %arg8[%add3A_2319, %get3A_2316] : memref<4608x8xf32, #tpu.memory_space<vmem>>[vector<16xi32>, vector<16xi32>], vector<16xf32>,
    %swap3A_2321 = arith.constant 5 : i32
    %swap3A_2322 = arith.index_cast %swap3A_2321 : i32 to index
    %swap3A_2323 = arith.constant 224 : index
    %swap3A_2324 = tpu.vector_load %arg9[%swap3A_2322, %swap3A_2323] {strides = array<i32>} : memref<9x512xf32, #tpu.memory_space<vmem>>, vector<16xf32>,
    tpu.vector_store %arg9[%swap3A_2322, %swap3A_2323], %gather3A_2320 {strides = array<i32>} : memref<9x512xf32, #tpu.memory_space<vmem>>, vector<16xf32>,
    %get3A_2325 = arith.constant 240 : index
    %get3A_2326 = tpu.vector_load %arg6[%get3A_2325] {strides = array<i32>} : memref<512xi32, #tpu.memory_space<vmem>>, vector<16xi32>,
    %add3A_2327 = arith.constant 2800 : i32
    %add3A_2328 = vector.broadcast %add3A_2327 : i32 to vector<16xi32>
    %add3A_2329 = arith.addi %add3A_2328, %iota3A : vector<16xi32>
    %gather3A_2330 = tpu.vector_load_idx %arg8[%add3A_2329, %get3A_2326] : memref<4608x8xf32, #tpu.memory_space<vmem>>[vector<16xi32>, vector<16xi32>], vector<16xf32>,
    %swap3A_2331 = arith.constant 5 : i32
    %swap3A_2332 = arith.index_cast %swap3A_2331 : i32 to index
    %swap3A_2333 = arith.constant 240 : index
    %swap3A_2334 = tpu.vector_load %arg9[%swap3A_2332, %swap3A_2333] {strides = array<i32>} : memref<9x512xf32, #tpu.memory_space<vmem>>, vector<16xf32>,
    tpu.vector_store %arg9[%swap3A_2332, %swap3A_2333], %gather3A_2330 {strides = array<i32>} : memref<9x512xf32, #tpu.memory_space<vmem>>, vector<16xf32>,
    %get3A_2335 = arith.constant 256 : index
    %get3A_2336 = tpu.vector_load %arg6[%get3A_2335] {strides = array<i32>} : memref<512xi32, #tpu.memory_space<vmem>>, vector<16xi32>,
    %add3A_2337 = arith.constant 2816 : i32
    %add3A_2338 = vector.broadcast %add3A_2337 : i32 to vector<16xi32>
    %add3A_2339 = arith.addi %add3A_2338, %iota3A : vector<16xi32>
    %gather3A_2340 = tpu.vector_load_idx %arg8[%add3A_2339, %get3A_2336] : memref<4608x8xf32, #tpu.memory_space<vmem>>[vector<16xi32>, vector<16xi32>], vector<16xf32>,
    %swap3A_2341 = arith.constant 5 : i32
    %swap3A_2342 = arith.index_cast %swap3A_2341 : i32 to index
    %swap3A_2343 = arith.constant 256 : index
    %swap3A_2344 = tpu.vector_load %arg9[%swap3A_2342, %swap3A_2343] {strides = array<i32>} : memref<9x512xf32, #tpu.memory_space<vmem>>, vector<16xf32>,
    tpu.vector_store %arg9[%swap3A_2342, %swap3A_2343], %gather3A_2340 {strides = array<i32>} : memref<9x512xf32, #tpu.memory_space<vmem>>, vector<16xf32>,
    %get3A_2345 = arith.constant 272 : index
    %get3A_2346 = tpu.vector_load %arg6[%get3A_2345] {strides = array<i32>} : memref<512xi32, #tpu.memory_space<vmem>>, vector<16xi32>,
    %add3A_2347 = arith.constant 2832 : i32
    %add3A_2348 = vector.broadcast %add3A_2347 : i32 to vector<16xi32>
    %add3A_2349 = arith.addi %add3A_2348, %iota3A : vector<16xi32>
    %gather3A_2350 = tpu.vector_load_idx %arg8[%add3A_2349, %get3A_2346] : memref<4608x8xf32, #tpu.memory_space<vmem>>[vector<16xi32>, vector<16xi32>], vector<16xf32>,
    %swap3A_2351 = arith.constant 5 : i32
    %swap3A_2352 = arith.index_cast %swap3A_2351 : i32 to index
    %swap3A_2353 = arith.constant 272 : index
    %swap3A_2354 = tpu.vector_load %arg9[%swap3A_2352, %swap3A_2353] {strides = array<i32>} : memref<9x512xf32, #tpu.memory_space<vmem>>, vector<16xf32>,
    tpu.vector_store %arg9[%swap3A_2352, %swap3A_2353], %gather3A_2350 {strides = array<i32>} : memref<9x512xf32, #tpu.memory_space<vmem>>, vector<16xf32>,
    %get3A_2355 = arith.constant 288 : index
    %get3A_2356 = tpu.vector_load %arg6[%get3A_2355] {strides = array<i32>} : memref<512xi32, #tpu.memory_space<vmem>>, vector<16xi32>,
    %add3A_2357 = arith.constant 2848 : i32
    %add3A_2358 = vector.broadcast %add3A_2357 : i32 to vector<16xi32>
    %add3A_2359 = arith.addi %add3A_2358, %iota3A : vector<16xi32>
    %gather3A_2360 = tpu.vector_load_idx %arg8[%add3A_2359, %get3A_2356] : memref<4608x8xf32, #tpu.memory_space<vmem>>[vector<16xi32>, vector<16xi32>], vector<16xf32>,
    %swap3A_2361 = arith.constant 5 : i32
    %swap3A_2362 = arith.index_cast %swap3A_2361 : i32 to index
    %swap3A_2363 = arith.constant 288 : index
    %swap3A_2364 = tpu.vector_load %arg9[%swap3A_2362, %swap3A_2363] {strides = array<i32>} : memref<9x512xf32, #tpu.memory_space<vmem>>, vector<16xf32>,
    tpu.vector_store %arg9[%swap3A_2362, %swap3A_2363], %gather3A_2360 {strides = array<i32>} : memref<9x512xf32, #tpu.memory_space<vmem>>, vector<16xf32>,
    %get3A_2365 = arith.constant 304 : index
    %get3A_2366 = tpu.vector_load %arg6[%get3A_2365] {strides = array<i32>} : memref<512xi32, #tpu.memory_space<vmem>>, vector<16xi32>,
    %add3A_2367 = arith.constant 2864 : i32
    %add3A_2368 = vector.broadcast %add3A_2367 : i32 to vector<16xi32>
    %add3A_2369 = arith.addi %add3A_2368, %iota3A : vector<16xi32>
    %gather3A_2370 = tpu.vector_load_idx %arg8[%add3A_2369, %get3A_2366] : memref<4608x8xf32, #tpu.memory_space<vmem>>[vector<16xi32>, vector<16xi32>], vector<16xf32>,
    %swap3A_2371 = arith.constant 5 : i32
    %swap3A_2372 = arith.index_cast %swap3A_2371 : i32 to index
    %swap3A_2373 = arith.constant 304 : index
    %swap3A_2374 = tpu.vector_load %arg9[%swap3A_2372, %swap3A_2373] {strides = array<i32>} : memref<9x512xf32, #tpu.memory_space<vmem>>, vector<16xf32>,
    tpu.vector_store %arg9[%swap3A_2372, %swap3A_2373], %gather3A_2370 {strides = array<i32>} : memref<9x512xf32, #tpu.memory_space<vmem>>, vector<16xf32>,
    %get3A_2375 = arith.constant 320 : index
    %get3A_2376 = tpu.vector_load %arg6[%get3A_2375] {strides = array<i32>} : memref<512xi32, #tpu.memory_space<vmem>>, vector<16xi32>,
    %add3A_2377 = arith.constant 2880 : i32
    %add3A_2378 = vector.broadcast %add3A_2377 : i32 to vector<16xi32>
    %add3A_2379 = arith.addi %add3A_2378, %iota3A : vector<16xi32>
    %gather3A_2380 = tpu.vector_load_idx %arg8[%add3A_2379, %get3A_2376] : memref<4608x8xf32, #tpu.memory_space<vmem>>[vector<16xi32>, vector<16xi32>], vector<16xf32>,
    %swap3A_2381 = arith.constant 5 : i32
    %swap3A_2382 = arith.index_cast %swap3A_2381 : i32 to index
    %swap3A_2383 = arith.constant 320 : index
    %swap3A_2384 = tpu.vector_load %arg9[%swap3A_2382, %swap3A_2383] {strides = array<i32>} : memref<9x512xf32, #tpu.memory_space<vmem>>, vector<16xf32>,
    tpu.vector_store %arg9[%swap3A_2382, %swap3A_2383], %gather3A_2380 {strides = array<i32>} : memref<9x512xf32, #tpu.memory_space<vmem>>, vector<16xf32>,
    %get3A_2385 = arith.constant 336 : index
    %get3A_2386 = tpu.vector_load %arg6[%get3A_2385] {strides = array<i32>} : memref<512xi32, #tpu.memory_space<vmem>>, vector<16xi32>,
    %add3A_2387 = arith.constant 2896 : i32
    %add3A_2388 = vector.broadcast %add3A_2387 : i32 to vector<16xi32>
    %add3A_2389 = arith.addi %add3A_2388, %iota3A : vector<16xi32>
    %gather3A_2390 = tpu.vector_load_idx %arg8[%add3A_2389, %get3A_2386] : memref<4608x8xf32, #tpu.memory_space<vmem>>[vector<16xi32>, vector<16xi32>], vector<16xf32>,
    %swap3A_2391 = arith.constant 5 : i32
    %swap3A_2392 = arith.index_cast %swap3A_2391 : i32 to index
    %swap3A_2393 = arith.constant 336 : index
    %swap3A_2394 = tpu.vector_load %arg9[%swap3A_2392, %swap3A_2393] {strides = array<i32>} : memref<9x512xf32, #tpu.memory_space<vmem>>, vector<16xf32>,
    tpu.vector_store %arg9[%swap3A_2392, %swap3A_2393], %gather3A_2390 {strides = array<i32>} : memref<9x512xf32, #tpu.memory_space<vmem>>, vector<16xf32>,
    %get3A_2395 = arith.constant 352 : index
    %get3A_2396 = tpu.vector_load %arg6[%get3A_2395] {strides = array<i32>} : memref<512xi32, #tpu.memory_space<vmem>>, vector<16xi32>,
    %add3A_2397 = arith.constant 2912 : i32
    %add3A_2398 = vector.broadcast %add3A_2397 : i32 to vector<16xi32>
    %add3A_2399 = arith.addi %add3A_2398, %iota3A : vector<16xi32>
    %gather3A_2400 = tpu.vector_load_idx %arg8[%add3A_2399, %get3A_2396] : memref<4608x8xf32, #tpu.memory_space<vmem>>[vector<16xi32>, vector<16xi32>], vector<16xf32>,
    %swap3A_2401 = arith.constant 5 : i32
    %swap3A_2402 = arith.index_cast %swap3A_2401 : i32 to index
    %swap3A_2403 = arith.constant 352 : index
    %swap3A_2404 = tpu.vector_load %arg9[%swap3A_2402, %swap3A_2403] {strides = array<i32>} : memref<9x512xf32, #tpu.memory_space<vmem>>, vector<16xf32>,
    tpu.vector_store %arg9[%swap3A_2402, %swap3A_2403], %gather3A_2400 {strides = array<i32>} : memref<9x512xf32, #tpu.memory_space<vmem>>, vector<16xf32>,
    %get3A_2405 = arith.constant 368 : index
    %get3A_2406 = tpu.vector_load %arg6[%get3A_2405] {strides = array<i32>} : memref<512xi32, #tpu.memory_space<vmem>>, vector<16xi32>,
    %add3A_2407 = arith.constant 2928 : i32
    %add3A_2408 = vector.broadcast %add3A_2407 : i32 to vector<16xi32>
    %add3A_2409 = arith.addi %add3A_2408, %iota3A : vector<16xi32>
    %gather3A_2410 = tpu.vector_load_idx %arg8[%add3A_2409, %get3A_2406] : memref<4608x8xf32, #tpu.memory_space<vmem>>[vector<16xi32>, vector<16xi32>], vector<16xf32>,
    %swap3A_2411 = arith.constant 5 : i32
    %swap3A_2412 = arith.index_cast %swap3A_2411 : i32 to index
    %swap3A_2413 = arith.constant 368 : index
    %swap3A_2414 = tpu.vector_load %arg9[%swap3A_2412, %swap3A_2413] {strides = array<i32>} : memref<9x512xf32, #tpu.memory_space<vmem>>, vector<16xf32>,
    tpu.vector_store %arg9[%swap3A_2412, %swap3A_2413], %gather3A_2410 {strides = array<i32>} : memref<9x512xf32, #tpu.memory_space<vmem>>, vector<16xf32>,
    %get3A_2415 = arith.constant 384 : index
    %get3A_2416 = tpu.vector_load %arg6[%get3A_2415] {strides = array<i32>} : memref<512xi32, #tpu.memory_space<vmem>>, vector<16xi32>,
    %add3A_2417 = arith.constant 2944 : i32
    %add3A_2418 = vector.broadcast %add3A_2417 : i32 to vector<16xi32>
    %add3A_2419 = arith.addi %add3A_2418, %iota3A : vector<16xi32>
    %gather3A_2420 = tpu.vector_load_idx %arg8[%add3A_2419, %get3A_2416] : memref<4608x8xf32, #tpu.memory_space<vmem>>[vector<16xi32>, vector<16xi32>], vector<16xf32>,
    %swap3A_2421 = arith.constant 5 : i32
    %swap3A_2422 = arith.index_cast %swap3A_2421 : i32 to index
    %swap3A_2423 = arith.constant 384 : index
    %swap3A_2424 = tpu.vector_load %arg9[%swap3A_2422, %swap3A_2423] {strides = array<i32>} : memref<9x512xf32, #tpu.memory_space<vmem>>, vector<16xf32>,
    tpu.vector_store %arg9[%swap3A_2422, %swap3A_2423], %gather3A_2420 {strides = array<i32>} : memref<9x512xf32, #tpu.memory_space<vmem>>, vector<16xf32>,
    %get3A_2425 = arith.constant 400 : index
    %get3A_2426 = tpu.vector_load %arg6[%get3A_2425] {strides = array<i32>} : memref<512xi32, #tpu.memory_space<vmem>>, vector<16xi32>,
    %add3A_2427 = arith.constant 2960 : i32
    %add3A_2428 = vector.broadcast %add3A_2427 : i32 to vector<16xi32>
    %add3A_2429 = arith.addi %add3A_2428, %iota3A : vector<16xi32>
    %gather3A_2430 = tpu.vector_load_idx %arg8[%add3A_2429, %get3A_2426] : memref<4608x8xf32, #tpu.memory_space<vmem>>[vector<16xi32>, vector<16xi32>], vector<16xf32>,
    %swap3A_2431 = arith.constant 5 : i32
    %swap3A_2432 = arith.index_cast %swap3A_2431 : i32 to index
    %swap3A_2433 = arith.constant 400 : index
    %swap3A_2434 = tpu.vector_load %arg9[%swap3A_2432, %swap3A_2433] {strides = array<i32>} : memref<9x512xf32, #tpu.memory_space<vmem>>, vector<16xf32>,
    tpu.vector_store %arg9[%swap3A_2432, %swap3A_2433], %gather3A_2430 {strides = array<i32>} : memref<9x512xf32, #tpu.memory_space<vmem>>, vector<16xf32>,
    %get3A_2435 = arith.constant 416 : index
    %get3A_2436 = tpu.vector_load %arg6[%get3A_2435] {strides = array<i32>} : memref<512xi32, #tpu.memory_space<vmem>>, vector<16xi32>,
    %add3A_2437 = arith.constant 2976 : i32
    %add3A_2438 = vector.broadcast %add3A_2437 : i32 to vector<16xi32>
    %add3A_2439 = arith.addi %add3A_2438, %iota3A : vector<16xi32>
    %gather3A_2440 = tpu.vector_load_idx %arg8[%add3A_2439, %get3A_2436] : memref<4608x8xf32, #tpu.memory_space<vmem>>[vector<16xi32>, vector<16xi32>], vector<16xf32>,
    %swap3A_2441 = arith.constant 5 : i32
    %swap3A_2442 = arith.index_cast %swap3A_2441 : i32 to index
    %swap3A_2443 = arith.constant 416 : index
    %swap3A_2444 = tpu.vector_load %arg9[%swap3A_2442, %swap3A_2443] {strides = array<i32>} : memref<9x512xf32, #tpu.memory_space<vmem>>, vector<16xf32>,
    tpu.vector_store %arg9[%swap3A_2442, %swap3A_2443], %gather3A_2440 {strides = array<i32>} : memref<9x512xf32, #tpu.memory_space<vmem>>, vector<16xf32>,
    %get3A_2445 = arith.constant 432 : index
    %get3A_2446 = tpu.vector_load %arg6[%get3A_2445] {strides = array<i32>} : memref<512xi32, #tpu.memory_space<vmem>>, vector<16xi32>,
    %add3A_2447 = arith.constant 2992 : i32
    %add3A_2448 = vector.broadcast %add3A_2447 : i32 to vector<16xi32>
    %add3A_2449 = arith.addi %add3A_2448, %iota3A : vector<16xi32>
    %gather3A_2450 = tpu.vector_load_idx %arg8[%add3A_2449, %get3A_2446] : memref<4608x8xf32, #tpu.memory_space<vmem>>[vector<16xi32>, vector<16xi32>], vector<16xf32>,
    %swap3A_2451 = arith.constant 5 : i32
    %swap3A_2452 = arith.index_cast %swap3A_2451 : i32 to index
    %swap3A_2453 = arith.constant 432 : index
    %swap3A_2454 = tpu.vector_load %arg9[%swap3A_2452, %swap3A_2453] {strides = array<i32>} : memref<9x512xf32, #tpu.memory_space<vmem>>, vector<16xf32>,
    tpu.vector_store %arg9[%swap3A_2452, %swap3A_2453], %gather3A_2450 {strides = array<i32>} : memref<9x512xf32, #tpu.memory_space<vmem>>, vector<16xf32>,
    %get3A_2455 = arith.constant 448 : index
    %get3A_2456 = tpu.vector_load %arg6[%get3A_2455] {strides = array<i32>} : memref<512xi32, #tpu.memory_space<vmem>>, vector<16xi32>,
    %add3A_2457 = arith.constant 3008 : i32
    %add3A_2458 = vector.broadcast %add3A_2457 : i32 to vector<16xi32>
    %add3A_2459 = arith.addi %add3A_2458, %iota3A : vector<16xi32>
    %gather3A_2460 = tpu.vector_load_idx %arg8[%add3A_2459, %get3A_2456] : memref<4608x8xf32, #tpu.memory_space<vmem>>[vector<16xi32>, vector<16xi32>], vector<16xf32>,
    %swap3A_2461 = arith.constant 5 : i32
    %swap3A_2462 = arith.index_cast %swap3A_2461 : i32 to index
    %swap3A_2463 = arith.constant 448 : index
    %swap3A_2464 = tpu.vector_load %arg9[%swap3A_2462, %swap3A_2463] {strides = array<i32>} : memref<9x512xf32, #tpu.memory_space<vmem>>, vector<16xf32>,
    tpu.vector_store %arg9[%swap3A_2462, %swap3A_2463], %gather3A_2460 {strides = array<i32>} : memref<9x512xf32, #tpu.memory_space<vmem>>, vector<16xf32>,
    %get3A_2465 = arith.constant 464 : index
    %get3A_2466 = tpu.vector_load %arg6[%get3A_2465] {strides = array<i32>} : memref<512xi32, #tpu.memory_space<vmem>>, vector<16xi32>,
    %add3A_2467 = arith.constant 3024 : i32
    %add3A_2468 = vector.broadcast %add3A_2467 : i32 to vector<16xi32>
    %add3A_2469 = arith.addi %add3A_2468, %iota3A : vector<16xi32>
    %gather3A_2470 = tpu.vector_load_idx %arg8[%add3A_2469, %get3A_2466] : memref<4608x8xf32, #tpu.memory_space<vmem>>[vector<16xi32>, vector<16xi32>], vector<16xf32>,
    %swap3A_2471 = arith.constant 5 : i32
    %swap3A_2472 = arith.index_cast %swap3A_2471 : i32 to index
    %swap3A_2473 = arith.constant 464 : index
    %swap3A_2474 = tpu.vector_load %arg9[%swap3A_2472, %swap3A_2473] {strides = array<i32>} : memref<9x512xf32, #tpu.memory_space<vmem>>, vector<16xf32>,
    tpu.vector_store %arg9[%swap3A_2472, %swap3A_2473], %gather3A_2470 {strides = array<i32>} : memref<9x512xf32, #tpu.memory_space<vmem>>, vector<16xf32>,
    %get3A_2475 = arith.constant 480 : index
    %get3A_2476 = tpu.vector_load %arg6[%get3A_2475] {strides = array<i32>} : memref<512xi32, #tpu.memory_space<vmem>>, vector<16xi32>,
    %add3A_2477 = arith.constant 3040 : i32
    %add3A_2478 = vector.broadcast %add3A_2477 : i32 to vector<16xi32>
    %add3A_2479 = arith.addi %add3A_2478, %iota3A : vector<16xi32>
    %gather3A_2480 = tpu.vector_load_idx %arg8[%add3A_2479, %get3A_2476] : memref<4608x8xf32, #tpu.memory_space<vmem>>[vector<16xi32>, vector<16xi32>], vector<16xf32>,
    %swap3A_2481 = arith.constant 5 : i32
    %swap3A_2482 = arith.index_cast %swap3A_2481 : i32 to index
    %swap3A_2483 = arith.constant 480 : index
    %swap3A_2484 = tpu.vector_load %arg9[%swap3A_2482, %swap3A_2483] {strides = array<i32>} : memref<9x512xf32, #tpu.memory_space<vmem>>, vector<16xf32>,
    tpu.vector_store %arg9[%swap3A_2482, %swap3A_2483], %gather3A_2480 {strides = array<i32>} : memref<9x512xf32, #tpu.memory_space<vmem>>, vector<16xf32>,
    %get3A_2485 = arith.constant 496 : index
    %get3A_2486 = tpu.vector_load %arg6[%get3A_2485] {strides = array<i32>} : memref<512xi32, #tpu.memory_space<vmem>>, vector<16xi32>,
    %add3A_2487 = arith.constant 3056 : i32
    %add3A_2488 = vector.broadcast %add3A_2487 : i32 to vector<16xi32>
    %add3A_2489 = arith.addi %add3A_2488, %iota3A : vector<16xi32>
    %gather3A_2490 = tpu.vector_load_idx %arg8[%add3A_2489, %get3A_2486] : memref<4608x8xf32, #tpu.memory_space<vmem>>[vector<16xi32>, vector<16xi32>], vector<16xf32>,
    %swap3A_2491 = arith.constant 5 : i32
    %swap3A_2492 = arith.index_cast %swap3A_2491 : i32 to index
    %swap3A_2493 = arith.constant 496 : index
    %swap3A_2494 = tpu.vector_load %arg9[%swap3A_2492, %swap3A_2493] {strides = array<i32>} : memref<9x512xf32, #tpu.memory_space<vmem>>, vector<16xf32>,
    tpu.vector_store %arg9[%swap3A_2492, %swap3A_2493], %gather3A_2490 {strides = array<i32>} : memref<9x512xf32, #tpu.memory_space<vmem>>, vector<16xf32>,
    %dma_start3A_2495 = arith.constant 5 : i32
    %dma_start3A_2496 = arith.constant 5 : i32
    %dma_start3A_2497 = arith.constant 0 : i32
    %dma_start3A_2498 = tpu.memref_slice %arg9[%dma_start3A_2495, %dma_start3A_2497] : memref<9x512xf32, #tpu.memory_space<vmem>> -> memref<1x512xf32, #tpu.memory_space<vmem>>
    %dma_start3A_2499 = tpu.memref_squeeze %dma_start3A_2498 : memref<1x512xf32, #tpu.memory_space<vmem>> -> memref<512xf32, #tpu.memory_space<vmem>>
    %dma_start3A_2500 = tpu.memref_slice %arg4[%dma_start3A_2496, %mul3A_2] : memref<9x16384xf32, #tpu.memory_space<hbm>> -> memref<1x512xf32, #tpu.memory_space<hbm>>
    %dma_start3A_2501 = tpu.memref_squeeze %dma_start3A_2500 : memref<1x512xf32, #tpu.memory_space<hbm>> -> memref<512xf32, #tpu.memory_space<hbm>>
    %dma_start3A_2502 = tpu.memref_slice %arg4[%dma_start3A_2496, %mul3A_2] : memref<9x16384xf32, #tpu.memory_space<hbm>> -> memref<1x512xf32, #tpu.memory_space<hbm>>
    %dma_start3A_2503 = tpu.memref_squeeze %dma_start3A_2502 : memref<1x512xf32, #tpu.memory_space<hbm>> -> memref<512xf32, #tpu.memory_space<hbm>>
    %dma_start3A_2504 = arith.constant 0 : i32
    %dma_start3A_2505 = tpu.memref_slice %arg9[%dma_start3A_2495, %dma_start3A_2504] : memref<9x512xf32, #tpu.memory_space<vmem>> -> memref<1x512xf32, #tpu.memory_space<vmem>>
    %dma_start3A_2506 = tpu.memref_squeeze %dma_start3A_2505 : memref<1x512xf32, #tpu.memory_space<vmem>> -> memref<512xf32, #tpu.memory_space<vmem>>
    tpu.enqueue_dma source(%dma_start3A_2506 : memref<512xf32, #tpu.memory_space<vmem>>) target(%dma_start3A_2503 : memref<512xf32, #tpu.memory_space<hbm>>) target_semaphore(%arg15 : memref<!tpu.dma_semaphore, #tpu.memory_space<semaphore_mem>>)
    %dma_wait3A_2507 = arith.constant 3072 : i32
    %dma_wait3A_2508 = arith.constant 0 : i32
    %dma_wait3A_2509 = tpu.memref_slice %arg8[%dma_wait3A_2507, %dma_wait3A_2508] : memref<4608x8xf32, #tpu.memory_space<vmem>> -> memref<512x8xf32, #tpu.memory_space<vmem>>
    %dma_wait3A_2510 = arith.constant 75000 : i32
    %dma_wait3A_2511 = arith.constant 0 : i32
    %dma_wait3A_2512 = tpu.memref_slice %arg2[%dma_wait3A_2510, %dma_wait3A_2511] : memref<112500x8xf32, #tpu.memory_space<hbm>> -> memref<12500x8xf32, #tpu.memory_space<hbm>>
    %dma_wait3A_2513 = arith.constant 0 : i32
    %dma_wait3A_2514 = arith.constant 0 : i32
    %dma_wait3A_2515 = tpu.memref_slice %dma_wait3A_2512[%dma_wait3A_2513, %dma_wait3A_2514] : memref<12500x8xf32, #tpu.memory_space<hbm>> -> memref<12500x8xf32, #tpu.memory_space<hbm>>
    tpu.wait_indirect_dma semaphore(%arg16 : memref<!tpu.dma_semaphore, #tpu.memory_space<semaphore_mem>>) src(%dma_wait3A_2515 : memref<12500x8xf32, #tpu.memory_space<hbm>>) dst(%dma_wait3A_2509 : memref<512x8xf32, #tpu.memory_space<vmem>>)
    %get3A_2516 = arith.constant 0 : index
    %get3A_2517 = tpu.vector_load %arg6[%get3A_2516] {strides = array<i32>} : memref<512xi32, #tpu.memory_space<vmem>>, vector<16xi32>,
    %add3A_2518 = arith.constant 3072 : i32
    %add3A_2519 = vector.broadcast %add3A_2518 : i32 to vector<16xi32>
    %add3A_2520 = arith.addi %add3A_2519, %iota3A : vector<16xi32>
    %gather3A_2521 = tpu.vector_load_idx %arg8[%add3A_2520, %get3A_2517] : memref<4608x8xf32, #tpu.memory_space<vmem>>[vector<16xi32>, vector<16xi32>], vector<16xf32>,
    %swap3A_2522 = arith.constant 6 : i32
    %swap3A_2523 = arith.index_cast %swap3A_2522 : i32 to index
    %swap3A_2524 = arith.constant 0 : index
    %swap3A_2525 = tpu.vector_load %arg9[%swap3A_2523, %swap3A_2524] {strides = array<i32>} : memref<9x512xf32, #tpu.memory_space<vmem>>, vector<16xf32>,
    tpu.vector_store %arg9[%swap3A_2523, %swap3A_2524], %gather3A_2521 {strides = array<i32>} : memref<9x512xf32, #tpu.memory_space<vmem>>, vector<16xf32>,
    %get3A_2526 = arith.constant 16 : index
    %get3A_2527 = tpu.vector_load %arg6[%get3A_2526] {strides = array<i32>} : memref<512xi32, #tpu.memory_space<vmem>>, vector<16xi32>,
    %add3A_2528 = arith.constant 3088 : i32
    %add3A_2529 = vector.broadcast %add3A_2528 : i32 to vector<16xi32>
    %add3A_2530 = arith.addi %add3A_2529, %iota3A : vector<16xi32>
    %gather3A_2531 = tpu.vector_load_idx %arg8[%add3A_2530, %get3A_2527] : memref<4608x8xf32, #tpu.memory_space<vmem>>[vector<16xi32>, vector<16xi32>], vector<16xf32>,
    %swap3A_2532 = arith.constant 6 : i32
    %swap3A_2533 = arith.index_cast %swap3A_2532 : i32 to index
    %swap3A_2534 = arith.constant 16 : index
    %swap3A_2535 = tpu.vector_load %arg9[%swap3A_2533, %swap3A_2534] {strides = array<i32>} : memref<9x512xf32, #tpu.memory_space<vmem>>, vector<16xf32>,
    tpu.vector_store %arg9[%swap3A_2533, %swap3A_2534], %gather3A_2531 {strides = array<i32>} : memref<9x512xf32, #tpu.memory_space<vmem>>, vector<16xf32>,
    %get3A_2536 = arith.constant 32 : index
    %get3A_2537 = tpu.vector_load %arg6[%get3A_2536] {strides = array<i32>} : memref<512xi32, #tpu.memory_space<vmem>>, vector<16xi32>,
    %add3A_2538 = arith.constant 3104 : i32
    %add3A_2539 = vector.broadcast %add3A_2538 : i32 to vector<16xi32>
    %add3A_2540 = arith.addi %add3A_2539, %iota3A : vector<16xi32>
    %gather3A_2541 = tpu.vector_load_idx %arg8[%add3A_2540, %get3A_2537] : memref<4608x8xf32, #tpu.memory_space<vmem>>[vector<16xi32>, vector<16xi32>], vector<16xf32>,
    %swap3A_2542 = arith.constant 6 : i32
    %swap3A_2543 = arith.index_cast %swap3A_2542 : i32 to index
    %swap3A_2544 = arith.constant 32 : index
    %swap3A_2545 = tpu.vector_load %arg9[%swap3A_2543, %swap3A_2544] {strides = array<i32>} : memref<9x512xf32, #tpu.memory_space<vmem>>, vector<16xf32>,
    tpu.vector_store %arg9[%swap3A_2543, %swap3A_2544], %gather3A_2541 {strides = array<i32>} : memref<9x512xf32, #tpu.memory_space<vmem>>, vector<16xf32>,
    %get3A_2546 = arith.constant 48 : index
    %get3A_2547 = tpu.vector_load %arg6[%get3A_2546] {strides = array<i32>} : memref<512xi32, #tpu.memory_space<vmem>>, vector<16xi32>,
    %add3A_2548 = arith.constant 3120 : i32
    %add3A_2549 = vector.broadcast %add3A_2548 : i32 to vector<16xi32>
    %add3A_2550 = arith.addi %add3A_2549, %iota3A : vector<16xi32>
    %gather3A_2551 = tpu.vector_load_idx %arg8[%add3A_2550, %get3A_2547] : memref<4608x8xf32, #tpu.memory_space<vmem>>[vector<16xi32>, vector<16xi32>], vector<16xf32>,
    %swap3A_2552 = arith.constant 6 : i32
    %swap3A_2553 = arith.index_cast %swap3A_2552 : i32 to index
    %swap3A_2554 = arith.constant 48 : index
    %swap3A_2555 = tpu.vector_load %arg9[%swap3A_2553, %swap3A_2554] {strides = array<i32>} : memref<9x512xf32, #tpu.memory_space<vmem>>, vector<16xf32>,
    tpu.vector_store %arg9[%swap3A_2553, %swap3A_2554], %gather3A_2551 {strides = array<i32>} : memref<9x512xf32, #tpu.memory_space<vmem>>, vector<16xf32>,
    %get3A_2556 = arith.constant 64 : index
    %get3A_2557 = tpu.vector_load %arg6[%get3A_2556] {strides = array<i32>} : memref<512xi32, #tpu.memory_space<vmem>>, vector<16xi32>,
    %add3A_2558 = arith.constant 3136 : i32
    %add3A_2559 = vector.broadcast %add3A_2558 : i32 to vector<16xi32>
    %add3A_2560 = arith.addi %add3A_2559, %iota3A : vector<16xi32>
    %gather3A_2561 = tpu.vector_load_idx %arg8[%add3A_2560, %get3A_2557] : memref<4608x8xf32, #tpu.memory_space<vmem>>[vector<16xi32>, vector<16xi32>], vector<16xf32>,
    %swap3A_2562 = arith.constant 6 : i32
    %swap3A_2563 = arith.index_cast %swap3A_2562 : i32 to index
    %swap3A_2564 = arith.constant 64 : index
    %swap3A_2565 = tpu.vector_load %arg9[%swap3A_2563, %swap3A_2564] {strides = array<i32>} : memref<9x512xf32, #tpu.memory_space<vmem>>, vector<16xf32>,
    tpu.vector_store %arg9[%swap3A_2563, %swap3A_2564], %gather3A_2561 {strides = array<i32>} : memref<9x512xf32, #tpu.memory_space<vmem>>, vector<16xf32>,
    %get3A_2566 = arith.constant 80 : index
    %get3A_2567 = tpu.vector_load %arg6[%get3A_2566] {strides = array<i32>} : memref<512xi32, #tpu.memory_space<vmem>>, vector<16xi32>,
    %add3A_2568 = arith.constant 3152 : i32
    %add3A_2569 = vector.broadcast %add3A_2568 : i32 to vector<16xi32>
    %add3A_2570 = arith.addi %add3A_2569, %iota3A : vector<16xi32>
    %gather3A_2571 = tpu.vector_load_idx %arg8[%add3A_2570, %get3A_2567] : memref<4608x8xf32, #tpu.memory_space<vmem>>[vector<16xi32>, vector<16xi32>], vector<16xf32>,
    %swap3A_2572 = arith.constant 6 : i32
    %swap3A_2573 = arith.index_cast %swap3A_2572 : i32 to index
    %swap3A_2574 = arith.constant 80 : index
    %swap3A_2575 = tpu.vector_load %arg9[%swap3A_2573, %swap3A_2574] {strides = array<i32>} : memref<9x512xf32, #tpu.memory_space<vmem>>, vector<16xf32>,
    tpu.vector_store %arg9[%swap3A_2573, %swap3A_2574], %gather3A_2571 {strides = array<i32>} : memref<9x512xf32, #tpu.memory_space<vmem>>, vector<16xf32>,
    %get3A_2576 = arith.constant 96 : index
    %get3A_2577 = tpu.vector_load %arg6[%get3A_2576] {strides = array<i32>} : memref<512xi32, #tpu.memory_space<vmem>>, vector<16xi32>,
    %add3A_2578 = arith.constant 3168 : i32
    %add3A_2579 = vector.broadcast %add3A_2578 : i32 to vector<16xi32>
    %add3A_2580 = arith.addi %add3A_2579, %iota3A : vector<16xi32>
    %gather3A_2581 = tpu.vector_load_idx %arg8[%add3A_2580, %get3A_2577] : memref<4608x8xf32, #tpu.memory_space<vmem>>[vector<16xi32>, vector<16xi32>], vector<16xf32>,
    %swap3A_2582 = arith.constant 6 : i32
    %swap3A_2583 = arith.index_cast %swap3A_2582 : i32 to index
    %swap3A_2584 = arith.constant 96 : index
    %swap3A_2585 = tpu.vector_load %arg9[%swap3A_2583, %swap3A_2584] {strides = array<i32>} : memref<9x512xf32, #tpu.memory_space<vmem>>, vector<16xf32>,
    tpu.vector_store %arg9[%swap3A_2583, %swap3A_2584], %gather3A_2581 {strides = array<i32>} : memref<9x512xf32, #tpu.memory_space<vmem>>, vector<16xf32>,
    %get3A_2586 = arith.constant 112 : index
    %get3A_2587 = tpu.vector_load %arg6[%get3A_2586] {strides = array<i32>} : memref<512xi32, #tpu.memory_space<vmem>>, vector<16xi32>,
    %add3A_2588 = arith.constant 3184 : i32
    %add3A_2589 = vector.broadcast %add3A_2588 : i32 to vector<16xi32>
    %add3A_2590 = arith.addi %add3A_2589, %iota3A : vector<16xi32>
    %gather3A_2591 = tpu.vector_load_idx %arg8[%add3A_2590, %get3A_2587] : memref<4608x8xf32, #tpu.memory_space<vmem>>[vector<16xi32>, vector<16xi32>], vector<16xf32>,
    %swap3A_2592 = arith.constant 6 : i32
    %swap3A_2593 = arith.index_cast %swap3A_2592 : i32 to index
    %swap3A_2594 = arith.constant 112 : index
    %swap3A_2595 = tpu.vector_load %arg9[%swap3A_2593, %swap3A_2594] {strides = array<i32>} : memref<9x512xf32, #tpu.memory_space<vmem>>, vector<16xf32>,
    tpu.vector_store %arg9[%swap3A_2593, %swap3A_2594], %gather3A_2591 {strides = array<i32>} : memref<9x512xf32, #tpu.memory_space<vmem>>, vector<16xf32>,
    %get3A_2596 = arith.constant 128 : index
    %get3A_2597 = tpu.vector_load %arg6[%get3A_2596] {strides = array<i32>} : memref<512xi32, #tpu.memory_space<vmem>>, vector<16xi32>,
    %add3A_2598 = arith.constant 3200 : i32
    %add3A_2599 = vector.broadcast %add3A_2598 : i32 to vector<16xi32>
    %add3A_2600 = arith.addi %add3A_2599, %iota3A : vector<16xi32>
    %gather3A_2601 = tpu.vector_load_idx %arg8[%add3A_2600, %get3A_2597] : memref<4608x8xf32, #tpu.memory_space<vmem>>[vector<16xi32>, vector<16xi32>], vector<16xf32>,
    %swap3A_2602 = arith.constant 6 : i32
    %swap3A_2603 = arith.index_cast %swap3A_2602 : i32 to index
    %swap3A_2604 = arith.constant 128 : index
    %swap3A_2605 = tpu.vector_load %arg9[%swap3A_2603, %swap3A_2604] {strides = array<i32>} : memref<9x512xf32, #tpu.memory_space<vmem>>, vector<16xf32>,
    tpu.vector_store %arg9[%swap3A_2603, %swap3A_2604], %gather3A_2601 {strides = array<i32>} : memref<9x512xf32, #tpu.memory_space<vmem>>, vector<16xf32>,
    %get3A_2606 = arith.constant 144 : index
    %get3A_2607 = tpu.vector_load %arg6[%get3A_2606] {strides = array<i32>} : memref<512xi32, #tpu.memory_space<vmem>>, vector<16xi32>,
    %add3A_2608 = arith.constant 3216 : i32
    %add3A_2609 = vector.broadcast %add3A_2608 : i32 to vector<16xi32>
    %add3A_2610 = arith.addi %add3A_2609, %iota3A : vector<16xi32>
    %gather3A_2611 = tpu.vector_load_idx %arg8[%add3A_2610, %get3A_2607] : memref<4608x8xf32, #tpu.memory_space<vmem>>[vector<16xi32>, vector<16xi32>], vector<16xf32>,
    %swap3A_2612 = arith.constant 6 : i32
    %swap3A_2613 = arith.index_cast %swap3A_2612 : i32 to index
    %swap3A_2614 = arith.constant 144 : index
    %swap3A_2615 = tpu.vector_load %arg9[%swap3A_2613, %swap3A_2614] {strides = array<i32>} : memref<9x512xf32, #tpu.memory_space<vmem>>, vector<16xf32>,
    tpu.vector_store %arg9[%swap3A_2613, %swap3A_2614], %gather3A_2611 {strides = array<i32>} : memref<9x512xf32, #tpu.memory_space<vmem>>, vector<16xf32>,
    %get3A_2616 = arith.constant 160 : index
    %get3A_2617 = tpu.vector_load %arg6[%get3A_2616] {strides = array<i32>} : memref<512xi32, #tpu.memory_space<vmem>>, vector<16xi32>,
    %add3A_2618 = arith.constant 3232 : i32
    %add3A_2619 = vector.broadcast %add3A_2618 : i32 to vector<16xi32>
    %add3A_2620 = arith.addi %add3A_2619, %iota3A : vector<16xi32>
    %gather3A_2621 = tpu.vector_load_idx %arg8[%add3A_2620, %get3A_2617] : memref<4608x8xf32, #tpu.memory_space<vmem>>[vector<16xi32>, vector<16xi32>], vector<16xf32>,
    %swap3A_2622 = arith.constant 6 : i32
    %swap3A_2623 = arith.index_cast %swap3A_2622 : i32 to index
    %swap3A_2624 = arith.constant 160 : index
    %swap3A_2625 = tpu.vector_load %arg9[%swap3A_2623, %swap3A_2624] {strides = array<i32>} : memref<9x512xf32, #tpu.memory_space<vmem>>, vector<16xf32>,
    tpu.vector_store %arg9[%swap3A_2623, %swap3A_2624], %gather3A_2621 {strides = array<i32>} : memref<9x512xf32, #tpu.memory_space<vmem>>, vector<16xf32>,
    %get3A_2626 = arith.constant 176 : index
    %get3A_2627 = tpu.vector_load %arg6[%get3A_2626] {strides = array<i32>} : memref<512xi32, #tpu.memory_space<vmem>>, vector<16xi32>,
    %add3A_2628 = arith.constant 3248 : i32
    %add3A_2629 = vector.broadcast %add3A_2628 : i32 to vector<16xi32>
    %add3A_2630 = arith.addi %add3A_2629, %iota3A : vector<16xi32>
    %gather3A_2631 = tpu.vector_load_idx %arg8[%add3A_2630, %get3A_2627] : memref<4608x8xf32, #tpu.memory_space<vmem>>[vector<16xi32>, vector<16xi32>], vector<16xf32>,
    %swap3A_2632 = arith.constant 6 : i32
    %swap3A_2633 = arith.index_cast %swap3A_2632 : i32 to index
    %swap3A_2634 = arith.constant 176 : index
    %swap3A_2635 = tpu.vector_load %arg9[%swap3A_2633, %swap3A_2634] {strides = array<i32>} : memref<9x512xf32, #tpu.memory_space<vmem>>, vector<16xf32>,
    tpu.vector_store %arg9[%swap3A_2633, %swap3A_2634], %gather3A_2631 {strides = array<i32>} : memref<9x512xf32, #tpu.memory_space<vmem>>, vector<16xf32>,
    %get3A_2636 = arith.constant 192 : index
    %get3A_2637 = tpu.vector_load %arg6[%get3A_2636] {strides = array<i32>} : memref<512xi32, #tpu.memory_space<vmem>>, vector<16xi32>,
    %add3A_2638 = arith.constant 3264 : i32
    %add3A_2639 = vector.broadcast %add3A_2638 : i32 to vector<16xi32>
    %add3A_2640 = arith.addi %add3A_2639, %iota3A : vector<16xi32>
    %gather3A_2641 = tpu.vector_load_idx %arg8[%add3A_2640, %get3A_2637] : memref<4608x8xf32, #tpu.memory_space<vmem>>[vector<16xi32>, vector<16xi32>], vector<16xf32>,
    %swap3A_2642 = arith.constant 6 : i32
    %swap3A_2643 = arith.index_cast %swap3A_2642 : i32 to index
    %swap3A_2644 = arith.constant 192 : index
    %swap3A_2645 = tpu.vector_load %arg9[%swap3A_2643, %swap3A_2644] {strides = array<i32>} : memref<9x512xf32, #tpu.memory_space<vmem>>, vector<16xf32>,
    tpu.vector_store %arg9[%swap3A_2643, %swap3A_2644], %gather3A_2641 {strides = array<i32>} : memref<9x512xf32, #tpu.memory_space<vmem>>, vector<16xf32>,
    %get3A_2646 = arith.constant 208 : index
    %get3A_2647 = tpu.vector_load %arg6[%get3A_2646] {strides = array<i32>} : memref<512xi32, #tpu.memory_space<vmem>>, vector<16xi32>,
    %add3A_2648 = arith.constant 3280 : i32
    %add3A_2649 = vector.broadcast %add3A_2648 : i32 to vector<16xi32>
    %add3A_2650 = arith.addi %add3A_2649, %iota3A : vector<16xi32>
    %gather3A_2651 = tpu.vector_load_idx %arg8[%add3A_2650, %get3A_2647] : memref<4608x8xf32, #tpu.memory_space<vmem>>[vector<16xi32>, vector<16xi32>], vector<16xf32>,
    %swap3A_2652 = arith.constant 6 : i32
    %swap3A_2653 = arith.index_cast %swap3A_2652 : i32 to index
    %swap3A_2654 = arith.constant 208 : index
    %swap3A_2655 = tpu.vector_load %arg9[%swap3A_2653, %swap3A_2654] {strides = array<i32>} : memref<9x512xf32, #tpu.memory_space<vmem>>, vector<16xf32>,
    tpu.vector_store %arg9[%swap3A_2653, %swap3A_2654], %gather3A_2651 {strides = array<i32>} : memref<9x512xf32, #tpu.memory_space<vmem>>, vector<16xf32>,
    %get3A_2656 = arith.constant 224 : index
    %get3A_2657 = tpu.vector_load %arg6[%get3A_2656] {strides = array<i32>} : memref<512xi32, #tpu.memory_space<vmem>>, vector<16xi32>,
    %add3A_2658 = arith.constant 3296 : i32
    %add3A_2659 = vector.broadcast %add3A_2658 : i32 to vector<16xi32>
    %add3A_2660 = arith.addi %add3A_2659, %iota3A : vector<16xi32>
    %gather3A_2661 = tpu.vector_load_idx %arg8[%add3A_2660, %get3A_2657] : memref<4608x8xf32, #tpu.memory_space<vmem>>[vector<16xi32>, vector<16xi32>], vector<16xf32>,
    %swap3A_2662 = arith.constant 6 : i32
    %swap3A_2663 = arith.index_cast %swap3A_2662 : i32 to index
    %swap3A_2664 = arith.constant 224 : index
    %swap3A_2665 = tpu.vector_load %arg9[%swap3A_2663, %swap3A_2664] {strides = array<i32>} : memref<9x512xf32, #tpu.memory_space<vmem>>, vector<16xf32>,
    tpu.vector_store %arg9[%swap3A_2663, %swap3A_2664], %gather3A_2661 {strides = array<i32>} : memref<9x512xf32, #tpu.memory_space<vmem>>, vector<16xf32>,
    %get3A_2666 = arith.constant 240 : index
    %get3A_2667 = tpu.vector_load %arg6[%get3A_2666] {strides = array<i32>} : memref<512xi32, #tpu.memory_space<vmem>>, vector<16xi32>,
    %add3A_2668 = arith.constant 3312 : i32
    %add3A_2669 = vector.broadcast %add3A_2668 : i32 to vector<16xi32>
    %add3A_2670 = arith.addi %add3A_2669, %iota3A : vector<16xi32>
    %gather3A_2671 = tpu.vector_load_idx %arg8[%add3A_2670, %get3A_2667] : memref<4608x8xf32, #tpu.memory_space<vmem>>[vector<16xi32>, vector<16xi32>], vector<16xf32>,
    %swap3A_2672 = arith.constant 6 : i32
    %swap3A_2673 = arith.index_cast %swap3A_2672 : i32 to index
    %swap3A_2674 = arith.constant 240 : index
    %swap3A_2675 = tpu.vector_load %arg9[%swap3A_2673, %swap3A_2674] {strides = array<i32>} : memref<9x512xf32, #tpu.memory_space<vmem>>, vector<16xf32>,
    tpu.vector_store %arg9[%swap3A_2673, %swap3A_2674], %gather3A_2671 {strides = array<i32>} : memref<9x512xf32, #tpu.memory_space<vmem>>, vector<16xf32>,
    %get3A_2676 = arith.constant 256 : index
    %get3A_2677 = tpu.vector_load %arg6[%get3A_2676] {strides = array<i32>} : memref<512xi32, #tpu.memory_space<vmem>>, vector<16xi32>,
    %add3A_2678 = arith.constant 3328 : i32
    %add3A_2679 = vector.broadcast %add3A_2678 : i32 to vector<16xi32>
    %add3A_2680 = arith.addi %add3A_2679, %iota3A : vector<16xi32>
    %gather3A_2681 = tpu.vector_load_idx %arg8[%add3A_2680, %get3A_2677] : memref<4608x8xf32, #tpu.memory_space<vmem>>[vector<16xi32>, vector<16xi32>], vector<16xf32>,
    %swap3A_2682 = arith.constant 6 : i32
    %swap3A_2683 = arith.index_cast %swap3A_2682 : i32 to index
    %swap3A_2684 = arith.constant 256 : index
    %swap3A_2685 = tpu.vector_load %arg9[%swap3A_2683, %swap3A_2684] {strides = array<i32>} : memref<9x512xf32, #tpu.memory_space<vmem>>, vector<16xf32>,
    tpu.vector_store %arg9[%swap3A_2683, %swap3A_2684], %gather3A_2681 {strides = array<i32>} : memref<9x512xf32, #tpu.memory_space<vmem>>, vector<16xf32>,
    %get3A_2686 = arith.constant 272 : index
    %get3A_2687 = tpu.vector_load %arg6[%get3A_2686] {strides = array<i32>} : memref<512xi32, #tpu.memory_space<vmem>>, vector<16xi32>,
    %add3A_2688 = arith.constant 3344 : i32
    %add3A_2689 = vector.broadcast %add3A_2688 : i32 to vector<16xi32>
    %add3A_2690 = arith.addi %add3A_2689, %iota3A : vector<16xi32>
    %gather3A_2691 = tpu.vector_load_idx %arg8[%add3A_2690, %get3A_2687] : memref<4608x8xf32, #tpu.memory_space<vmem>>[vector<16xi32>, vector<16xi32>], vector<16xf32>,
    %swap3A_2692 = arith.constant 6 : i32
    %swap3A_2693 = arith.index_cast %swap3A_2692 : i32 to index
    %swap3A_2694 = arith.constant 272 : index
    %swap3A_2695 = tpu.vector_load %arg9[%swap3A_2693, %swap3A_2694] {strides = array<i32>} : memref<9x512xf32, #tpu.memory_space<vmem>>, vector<16xf32>,
    tpu.vector_store %arg9[%swap3A_2693, %swap3A_2694], %gather3A_2691 {strides = array<i32>} : memref<9x512xf32, #tpu.memory_space<vmem>>, vector<16xf32>,
    %get3A_2696 = arith.constant 288 : index
    %get3A_2697 = tpu.vector_load %arg6[%get3A_2696] {strides = array<i32>} : memref<512xi32, #tpu.memory_space<vmem>>, vector<16xi32>,
    %add3A_2698 = arith.constant 3360 : i32
    %add3A_2699 = vector.broadcast %add3A_2698 : i32 to vector<16xi32>
    %add3A_2700 = arith.addi %add3A_2699, %iota3A : vector<16xi32>
    %gather3A_2701 = tpu.vector_load_idx %arg8[%add3A_2700, %get3A_2697] : memref<4608x8xf32, #tpu.memory_space<vmem>>[vector<16xi32>, vector<16xi32>], vector<16xf32>,
    %swap3A_2702 = arith.constant 6 : i32
    %swap3A_2703 = arith.index_cast %swap3A_2702 : i32 to index
    %swap3A_2704 = arith.constant 288 : index
    %swap3A_2705 = tpu.vector_load %arg9[%swap3A_2703, %swap3A_2704] {strides = array<i32>} : memref<9x512xf32, #tpu.memory_space<vmem>>, vector<16xf32>,
    tpu.vector_store %arg9[%swap3A_2703, %swap3A_2704], %gather3A_2701 {strides = array<i32>} : memref<9x512xf32, #tpu.memory_space<vmem>>, vector<16xf32>,
    %get3A_2706 = arith.constant 304 : index
    %get3A_2707 = tpu.vector_load %arg6[%get3A_2706] {strides = array<i32>} : memref<512xi32, #tpu.memory_space<vmem>>, vector<16xi32>,
    %add3A_2708 = arith.constant 3376 : i32
    %add3A_2709 = vector.broadcast %add3A_2708 : i32 to vector<16xi32>
    %add3A_2710 = arith.addi %add3A_2709, %iota3A : vector<16xi32>
    %gather3A_2711 = tpu.vector_load_idx %arg8[%add3A_2710, %get3A_2707] : memref<4608x8xf32, #tpu.memory_space<vmem>>[vector<16xi32>, vector<16xi32>], vector<16xf32>,
    %swap3A_2712 = arith.constant 6 : i32
    %swap3A_2713 = arith.index_cast %swap3A_2712 : i32 to index
    %swap3A_2714 = arith.constant 304 : index
    %swap3A_2715 = tpu.vector_load %arg9[%swap3A_2713, %swap3A_2714] {strides = array<i32>} : memref<9x512xf32, #tpu.memory_space<vmem>>, vector<16xf32>,
    tpu.vector_store %arg9[%swap3A_2713, %swap3A_2714], %gather3A_2711 {strides = array<i32>} : memref<9x512xf32, #tpu.memory_space<vmem>>, vector<16xf32>,
    %get3A_2716 = arith.constant 320 : index
    %get3A_2717 = tpu.vector_load %arg6[%get3A_2716] {strides = array<i32>} : memref<512xi32, #tpu.memory_space<vmem>>, vector<16xi32>,
    %add3A_2718 = arith.constant 3392 : i32
    %add3A_2719 = vector.broadcast %add3A_2718 : i32 to vector<16xi32>
    %add3A_2720 = arith.addi %add3A_2719, %iota3A : vector<16xi32>
    %gather3A_2721 = tpu.vector_load_idx %arg8[%add3A_2720, %get3A_2717] : memref<4608x8xf32, #tpu.memory_space<vmem>>[vector<16xi32>, vector<16xi32>], vector<16xf32>,
    %swap3A_2722 = arith.constant 6 : i32
    %swap3A_2723 = arith.index_cast %swap3A_2722 : i32 to index
    %swap3A_2724 = arith.constant 320 : index
    %swap3A_2725 = tpu.vector_load %arg9[%swap3A_2723, %swap3A_2724] {strides = array<i32>} : memref<9x512xf32, #tpu.memory_space<vmem>>, vector<16xf32>,
    tpu.vector_store %arg9[%swap3A_2723, %swap3A_2724], %gather3A_2721 {strides = array<i32>} : memref<9x512xf32, #tpu.memory_space<vmem>>, vector<16xf32>,
    %get3A_2726 = arith.constant 336 : index
    %get3A_2727 = tpu.vector_load %arg6[%get3A_2726] {strides = array<i32>} : memref<512xi32, #tpu.memory_space<vmem>>, vector<16xi32>,
    %add3A_2728 = arith.constant 3408 : i32
    %add3A_2729 = vector.broadcast %add3A_2728 : i32 to vector<16xi32>
    %add3A_2730 = arith.addi %add3A_2729, %iota3A : vector<16xi32>
    %gather3A_2731 = tpu.vector_load_idx %arg8[%add3A_2730, %get3A_2727] : memref<4608x8xf32, #tpu.memory_space<vmem>>[vector<16xi32>, vector<16xi32>], vector<16xf32>,
    %swap3A_2732 = arith.constant 6 : i32
    %swap3A_2733 = arith.index_cast %swap3A_2732 : i32 to index
    %swap3A_2734 = arith.constant 336 : index
    %swap3A_2735 = tpu.vector_load %arg9[%swap3A_2733, %swap3A_2734] {strides = array<i32>} : memref<9x512xf32, #tpu.memory_space<vmem>>, vector<16xf32>,
    tpu.vector_store %arg9[%swap3A_2733, %swap3A_2734], %gather3A_2731 {strides = array<i32>} : memref<9x512xf32, #tpu.memory_space<vmem>>, vector<16xf32>,
    %get3A_2736 = arith.constant 352 : index
    %get3A_2737 = tpu.vector_load %arg6[%get3A_2736] {strides = array<i32>} : memref<512xi32, #tpu.memory_space<vmem>>, vector<16xi32>,
    %add3A_2738 = arith.constant 3424 : i32
    %add3A_2739 = vector.broadcast %add3A_2738 : i32 to vector<16xi32>
    %add3A_2740 = arith.addi %add3A_2739, %iota3A : vector<16xi32>
    %gather3A_2741 = tpu.vector_load_idx %arg8[%add3A_2740, %get3A_2737] : memref<4608x8xf32, #tpu.memory_space<vmem>>[vector<16xi32>, vector<16xi32>], vector<16xf32>,
    %swap3A_2742 = arith.constant 6 : i32
    %swap3A_2743 = arith.index_cast %swap3A_2742 : i32 to index
    %swap3A_2744 = arith.constant 352 : index
    %swap3A_2745 = tpu.vector_load %arg9[%swap3A_2743, %swap3A_2744] {strides = array<i32>} : memref<9x512xf32, #tpu.memory_space<vmem>>, vector<16xf32>,
    tpu.vector_store %arg9[%swap3A_2743, %swap3A_2744], %gather3A_2741 {strides = array<i32>} : memref<9x512xf32, #tpu.memory_space<vmem>>, vector<16xf32>,
    %get3A_2746 = arith.constant 368 : index
    %get3A_2747 = tpu.vector_load %arg6[%get3A_2746] {strides = array<i32>} : memref<512xi32, #tpu.memory_space<vmem>>, vector<16xi32>,
    %add3A_2748 = arith.constant 3440 : i32
    %add3A_2749 = vector.broadcast %add3A_2748 : i32 to vector<16xi32>
    %add3A_2750 = arith.addi %add3A_2749, %iota3A : vector<16xi32>
    %gather3A_2751 = tpu.vector_load_idx %arg8[%add3A_2750, %get3A_2747] : memref<4608x8xf32, #tpu.memory_space<vmem>>[vector<16xi32>, vector<16xi32>], vector<16xf32>,
    %swap3A_2752 = arith.constant 6 : i32
    %swap3A_2753 = arith.index_cast %swap3A_2752 : i32 to index
    %swap3A_2754 = arith.constant 368 : index
    %swap3A_2755 = tpu.vector_load %arg9[%swap3A_2753, %swap3A_2754] {strides = array<i32>} : memref<9x512xf32, #tpu.memory_space<vmem>>, vector<16xf32>,
    tpu.vector_store %arg9[%swap3A_2753, %swap3A_2754], %gather3A_2751 {strides = array<i32>} : memref<9x512xf32, #tpu.memory_space<vmem>>, vector<16xf32>,
    %get3A_2756 = arith.constant 384 : index
    %get3A_2757 = tpu.vector_load %arg6[%get3A_2756] {strides = array<i32>} : memref<512xi32, #tpu.memory_space<vmem>>, vector<16xi32>,
    %add3A_2758 = arith.constant 3456 : i32
    %add3A_2759 = vector.broadcast %add3A_2758 : i32 to vector<16xi32>
    %add3A_2760 = arith.addi %add3A_2759, %iota3A : vector<16xi32>
    %gather3A_2761 = tpu.vector_load_idx %arg8[%add3A_2760, %get3A_2757] : memref<4608x8xf32, #tpu.memory_space<vmem>>[vector<16xi32>, vector<16xi32>], vector<16xf32>,
    %swap3A_2762 = arith.constant 6 : i32
    %swap3A_2763 = arith.index_cast %swap3A_2762 : i32 to index
    %swap3A_2764 = arith.constant 384 : index
    %swap3A_2765 = tpu.vector_load %arg9[%swap3A_2763, %swap3A_2764] {strides = array<i32>} : memref<9x512xf32, #tpu.memory_space<vmem>>, vector<16xf32>,
    tpu.vector_store %arg9[%swap3A_2763, %swap3A_2764], %gather3A_2761 {strides = array<i32>} : memref<9x512xf32, #tpu.memory_space<vmem>>, vector<16xf32>,
    %get3A_2766 = arith.constant 400 : index
    %get3A_2767 = tpu.vector_load %arg6[%get3A_2766] {strides = array<i32>} : memref<512xi32, #tpu.memory_space<vmem>>, vector<16xi32>,
    %add3A_2768 = arith.constant 3472 : i32
    %add3A_2769 = vector.broadcast %add3A_2768 : i32 to vector<16xi32>
    %add3A_2770 = arith.addi %add3A_2769, %iota3A : vector<16xi32>
    %gather3A_2771 = tpu.vector_load_idx %arg8[%add3A_2770, %get3A_2767] : memref<4608x8xf32, #tpu.memory_space<vmem>>[vector<16xi32>, vector<16xi32>], vector<16xf32>,
    %swap3A_2772 = arith.constant 6 : i32
    %swap3A_2773 = arith.index_cast %swap3A_2772 : i32 to index
    %swap3A_2774 = arith.constant 400 : index
    %swap3A_2775 = tpu.vector_load %arg9[%swap3A_2773, %swap3A_2774] {strides = array<i32>} : memref<9x512xf32, #tpu.memory_space<vmem>>, vector<16xf32>,
    tpu.vector_store %arg9[%swap3A_2773, %swap3A_2774], %gather3A_2771 {strides = array<i32>} : memref<9x512xf32, #tpu.memory_space<vmem>>, vector<16xf32>,
    %get3A_2776 = arith.constant 416 : index
    %get3A_2777 = tpu.vector_load %arg6[%get3A_2776] {strides = array<i32>} : memref<512xi32, #tpu.memory_space<vmem>>, vector<16xi32>,
    %add3A_2778 = arith.constant 3488 : i32
    %add3A_2779 = vector.broadcast %add3A_2778 : i32 to vector<16xi32>
    %add3A_2780 = arith.addi %add3A_2779, %iota3A : vector<16xi32>
    %gather3A_2781 = tpu.vector_load_idx %arg8[%add3A_2780, %get3A_2777] : memref<4608x8xf32, #tpu.memory_space<vmem>>[vector<16xi32>, vector<16xi32>], vector<16xf32>,
    %swap3A_2782 = arith.constant 6 : i32
    %swap3A_2783 = arith.index_cast %swap3A_2782 : i32 to index
    %swap3A_2784 = arith.constant 416 : index
    %swap3A_2785 = tpu.vector_load %arg9[%swap3A_2783, %swap3A_2784] {strides = array<i32>} : memref<9x512xf32, #tpu.memory_space<vmem>>, vector<16xf32>,
    tpu.vector_store %arg9[%swap3A_2783, %swap3A_2784], %gather3A_2781 {strides = array<i32>} : memref<9x512xf32, #tpu.memory_space<vmem>>, vector<16xf32>,
    %get3A_2786 = arith.constant 432 : index
    %get3A_2787 = tpu.vector_load %arg6[%get3A_2786] {strides = array<i32>} : memref<512xi32, #tpu.memory_space<vmem>>, vector<16xi32>,
    %add3A_2788 = arith.constant 3504 : i32
    %add3A_2789 = vector.broadcast %add3A_2788 : i32 to vector<16xi32>
    %add3A_2790 = arith.addi %add3A_2789, %iota3A : vector<16xi32>
    %gather3A_2791 = tpu.vector_load_idx %arg8[%add3A_2790, %get3A_2787] : memref<4608x8xf32, #tpu.memory_space<vmem>>[vector<16xi32>, vector<16xi32>], vector<16xf32>,
    %swap3A_2792 = arith.constant 6 : i32
    %swap3A_2793 = arith.index_cast %swap3A_2792 : i32 to index
    %swap3A_2794 = arith.constant 432 : index
    %swap3A_2795 = tpu.vector_load %arg9[%swap3A_2793, %swap3A_2794] {strides = array<i32>} : memref<9x512xf32, #tpu.memory_space<vmem>>, vector<16xf32>,
    tpu.vector_store %arg9[%swap3A_2793, %swap3A_2794], %gather3A_2791 {strides = array<i32>} : memref<9x512xf32, #tpu.memory_space<vmem>>, vector<16xf32>,
    %get3A_2796 = arith.constant 448 : index
    %get3A_2797 = tpu.vector_load %arg6[%get3A_2796] {strides = array<i32>} : memref<512xi32, #tpu.memory_space<vmem>>, vector<16xi32>,
    %add3A_2798 = arith.constant 3520 : i32
    %add3A_2799 = vector.broadcast %add3A_2798 : i32 to vector<16xi32>
    %add3A_2800 = arith.addi %add3A_2799, %iota3A : vector<16xi32>
    %gather3A_2801 = tpu.vector_load_idx %arg8[%add3A_2800, %get3A_2797] : memref<4608x8xf32, #tpu.memory_space<vmem>>[vector<16xi32>, vector<16xi32>], vector<16xf32>,
    %swap3A_2802 = arith.constant 6 : i32
    %swap3A_2803 = arith.index_cast %swap3A_2802 : i32 to index
    %swap3A_2804 = arith.constant 448 : index
    %swap3A_2805 = tpu.vector_load %arg9[%swap3A_2803, %swap3A_2804] {strides = array<i32>} : memref<9x512xf32, #tpu.memory_space<vmem>>, vector<16xf32>,
    tpu.vector_store %arg9[%swap3A_2803, %swap3A_2804], %gather3A_2801 {strides = array<i32>} : memref<9x512xf32, #tpu.memory_space<vmem>>, vector<16xf32>,
    %get3A_2806 = arith.constant 464 : index
    %get3A_2807 = tpu.vector_load %arg6[%get3A_2806] {strides = array<i32>} : memref<512xi32, #tpu.memory_space<vmem>>, vector<16xi32>,
    %add3A_2808 = arith.constant 3536 : i32
    %add3A_2809 = vector.broadcast %add3A_2808 : i32 to vector<16xi32>
    %add3A_2810 = arith.addi %add3A_2809, %iota3A : vector<16xi32>
    %gather3A_2811 = tpu.vector_load_idx %arg8[%add3A_2810, %get3A_2807] : memref<4608x8xf32, #tpu.memory_space<vmem>>[vector<16xi32>, vector<16xi32>], vector<16xf32>,
    %swap3A_2812 = arith.constant 6 : i32
    %swap3A_2813 = arith.index_cast %swap3A_2812 : i32 to index
    %swap3A_2814 = arith.constant 464 : index
    %swap3A_2815 = tpu.vector_load %arg9[%swap3A_2813, %swap3A_2814] {strides = array<i32>} : memref<9x512xf32, #tpu.memory_space<vmem>>, vector<16xf32>,
    tpu.vector_store %arg9[%swap3A_2813, %swap3A_2814], %gather3A_2811 {strides = array<i32>} : memref<9x512xf32, #tpu.memory_space<vmem>>, vector<16xf32>,
    %get3A_2816 = arith.constant 480 : index
    %get3A_2817 = tpu.vector_load %arg6[%get3A_2816] {strides = array<i32>} : memref<512xi32, #tpu.memory_space<vmem>>, vector<16xi32>,
    %add3A_2818 = arith.constant 3552 : i32
    %add3A_2819 = vector.broadcast %add3A_2818 : i32 to vector<16xi32>
    %add3A_2820 = arith.addi %add3A_2819, %iota3A : vector<16xi32>
    %gather3A_2821 = tpu.vector_load_idx %arg8[%add3A_2820, %get3A_2817] : memref<4608x8xf32, #tpu.memory_space<vmem>>[vector<16xi32>, vector<16xi32>], vector<16xf32>,
    %swap3A_2822 = arith.constant 6 : i32
    %swap3A_2823 = arith.index_cast %swap3A_2822 : i32 to index
    %swap3A_2824 = arith.constant 480 : index
    %swap3A_2825 = tpu.vector_load %arg9[%swap3A_2823, %swap3A_2824] {strides = array<i32>} : memref<9x512xf32, #tpu.memory_space<vmem>>, vector<16xf32>,
    tpu.vector_store %arg9[%swap3A_2823, %swap3A_2824], %gather3A_2821 {strides = array<i32>} : memref<9x512xf32, #tpu.memory_space<vmem>>, vector<16xf32>,
    %get3A_2826 = arith.constant 496 : index
    %get3A_2827 = tpu.vector_load %arg6[%get3A_2826] {strides = array<i32>} : memref<512xi32, #tpu.memory_space<vmem>>, vector<16xi32>,
    %add3A_2828 = arith.constant 3568 : i32
    %add3A_2829 = vector.broadcast %add3A_2828 : i32 to vector<16xi32>
    %add3A_2830 = arith.addi %add3A_2829, %iota3A : vector<16xi32>
    %gather3A_2831 = tpu.vector_load_idx %arg8[%add3A_2830, %get3A_2827] : memref<4608x8xf32, #tpu.memory_space<vmem>>[vector<16xi32>, vector<16xi32>], vector<16xf32>,
    %swap3A_2832 = arith.constant 6 : i32
    %swap3A_2833 = arith.index_cast %swap3A_2832 : i32 to index
    %swap3A_2834 = arith.constant 496 : index
    %swap3A_2835 = tpu.vector_load %arg9[%swap3A_2833, %swap3A_2834] {strides = array<i32>} : memref<9x512xf32, #tpu.memory_space<vmem>>, vector<16xf32>,
    tpu.vector_store %arg9[%swap3A_2833, %swap3A_2834], %gather3A_2831 {strides = array<i32>} : memref<9x512xf32, #tpu.memory_space<vmem>>, vector<16xf32>,
    %dma_start3A_2836 = arith.constant 6 : i32
    %dma_start3A_2837 = arith.constant 6 : i32
    %dma_start3A_2838 = arith.constant 0 : i32
    %dma_start3A_2839 = tpu.memref_slice %arg9[%dma_start3A_2836, %dma_start3A_2838] : memref<9x512xf32, #tpu.memory_space<vmem>> -> memref<1x512xf32, #tpu.memory_space<vmem>>
    %dma_start3A_2840 = tpu.memref_squeeze %dma_start3A_2839 : memref<1x512xf32, #tpu.memory_space<vmem>> -> memref<512xf32, #tpu.memory_space<vmem>>
    %dma_start3A_2841 = tpu.memref_slice %arg4[%dma_start3A_2837, %mul3A_2] : memref<9x16384xf32, #tpu.memory_space<hbm>> -> memref<1x512xf32, #tpu.memory_space<hbm>>
    %dma_start3A_2842 = tpu.memref_squeeze %dma_start3A_2841 : memref<1x512xf32, #tpu.memory_space<hbm>> -> memref<512xf32, #tpu.memory_space<hbm>>
    %dma_start3A_2843 = tpu.memref_slice %arg4[%dma_start3A_2837, %mul3A_2] : memref<9x16384xf32, #tpu.memory_space<hbm>> -> memref<1x512xf32, #tpu.memory_space<hbm>>
    %dma_start3A_2844 = tpu.memref_squeeze %dma_start3A_2843 : memref<1x512xf32, #tpu.memory_space<hbm>> -> memref<512xf32, #tpu.memory_space<hbm>>
    %dma_start3A_2845 = arith.constant 0 : i32
    %dma_start3A_2846 = tpu.memref_slice %arg9[%dma_start3A_2836, %dma_start3A_2845] : memref<9x512xf32, #tpu.memory_space<vmem>> -> memref<1x512xf32, #tpu.memory_space<vmem>>
    %dma_start3A_2847 = tpu.memref_squeeze %dma_start3A_2846 : memref<1x512xf32, #tpu.memory_space<vmem>> -> memref<512xf32, #tpu.memory_space<vmem>>
    tpu.enqueue_dma source(%dma_start3A_2847 : memref<512xf32, #tpu.memory_space<vmem>>) target(%dma_start3A_2844 : memref<512xf32, #tpu.memory_space<hbm>>) target_semaphore(%arg16 : memref<!tpu.dma_semaphore, #tpu.memory_space<semaphore_mem>>)
    %dma_wait3A_2848 = arith.constant 3584 : i32
    %dma_wait3A_2849 = arith.constant 0 : i32
    %dma_wait3A_2850 = tpu.memref_slice %arg8[%dma_wait3A_2848, %dma_wait3A_2849] : memref<4608x8xf32, #tpu.memory_space<vmem>> -> memref<512x8xf32, #tpu.memory_space<vmem>>
    %dma_wait3A_2851 = arith.constant 87500 : i32
    %dma_wait3A_2852 = arith.constant 0 : i32
    %dma_wait3A_2853 = tpu.memref_slice %arg2[%dma_wait3A_2851, %dma_wait3A_2852] : memref<112500x8xf32, #tpu.memory_space<hbm>> -> memref<12500x8xf32, #tpu.memory_space<hbm>>
    %dma_wait3A_2854 = arith.constant 0 : i32
    %dma_wait3A_2855 = arith.constant 0 : i32
    %dma_wait3A_2856 = tpu.memref_slice %dma_wait3A_2853[%dma_wait3A_2854, %dma_wait3A_2855] : memref<12500x8xf32, #tpu.memory_space<hbm>> -> memref<12500x8xf32, #tpu.memory_space<hbm>>
    tpu.wait_indirect_dma semaphore(%arg17 : memref<!tpu.dma_semaphore, #tpu.memory_space<semaphore_mem>>) src(%dma_wait3A_2856 : memref<12500x8xf32, #tpu.memory_space<hbm>>) dst(%dma_wait3A_2850 : memref<512x8xf32, #tpu.memory_space<vmem>>)
    %get3A_2857 = arith.constant 0 : index
    %get3A_2858 = tpu.vector_load %arg6[%get3A_2857] {strides = array<i32>} : memref<512xi32, #tpu.memory_space<vmem>>, vector<16xi32>,
    %add3A_2859 = arith.constant 3584 : i32
    %add3A_2860 = vector.broadcast %add3A_2859 : i32 to vector<16xi32>
    %add3A_2861 = arith.addi %add3A_2860, %iota3A : vector<16xi32>
    %gather3A_2862 = tpu.vector_load_idx %arg8[%add3A_2861, %get3A_2858] : memref<4608x8xf32, #tpu.memory_space<vmem>>[vector<16xi32>, vector<16xi32>], vector<16xf32>,
    %swap3A_2863 = arith.constant 7 : i32
    %swap3A_2864 = arith.index_cast %swap3A_2863 : i32 to index
    %swap3A_2865 = arith.constant 0 : index
    %swap3A_2866 = tpu.vector_load %arg9[%swap3A_2864, %swap3A_2865] {strides = array<i32>} : memref<9x512xf32, #tpu.memory_space<vmem>>, vector<16xf32>,
    tpu.vector_store %arg9[%swap3A_2864, %swap3A_2865], %gather3A_2862 {strides = array<i32>} : memref<9x512xf32, #tpu.memory_space<vmem>>, vector<16xf32>,
    %get3A_2867 = arith.constant 16 : index
    %get3A_2868 = tpu.vector_load %arg6[%get3A_2867] {strides = array<i32>} : memref<512xi32, #tpu.memory_space<vmem>>, vector<16xi32>,
    %add3A_2869 = arith.constant 3600 : i32
    %add3A_2870 = vector.broadcast %add3A_2869 : i32 to vector<16xi32>
    %add3A_2871 = arith.addi %add3A_2870, %iota3A : vector<16xi32>
    %gather3A_2872 = tpu.vector_load_idx %arg8[%add3A_2871, %get3A_2868] : memref<4608x8xf32, #tpu.memory_space<vmem>>[vector<16xi32>, vector<16xi32>], vector<16xf32>,
    %swap3A_2873 = arith.constant 7 : i32
    %swap3A_2874 = arith.index_cast %swap3A_2873 : i32 to index
    %swap3A_2875 = arith.constant 16 : index
    %swap3A_2876 = tpu.vector_load %arg9[%swap3A_2874, %swap3A_2875] {strides = array<i32>} : memref<9x512xf32, #tpu.memory_space<vmem>>, vector<16xf32>,
    tpu.vector_store %arg9[%swap3A_2874, %swap3A_2875], %gather3A_2872 {strides = array<i32>} : memref<9x512xf32, #tpu.memory_space<vmem>>, vector<16xf32>,
    %get3A_2877 = arith.constant 32 : index
    %get3A_2878 = tpu.vector_load %arg6[%get3A_2877] {strides = array<i32>} : memref<512xi32, #tpu.memory_space<vmem>>, vector<16xi32>,
    %add3A_2879 = arith.constant 3616 : i32
    %add3A_2880 = vector.broadcast %add3A_2879 : i32 to vector<16xi32>
    %add3A_2881 = arith.addi %add3A_2880, %iota3A : vector<16xi32>
    %gather3A_2882 = tpu.vector_load_idx %arg8[%add3A_2881, %get3A_2878] : memref<4608x8xf32, #tpu.memory_space<vmem>>[vector<16xi32>, vector<16xi32>], vector<16xf32>,
    %swap3A_2883 = arith.constant 7 : i32
    %swap3A_2884 = arith.index_cast %swap3A_2883 : i32 to index
    %swap3A_2885 = arith.constant 32 : index
    %swap3A_2886 = tpu.vector_load %arg9[%swap3A_2884, %swap3A_2885] {strides = array<i32>} : memref<9x512xf32, #tpu.memory_space<vmem>>, vector<16xf32>,
    tpu.vector_store %arg9[%swap3A_2884, %swap3A_2885], %gather3A_2882 {strides = array<i32>} : memref<9x512xf32, #tpu.memory_space<vmem>>, vector<16xf32>,
    %get3A_2887 = arith.constant 48 : index
    %get3A_2888 = tpu.vector_load %arg6[%get3A_2887] {strides = array<i32>} : memref<512xi32, #tpu.memory_space<vmem>>, vector<16xi32>,
    %add3A_2889 = arith.constant 3632 : i32
    %add3A_2890 = vector.broadcast %add3A_2889 : i32 to vector<16xi32>
    %add3A_2891 = arith.addi %add3A_2890, %iota3A : vector<16xi32>
    %gather3A_2892 = tpu.vector_load_idx %arg8[%add3A_2891, %get3A_2888] : memref<4608x8xf32, #tpu.memory_space<vmem>>[vector<16xi32>, vector<16xi32>], vector<16xf32>,
    %swap3A_2893 = arith.constant 7 : i32
    %swap3A_2894 = arith.index_cast %swap3A_2893 : i32 to index
    %swap3A_2895 = arith.constant 48 : index
    %swap3A_2896 = tpu.vector_load %arg9[%swap3A_2894, %swap3A_2895] {strides = array<i32>} : memref<9x512xf32, #tpu.memory_space<vmem>>, vector<16xf32>,
    tpu.vector_store %arg9[%swap3A_2894, %swap3A_2895], %gather3A_2892 {strides = array<i32>} : memref<9x512xf32, #tpu.memory_space<vmem>>, vector<16xf32>,
    %get3A_2897 = arith.constant 64 : index
    %get3A_2898 = tpu.vector_load %arg6[%get3A_2897] {strides = array<i32>} : memref<512xi32, #tpu.memory_space<vmem>>, vector<16xi32>,
    %add3A_2899 = arith.constant 3648 : i32
    %add3A_2900 = vector.broadcast %add3A_2899 : i32 to vector<16xi32>
    %add3A_2901 = arith.addi %add3A_2900, %iota3A : vector<16xi32>
    %gather3A_2902 = tpu.vector_load_idx %arg8[%add3A_2901, %get3A_2898] : memref<4608x8xf32, #tpu.memory_space<vmem>>[vector<16xi32>, vector<16xi32>], vector<16xf32>,
    %swap3A_2903 = arith.constant 7 : i32
    %swap3A_2904 = arith.index_cast %swap3A_2903 : i32 to index
    %swap3A_2905 = arith.constant 64 : index
    %swap3A_2906 = tpu.vector_load %arg9[%swap3A_2904, %swap3A_2905] {strides = array<i32>} : memref<9x512xf32, #tpu.memory_space<vmem>>, vector<16xf32>,
    tpu.vector_store %arg9[%swap3A_2904, %swap3A_2905], %gather3A_2902 {strides = array<i32>} : memref<9x512xf32, #tpu.memory_space<vmem>>, vector<16xf32>,
    %get3A_2907 = arith.constant 80 : index
    %get3A_2908 = tpu.vector_load %arg6[%get3A_2907] {strides = array<i32>} : memref<512xi32, #tpu.memory_space<vmem>>, vector<16xi32>,
    %add3A_2909 = arith.constant 3664 : i32
    %add3A_2910 = vector.broadcast %add3A_2909 : i32 to vector<16xi32>
    %add3A_2911 = arith.addi %add3A_2910, %iota3A : vector<16xi32>
    %gather3A_2912 = tpu.vector_load_idx %arg8[%add3A_2911, %get3A_2908] : memref<4608x8xf32, #tpu.memory_space<vmem>>[vector<16xi32>, vector<16xi32>], vector<16xf32>,
    %swap3A_2913 = arith.constant 7 : i32
    %swap3A_2914 = arith.index_cast %swap3A_2913 : i32 to index
    %swap3A_2915 = arith.constant 80 : index
    %swap3A_2916 = tpu.vector_load %arg9[%swap3A_2914, %swap3A_2915] {strides = array<i32>} : memref<9x512xf32, #tpu.memory_space<vmem>>, vector<16xf32>,
    tpu.vector_store %arg9[%swap3A_2914, %swap3A_2915], %gather3A_2912 {strides = array<i32>} : memref<9x512xf32, #tpu.memory_space<vmem>>, vector<16xf32>,
    %get3A_2917 = arith.constant 96 : index
    %get3A_2918 = tpu.vector_load %arg6[%get3A_2917] {strides = array<i32>} : memref<512xi32, #tpu.memory_space<vmem>>, vector<16xi32>,
    %add3A_2919 = arith.constant 3680 : i32
    %add3A_2920 = vector.broadcast %add3A_2919 : i32 to vector<16xi32>
    %add3A_2921 = arith.addi %add3A_2920, %iota3A : vector<16xi32>
    %gather3A_2922 = tpu.vector_load_idx %arg8[%add3A_2921, %get3A_2918] : memref<4608x8xf32, #tpu.memory_space<vmem>>[vector<16xi32>, vector<16xi32>], vector<16xf32>,
    %swap3A_2923 = arith.constant 7 : i32
    %swap3A_2924 = arith.index_cast %swap3A_2923 : i32 to index
    %swap3A_2925 = arith.constant 96 : index
    %swap3A_2926 = tpu.vector_load %arg9[%swap3A_2924, %swap3A_2925] {strides = array<i32>} : memref<9x512xf32, #tpu.memory_space<vmem>>, vector<16xf32>,
    tpu.vector_store %arg9[%swap3A_2924, %swap3A_2925], %gather3A_2922 {strides = array<i32>} : memref<9x512xf32, #tpu.memory_space<vmem>>, vector<16xf32>,
    %get3A_2927 = arith.constant 112 : index
    %get3A_2928 = tpu.vector_load %arg6[%get3A_2927] {strides = array<i32>} : memref<512xi32, #tpu.memory_space<vmem>>, vector<16xi32>,
    %add3A_2929 = arith.constant 3696 : i32
    %add3A_2930 = vector.broadcast %add3A_2929 : i32 to vector<16xi32>
    %add3A_2931 = arith.addi %add3A_2930, %iota3A : vector<16xi32>
    %gather3A_2932 = tpu.vector_load_idx %arg8[%add3A_2931, %get3A_2928] : memref<4608x8xf32, #tpu.memory_space<vmem>>[vector<16xi32>, vector<16xi32>], vector<16xf32>,
    %swap3A_2933 = arith.constant 7 : i32
    %swap3A_2934 = arith.index_cast %swap3A_2933 : i32 to index
    %swap3A_2935 = arith.constant 112 : index
    %swap3A_2936 = tpu.vector_load %arg9[%swap3A_2934, %swap3A_2935] {strides = array<i32>} : memref<9x512xf32, #tpu.memory_space<vmem>>, vector<16xf32>,
    tpu.vector_store %arg9[%swap3A_2934, %swap3A_2935], %gather3A_2932 {strides = array<i32>} : memref<9x512xf32, #tpu.memory_space<vmem>>, vector<16xf32>,
    %get3A_2937 = arith.constant 128 : index
    %get3A_2938 = tpu.vector_load %arg6[%get3A_2937] {strides = array<i32>} : memref<512xi32, #tpu.memory_space<vmem>>, vector<16xi32>,
    %add3A_2939 = arith.constant 3712 : i32
    %add3A_2940 = vector.broadcast %add3A_2939 : i32 to vector<16xi32>
    %add3A_2941 = arith.addi %add3A_2940, %iota3A : vector<16xi32>
    %gather3A_2942 = tpu.vector_load_idx %arg8[%add3A_2941, %get3A_2938] : memref<4608x8xf32, #tpu.memory_space<vmem>>[vector<16xi32>, vector<16xi32>], vector<16xf32>,
    %swap3A_2943 = arith.constant 7 : i32
    %swap3A_2944 = arith.index_cast %swap3A_2943 : i32 to index
    %swap3A_2945 = arith.constant 128 : index
    %swap3A_2946 = tpu.vector_load %arg9[%swap3A_2944, %swap3A_2945] {strides = array<i32>} : memref<9x512xf32, #tpu.memory_space<vmem>>, vector<16xf32>,
    tpu.vector_store %arg9[%swap3A_2944, %swap3A_2945], %gather3A_2942 {strides = array<i32>} : memref<9x512xf32, #tpu.memory_space<vmem>>, vector<16xf32>,
    %get3A_2947 = arith.constant 144 : index
    %get3A_2948 = tpu.vector_load %arg6[%get3A_2947] {strides = array<i32>} : memref<512xi32, #tpu.memory_space<vmem>>, vector<16xi32>,
    %add3A_2949 = arith.constant 3728 : i32
    %add3A_2950 = vector.broadcast %add3A_2949 : i32 to vector<16xi32>
    %add3A_2951 = arith.addi %add3A_2950, %iota3A : vector<16xi32>
    %gather3A_2952 = tpu.vector_load_idx %arg8[%add3A_2951, %get3A_2948] : memref<4608x8xf32, #tpu.memory_space<vmem>>[vector<16xi32>, vector<16xi32>], vector<16xf32>,
    %swap3A_2953 = arith.constant 7 : i32
    %swap3A_2954 = arith.index_cast %swap3A_2953 : i32 to index
    %swap3A_2955 = arith.constant 144 : index
    %swap3A_2956 = tpu.vector_load %arg9[%swap3A_2954, %swap3A_2955] {strides = array<i32>} : memref<9x512xf32, #tpu.memory_space<vmem>>, vector<16xf32>,
    tpu.vector_store %arg9[%swap3A_2954, %swap3A_2955], %gather3A_2952 {strides = array<i32>} : memref<9x512xf32, #tpu.memory_space<vmem>>, vector<16xf32>,
    %get3A_2957 = arith.constant 160 : index
    %get3A_2958 = tpu.vector_load %arg6[%get3A_2957] {strides = array<i32>} : memref<512xi32, #tpu.memory_space<vmem>>, vector<16xi32>,
    %add3A_2959 = arith.constant 3744 : i32
    %add3A_2960 = vector.broadcast %add3A_2959 : i32 to vector<16xi32>
    %add3A_2961 = arith.addi %add3A_2960, %iota3A : vector<16xi32>
    %gather3A_2962 = tpu.vector_load_idx %arg8[%add3A_2961, %get3A_2958] : memref<4608x8xf32, #tpu.memory_space<vmem>>[vector<16xi32>, vector<16xi32>], vector<16xf32>,
    %swap3A_2963 = arith.constant 7 : i32
    %swap3A_2964 = arith.index_cast %swap3A_2963 : i32 to index
    %swap3A_2965 = arith.constant 160 : index
    %swap3A_2966 = tpu.vector_load %arg9[%swap3A_2964, %swap3A_2965] {strides = array<i32>} : memref<9x512xf32, #tpu.memory_space<vmem>>, vector<16xf32>,
    tpu.vector_store %arg9[%swap3A_2964, %swap3A_2965], %gather3A_2962 {strides = array<i32>} : memref<9x512xf32, #tpu.memory_space<vmem>>, vector<16xf32>,
    %get3A_2967 = arith.constant 176 : index
    %get3A_2968 = tpu.vector_load %arg6[%get3A_2967] {strides = array<i32>} : memref<512xi32, #tpu.memory_space<vmem>>, vector<16xi32>,
    %add3A_2969 = arith.constant 3760 : i32
    %add3A_2970 = vector.broadcast %add3A_2969 : i32 to vector<16xi32>
    %add3A_2971 = arith.addi %add3A_2970, %iota3A : vector<16xi32>
    %gather3A_2972 = tpu.vector_load_idx %arg8[%add3A_2971, %get3A_2968] : memref<4608x8xf32, #tpu.memory_space<vmem>>[vector<16xi32>, vector<16xi32>], vector<16xf32>,
    %swap3A_2973 = arith.constant 7 : i32
    %swap3A_2974 = arith.index_cast %swap3A_2973 : i32 to index
    %swap3A_2975 = arith.constant 176 : index
    %swap3A_2976 = tpu.vector_load %arg9[%swap3A_2974, %swap3A_2975] {strides = array<i32>} : memref<9x512xf32, #tpu.memory_space<vmem>>, vector<16xf32>,
    tpu.vector_store %arg9[%swap3A_2974, %swap3A_2975], %gather3A_2972 {strides = array<i32>} : memref<9x512xf32, #tpu.memory_space<vmem>>, vector<16xf32>,
    %get3A_2977 = arith.constant 192 : index
    %get3A_2978 = tpu.vector_load %arg6[%get3A_2977] {strides = array<i32>} : memref<512xi32, #tpu.memory_space<vmem>>, vector<16xi32>,
    %add3A_2979 = arith.constant 3776 : i32
    %add3A_2980 = vector.broadcast %add3A_2979 : i32 to vector<16xi32>
    %add3A_2981 = arith.addi %add3A_2980, %iota3A : vector<16xi32>
    %gather3A_2982 = tpu.vector_load_idx %arg8[%add3A_2981, %get3A_2978] : memref<4608x8xf32, #tpu.memory_space<vmem>>[vector<16xi32>, vector<16xi32>], vector<16xf32>,
    %swap3A_2983 = arith.constant 7 : i32
    %swap3A_2984 = arith.index_cast %swap3A_2983 : i32 to index
    %swap3A_2985 = arith.constant 192 : index
    %swap3A_2986 = tpu.vector_load %arg9[%swap3A_2984, %swap3A_2985] {strides = array<i32>} : memref<9x512xf32, #tpu.memory_space<vmem>>, vector<16xf32>,
    tpu.vector_store %arg9[%swap3A_2984, %swap3A_2985], %gather3A_2982 {strides = array<i32>} : memref<9x512xf32, #tpu.memory_space<vmem>>, vector<16xf32>,
    %get3A_2987 = arith.constant 208 : index
    %get3A_2988 = tpu.vector_load %arg6[%get3A_2987] {strides = array<i32>} : memref<512xi32, #tpu.memory_space<vmem>>, vector<16xi32>,
    %add3A_2989 = arith.constant 3792 : i32
    %add3A_2990 = vector.broadcast %add3A_2989 : i32 to vector<16xi32>
    %add3A_2991 = arith.addi %add3A_2990, %iota3A : vector<16xi32>
    %gather3A_2992 = tpu.vector_load_idx %arg8[%add3A_2991, %get3A_2988] : memref<4608x8xf32, #tpu.memory_space<vmem>>[vector<16xi32>, vector<16xi32>], vector<16xf32>,
    %swap3A_2993 = arith.constant 7 : i32
    %swap3A_2994 = arith.index_cast %swap3A_2993 : i32 to index
    %swap3A_2995 = arith.constant 208 : index
    %swap3A_2996 = tpu.vector_load %arg9[%swap3A_2994, %swap3A_2995] {strides = array<i32>} : memref<9x512xf32, #tpu.memory_space<vmem>>, vector<16xf32>,
    tpu.vector_store %arg9[%swap3A_2994, %swap3A_2995], %gather3A_2992 {strides = array<i32>} : memref<9x512xf32, #tpu.memory_space<vmem>>, vector<16xf32>,
    %get3A_2997 = arith.constant 224 : index
    %get3A_2998 = tpu.vector_load %arg6[%get3A_2997] {strides = array<i32>} : memref<512xi32, #tpu.memory_space<vmem>>, vector<16xi32>,
    %add3A_2999 = arith.constant 3808 : i32
    %add3A_3000 = vector.broadcast %add3A_2999 : i32 to vector<16xi32>
    %add3A_3001 = arith.addi %add3A_3000, %iota3A : vector<16xi32>
    %gather3A_3002 = tpu.vector_load_idx %arg8[%add3A_3001, %get3A_2998] : memref<4608x8xf32, #tpu.memory_space<vmem>>[vector<16xi32>, vector<16xi32>], vector<16xf32>,
    %swap3A_3003 = arith.constant 7 : i32
    %swap3A_3004 = arith.index_cast %swap3A_3003 : i32 to index
    %swap3A_3005 = arith.constant 224 : index
    %swap3A_3006 = tpu.vector_load %arg9[%swap3A_3004, %swap3A_3005] {strides = array<i32>} : memref<9x512xf32, #tpu.memory_space<vmem>>, vector<16xf32>,
    tpu.vector_store %arg9[%swap3A_3004, %swap3A_3005], %gather3A_3002 {strides = array<i32>} : memref<9x512xf32, #tpu.memory_space<vmem>>, vector<16xf32>,
    %get3A_3007 = arith.constant 240 : index
    %get3A_3008 = tpu.vector_load %arg6[%get3A_3007] {strides = array<i32>} : memref<512xi32, #tpu.memory_space<vmem>>, vector<16xi32>,
    %add3A_3009 = arith.constant 3824 : i32
    %add3A_3010 = vector.broadcast %add3A_3009 : i32 to vector<16xi32>
    %add3A_3011 = arith.addi %add3A_3010, %iota3A : vector<16xi32>
    %gather3A_3012 = tpu.vector_load_idx %arg8[%add3A_3011, %get3A_3008] : memref<4608x8xf32, #tpu.memory_space<vmem>>[vector<16xi32>, vector<16xi32>], vector<16xf32>,
    %swap3A_3013 = arith.constant 7 : i32
    %swap3A_3014 = arith.index_cast %swap3A_3013 : i32 to index
    %swap3A_3015 = arith.constant 240 : index
    %swap3A_3016 = tpu.vector_load %arg9[%swap3A_3014, %swap3A_3015] {strides = array<i32>} : memref<9x512xf32, #tpu.memory_space<vmem>>, vector<16xf32>,
    tpu.vector_store %arg9[%swap3A_3014, %swap3A_3015], %gather3A_3012 {strides = array<i32>} : memref<9x512xf32, #tpu.memory_space<vmem>>, vector<16xf32>,
    %get3A_3017 = arith.constant 256 : index
    %get3A_3018 = tpu.vector_load %arg6[%get3A_3017] {strides = array<i32>} : memref<512xi32, #tpu.memory_space<vmem>>, vector<16xi32>,
    %add3A_3019 = arith.constant 3840 : i32
    %add3A_3020 = vector.broadcast %add3A_3019 : i32 to vector<16xi32>
    %add3A_3021 = arith.addi %add3A_3020, %iota3A : vector<16xi32>
    %gather3A_3022 = tpu.vector_load_idx %arg8[%add3A_3021, %get3A_3018] : memref<4608x8xf32, #tpu.memory_space<vmem>>[vector<16xi32>, vector<16xi32>], vector<16xf32>,
    %swap3A_3023 = arith.constant 7 : i32
    %swap3A_3024 = arith.index_cast %swap3A_3023 : i32 to index
    %swap3A_3025 = arith.constant 256 : index
    %swap3A_3026 = tpu.vector_load %arg9[%swap3A_3024, %swap3A_3025] {strides = array<i32>} : memref<9x512xf32, #tpu.memory_space<vmem>>, vector<16xf32>,
    tpu.vector_store %arg9[%swap3A_3024, %swap3A_3025], %gather3A_3022 {strides = array<i32>} : memref<9x512xf32, #tpu.memory_space<vmem>>, vector<16xf32>,
    %get3A_3027 = arith.constant 272 : index
    %get3A_3028 = tpu.vector_load %arg6[%get3A_3027] {strides = array<i32>} : memref<512xi32, #tpu.memory_space<vmem>>, vector<16xi32>,
    %add3A_3029 = arith.constant 3856 : i32
    %add3A_3030 = vector.broadcast %add3A_3029 : i32 to vector<16xi32>
    %add3A_3031 = arith.addi %add3A_3030, %iota3A : vector<16xi32>
    %gather3A_3032 = tpu.vector_load_idx %arg8[%add3A_3031, %get3A_3028] : memref<4608x8xf32, #tpu.memory_space<vmem>>[vector<16xi32>, vector<16xi32>], vector<16xf32>,
    %swap3A_3033 = arith.constant 7 : i32
    %swap3A_3034 = arith.index_cast %swap3A_3033 : i32 to index
    %swap3A_3035 = arith.constant 272 : index
    %swap3A_3036 = tpu.vector_load %arg9[%swap3A_3034, %swap3A_3035] {strides = array<i32>} : memref<9x512xf32, #tpu.memory_space<vmem>>, vector<16xf32>,
    tpu.vector_store %arg9[%swap3A_3034, %swap3A_3035], %gather3A_3032 {strides = array<i32>} : memref<9x512xf32, #tpu.memory_space<vmem>>, vector<16xf32>,
    %get3A_3037 = arith.constant 288 : index
    %get3A_3038 = tpu.vector_load %arg6[%get3A_3037] {strides = array<i32>} : memref<512xi32, #tpu.memory_space<vmem>>, vector<16xi32>,
    %add3A_3039 = arith.constant 3872 : i32
    %add3A_3040 = vector.broadcast %add3A_3039 : i32 to vector<16xi32>
    %add3A_3041 = arith.addi %add3A_3040, %iota3A : vector<16xi32>
    %gather3A_3042 = tpu.vector_load_idx %arg8[%add3A_3041, %get3A_3038] : memref<4608x8xf32, #tpu.memory_space<vmem>>[vector<16xi32>, vector<16xi32>], vector<16xf32>,
    %swap3A_3043 = arith.constant 7 : i32
    %swap3A_3044 = arith.index_cast %swap3A_3043 : i32 to index
    %swap3A_3045 = arith.constant 288 : index
    %swap3A_3046 = tpu.vector_load %arg9[%swap3A_3044, %swap3A_3045] {strides = array<i32>} : memref<9x512xf32, #tpu.memory_space<vmem>>, vector<16xf32>,
    tpu.vector_store %arg9[%swap3A_3044, %swap3A_3045], %gather3A_3042 {strides = array<i32>} : memref<9x512xf32, #tpu.memory_space<vmem>>, vector<16xf32>,
    %get3A_3047 = arith.constant 304 : index
    %get3A_3048 = tpu.vector_load %arg6[%get3A_3047] {strides = array<i32>} : memref<512xi32, #tpu.memory_space<vmem>>, vector<16xi32>,
    %add3A_3049 = arith.constant 3888 : i32
    %add3A_3050 = vector.broadcast %add3A_3049 : i32 to vector<16xi32>
    %add3A_3051 = arith.addi %add3A_3050, %iota3A : vector<16xi32>
    %gather3A_3052 = tpu.vector_load_idx %arg8[%add3A_3051, %get3A_3048] : memref<4608x8xf32, #tpu.memory_space<vmem>>[vector<16xi32>, vector<16xi32>], vector<16xf32>,
    %swap3A_3053 = arith.constant 7 : i32
    %swap3A_3054 = arith.index_cast %swap3A_3053 : i32 to index
    %swap3A_3055 = arith.constant 304 : index
    %swap3A_3056 = tpu.vector_load %arg9[%swap3A_3054, %swap3A_3055] {strides = array<i32>} : memref<9x512xf32, #tpu.memory_space<vmem>>, vector<16xf32>,
    tpu.vector_store %arg9[%swap3A_3054, %swap3A_3055], %gather3A_3052 {strides = array<i32>} : memref<9x512xf32, #tpu.memory_space<vmem>>, vector<16xf32>,
    %get3A_3057 = arith.constant 320 : index
    %get3A_3058 = tpu.vector_load %arg6[%get3A_3057] {strides = array<i32>} : memref<512xi32, #tpu.memory_space<vmem>>, vector<16xi32>,
    %add3A_3059 = arith.constant 3904 : i32
    %add3A_3060 = vector.broadcast %add3A_3059 : i32 to vector<16xi32>
    %add3A_3061 = arith.addi %add3A_3060, %iota3A : vector<16xi32>
    %gather3A_3062 = tpu.vector_load_idx %arg8[%add3A_3061, %get3A_3058] : memref<4608x8xf32, #tpu.memory_space<vmem>>[vector<16xi32>, vector<16xi32>], vector<16xf32>,
    %swap3A_3063 = arith.constant 7 : i32
    %swap3A_3064 = arith.index_cast %swap3A_3063 : i32 to index
    %swap3A_3065 = arith.constant 320 : index
    %swap3A_3066 = tpu.vector_load %arg9[%swap3A_3064, %swap3A_3065] {strides = array<i32>} : memref<9x512xf32, #tpu.memory_space<vmem>>, vector<16xf32>,
    tpu.vector_store %arg9[%swap3A_3064, %swap3A_3065], %gather3A_3062 {strides = array<i32>} : memref<9x512xf32, #tpu.memory_space<vmem>>, vector<16xf32>,
    %get3A_3067 = arith.constant 336 : index
    %get3A_3068 = tpu.vector_load %arg6[%get3A_3067] {strides = array<i32>} : memref<512xi32, #tpu.memory_space<vmem>>, vector<16xi32>,
    %add3A_3069 = arith.constant 3920 : i32
    %add3A_3070 = vector.broadcast %add3A_3069 : i32 to vector<16xi32>
    %add3A_3071 = arith.addi %add3A_3070, %iota3A : vector<16xi32>
    %gather3A_3072 = tpu.vector_load_idx %arg8[%add3A_3071, %get3A_3068] : memref<4608x8xf32, #tpu.memory_space<vmem>>[vector<16xi32>, vector<16xi32>], vector<16xf32>,
    %swap3A_3073 = arith.constant 7 : i32
    %swap3A_3074 = arith.index_cast %swap3A_3073 : i32 to index
    %swap3A_3075 = arith.constant 336 : index
    %swap3A_3076 = tpu.vector_load %arg9[%swap3A_3074, %swap3A_3075] {strides = array<i32>} : memref<9x512xf32, #tpu.memory_space<vmem>>, vector<16xf32>,
    tpu.vector_store %arg9[%swap3A_3074, %swap3A_3075], %gather3A_3072 {strides = array<i32>} : memref<9x512xf32, #tpu.memory_space<vmem>>, vector<16xf32>,
    %get3A_3077 = arith.constant 352 : index
    %get3A_3078 = tpu.vector_load %arg6[%get3A_3077] {strides = array<i32>} : memref<512xi32, #tpu.memory_space<vmem>>, vector<16xi32>,
    %add3A_3079 = arith.constant 3936 : i32
    %add3A_3080 = vector.broadcast %add3A_3079 : i32 to vector<16xi32>
    %add3A_3081 = arith.addi %add3A_3080, %iota3A : vector<16xi32>
    %gather3A_3082 = tpu.vector_load_idx %arg8[%add3A_3081, %get3A_3078] : memref<4608x8xf32, #tpu.memory_space<vmem>>[vector<16xi32>, vector<16xi32>], vector<16xf32>,
    %swap3A_3083 = arith.constant 7 : i32
    %swap3A_3084 = arith.index_cast %swap3A_3083 : i32 to index
    %swap3A_3085 = arith.constant 352 : index
    %swap3A_3086 = tpu.vector_load %arg9[%swap3A_3084, %swap3A_3085] {strides = array<i32>} : memref<9x512xf32, #tpu.memory_space<vmem>>, vector<16xf32>,
    tpu.vector_store %arg9[%swap3A_3084, %swap3A_3085], %gather3A_3082 {strides = array<i32>} : memref<9x512xf32, #tpu.memory_space<vmem>>, vector<16xf32>,
    %get3A_3087 = arith.constant 368 : index
    %get3A_3088 = tpu.vector_load %arg6[%get3A_3087] {strides = array<i32>} : memref<512xi32, #tpu.memory_space<vmem>>, vector<16xi32>,
    %add3A_3089 = arith.constant 3952 : i32
    %add3A_3090 = vector.broadcast %add3A_3089 : i32 to vector<16xi32>
    %add3A_3091 = arith.addi %add3A_3090, %iota3A : vector<16xi32>
    %gather3A_3092 = tpu.vector_load_idx %arg8[%add3A_3091, %get3A_3088] : memref<4608x8xf32, #tpu.memory_space<vmem>>[vector<16xi32>, vector<16xi32>], vector<16xf32>,
    %swap3A_3093 = arith.constant 7 : i32
    %swap3A_3094 = arith.index_cast %swap3A_3093 : i32 to index
    %swap3A_3095 = arith.constant 368 : index
    %swap3A_3096 = tpu.vector_load %arg9[%swap3A_3094, %swap3A_3095] {strides = array<i32>} : memref<9x512xf32, #tpu.memory_space<vmem>>, vector<16xf32>,
    tpu.vector_store %arg9[%swap3A_3094, %swap3A_3095], %gather3A_3092 {strides = array<i32>} : memref<9x512xf32, #tpu.memory_space<vmem>>, vector<16xf32>,
    %get3A_3097 = arith.constant 384 : index
    %get3A_3098 = tpu.vector_load %arg6[%get3A_3097] {strides = array<i32>} : memref<512xi32, #tpu.memory_space<vmem>>, vector<16xi32>,
    %add3A_3099 = arith.constant 3968 : i32
    %add3A_3100 = vector.broadcast %add3A_3099 : i32 to vector<16xi32>
    %add3A_3101 = arith.addi %add3A_3100, %iota3A : vector<16xi32>
    %gather3A_3102 = tpu.vector_load_idx %arg8[%add3A_3101, %get3A_3098] : memref<4608x8xf32, #tpu.memory_space<vmem>>[vector<16xi32>, vector<16xi32>], vector<16xf32>,
    %swap3A_3103 = arith.constant 7 : i32
    %swap3A_3104 = arith.index_cast %swap3A_3103 : i32 to index
    %swap3A_3105 = arith.constant 384 : index
    %swap3A_3106 = tpu.vector_load %arg9[%swap3A_3104, %swap3A_3105] {strides = array<i32>} : memref<9x512xf32, #tpu.memory_space<vmem>>, vector<16xf32>,
    tpu.vector_store %arg9[%swap3A_3104, %swap3A_3105], %gather3A_3102 {strides = array<i32>} : memref<9x512xf32, #tpu.memory_space<vmem>>, vector<16xf32>,
    %get3A_3107 = arith.constant 400 : index
    %get3A_3108 = tpu.vector_load %arg6[%get3A_3107] {strides = array<i32>} : memref<512xi32, #tpu.memory_space<vmem>>, vector<16xi32>,
    %add3A_3109 = arith.constant 3984 : i32
    %add3A_3110 = vector.broadcast %add3A_3109 : i32 to vector<16xi32>
    %add3A_3111 = arith.addi %add3A_3110, %iota3A : vector<16xi32>
    %gather3A_3112 = tpu.vector_load_idx %arg8[%add3A_3111, %get3A_3108] : memref<4608x8xf32, #tpu.memory_space<vmem>>[vector<16xi32>, vector<16xi32>], vector<16xf32>,
    %swap3A_3113 = arith.constant 7 : i32
    %swap3A_3114 = arith.index_cast %swap3A_3113 : i32 to index
    %swap3A_3115 = arith.constant 400 : index
    %swap3A_3116 = tpu.vector_load %arg9[%swap3A_3114, %swap3A_3115] {strides = array<i32>} : memref<9x512xf32, #tpu.memory_space<vmem>>, vector<16xf32>,
    tpu.vector_store %arg9[%swap3A_3114, %swap3A_3115], %gather3A_3112 {strides = array<i32>} : memref<9x512xf32, #tpu.memory_space<vmem>>, vector<16xf32>,
    %get3A_3117 = arith.constant 416 : index
    %get3A_3118 = tpu.vector_load %arg6[%get3A_3117] {strides = array<i32>} : memref<512xi32, #tpu.memory_space<vmem>>, vector<16xi32>,
    %add3A_3119 = arith.constant 4000 : i32
    %add3A_3120 = vector.broadcast %add3A_3119 : i32 to vector<16xi32>
    %add3A_3121 = arith.addi %add3A_3120, %iota3A : vector<16xi32>
    %gather3A_3122 = tpu.vector_load_idx %arg8[%add3A_3121, %get3A_3118] : memref<4608x8xf32, #tpu.memory_space<vmem>>[vector<16xi32>, vector<16xi32>], vector<16xf32>,
    %swap3A_3123 = arith.constant 7 : i32
    %swap3A_3124 = arith.index_cast %swap3A_3123 : i32 to index
    %swap3A_3125 = arith.constant 416 : index
    %swap3A_3126 = tpu.vector_load %arg9[%swap3A_3124, %swap3A_3125] {strides = array<i32>} : memref<9x512xf32, #tpu.memory_space<vmem>>, vector<16xf32>,
    tpu.vector_store %arg9[%swap3A_3124, %swap3A_3125], %gather3A_3122 {strides = array<i32>} : memref<9x512xf32, #tpu.memory_space<vmem>>, vector<16xf32>,
    %get3A_3127 = arith.constant 432 : index
    %get3A_3128 = tpu.vector_load %arg6[%get3A_3127] {strides = array<i32>} : memref<512xi32, #tpu.memory_space<vmem>>, vector<16xi32>,
    %add3A_3129 = arith.constant 4016 : i32
    %add3A_3130 = vector.broadcast %add3A_3129 : i32 to vector<16xi32>
    %add3A_3131 = arith.addi %add3A_3130, %iota3A : vector<16xi32>
    %gather3A_3132 = tpu.vector_load_idx %arg8[%add3A_3131, %get3A_3128] : memref<4608x8xf32, #tpu.memory_space<vmem>>[vector<16xi32>, vector<16xi32>], vector<16xf32>,
    %swap3A_3133 = arith.constant 7 : i32
    %swap3A_3134 = arith.index_cast %swap3A_3133 : i32 to index
    %swap3A_3135 = arith.constant 432 : index
    %swap3A_3136 = tpu.vector_load %arg9[%swap3A_3134, %swap3A_3135] {strides = array<i32>} : memref<9x512xf32, #tpu.memory_space<vmem>>, vector<16xf32>,
    tpu.vector_store %arg9[%swap3A_3134, %swap3A_3135], %gather3A_3132 {strides = array<i32>} : memref<9x512xf32, #tpu.memory_space<vmem>>, vector<16xf32>,
    %get3A_3137 = arith.constant 448 : index
    %get3A_3138 = tpu.vector_load %arg6[%get3A_3137] {strides = array<i32>} : memref<512xi32, #tpu.memory_space<vmem>>, vector<16xi32>,
    %add3A_3139 = arith.constant 4032 : i32
    %add3A_3140 = vector.broadcast %add3A_3139 : i32 to vector<16xi32>
    %add3A_3141 = arith.addi %add3A_3140, %iota3A : vector<16xi32>
    %gather3A_3142 = tpu.vector_load_idx %arg8[%add3A_3141, %get3A_3138] : memref<4608x8xf32, #tpu.memory_space<vmem>>[vector<16xi32>, vector<16xi32>], vector<16xf32>,
    %swap3A_3143 = arith.constant 7 : i32
    %swap3A_3144 = arith.index_cast %swap3A_3143 : i32 to index
    %swap3A_3145 = arith.constant 448 : index
    %swap3A_3146 = tpu.vector_load %arg9[%swap3A_3144, %swap3A_3145] {strides = array<i32>} : memref<9x512xf32, #tpu.memory_space<vmem>>, vector<16xf32>,
    tpu.vector_store %arg9[%swap3A_3144, %swap3A_3145], %gather3A_3142 {strides = array<i32>} : memref<9x512xf32, #tpu.memory_space<vmem>>, vector<16xf32>,
    %get3A_3147 = arith.constant 464 : index
    %get3A_3148 = tpu.vector_load %arg6[%get3A_3147] {strides = array<i32>} : memref<512xi32, #tpu.memory_space<vmem>>, vector<16xi32>,
    %add3A_3149 = arith.constant 4048 : i32
    %add3A_3150 = vector.broadcast %add3A_3149 : i32 to vector<16xi32>
    %add3A_3151 = arith.addi %add3A_3150, %iota3A : vector<16xi32>
    %gather3A_3152 = tpu.vector_load_idx %arg8[%add3A_3151, %get3A_3148] : memref<4608x8xf32, #tpu.memory_space<vmem>>[vector<16xi32>, vector<16xi32>], vector<16xf32>,
    %swap3A_3153 = arith.constant 7 : i32
    %swap3A_3154 = arith.index_cast %swap3A_3153 : i32 to index
    %swap3A_3155 = arith.constant 464 : index
    %swap3A_3156 = tpu.vector_load %arg9[%swap3A_3154, %swap3A_3155] {strides = array<i32>} : memref<9x512xf32, #tpu.memory_space<vmem>>, vector<16xf32>,
    tpu.vector_store %arg9[%swap3A_3154, %swap3A_3155], %gather3A_3152 {strides = array<i32>} : memref<9x512xf32, #tpu.memory_space<vmem>>, vector<16xf32>,
    %get3A_3157 = arith.constant 480 : index
    %get3A_3158 = tpu.vector_load %arg6[%get3A_3157] {strides = array<i32>} : memref<512xi32, #tpu.memory_space<vmem>>, vector<16xi32>,
    %add3A_3159 = arith.constant 4064 : i32
    %add3A_3160 = vector.broadcast %add3A_3159 : i32 to vector<16xi32>
    %add3A_3161 = arith.addi %add3A_3160, %iota3A : vector<16xi32>
    %gather3A_3162 = tpu.vector_load_idx %arg8[%add3A_3161, %get3A_3158] : memref<4608x8xf32, #tpu.memory_space<vmem>>[vector<16xi32>, vector<16xi32>], vector<16xf32>,
    %swap3A_3163 = arith.constant 7 : i32
    %swap3A_3164 = arith.index_cast %swap3A_3163 : i32 to index
    %swap3A_3165 = arith.constant 480 : index
    %swap3A_3166 = tpu.vector_load %arg9[%swap3A_3164, %swap3A_3165] {strides = array<i32>} : memref<9x512xf32, #tpu.memory_space<vmem>>, vector<16xf32>,
    tpu.vector_store %arg9[%swap3A_3164, %swap3A_3165], %gather3A_3162 {strides = array<i32>} : memref<9x512xf32, #tpu.memory_space<vmem>>, vector<16xf32>,
    %get3A_3167 = arith.constant 496 : index
    %get3A_3168 = tpu.vector_load %arg6[%get3A_3167] {strides = array<i32>} : memref<512xi32, #tpu.memory_space<vmem>>, vector<16xi32>,
    %add3A_3169 = arith.constant 4080 : i32
    %add3A_3170 = vector.broadcast %add3A_3169 : i32 to vector<16xi32>
    %add3A_3171 = arith.addi %add3A_3170, %iota3A : vector<16xi32>
    %gather3A_3172 = tpu.vector_load_idx %arg8[%add3A_3171, %get3A_3168] : memref<4608x8xf32, #tpu.memory_space<vmem>>[vector<16xi32>, vector<16xi32>], vector<16xf32>,
    %swap3A_3173 = arith.constant 7 : i32
    %swap3A_3174 = arith.index_cast %swap3A_3173 : i32 to index
    %swap3A_3175 = arith.constant 496 : index
    %swap3A_3176 = tpu.vector_load %arg9[%swap3A_3174, %swap3A_3175] {strides = array<i32>} : memref<9x512xf32, #tpu.memory_space<vmem>>, vector<16xf32>,
    tpu.vector_store %arg9[%swap3A_3174, %swap3A_3175], %gather3A_3172 {strides = array<i32>} : memref<9x512xf32, #tpu.memory_space<vmem>>, vector<16xf32>,
    %dma_start3A_3177 = arith.constant 7 : i32
    %dma_start3A_3178 = arith.constant 7 : i32
    %dma_start3A_3179 = arith.constant 0 : i32
    %dma_start3A_3180 = tpu.memref_slice %arg9[%dma_start3A_3177, %dma_start3A_3179] : memref<9x512xf32, #tpu.memory_space<vmem>> -> memref<1x512xf32, #tpu.memory_space<vmem>>
    %dma_start3A_3181 = tpu.memref_squeeze %dma_start3A_3180 : memref<1x512xf32, #tpu.memory_space<vmem>> -> memref<512xf32, #tpu.memory_space<vmem>>
    %dma_start3A_3182 = tpu.memref_slice %arg4[%dma_start3A_3178, %mul3A_2] : memref<9x16384xf32, #tpu.memory_space<hbm>> -> memref<1x512xf32, #tpu.memory_space<hbm>>
    %dma_start3A_3183 = tpu.memref_squeeze %dma_start3A_3182 : memref<1x512xf32, #tpu.memory_space<hbm>> -> memref<512xf32, #tpu.memory_space<hbm>>
    %dma_start3A_3184 = tpu.memref_slice %arg4[%dma_start3A_3178, %mul3A_2] : memref<9x16384xf32, #tpu.memory_space<hbm>> -> memref<1x512xf32, #tpu.memory_space<hbm>>
    %dma_start3A_3185 = tpu.memref_squeeze %dma_start3A_3184 : memref<1x512xf32, #tpu.memory_space<hbm>> -> memref<512xf32, #tpu.memory_space<hbm>>
    %dma_start3A_3186 = arith.constant 0 : i32
    %dma_start3A_3187 = tpu.memref_slice %arg9[%dma_start3A_3177, %dma_start3A_3186] : memref<9x512xf32, #tpu.memory_space<vmem>> -> memref<1x512xf32, #tpu.memory_space<vmem>>
    %dma_start3A_3188 = tpu.memref_squeeze %dma_start3A_3187 : memref<1x512xf32, #tpu.memory_space<vmem>> -> memref<512xf32, #tpu.memory_space<vmem>>
    tpu.enqueue_dma source(%dma_start3A_3188 : memref<512xf32, #tpu.memory_space<vmem>>) target(%dma_start3A_3185 : memref<512xf32, #tpu.memory_space<hbm>>) target_semaphore(%arg17 : memref<!tpu.dma_semaphore, #tpu.memory_space<semaphore_mem>>)
    %dma_wait3A_3189 = arith.constant 4096 : i32
    %dma_wait3A_3190 = arith.constant 0 : i32
    %dma_wait3A_3191 = tpu.memref_slice %arg8[%dma_wait3A_3189, %dma_wait3A_3190] : memref<4608x8xf32, #tpu.memory_space<vmem>> -> memref<512x8xf32, #tpu.memory_space<vmem>>
    %dma_wait3A_3192 = arith.constant 100000 : i32
    %dma_wait3A_3193 = arith.constant 0 : i32
    %dma_wait3A_3194 = tpu.memref_slice %arg2[%dma_wait3A_3192, %dma_wait3A_3193] : memref<112500x8xf32, #tpu.memory_space<hbm>> -> memref<12500x8xf32, #tpu.memory_space<hbm>>
    %dma_wait3A_3195 = arith.constant 0 : i32
    %dma_wait3A_3196 = arith.constant 0 : i32
    %dma_wait3A_3197 = tpu.memref_slice %dma_wait3A_3194[%dma_wait3A_3195, %dma_wait3A_3196] : memref<12500x8xf32, #tpu.memory_space<hbm>> -> memref<12500x8xf32, #tpu.memory_space<hbm>>
    tpu.wait_indirect_dma semaphore(%arg18 : memref<!tpu.dma_semaphore, #tpu.memory_space<semaphore_mem>>) src(%dma_wait3A_3197 : memref<12500x8xf32, #tpu.memory_space<hbm>>) dst(%dma_wait3A_3191 : memref<512x8xf32, #tpu.memory_space<vmem>>)
    %get3A_3198 = arith.constant 0 : index
    %get3A_3199 = tpu.vector_load %arg6[%get3A_3198] {strides = array<i32>} : memref<512xi32, #tpu.memory_space<vmem>>, vector<16xi32>,
    %add3A_3200 = arith.constant 4096 : i32
    %add3A_3201 = vector.broadcast %add3A_3200 : i32 to vector<16xi32>
    %add3A_3202 = arith.addi %add3A_3201, %iota3A : vector<16xi32>
    %gather3A_3203 = tpu.vector_load_idx %arg8[%add3A_3202, %get3A_3199] : memref<4608x8xf32, #tpu.memory_space<vmem>>[vector<16xi32>, vector<16xi32>], vector<16xf32>,
    %swap3A_3204 = arith.constant 8 : i32
    %swap3A_3205 = arith.index_cast %swap3A_3204 : i32 to index
    %swap3A_3206 = arith.constant 0 : index
    %swap3A_3207 = tpu.vector_load %arg9[%swap3A_3205, %swap3A_3206] {strides = array<i32>} : memref<9x512xf32, #tpu.memory_space<vmem>>, vector<16xf32>,
    tpu.vector_store %arg9[%swap3A_3205, %swap3A_3206], %gather3A_3203 {strides = array<i32>} : memref<9x512xf32, #tpu.memory_space<vmem>>, vector<16xf32>,
    %get3A_3208 = arith.constant 16 : index
    %get3A_3209 = tpu.vector_load %arg6[%get3A_3208] {strides = array<i32>} : memref<512xi32, #tpu.memory_space<vmem>>, vector<16xi32>,
    %add3A_3210 = arith.constant 4112 : i32
    %add3A_3211 = vector.broadcast %add3A_3210 : i32 to vector<16xi32>
    %add3A_3212 = arith.addi %add3A_3211, %iota3A : vector<16xi32>
    %gather3A_3213 = tpu.vector_load_idx %arg8[%add3A_3212, %get3A_3209] : memref<4608x8xf32, #tpu.memory_space<vmem>>[vector<16xi32>, vector<16xi32>], vector<16xf32>,
    %swap3A_3214 = arith.constant 8 : i32
    %swap3A_3215 = arith.index_cast %swap3A_3214 : i32 to index
    %swap3A_3216 = arith.constant 16 : index
    %swap3A_3217 = tpu.vector_load %arg9[%swap3A_3215, %swap3A_3216] {strides = array<i32>} : memref<9x512xf32, #tpu.memory_space<vmem>>, vector<16xf32>,
    tpu.vector_store %arg9[%swap3A_3215, %swap3A_3216], %gather3A_3213 {strides = array<i32>} : memref<9x512xf32, #tpu.memory_space<vmem>>, vector<16xf32>,
    %get3A_3218 = arith.constant 32 : index
    %get3A_3219 = tpu.vector_load %arg6[%get3A_3218] {strides = array<i32>} : memref<512xi32, #tpu.memory_space<vmem>>, vector<16xi32>,
    %add3A_3220 = arith.constant 4128 : i32
    %add3A_3221 = vector.broadcast %add3A_3220 : i32 to vector<16xi32>
    %add3A_3222 = arith.addi %add3A_3221, %iota3A : vector<16xi32>
    %gather3A_3223 = tpu.vector_load_idx %arg8[%add3A_3222, %get3A_3219] : memref<4608x8xf32, #tpu.memory_space<vmem>>[vector<16xi32>, vector<16xi32>], vector<16xf32>,
    %swap3A_3224 = arith.constant 8 : i32
    %swap3A_3225 = arith.index_cast %swap3A_3224 : i32 to index
    %swap3A_3226 = arith.constant 32 : index
    %swap3A_3227 = tpu.vector_load %arg9[%swap3A_3225, %swap3A_3226] {strides = array<i32>} : memref<9x512xf32, #tpu.memory_space<vmem>>, vector<16xf32>,
    tpu.vector_store %arg9[%swap3A_3225, %swap3A_3226], %gather3A_3223 {strides = array<i32>} : memref<9x512xf32, #tpu.memory_space<vmem>>, vector<16xf32>,
    %get3A_3228 = arith.constant 48 : index
    %get3A_3229 = tpu.vector_load %arg6[%get3A_3228] {strides = array<i32>} : memref<512xi32, #tpu.memory_space<vmem>>, vector<16xi32>,
    %add3A_3230 = arith.constant 4144 : i32
    %add3A_3231 = vector.broadcast %add3A_3230 : i32 to vector<16xi32>
    %add3A_3232 = arith.addi %add3A_3231, %iota3A : vector<16xi32>
    %gather3A_3233 = tpu.vector_load_idx %arg8[%add3A_3232, %get3A_3229] : memref<4608x8xf32, #tpu.memory_space<vmem>>[vector<16xi32>, vector<16xi32>], vector<16xf32>,
    %swap3A_3234 = arith.constant 8 : i32
    %swap3A_3235 = arith.index_cast %swap3A_3234 : i32 to index
    %swap3A_3236 = arith.constant 48 : index
    %swap3A_3237 = tpu.vector_load %arg9[%swap3A_3235, %swap3A_3236] {strides = array<i32>} : memref<9x512xf32, #tpu.memory_space<vmem>>, vector<16xf32>,
    tpu.vector_store %arg9[%swap3A_3235, %swap3A_3236], %gather3A_3233 {strides = array<i32>} : memref<9x512xf32, #tpu.memory_space<vmem>>, vector<16xf32>,
    %get3A_3238 = arith.constant 64 : index
    %get3A_3239 = tpu.vector_load %arg6[%get3A_3238] {strides = array<i32>} : memref<512xi32, #tpu.memory_space<vmem>>, vector<16xi32>,
    %add3A_3240 = arith.constant 4160 : i32
    %add3A_3241 = vector.broadcast %add3A_3240 : i32 to vector<16xi32>
    %add3A_3242 = arith.addi %add3A_3241, %iota3A : vector<16xi32>
    %gather3A_3243 = tpu.vector_load_idx %arg8[%add3A_3242, %get3A_3239] : memref<4608x8xf32, #tpu.memory_space<vmem>>[vector<16xi32>, vector<16xi32>], vector<16xf32>,
    %swap3A_3244 = arith.constant 8 : i32
    %swap3A_3245 = arith.index_cast %swap3A_3244 : i32 to index
    %swap3A_3246 = arith.constant 64 : index
    %swap3A_3247 = tpu.vector_load %arg9[%swap3A_3245, %swap3A_3246] {strides = array<i32>} : memref<9x512xf32, #tpu.memory_space<vmem>>, vector<16xf32>,
    tpu.vector_store %arg9[%swap3A_3245, %swap3A_3246], %gather3A_3243 {strides = array<i32>} : memref<9x512xf32, #tpu.memory_space<vmem>>, vector<16xf32>,
    %get3A_3248 = arith.constant 80 : index
    %get3A_3249 = tpu.vector_load %arg6[%get3A_3248] {strides = array<i32>} : memref<512xi32, #tpu.memory_space<vmem>>, vector<16xi32>,
    %add3A_3250 = arith.constant 4176 : i32
    %add3A_3251 = vector.broadcast %add3A_3250 : i32 to vector<16xi32>
    %add3A_3252 = arith.addi %add3A_3251, %iota3A : vector<16xi32>
    %gather3A_3253 = tpu.vector_load_idx %arg8[%add3A_3252, %get3A_3249] : memref<4608x8xf32, #tpu.memory_space<vmem>>[vector<16xi32>, vector<16xi32>], vector<16xf32>,
    %swap3A_3254 = arith.constant 8 : i32
    %swap3A_3255 = arith.index_cast %swap3A_3254 : i32 to index
    %swap3A_3256 = arith.constant 80 : index
    %swap3A_3257 = tpu.vector_load %arg9[%swap3A_3255, %swap3A_3256] {strides = array<i32>} : memref<9x512xf32, #tpu.memory_space<vmem>>, vector<16xf32>,
    tpu.vector_store %arg9[%swap3A_3255, %swap3A_3256], %gather3A_3253 {strides = array<i32>} : memref<9x512xf32, #tpu.memory_space<vmem>>, vector<16xf32>,
    %get3A_3258 = arith.constant 96 : index
    %get3A_3259 = tpu.vector_load %arg6[%get3A_3258] {strides = array<i32>} : memref<512xi32, #tpu.memory_space<vmem>>, vector<16xi32>,
    %add3A_3260 = arith.constant 4192 : i32
    %add3A_3261 = vector.broadcast %add3A_3260 : i32 to vector<16xi32>
    %add3A_3262 = arith.addi %add3A_3261, %iota3A : vector<16xi32>
    %gather3A_3263 = tpu.vector_load_idx %arg8[%add3A_3262, %get3A_3259] : memref<4608x8xf32, #tpu.memory_space<vmem>>[vector<16xi32>, vector<16xi32>], vector<16xf32>,
    %swap3A_3264 = arith.constant 8 : i32
    %swap3A_3265 = arith.index_cast %swap3A_3264 : i32 to index
    %swap3A_3266 = arith.constant 96 : index
    %swap3A_3267 = tpu.vector_load %arg9[%swap3A_3265, %swap3A_3266] {strides = array<i32>} : memref<9x512xf32, #tpu.memory_space<vmem>>, vector<16xf32>,
    tpu.vector_store %arg9[%swap3A_3265, %swap3A_3266], %gather3A_3263 {strides = array<i32>} : memref<9x512xf32, #tpu.memory_space<vmem>>, vector<16xf32>,
    %get3A_3268 = arith.constant 112 : index
    %get3A_3269 = tpu.vector_load %arg6[%get3A_3268] {strides = array<i32>} : memref<512xi32, #tpu.memory_space<vmem>>, vector<16xi32>,
    %add3A_3270 = arith.constant 4208 : i32
    %add3A_3271 = vector.broadcast %add3A_3270 : i32 to vector<16xi32>
    %add3A_3272 = arith.addi %add3A_3271, %iota3A : vector<16xi32>
    %gather3A_3273 = tpu.vector_load_idx %arg8[%add3A_3272, %get3A_3269] : memref<4608x8xf32, #tpu.memory_space<vmem>>[vector<16xi32>, vector<16xi32>], vector<16xf32>,
    %swap3A_3274 = arith.constant 8 : i32
    %swap3A_3275 = arith.index_cast %swap3A_3274 : i32 to index
    %swap3A_3276 = arith.constant 112 : index
    %swap3A_3277 = tpu.vector_load %arg9[%swap3A_3275, %swap3A_3276] {strides = array<i32>} : memref<9x512xf32, #tpu.memory_space<vmem>>, vector<16xf32>,
    tpu.vector_store %arg9[%swap3A_3275, %swap3A_3276], %gather3A_3273 {strides = array<i32>} : memref<9x512xf32, #tpu.memory_space<vmem>>, vector<16xf32>,
    %get3A_3278 = arith.constant 128 : index
    %get3A_3279 = tpu.vector_load %arg6[%get3A_3278] {strides = array<i32>} : memref<512xi32, #tpu.memory_space<vmem>>, vector<16xi32>,
    %add3A_3280 = arith.constant 4224 : i32
    %add3A_3281 = vector.broadcast %add3A_3280 : i32 to vector<16xi32>
    %add3A_3282 = arith.addi %add3A_3281, %iota3A : vector<16xi32>
    %gather3A_3283 = tpu.vector_load_idx %arg8[%add3A_3282, %get3A_3279] : memref<4608x8xf32, #tpu.memory_space<vmem>>[vector<16xi32>, vector<16xi32>], vector<16xf32>,
    %swap3A_3284 = arith.constant 8 : i32
    %swap3A_3285 = arith.index_cast %swap3A_3284 : i32 to index
    %swap3A_3286 = arith.constant 128 : index
    %swap3A_3287 = tpu.vector_load %arg9[%swap3A_3285, %swap3A_3286] {strides = array<i32>} : memref<9x512xf32, #tpu.memory_space<vmem>>, vector<16xf32>,
    tpu.vector_store %arg9[%swap3A_3285, %swap3A_3286], %gather3A_3283 {strides = array<i32>} : memref<9x512xf32, #tpu.memory_space<vmem>>, vector<16xf32>,
    %get3A_3288 = arith.constant 144 : index
    %get3A_3289 = tpu.vector_load %arg6[%get3A_3288] {strides = array<i32>} : memref<512xi32, #tpu.memory_space<vmem>>, vector<16xi32>,
    %add3A_3290 = arith.constant 4240 : i32
    %add3A_3291 = vector.broadcast %add3A_3290 : i32 to vector<16xi32>
    %add3A_3292 = arith.addi %add3A_3291, %iota3A : vector<16xi32>
    %gather3A_3293 = tpu.vector_load_idx %arg8[%add3A_3292, %get3A_3289] : memref<4608x8xf32, #tpu.memory_space<vmem>>[vector<16xi32>, vector<16xi32>], vector<16xf32>,
    %swap3A_3294 = arith.constant 8 : i32
    %swap3A_3295 = arith.index_cast %swap3A_3294 : i32 to index
    %swap3A_3296 = arith.constant 144 : index
    %swap3A_3297 = tpu.vector_load %arg9[%swap3A_3295, %swap3A_3296] {strides = array<i32>} : memref<9x512xf32, #tpu.memory_space<vmem>>, vector<16xf32>,
    tpu.vector_store %arg9[%swap3A_3295, %swap3A_3296], %gather3A_3293 {strides = array<i32>} : memref<9x512xf32, #tpu.memory_space<vmem>>, vector<16xf32>,
    %get3A_3298 = arith.constant 160 : index
    %get3A_3299 = tpu.vector_load %arg6[%get3A_3298] {strides = array<i32>} : memref<512xi32, #tpu.memory_space<vmem>>, vector<16xi32>,
    %add3A_3300 = arith.constant 4256 : i32
    %add3A_3301 = vector.broadcast %add3A_3300 : i32 to vector<16xi32>
    %add3A_3302 = arith.addi %add3A_3301, %iota3A : vector<16xi32>
    %gather3A_3303 = tpu.vector_load_idx %arg8[%add3A_3302, %get3A_3299] : memref<4608x8xf32, #tpu.memory_space<vmem>>[vector<16xi32>, vector<16xi32>], vector<16xf32>,
    %swap3A_3304 = arith.constant 8 : i32
    %swap3A_3305 = arith.index_cast %swap3A_3304 : i32 to index
    %swap3A_3306 = arith.constant 160 : index
    %swap3A_3307 = tpu.vector_load %arg9[%swap3A_3305, %swap3A_3306] {strides = array<i32>} : memref<9x512xf32, #tpu.memory_space<vmem>>, vector<16xf32>,
    tpu.vector_store %arg9[%swap3A_3305, %swap3A_3306], %gather3A_3303 {strides = array<i32>} : memref<9x512xf32, #tpu.memory_space<vmem>>, vector<16xf32>,
    %get3A_3308 = arith.constant 176 : index
    %get3A_3309 = tpu.vector_load %arg6[%get3A_3308] {strides = array<i32>} : memref<512xi32, #tpu.memory_space<vmem>>, vector<16xi32>,
    %add3A_3310 = arith.constant 4272 : i32
    %add3A_3311 = vector.broadcast %add3A_3310 : i32 to vector<16xi32>
    %add3A_3312 = arith.addi %add3A_3311, %iota3A : vector<16xi32>
    %gather3A_3313 = tpu.vector_load_idx %arg8[%add3A_3312, %get3A_3309] : memref<4608x8xf32, #tpu.memory_space<vmem>>[vector<16xi32>, vector<16xi32>], vector<16xf32>,
    %swap3A_3314 = arith.constant 8 : i32
    %swap3A_3315 = arith.index_cast %swap3A_3314 : i32 to index
    %swap3A_3316 = arith.constant 176 : index
    %swap3A_3317 = tpu.vector_load %arg9[%swap3A_3315, %swap3A_3316] {strides = array<i32>} : memref<9x512xf32, #tpu.memory_space<vmem>>, vector<16xf32>,
    tpu.vector_store %arg9[%swap3A_3315, %swap3A_3316], %gather3A_3313 {strides = array<i32>} : memref<9x512xf32, #tpu.memory_space<vmem>>, vector<16xf32>,
    %get3A_3318 = arith.constant 192 : index
    %get3A_3319 = tpu.vector_load %arg6[%get3A_3318] {strides = array<i32>} : memref<512xi32, #tpu.memory_space<vmem>>, vector<16xi32>,
    %add3A_3320 = arith.constant 4288 : i32
    %add3A_3321 = vector.broadcast %add3A_3320 : i32 to vector<16xi32>
    %add3A_3322 = arith.addi %add3A_3321, %iota3A : vector<16xi32>
    %gather3A_3323 = tpu.vector_load_idx %arg8[%add3A_3322, %get3A_3319] : memref<4608x8xf32, #tpu.memory_space<vmem>>[vector<16xi32>, vector<16xi32>], vector<16xf32>,
    %swap3A_3324 = arith.constant 8 : i32
    %swap3A_3325 = arith.index_cast %swap3A_3324 : i32 to index
    %swap3A_3326 = arith.constant 192 : index
    %swap3A_3327 = tpu.vector_load %arg9[%swap3A_3325, %swap3A_3326] {strides = array<i32>} : memref<9x512xf32, #tpu.memory_space<vmem>>, vector<16xf32>,
    tpu.vector_store %arg9[%swap3A_3325, %swap3A_3326], %gather3A_3323 {strides = array<i32>} : memref<9x512xf32, #tpu.memory_space<vmem>>, vector<16xf32>,
    %get3A_3328 = arith.constant 208 : index
    %get3A_3329 = tpu.vector_load %arg6[%get3A_3328] {strides = array<i32>} : memref<512xi32, #tpu.memory_space<vmem>>, vector<16xi32>,
    %add3A_3330 = arith.constant 4304 : i32
    %add3A_3331 = vector.broadcast %add3A_3330 : i32 to vector<16xi32>
    %add3A_3332 = arith.addi %add3A_3331, %iota3A : vector<16xi32>
    %gather3A_3333 = tpu.vector_load_idx %arg8[%add3A_3332, %get3A_3329] : memref<4608x8xf32, #tpu.memory_space<vmem>>[vector<16xi32>, vector<16xi32>], vector<16xf32>,
    %swap3A_3334 = arith.constant 8 : i32
    %swap3A_3335 = arith.index_cast %swap3A_3334 : i32 to index
    %swap3A_3336 = arith.constant 208 : index
    %swap3A_3337 = tpu.vector_load %arg9[%swap3A_3335, %swap3A_3336] {strides = array<i32>} : memref<9x512xf32, #tpu.memory_space<vmem>>, vector<16xf32>,
    tpu.vector_store %arg9[%swap3A_3335, %swap3A_3336], %gather3A_3333 {strides = array<i32>} : memref<9x512xf32, #tpu.memory_space<vmem>>, vector<16xf32>,
    %get3A_3338 = arith.constant 224 : index
    %get3A_3339 = tpu.vector_load %arg6[%get3A_3338] {strides = array<i32>} : memref<512xi32, #tpu.memory_space<vmem>>, vector<16xi32>,
    %add3A_3340 = arith.constant 4320 : i32
    %add3A_3341 = vector.broadcast %add3A_3340 : i32 to vector<16xi32>
    %add3A_3342 = arith.addi %add3A_3341, %iota3A : vector<16xi32>
    %gather3A_3343 = tpu.vector_load_idx %arg8[%add3A_3342, %get3A_3339] : memref<4608x8xf32, #tpu.memory_space<vmem>>[vector<16xi32>, vector<16xi32>], vector<16xf32>,
    %swap3A_3344 = arith.constant 8 : i32
    %swap3A_3345 = arith.index_cast %swap3A_3344 : i32 to index
    %swap3A_3346 = arith.constant 224 : index
    %swap3A_3347 = tpu.vector_load %arg9[%swap3A_3345, %swap3A_3346] {strides = array<i32>} : memref<9x512xf32, #tpu.memory_space<vmem>>, vector<16xf32>,
    tpu.vector_store %arg9[%swap3A_3345, %swap3A_3346], %gather3A_3343 {strides = array<i32>} : memref<9x512xf32, #tpu.memory_space<vmem>>, vector<16xf32>,
    %get3A_3348 = arith.constant 240 : index
    %get3A_3349 = tpu.vector_load %arg6[%get3A_3348] {strides = array<i32>} : memref<512xi32, #tpu.memory_space<vmem>>, vector<16xi32>,
    %add3A_3350 = arith.constant 4336 : i32
    %add3A_3351 = vector.broadcast %add3A_3350 : i32 to vector<16xi32>
    %add3A_3352 = arith.addi %add3A_3351, %iota3A : vector<16xi32>
    %gather3A_3353 = tpu.vector_load_idx %arg8[%add3A_3352, %get3A_3349] : memref<4608x8xf32, #tpu.memory_space<vmem>>[vector<16xi32>, vector<16xi32>], vector<16xf32>,
    %swap3A_3354 = arith.constant 8 : i32
    %swap3A_3355 = arith.index_cast %swap3A_3354 : i32 to index
    %swap3A_3356 = arith.constant 240 : index
    %swap3A_3357 = tpu.vector_load %arg9[%swap3A_3355, %swap3A_3356] {strides = array<i32>} : memref<9x512xf32, #tpu.memory_space<vmem>>, vector<16xf32>,
    tpu.vector_store %arg9[%swap3A_3355, %swap3A_3356], %gather3A_3353 {strides = array<i32>} : memref<9x512xf32, #tpu.memory_space<vmem>>, vector<16xf32>,
    %get3A_3358 = arith.constant 256 : index
    %get3A_3359 = tpu.vector_load %arg6[%get3A_3358] {strides = array<i32>} : memref<512xi32, #tpu.memory_space<vmem>>, vector<16xi32>,
    %add3A_3360 = arith.constant 4352 : i32
    %add3A_3361 = vector.broadcast %add3A_3360 : i32 to vector<16xi32>
    %add3A_3362 = arith.addi %add3A_3361, %iota3A : vector<16xi32>
    %gather3A_3363 = tpu.vector_load_idx %arg8[%add3A_3362, %get3A_3359] : memref<4608x8xf32, #tpu.memory_space<vmem>>[vector<16xi32>, vector<16xi32>], vector<16xf32>,
    %swap3A_3364 = arith.constant 8 : i32
    %swap3A_3365 = arith.index_cast %swap3A_3364 : i32 to index
    %swap3A_3366 = arith.constant 256 : index
    %swap3A_3367 = tpu.vector_load %arg9[%swap3A_3365, %swap3A_3366] {strides = array<i32>} : memref<9x512xf32, #tpu.memory_space<vmem>>, vector<16xf32>,
    tpu.vector_store %arg9[%swap3A_3365, %swap3A_3366], %gather3A_3363 {strides = array<i32>} : memref<9x512xf32, #tpu.memory_space<vmem>>, vector<16xf32>,
    %get3A_3368 = arith.constant 272 : index
    %get3A_3369 = tpu.vector_load %arg6[%get3A_3368] {strides = array<i32>} : memref<512xi32, #tpu.memory_space<vmem>>, vector<16xi32>,
    %add3A_3370 = arith.constant 4368 : i32
    %add3A_3371 = vector.broadcast %add3A_3370 : i32 to vector<16xi32>
    %add3A_3372 = arith.addi %add3A_3371, %iota3A : vector<16xi32>
    %gather3A_3373 = tpu.vector_load_idx %arg8[%add3A_3372, %get3A_3369] : memref<4608x8xf32, #tpu.memory_space<vmem>>[vector<16xi32>, vector<16xi32>], vector<16xf32>,
    %swap3A_3374 = arith.constant 8 : i32
    %swap3A_3375 = arith.index_cast %swap3A_3374 : i32 to index
    %swap3A_3376 = arith.constant 272 : index
    %swap3A_3377 = tpu.vector_load %arg9[%swap3A_3375, %swap3A_3376] {strides = array<i32>} : memref<9x512xf32, #tpu.memory_space<vmem>>, vector<16xf32>,
    tpu.vector_store %arg9[%swap3A_3375, %swap3A_3376], %gather3A_3373 {strides = array<i32>} : memref<9x512xf32, #tpu.memory_space<vmem>>, vector<16xf32>,
    %get3A_3378 = arith.constant 288 : index
    %get3A_3379 = tpu.vector_load %arg6[%get3A_3378] {strides = array<i32>} : memref<512xi32, #tpu.memory_space<vmem>>, vector<16xi32>,
    %add3A_3380 = arith.constant 4384 : i32
    %add3A_3381 = vector.broadcast %add3A_3380 : i32 to vector<16xi32>
    %add3A_3382 = arith.addi %add3A_3381, %iota3A : vector<16xi32>
    %gather3A_3383 = tpu.vector_load_idx %arg8[%add3A_3382, %get3A_3379] : memref<4608x8xf32, #tpu.memory_space<vmem>>[vector<16xi32>, vector<16xi32>], vector<16xf32>,
    %swap3A_3384 = arith.constant 8 : i32
    %swap3A_3385 = arith.index_cast %swap3A_3384 : i32 to index
    %swap3A_3386 = arith.constant 288 : index
    %swap3A_3387 = tpu.vector_load %arg9[%swap3A_3385, %swap3A_3386] {strides = array<i32>} : memref<9x512xf32, #tpu.memory_space<vmem>>, vector<16xf32>,
    tpu.vector_store %arg9[%swap3A_3385, %swap3A_3386], %gather3A_3383 {strides = array<i32>} : memref<9x512xf32, #tpu.memory_space<vmem>>, vector<16xf32>,
    %get3A_3388 = arith.constant 304 : index
    %get3A_3389 = tpu.vector_load %arg6[%get3A_3388] {strides = array<i32>} : memref<512xi32, #tpu.memory_space<vmem>>, vector<16xi32>,
    %add3A_3390 = arith.constant 4400 : i32
    %add3A_3391 = vector.broadcast %add3A_3390 : i32 to vector<16xi32>
    %add3A_3392 = arith.addi %add3A_3391, %iota3A : vector<16xi32>
    %gather3A_3393 = tpu.vector_load_idx %arg8[%add3A_3392, %get3A_3389] : memref<4608x8xf32, #tpu.memory_space<vmem>>[vector<16xi32>, vector<16xi32>], vector<16xf32>,
    %swap3A_3394 = arith.constant 8 : i32
    %swap3A_3395 = arith.index_cast %swap3A_3394 : i32 to index
    %swap3A_3396 = arith.constant 304 : index
    %swap3A_3397 = tpu.vector_load %arg9[%swap3A_3395, %swap3A_3396] {strides = array<i32>} : memref<9x512xf32, #tpu.memory_space<vmem>>, vector<16xf32>,
    tpu.vector_store %arg9[%swap3A_3395, %swap3A_3396], %gather3A_3393 {strides = array<i32>} : memref<9x512xf32, #tpu.memory_space<vmem>>, vector<16xf32>,
    %get3A_3398 = arith.constant 320 : index
    %get3A_3399 = tpu.vector_load %arg6[%get3A_3398] {strides = array<i32>} : memref<512xi32, #tpu.memory_space<vmem>>, vector<16xi32>,
    %add3A_3400 = arith.constant 4416 : i32
    %add3A_3401 = vector.broadcast %add3A_3400 : i32 to vector<16xi32>
    %add3A_3402 = arith.addi %add3A_3401, %iota3A : vector<16xi32>
    %gather3A_3403 = tpu.vector_load_idx %arg8[%add3A_3402, %get3A_3399] : memref<4608x8xf32, #tpu.memory_space<vmem>>[vector<16xi32>, vector<16xi32>], vector<16xf32>,
    %swap3A_3404 = arith.constant 8 : i32
    %swap3A_3405 = arith.index_cast %swap3A_3404 : i32 to index
    %swap3A_3406 = arith.constant 320 : index
    %swap3A_3407 = tpu.vector_load %arg9[%swap3A_3405, %swap3A_3406] {strides = array<i32>} : memref<9x512xf32, #tpu.memory_space<vmem>>, vector<16xf32>,
    tpu.vector_store %arg9[%swap3A_3405, %swap3A_3406], %gather3A_3403 {strides = array<i32>} : memref<9x512xf32, #tpu.memory_space<vmem>>, vector<16xf32>,
    %get3A_3408 = arith.constant 336 : index
    %get3A_3409 = tpu.vector_load %arg6[%get3A_3408] {strides = array<i32>} : memref<512xi32, #tpu.memory_space<vmem>>, vector<16xi32>,
    %add3A_3410 = arith.constant 4432 : i32
    %add3A_3411 = vector.broadcast %add3A_3410 : i32 to vector<16xi32>
    %add3A_3412 = arith.addi %add3A_3411, %iota3A : vector<16xi32>
    %gather3A_3413 = tpu.vector_load_idx %arg8[%add3A_3412, %get3A_3409] : memref<4608x8xf32, #tpu.memory_space<vmem>>[vector<16xi32>, vector<16xi32>], vector<16xf32>,
    %swap3A_3414 = arith.constant 8 : i32
    %swap3A_3415 = arith.index_cast %swap3A_3414 : i32 to index
    %swap3A_3416 = arith.constant 336 : index
    %swap3A_3417 = tpu.vector_load %arg9[%swap3A_3415, %swap3A_3416] {strides = array<i32>} : memref<9x512xf32, #tpu.memory_space<vmem>>, vector<16xf32>,
    tpu.vector_store %arg9[%swap3A_3415, %swap3A_3416], %gather3A_3413 {strides = array<i32>} : memref<9x512xf32, #tpu.memory_space<vmem>>, vector<16xf32>,
    %get3A_3418 = arith.constant 352 : index
    %get3A_3419 = tpu.vector_load %arg6[%get3A_3418] {strides = array<i32>} : memref<512xi32, #tpu.memory_space<vmem>>, vector<16xi32>,
    %add3A_3420 = arith.constant 4448 : i32
    %add3A_3421 = vector.broadcast %add3A_3420 : i32 to vector<16xi32>
    %add3A_3422 = arith.addi %add3A_3421, %iota3A : vector<16xi32>
    %gather3A_3423 = tpu.vector_load_idx %arg8[%add3A_3422, %get3A_3419] : memref<4608x8xf32, #tpu.memory_space<vmem>>[vector<16xi32>, vector<16xi32>], vector<16xf32>,
    %swap3A_3424 = arith.constant 8 : i32
    %swap3A_3425 = arith.index_cast %swap3A_3424 : i32 to index
    %swap3A_3426 = arith.constant 352 : index
    %swap3A_3427 = tpu.vector_load %arg9[%swap3A_3425, %swap3A_3426] {strides = array<i32>} : memref<9x512xf32, #tpu.memory_space<vmem>>, vector<16xf32>,
    tpu.vector_store %arg9[%swap3A_3425, %swap3A_3426], %gather3A_3423 {strides = array<i32>} : memref<9x512xf32, #tpu.memory_space<vmem>>, vector<16xf32>,
    %get3A_3428 = arith.constant 368 : index
    %get3A_3429 = tpu.vector_load %arg6[%get3A_3428] {strides = array<i32>} : memref<512xi32, #tpu.memory_space<vmem>>, vector<16xi32>,
    %add3A_3430 = arith.constant 4464 : i32
    %add3A_3431 = vector.broadcast %add3A_3430 : i32 to vector<16xi32>
    %add3A_3432 = arith.addi %add3A_3431, %iota3A : vector<16xi32>
    %gather3A_3433 = tpu.vector_load_idx %arg8[%add3A_3432, %get3A_3429] : memref<4608x8xf32, #tpu.memory_space<vmem>>[vector<16xi32>, vector<16xi32>], vector<16xf32>,
    %swap3A_3434 = arith.constant 8 : i32
    %swap3A_3435 = arith.index_cast %swap3A_3434 : i32 to index
    %swap3A_3436 = arith.constant 368 : index
    %swap3A_3437 = tpu.vector_load %arg9[%swap3A_3435, %swap3A_3436] {strides = array<i32>} : memref<9x512xf32, #tpu.memory_space<vmem>>, vector<16xf32>,
    tpu.vector_store %arg9[%swap3A_3435, %swap3A_3436], %gather3A_3433 {strides = array<i32>} : memref<9x512xf32, #tpu.memory_space<vmem>>, vector<16xf32>,
    %get3A_3438 = arith.constant 384 : index
    %get3A_3439 = tpu.vector_load %arg6[%get3A_3438] {strides = array<i32>} : memref<512xi32, #tpu.memory_space<vmem>>, vector<16xi32>,
    %add3A_3440 = arith.constant 4480 : i32
    %add3A_3441 = vector.broadcast %add3A_3440 : i32 to vector<16xi32>
    %add3A_3442 = arith.addi %add3A_3441, %iota3A : vector<16xi32>
    %gather3A_3443 = tpu.vector_load_idx %arg8[%add3A_3442, %get3A_3439] : memref<4608x8xf32, #tpu.memory_space<vmem>>[vector<16xi32>, vector<16xi32>], vector<16xf32>,
    %swap3A_3444 = arith.constant 8 : i32
    %swap3A_3445 = arith.index_cast %swap3A_3444 : i32 to index
    %swap3A_3446 = arith.constant 384 : index
    %swap3A_3447 = tpu.vector_load %arg9[%swap3A_3445, %swap3A_3446] {strides = array<i32>} : memref<9x512xf32, #tpu.memory_space<vmem>>, vector<16xf32>,
    tpu.vector_store %arg9[%swap3A_3445, %swap3A_3446], %gather3A_3443 {strides = array<i32>} : memref<9x512xf32, #tpu.memory_space<vmem>>, vector<16xf32>,
    %get3A_3448 = arith.constant 400 : index
    %get3A_3449 = tpu.vector_load %arg6[%get3A_3448] {strides = array<i32>} : memref<512xi32, #tpu.memory_space<vmem>>, vector<16xi32>,
    %add3A_3450 = arith.constant 4496 : i32
    %add3A_3451 = vector.broadcast %add3A_3450 : i32 to vector<16xi32>
    %add3A_3452 = arith.addi %add3A_3451, %iota3A : vector<16xi32>
    %gather3A_3453 = tpu.vector_load_idx %arg8[%add3A_3452, %get3A_3449] : memref<4608x8xf32, #tpu.memory_space<vmem>>[vector<16xi32>, vector<16xi32>], vector<16xf32>,
    %swap3A_3454 = arith.constant 8 : i32
    %swap3A_3455 = arith.index_cast %swap3A_3454 : i32 to index
    %swap3A_3456 = arith.constant 400 : index
    %swap3A_3457 = tpu.vector_load %arg9[%swap3A_3455, %swap3A_3456] {strides = array<i32>} : memref<9x512xf32, #tpu.memory_space<vmem>>, vector<16xf32>,
    tpu.vector_store %arg9[%swap3A_3455, %swap3A_3456], %gather3A_3453 {strides = array<i32>} : memref<9x512xf32, #tpu.memory_space<vmem>>, vector<16xf32>,
    %get3A_3458 = arith.constant 416 : index
    %get3A_3459 = tpu.vector_load %arg6[%get3A_3458] {strides = array<i32>} : memref<512xi32, #tpu.memory_space<vmem>>, vector<16xi32>,
    %add3A_3460 = arith.constant 4512 : i32
    %add3A_3461 = vector.broadcast %add3A_3460 : i32 to vector<16xi32>
    %add3A_3462 = arith.addi %add3A_3461, %iota3A : vector<16xi32>
    %gather3A_3463 = tpu.vector_load_idx %arg8[%add3A_3462, %get3A_3459] : memref<4608x8xf32, #tpu.memory_space<vmem>>[vector<16xi32>, vector<16xi32>], vector<16xf32>,
    %swap3A_3464 = arith.constant 8 : i32
    %swap3A_3465 = arith.index_cast %swap3A_3464 : i32 to index
    %swap3A_3466 = arith.constant 416 : index
    %swap3A_3467 = tpu.vector_load %arg9[%swap3A_3465, %swap3A_3466] {strides = array<i32>} : memref<9x512xf32, #tpu.memory_space<vmem>>, vector<16xf32>,
    tpu.vector_store %arg9[%swap3A_3465, %swap3A_3466], %gather3A_3463 {strides = array<i32>} : memref<9x512xf32, #tpu.memory_space<vmem>>, vector<16xf32>,
    %get3A_3468 = arith.constant 432 : index
    %get3A_3469 = tpu.vector_load %arg6[%get3A_3468] {strides = array<i32>} : memref<512xi32, #tpu.memory_space<vmem>>, vector<16xi32>,
    %add3A_3470 = arith.constant 4528 : i32
    %add3A_3471 = vector.broadcast %add3A_3470 : i32 to vector<16xi32>
    %add3A_3472 = arith.addi %add3A_3471, %iota3A : vector<16xi32>
    %gather3A_3473 = tpu.vector_load_idx %arg8[%add3A_3472, %get3A_3469] : memref<4608x8xf32, #tpu.memory_space<vmem>>[vector<16xi32>, vector<16xi32>], vector<16xf32>,
    %swap3A_3474 = arith.constant 8 : i32
    %swap3A_3475 = arith.index_cast %swap3A_3474 : i32 to index
    %swap3A_3476 = arith.constant 432 : index
    %swap3A_3477 = tpu.vector_load %arg9[%swap3A_3475, %swap3A_3476] {strides = array<i32>} : memref<9x512xf32, #tpu.memory_space<vmem>>, vector<16xf32>,
    tpu.vector_store %arg9[%swap3A_3475, %swap3A_3476], %gather3A_3473 {strides = array<i32>} : memref<9x512xf32, #tpu.memory_space<vmem>>, vector<16xf32>,
    %get3A_3478 = arith.constant 448 : index
    %get3A_3479 = tpu.vector_load %arg6[%get3A_3478] {strides = array<i32>} : memref<512xi32, #tpu.memory_space<vmem>>, vector<16xi32>,
    %add3A_3480 = arith.constant 4544 : i32
    %add3A_3481 = vector.broadcast %add3A_3480 : i32 to vector<16xi32>
    %add3A_3482 = arith.addi %add3A_3481, %iota3A : vector<16xi32>
    %gather3A_3483 = tpu.vector_load_idx %arg8[%add3A_3482, %get3A_3479] : memref<4608x8xf32, #tpu.memory_space<vmem>>[vector<16xi32>, vector<16xi32>], vector<16xf32>,
    %swap3A_3484 = arith.constant 8 : i32
    %swap3A_3485 = arith.index_cast %swap3A_3484 : i32 to index
    %swap3A_3486 = arith.constant 448 : index
    %swap3A_3487 = tpu.vector_load %arg9[%swap3A_3485, %swap3A_3486] {strides = array<i32>} : memref<9x512xf32, #tpu.memory_space<vmem>>, vector<16xf32>,
    tpu.vector_store %arg9[%swap3A_3485, %swap3A_3486], %gather3A_3483 {strides = array<i32>} : memref<9x512xf32, #tpu.memory_space<vmem>>, vector<16xf32>,
    %get3A_3488 = arith.constant 464 : index
    %get3A_3489 = tpu.vector_load %arg6[%get3A_3488] {strides = array<i32>} : memref<512xi32, #tpu.memory_space<vmem>>, vector<16xi32>,
    %add3A_3490 = arith.constant 4560 : i32
    %add3A_3491 = vector.broadcast %add3A_3490 : i32 to vector<16xi32>
    %add3A_3492 = arith.addi %add3A_3491, %iota3A : vector<16xi32>
    %gather3A_3493 = tpu.vector_load_idx %arg8[%add3A_3492, %get3A_3489] : memref<4608x8xf32, #tpu.memory_space<vmem>>[vector<16xi32>, vector<16xi32>], vector<16xf32>,
    %swap3A_3494 = arith.constant 8 : i32
    %swap3A_3495 = arith.index_cast %swap3A_3494 : i32 to index
    %swap3A_3496 = arith.constant 464 : index
    %swap3A_3497 = tpu.vector_load %arg9[%swap3A_3495, %swap3A_3496] {strides = array<i32>} : memref<9x512xf32, #tpu.memory_space<vmem>>, vector<16xf32>,
    tpu.vector_store %arg9[%swap3A_3495, %swap3A_3496], %gather3A_3493 {strides = array<i32>} : memref<9x512xf32, #tpu.memory_space<vmem>>, vector<16xf32>,
    %get3A_3498 = arith.constant 480 : index
    %get3A_3499 = tpu.vector_load %arg6[%get3A_3498] {strides = array<i32>} : memref<512xi32, #tpu.memory_space<vmem>>, vector<16xi32>,
    %add3A_3500 = arith.constant 4576 : i32
    %add3A_3501 = vector.broadcast %add3A_3500 : i32 to vector<16xi32>
    %add3A_3502 = arith.addi %add3A_3501, %iota3A : vector<16xi32>
    %gather3A_3503 = tpu.vector_load_idx %arg8[%add3A_3502, %get3A_3499] : memref<4608x8xf32, #tpu.memory_space<vmem>>[vector<16xi32>, vector<16xi32>], vector<16xf32>,
    %swap3A_3504 = arith.constant 8 : i32
    %swap3A_3505 = arith.index_cast %swap3A_3504 : i32 to index
    %swap3A_3506 = arith.constant 480 : index
    %swap3A_3507 = tpu.vector_load %arg9[%swap3A_3505, %swap3A_3506] {strides = array<i32>} : memref<9x512xf32, #tpu.memory_space<vmem>>, vector<16xf32>,
    tpu.vector_store %arg9[%swap3A_3505, %swap3A_3506], %gather3A_3503 {strides = array<i32>} : memref<9x512xf32, #tpu.memory_space<vmem>>, vector<16xf32>,
    %get3A_3508 = arith.constant 496 : index
    %get3A_3509 = tpu.vector_load %arg6[%get3A_3508] {strides = array<i32>} : memref<512xi32, #tpu.memory_space<vmem>>, vector<16xi32>,
    %add3A_3510 = arith.constant 4592 : i32
    %add3A_3511 = vector.broadcast %add3A_3510 : i32 to vector<16xi32>
    %add3A_3512 = arith.addi %add3A_3511, %iota3A : vector<16xi32>
    %gather3A_3513 = tpu.vector_load_idx %arg8[%add3A_3512, %get3A_3509] : memref<4608x8xf32, #tpu.memory_space<vmem>>[vector<16xi32>, vector<16xi32>], vector<16xf32>,
    %swap3A_3514 = arith.constant 8 : i32
    %swap3A_3515 = arith.index_cast %swap3A_3514 : i32 to index
    %swap3A_3516 = arith.constant 496 : index
    %swap3A_3517 = tpu.vector_load %arg9[%swap3A_3515, %swap3A_3516] {strides = array<i32>} : memref<9x512xf32, #tpu.memory_space<vmem>>, vector<16xf32>,
    tpu.vector_store %arg9[%swap3A_3515, %swap3A_3516], %gather3A_3513 {strides = array<i32>} : memref<9x512xf32, #tpu.memory_space<vmem>>, vector<16xf32>,
    %dma_start3A_3518 = arith.constant 8 : i32
    %dma_start3A_3519 = arith.constant 8 : i32
    %dma_start3A_3520 = arith.constant 0 : i32
    %dma_start3A_3521 = tpu.memref_slice %arg9[%dma_start3A_3518, %dma_start3A_3520] : memref<9x512xf32, #tpu.memory_space<vmem>> -> memref<1x512xf32, #tpu.memory_space<vmem>>
    %dma_start3A_3522 = tpu.memref_squeeze %dma_start3A_3521 : memref<1x512xf32, #tpu.memory_space<vmem>> -> memref<512xf32, #tpu.memory_space<vmem>>
    %dma_start3A_3523 = tpu.memref_slice %arg4[%dma_start3A_3519, %mul3A_2] : memref<9x16384xf32, #tpu.memory_space<hbm>> -> memref<1x512xf32, #tpu.memory_space<hbm>>
    %dma_start3A_3524 = tpu.memref_squeeze %dma_start3A_3523 : memref<1x512xf32, #tpu.memory_space<hbm>> -> memref<512xf32, #tpu.memory_space<hbm>>
    %dma_start3A_3525 = tpu.memref_slice %arg4[%dma_start3A_3519, %mul3A_2] : memref<9x16384xf32, #tpu.memory_space<hbm>> -> memref<1x512xf32, #tpu.memory_space<hbm>>
    %dma_start3A_3526 = tpu.memref_squeeze %dma_start3A_3525 : memref<1x512xf32, #tpu.memory_space<hbm>> -> memref<512xf32, #tpu.memory_space<hbm>>
    %dma_start3A_3527 = arith.constant 0 : i32
    %dma_start3A_3528 = tpu.memref_slice %arg9[%dma_start3A_3518, %dma_start3A_3527] : memref<9x512xf32, #tpu.memory_space<vmem>> -> memref<1x512xf32, #tpu.memory_space<vmem>>
    %dma_start3A_3529 = tpu.memref_squeeze %dma_start3A_3528 : memref<1x512xf32, #tpu.memory_space<vmem>> -> memref<512xf32, #tpu.memory_space<vmem>>
    tpu.enqueue_dma source(%dma_start3A_3529 : memref<512xf32, #tpu.memory_space<vmem>>) target(%dma_start3A_3526 : memref<512xf32, #tpu.memory_space<hbm>>) target_semaphore(%arg18 : memref<!tpu.dma_semaphore, #tpu.memory_space<semaphore_mem>>)
    %dma_wait3A_3530 = arith.constant 0 : i32
    %dma_wait3A_3531 = arith.constant 0 : i32
    %dma_wait3A_3532 = arith.constant 0 : i32
    %dma_wait3A_3533 = tpu.memref_slice %arg9[%dma_wait3A_3530, %dma_wait3A_3532] : memref<9x512xf32, #tpu.memory_space<vmem>> -> memref<1x512xf32, #tpu.memory_space<vmem>>
    %dma_wait3A_3534 = tpu.memref_squeeze %dma_wait3A_3533 : memref<1x512xf32, #tpu.memory_space<vmem>> -> memref<512xf32, #tpu.memory_space<vmem>>
    %dma_wait3A_3535 = tpu.memref_slice %arg4[%dma_wait3A_3531, %mul3A_2] : memref<9x16384xf32, #tpu.memory_space<hbm>> -> memref<1x512xf32, #tpu.memory_space<hbm>>
    %dma_wait3A_3536 = tpu.memref_squeeze %dma_wait3A_3535 : memref<1x512xf32, #tpu.memory_space<hbm>> -> memref<512xf32, #tpu.memory_space<hbm>>
    %dma_wait3A_3537 = tpu.memref_slice %arg4[%dma_wait3A_3531, %mul3A_2] : memref<9x16384xf32, #tpu.memory_space<hbm>> -> memref<1x512xf32, #tpu.memory_space<hbm>>
    %dma_wait3A_3538 = tpu.memref_squeeze %dma_wait3A_3537 : memref<1x512xf32, #tpu.memory_space<hbm>> -> memref<512xf32, #tpu.memory_space<hbm>>
    %dma_wait3A_3539 = arith.constant 0 : i32
    %dma_wait3A_3540 = tpu.memref_slice %arg9[%dma_wait3A_3530, %dma_wait3A_3539] : memref<9x512xf32, #tpu.memory_space<vmem>> -> memref<1x512xf32, #tpu.memory_space<vmem>>
    %dma_wait3A_3541 = tpu.memref_squeeze %dma_wait3A_3540 : memref<1x512xf32, #tpu.memory_space<vmem>> -> memref<512xf32, #tpu.memory_space<vmem>>
    tpu.wait_dma2 semaphore(%arg10 : memref<!tpu.dma_semaphore, #tpu.memory_space<semaphore_mem>>) src(%dma_wait3A_3541 : memref<512xf32, #tpu.memory_space<vmem>>) dst(%dma_wait3A_3538 : memref<512xf32, #tpu.memory_space<hbm>>)
    %dma_wait3A_3542 = arith.constant 1 : i32
    %dma_wait3A_3543 = arith.constant 1 : i32
    %dma_wait3A_3544 = arith.constant 0 : i32
    %dma_wait3A_3545 = tpu.memref_slice %arg9[%dma_wait3A_3542, %dma_wait3A_3544] : memref<9x512xf32, #tpu.memory_space<vmem>> -> memref<1x512xf32, #tpu.memory_space<vmem>>
    %dma_wait3A_3546 = tpu.memref_squeeze %dma_wait3A_3545 : memref<1x512xf32, #tpu.memory_space<vmem>> -> memref<512xf32, #tpu.memory_space<vmem>>
    %dma_wait3A_3547 = tpu.memref_slice %arg4[%dma_wait3A_3543, %mul3A_2] : memref<9x16384xf32, #tpu.memory_space<hbm>> -> memref<1x512xf32, #tpu.memory_space<hbm>>
    %dma_wait3A_3548 = tpu.memref_squeeze %dma_wait3A_3547 : memref<1x512xf32, #tpu.memory_space<hbm>> -> memref<512xf32, #tpu.memory_space<hbm>>
    %dma_wait3A_3549 = tpu.memref_slice %arg4[%dma_wait3A_3543, %mul3A_2] : memref<9x16384xf32, #tpu.memory_space<hbm>> -> memref<1x512xf32, #tpu.memory_space<hbm>>
    %dma_wait3A_3550 = tpu.memref_squeeze %dma_wait3A_3549 : memref<1x512xf32, #tpu.memory_space<hbm>> -> memref<512xf32, #tpu.memory_space<hbm>>
    %dma_wait3A_3551 = arith.constant 0 : i32
    %dma_wait3A_3552 = tpu.memref_slice %arg9[%dma_wait3A_3542, %dma_wait3A_3551] : memref<9x512xf32, #tpu.memory_space<vmem>> -> memref<1x512xf32, #tpu.memory_space<vmem>>
    %dma_wait3A_3553 = tpu.memref_squeeze %dma_wait3A_3552 : memref<1x512xf32, #tpu.memory_space<vmem>> -> memref<512xf32, #tpu.memory_space<vmem>>
    tpu.wait_dma2 semaphore(%arg11 : memref<!tpu.dma_semaphore, #tpu.memory_space<semaphore_mem>>) src(%dma_wait3A_3553 : memref<512xf32, #tpu.memory_space<vmem>>) dst(%dma_wait3A_3550 : memref<512xf32, #tpu.memory_space<hbm>>)
    %dma_wait3A_3554 = arith.constant 2 : i32
    %dma_wait3A_3555 = arith.constant 2 : i32
    %dma_wait3A_3556 = arith.constant 0 : i32
    %dma_wait3A_3557 = tpu.memref_slice %arg9[%dma_wait3A_3554, %dma_wait3A_3556] : memref<9x512xf32, #tpu.memory_space<vmem>> -> memref<1x512xf32, #tpu.memory_space<vmem>>
    %dma_wait3A_3558 = tpu.memref_squeeze %dma_wait3A_3557 : memref<1x512xf32, #tpu.memory_space<vmem>> -> memref<512xf32, #tpu.memory_space<vmem>>
    %dma_wait3A_3559 = tpu.memref_slice %arg4[%dma_wait3A_3555, %mul3A_2] : memref<9x16384xf32, #tpu.memory_space<hbm>> -> memref<1x512xf32, #tpu.memory_space<hbm>>
    %dma_wait3A_3560 = tpu.memref_squeeze %dma_wait3A_3559 : memref<1x512xf32, #tpu.memory_space<hbm>> -> memref<512xf32, #tpu.memory_space<hbm>>
    %dma_wait3A_3561 = tpu.memref_slice %arg4[%dma_wait3A_3555, %mul3A_2] : memref<9x16384xf32, #tpu.memory_space<hbm>> -> memref<1x512xf32, #tpu.memory_space<hbm>>
    %dma_wait3A_3562 = tpu.memref_squeeze %dma_wait3A_3561 : memref<1x512xf32, #tpu.memory_space<hbm>> -> memref<512xf32, #tpu.memory_space<hbm>>
    %dma_wait3A_3563 = arith.constant 0 : i32
    %dma_wait3A_3564 = tpu.memref_slice %arg9[%dma_wait3A_3554, %dma_wait3A_3563] : memref<9x512xf32, #tpu.memory_space<vmem>> -> memref<1x512xf32, #tpu.memory_space<vmem>>
    %dma_wait3A_3565 = tpu.memref_squeeze %dma_wait3A_3564 : memref<1x512xf32, #tpu.memory_space<vmem>> -> memref<512xf32, #tpu.memory_space<vmem>>
    tpu.wait_dma2 semaphore(%arg12 : memref<!tpu.dma_semaphore, #tpu.memory_space<semaphore_mem>>) src(%dma_wait3A_3565 : memref<512xf32, #tpu.memory_space<vmem>>) dst(%dma_wait3A_3562 : memref<512xf32, #tpu.memory_space<hbm>>)
    %dma_wait3A_3566 = arith.constant 3 : i32
    %dma_wait3A_3567 = arith.constant 3 : i32
    %dma_wait3A_3568 = arith.constant 0 : i32
    %dma_wait3A_3569 = tpu.memref_slice %arg9[%dma_wait3A_3566, %dma_wait3A_3568] : memref<9x512xf32, #tpu.memory_space<vmem>> -> memref<1x512xf32, #tpu.memory_space<vmem>>
    %dma_wait3A_3570 = tpu.memref_squeeze %dma_wait3A_3569 : memref<1x512xf32, #tpu.memory_space<vmem>> -> memref<512xf32, #tpu.memory_space<vmem>>
    %dma_wait3A_3571 = tpu.memref_slice %arg4[%dma_wait3A_3567, %mul3A_2] : memref<9x16384xf32, #tpu.memory_space<hbm>> -> memref<1x512xf32, #tpu.memory_space<hbm>>
    %dma_wait3A_3572 = tpu.memref_squeeze %dma_wait3A_3571 : memref<1x512xf32, #tpu.memory_space<hbm>> -> memref<512xf32, #tpu.memory_space<hbm>>
    %dma_wait3A_3573 = tpu.memref_slice %arg4[%dma_wait3A_3567, %mul3A_2] : memref<9x16384xf32, #tpu.memory_space<hbm>> -> memref<1x512xf32, #tpu.memory_space<hbm>>
    %dma_wait3A_3574 = tpu.memref_squeeze %dma_wait3A_3573 : memref<1x512xf32, #tpu.memory_space<hbm>> -> memref<512xf32, #tpu.memory_space<hbm>>
    %dma_wait3A_3575 = arith.constant 0 : i32
    %dma_wait3A_3576 = tpu.memref_slice %arg9[%dma_wait3A_3566, %dma_wait3A_3575] : memref<9x512xf32, #tpu.memory_space<vmem>> -> memref<1x512xf32, #tpu.memory_space<vmem>>
    %dma_wait3A_3577 = tpu.memref_squeeze %dma_wait3A_3576 : memref<1x512xf32, #tpu.memory_space<vmem>> -> memref<512xf32, #tpu.memory_space<vmem>>
    tpu.wait_dma2 semaphore(%arg13 : memref<!tpu.dma_semaphore, #tpu.memory_space<semaphore_mem>>) src(%dma_wait3A_3577 : memref<512xf32, #tpu.memory_space<vmem>>) dst(%dma_wait3A_3574 : memref<512xf32, #tpu.memory_space<hbm>>)
    %dma_wait3A_3578 = arith.constant 4 : i32
    %dma_wait3A_3579 = arith.constant 4 : i32
    %dma_wait3A_3580 = arith.constant 0 : i32
    %dma_wait3A_3581 = tpu.memref_slice %arg9[%dma_wait3A_3578, %dma_wait3A_3580] : memref<9x512xf32, #tpu.memory_space<vmem>> -> memref<1x512xf32, #tpu.memory_space<vmem>>
    %dma_wait3A_3582 = tpu.memref_squeeze %dma_wait3A_3581 : memref<1x512xf32, #tpu.memory_space<vmem>> -> memref<512xf32, #tpu.memory_space<vmem>>
    %dma_wait3A_3583 = tpu.memref_slice %arg4[%dma_wait3A_3579, %mul3A_2] : memref<9x16384xf32, #tpu.memory_space<hbm>> -> memref<1x512xf32, #tpu.memory_space<hbm>>
    %dma_wait3A_3584 = tpu.memref_squeeze %dma_wait3A_3583 : memref<1x512xf32, #tpu.memory_space<hbm>> -> memref<512xf32, #tpu.memory_space<hbm>>
    %dma_wait3A_3585 = tpu.memref_slice %arg4[%dma_wait3A_3579, %mul3A_2] : memref<9x16384xf32, #tpu.memory_space<hbm>> -> memref<1x512xf32, #tpu.memory_space<hbm>>
    %dma_wait3A_3586 = tpu.memref_squeeze %dma_wait3A_3585 : memref<1x512xf32, #tpu.memory_space<hbm>> -> memref<512xf32, #tpu.memory_space<hbm>>
    %dma_wait3A_3587 = arith.constant 0 : i32
    %dma_wait3A_3588 = tpu.memref_slice %arg9[%dma_wait3A_3578, %dma_wait3A_3587] : memref<9x512xf32, #tpu.memory_space<vmem>> -> memref<1x512xf32, #tpu.memory_space<vmem>>
    %dma_wait3A_3589 = tpu.memref_squeeze %dma_wait3A_3588 : memref<1x512xf32, #tpu.memory_space<vmem>> -> memref<512xf32, #tpu.memory_space<vmem>>
    tpu.wait_dma2 semaphore(%arg14 : memref<!tpu.dma_semaphore, #tpu.memory_space<semaphore_mem>>) src(%dma_wait3A_3589 : memref<512xf32, #tpu.memory_space<vmem>>) dst(%dma_wait3A_3586 : memref<512xf32, #tpu.memory_space<hbm>>)
    %dma_wait3A_3590 = arith.constant 5 : i32
    %dma_wait3A_3591 = arith.constant 5 : i32
    %dma_wait3A_3592 = arith.constant 0 : i32
    %dma_wait3A_3593 = tpu.memref_slice %arg9[%dma_wait3A_3590, %dma_wait3A_3592] : memref<9x512xf32, #tpu.memory_space<vmem>> -> memref<1x512xf32, #tpu.memory_space<vmem>>
    %dma_wait3A_3594 = tpu.memref_squeeze %dma_wait3A_3593 : memref<1x512xf32, #tpu.memory_space<vmem>> -> memref<512xf32, #tpu.memory_space<vmem>>
    %dma_wait3A_3595 = tpu.memref_slice %arg4[%dma_wait3A_3591, %mul3A_2] : memref<9x16384xf32, #tpu.memory_space<hbm>> -> memref<1x512xf32, #tpu.memory_space<hbm>>
    %dma_wait3A_3596 = tpu.memref_squeeze %dma_wait3A_3595 : memref<1x512xf32, #tpu.memory_space<hbm>> -> memref<512xf32, #tpu.memory_space<hbm>>
    %dma_wait3A_3597 = tpu.memref_slice %arg4[%dma_wait3A_3591, %mul3A_2] : memref<9x16384xf32, #tpu.memory_space<hbm>> -> memref<1x512xf32, #tpu.memory_space<hbm>>
    %dma_wait3A_3598 = tpu.memref_squeeze %dma_wait3A_3597 : memref<1x512xf32, #tpu.memory_space<hbm>> -> memref<512xf32, #tpu.memory_space<hbm>>
    %dma_wait3A_3599 = arith.constant 0 : i32
    %dma_wait3A_3600 = tpu.memref_slice %arg9[%dma_wait3A_3590, %dma_wait3A_3599] : memref<9x512xf32, #tpu.memory_space<vmem>> -> memref<1x512xf32, #tpu.memory_space<vmem>>
    %dma_wait3A_3601 = tpu.memref_squeeze %dma_wait3A_3600 : memref<1x512xf32, #tpu.memory_space<vmem>> -> memref<512xf32, #tpu.memory_space<vmem>>
    tpu.wait_dma2 semaphore(%arg15 : memref<!tpu.dma_semaphore, #tpu.memory_space<semaphore_mem>>) src(%dma_wait3A_3601 : memref<512xf32, #tpu.memory_space<vmem>>) dst(%dma_wait3A_3598 : memref<512xf32, #tpu.memory_space<hbm>>)
    %dma_wait3A_3602 = arith.constant 6 : i32
    %dma_wait3A_3603 = arith.constant 6 : i32
    %dma_wait3A_3604 = arith.constant 0 : i32
    %dma_wait3A_3605 = tpu.memref_slice %arg9[%dma_wait3A_3602, %dma_wait3A_3604] : memref<9x512xf32, #tpu.memory_space<vmem>> -> memref<1x512xf32, #tpu.memory_space<vmem>>
    %dma_wait3A_3606 = tpu.memref_squeeze %dma_wait3A_3605 : memref<1x512xf32, #tpu.memory_space<vmem>> -> memref<512xf32, #tpu.memory_space<vmem>>
    %dma_wait3A_3607 = tpu.memref_slice %arg4[%dma_wait3A_3603, %mul3A_2] : memref<9x16384xf32, #tpu.memory_space<hbm>> -> memref<1x512xf32, #tpu.memory_space<hbm>>
    %dma_wait3A_3608 = tpu.memref_squeeze %dma_wait3A_3607 : memref<1x512xf32, #tpu.memory_space<hbm>> -> memref<512xf32, #tpu.memory_space<hbm>>
    %dma_wait3A_3609 = tpu.memref_slice %arg4[%dma_wait3A_3603, %mul3A_2] : memref<9x16384xf32, #tpu.memory_space<hbm>> -> memref<1x512xf32, #tpu.memory_space<hbm>>
    %dma_wait3A_3610 = tpu.memref_squeeze %dma_wait3A_3609 : memref<1x512xf32, #tpu.memory_space<hbm>> -> memref<512xf32, #tpu.memory_space<hbm>>
    %dma_wait3A_3611 = arith.constant 0 : i32
    %dma_wait3A_3612 = tpu.memref_slice %arg9[%dma_wait3A_3602, %dma_wait3A_3611] : memref<9x512xf32, #tpu.memory_space<vmem>> -> memref<1x512xf32, #tpu.memory_space<vmem>>
    %dma_wait3A_3613 = tpu.memref_squeeze %dma_wait3A_3612 : memref<1x512xf32, #tpu.memory_space<vmem>> -> memref<512xf32, #tpu.memory_space<vmem>>
    tpu.wait_dma2 semaphore(%arg16 : memref<!tpu.dma_semaphore, #tpu.memory_space<semaphore_mem>>) src(%dma_wait3A_3613 : memref<512xf32, #tpu.memory_space<vmem>>) dst(%dma_wait3A_3610 : memref<512xf32, #tpu.memory_space<hbm>>)
    %dma_wait3A_3614 = arith.constant 7 : i32
    %dma_wait3A_3615 = arith.constant 7 : i32
    %dma_wait3A_3616 = arith.constant 0 : i32
    %dma_wait3A_3617 = tpu.memref_slice %arg9[%dma_wait3A_3614, %dma_wait3A_3616] : memref<9x512xf32, #tpu.memory_space<vmem>> -> memref<1x512xf32, #tpu.memory_space<vmem>>
    %dma_wait3A_3618 = tpu.memref_squeeze %dma_wait3A_3617 : memref<1x512xf32, #tpu.memory_space<vmem>> -> memref<512xf32, #tpu.memory_space<vmem>>
    %dma_wait3A_3619 = tpu.memref_slice %arg4[%dma_wait3A_3615, %mul3A_2] : memref<9x16384xf32, #tpu.memory_space<hbm>> -> memref<1x512xf32, #tpu.memory_space<hbm>>
    %dma_wait3A_3620 = tpu.memref_squeeze %dma_wait3A_3619 : memref<1x512xf32, #tpu.memory_space<hbm>> -> memref<512xf32, #tpu.memory_space<hbm>>
    %dma_wait3A_3621 = tpu.memref_slice %arg4[%dma_wait3A_3615, %mul3A_2] : memref<9x16384xf32, #tpu.memory_space<hbm>> -> memref<1x512xf32, #tpu.memory_space<hbm>>
    %dma_wait3A_3622 = tpu.memref_squeeze %dma_wait3A_3621 : memref<1x512xf32, #tpu.memory_space<hbm>> -> memref<512xf32, #tpu.memory_space<hbm>>
    %dma_wait3A_3623 = arith.constant 0 : i32
    %dma_wait3A_3624 = tpu.memref_slice %arg9[%dma_wait3A_3614, %dma_wait3A_3623] : memref<9x512xf32, #tpu.memory_space<vmem>> -> memref<1x512xf32, #tpu.memory_space<vmem>>
    %dma_wait3A_3625 = tpu.memref_squeeze %dma_wait3A_3624 : memref<1x512xf32, #tpu.memory_space<vmem>> -> memref<512xf32, #tpu.memory_space<vmem>>
    tpu.wait_dma2 semaphore(%arg17 : memref<!tpu.dma_semaphore, #tpu.memory_space<semaphore_mem>>) src(%dma_wait3A_3625 : memref<512xf32, #tpu.memory_space<vmem>>) dst(%dma_wait3A_3622 : memref<512xf32, #tpu.memory_space<hbm>>)
    %dma_wait3A_3626 = arith.constant 8 : i32
    %dma_wait3A_3627 = arith.constant 8 : i32
    %dma_wait3A_3628 = arith.constant 0 : i32
    %dma_wait3A_3629 = tpu.memref_slice %arg9[%dma_wait3A_3626, %dma_wait3A_3628] : memref<9x512xf32, #tpu.memory_space<vmem>> -> memref<1x512xf32, #tpu.memory_space<vmem>>
    %dma_wait3A_3630 = tpu.memref_squeeze %dma_wait3A_3629 : memref<1x512xf32, #tpu.memory_space<vmem>> -> memref<512xf32, #tpu.memory_space<vmem>>
    %dma_wait3A_3631 = tpu.memref_slice %arg4[%dma_wait3A_3627, %mul3A_2] : memref<9x16384xf32, #tpu.memory_space<hbm>> -> memref<1x512xf32, #tpu.memory_space<hbm>>
    %dma_wait3A_3632 = tpu.memref_squeeze %dma_wait3A_3631 : memref<1x512xf32, #tpu.memory_space<hbm>> -> memref<512xf32, #tpu.memory_space<hbm>>
    %dma_wait3A_3633 = tpu.memref_slice %arg4[%dma_wait3A_3627, %mul3A_2] : memref<9x16384xf32, #tpu.memory_space<hbm>> -> memref<1x512xf32, #tpu.memory_space<hbm>>
    %dma_wait3A_3634 = tpu.memref_squeeze %dma_wait3A_3633 : memref<1x512xf32, #tpu.memory_space<hbm>> -> memref<512xf32, #tpu.memory_space<hbm>>
    %dma_wait3A_3635 = arith.constant 0 : i32
    %dma_wait3A_3636 = tpu.memref_slice %arg9[%dma_wait3A_3626, %dma_wait3A_3635] : memref<9x512xf32, #tpu.memory_space<vmem>> -> memref<1x512xf32, #tpu.memory_space<vmem>>
    %dma_wait3A_3637 = tpu.memref_squeeze %dma_wait3A_3636 : memref<1x512xf32, #tpu.memory_space<vmem>> -> memref<512xf32, #tpu.memory_space<vmem>>
    tpu.wait_dma2 semaphore(%arg18 : memref<!tpu.dma_semaphore, #tpu.memory_space<semaphore_mem>>) src(%dma_wait3A_3637 : memref<512xf32, #tpu.memory_space<vmem>>) dst(%dma_wait3A_3634 : memref<512xf32, #tpu.memory_space<hbm>>)
    return
  }
}

</mosaic_0001>

<sc_bundles>
// kernel: kernel.3.cloned.1.call-start
scs
__scs_entry_jumppad:
0x0: {  	(pc) =	sbr.rel $0x88, $3  }
0x1: {  	(tag) =	ssettag $0x0;
	lr =	simm.s32 $0x1  }
0x2: {  	[smem:$0x3F9F] =	sst lr;
	_ =	strace $0xD0000000  }
0x3: {  	_ = 	snop  }
0x4: {  	_ = 	snop  }
0x5: {  	_ = 	snop  }
0x6: {  	_ = 	snop  }
0x7: {  	_ = 	snop  }
__scs_overlays_trampoline_lowered:
0x8: {  	[smem:$0x3FAE] =	sst s0  }
0x9: {  	[smem:$0x3FAF] =	sst s1  }
0xa: {  	[smem:$0x3FB0] =	sst s2  }
0xb: {  	[smem:$0x3FB1] =	sst s3  }
0xc: {  	[smem:$0x3FB2] =	sst s4  }
0xd: {  	[smem:$0x3FB3] =	sst s5  }
0xe: {  	[smem:$0x3FB4] =	sst s6  }
0xf: {  	[smem:$0x3FB5] =	sst s7  }
0x10: {  	[smem:$0x3FB6] =	sst s8  }
0x11: {  	[smem:$0x3FB7] =	sst s9;
	s0 =	simm.s32 @!p0 $0x0  }
0x12: {  	s1 =	sld [smem:$0x3F9D];
	s0 =	simm.s32 @p0 $0x1  }
0x13: {  	[smem:$0x3FB8] =	sst s0;
	s0 =	simm.s32 @!p1 $0x0  }
0x14: {  	s2 =	sld [smem:$0x3F9C];
	s0 =	simm.s32 @p1 $0x1  }
0x15: {  	[smem:$0x3FB9] =	sst s0;
	s0 =	simm.s32 @!p2 $0x0  }
0x16: {  	s3 =	sld [smem:$0x3FDB];
	s0 =	simm.s32 @p2 $0x1  }
0x17: {  	s4 =	simm.s32 $0x1BF5;
	[smem:$0x3FBB] =	sst s0  }
0x18: {  	s0 =	sld [smem:$0x3F9E];
	_ =	swait.ge [sflag:s4], $0x0  }
0x19: {  	s7 =	sld [smem:$0x3F9F]  }
0x1a: {  	s8 =	sadd.s32 $0xFFFFE003, lr  }
0x1b: {  	s9 =	sadd.s32 $0xFFFFFEF7, lr;
	s5 =	simm.s32 $0xFFFFFFFF;
	p2 =	slt.u32 s8, $0xFFFFF086  }
0x1c: {  	p1 =	slt.u32 s9, $0xF7A;
	s5 =	simm.s32 @!p2 $0x0  }
0x1d: {  	s5 =	simm.s32 @p1 $0x1;
	p0 =	seq.s32 s7, s2  }
0x1e: {  	s7 =	smul.u32 @!p0 $0xF7A, s2;
	p2 =	seq.s32 @!p0 s5, $0x0  }
0x1f: {  	s9 =	smul.u32 $0xF7A, s1;
	s8 =	simm.s32 @!p0 $0x1BF5;
	p2 =	por !p2, p0  }
0x20: {  	[sflag:s8] =	ssyncset.s32 @!p0 $0xFFFFF086;
	s6 =	sadd.s32 @!p0 s3, s7;
	s7 =	simm.s32 @!p0 $0x108  }
0x21: {  	s3 =	sadd.s32 s3, s9;
	s6 =	sadd.s32 @!p0 $0x88, s6;
	s7 =	simm.s32 @p2 $0x1082  }
0x22: {  	[simem:s7], [sflag:s8] =	dma.local @!p0 [hbm:s6], $0xF7A  }
0x23: {  	s9 =	sor.u32 $0xD0000000, s2;
	s6 =	simm.s32 $0x108;
	_ =	swait.ge @!p0 [sflag:s8], $0x0  }
0x24: {  	s3 =	sadd.s32 $0x88, s3;
	s6 =	simm.s32 @!p1 $0x1082;
	[sflag:s4] =	ssyncset.s32 $0xFFFFF086  }
0x25: {  	[simem:s6], [sflag:s4] =	dma.local [hbm:s3], $0xF7A  }
0x26: {  	[smem:$0x3F9F] =	sst s1;
	(tag) =	ssettag s2;
	_ =	strace s9  }
0x27: {  	s1 =	sld [smem:$0x3FAF]  }
0x28: {  	s2 =	sld [smem:$0x3FB0]  }
0x29: {  	s4 =	sld [smem:$0x3FB2]  }
0x2a: {  	p0 =	seq.s32 s5, $0x0;
	s5 =	sld [smem:$0x3FB3]  }
0x2b: {  	s6 =	sld [smem:$0x3FB4]  }
0x2c: {  	s7 =	sld [smem:$0x3FB5]  }
0x2d: {  	s3 =	simm.s32 $0x108;
	s8 =	sld [smem:$0x3FB6]  }
0x2e: {  	s3 =	simm.s32 @!p0 $0x1082;
	s9 =	sld [smem:$0x3FB7]  }
0x2f: {  	lr =	sadd.s32 s0, s3;
	s0 =	sld [smem:$0x3FAE]  }
0x30: {  	s3 =	sld [smem:$0x3FB1]  }
0x31: {  	[smem:$0x3FBA] =	sst s10  }
0x32: {  	s10 =	sld [smem:$0x3FB8];
	_ =	sdelay $0x3  }
0x33: {  	p0 =	seq.s32 s10, $0x1;
	s10 =	sld [smem:$0x3FBA];
	_ =	sdelay $0x3  }
0x34: {  	[smem:$0x3FBA] =	sst s10  }
0x35: {  	s10 =	sld [smem:$0x3FB9];
	_ =	sdelay $0x3  }
0x36: {  	p1 =	seq.s32 s10, $0x1;
	s10 =	sld [smem:$0x3FBA];
	_ =	sdelay $0x3  }
0x37: {  	[smem:$0x3FBA] =	sst s10  }
0x38: {  	s10 =	sld [smem:$0x3FBB]  }
0x39: {  	_ = 	snop;
	(pc) =	sbr.ind lr, $3  }
0x3a: {  	_ = 	snop  }
0x3b: {  	_ = 	snop  }
0x3c: {  	p2 =	seq.s32 s10, $0x1;
	s10 =	sld [smem:$0x3FBA]  }
0x3d: {  	_ =	shalt  }
0x3e: {  	_ =	shalt  }
0x3f: {  	_ =	shalt  }
0x40: {  	_ =	shalt  }
0x41: {  	_ =	shalt  }
0x42: {  	_ =	shalt  }
0x43: {  	_ =	shalt  }
0x44: {  	_ =	shalt  }
0x45: {  	_ =	shalt  }
0x46: {  	_ =	shalt  }
0x47: {  	_ =	shalt  }
0x48: {  	_ =	shalt  }
0x49: {  	_ =	shalt  }
0x4a: {  	_ =	shalt  }
0x4b: {  	_ =	shalt  }
0x4c: {  	_ =	shalt  }
0x4d: {  	_ =	shalt  }
0x4e: {  	_ =	shalt  }
0x4f: {  	_ =	shalt  }
0x50: {  	_ =	shalt  }
0x51: {  	_ =	shalt  }
0x52: {  	_ =	shalt  }
0x53: {  	_ =	shalt  }
0x54: {  	_ =	shalt  }
0x55: {  	_ =	shalt  }
0x56: {  	_ =	shalt  }
0x57: {  	_ =	shalt  }
0x58: {  	_ =	shalt  }
0x59: {  	_ =	shalt  }
0x5a: {  	_ =	shalt  }
0x5b: {  	_ =	shalt  }
0x5c: {  	_ =	shalt  }
0x5d: {  	_ =	shalt  }
0x5e: {  	_ =	shalt  }
0x5f: {  	_ =	shalt  }
0x60: {  	_ =	shalt  }
0x61: {  	_ =	shalt  }
0x62: {  	_ =	shalt  }
0x63: {  	_ =	shalt  }
0x64: {  	_ =	shalt  }
0x65: {  	_ =	shalt  }
0x66: {  	_ =	shalt  }
0x67: {  	_ =	shalt  }
0x68: {  	_ =	shalt  }
0x69: {  	_ =	shalt  }
0x6a: {  	_ =	shalt  }
0x6b: {  	_ =	shalt  }
0x6c: {  	_ =	shalt  }
0x6d: {  	_ =	shalt  }
0x6e: {  	_ =	shalt  }
0x6f: {  	_ =	shalt  }
0x70: {  	_ =	shalt  }
0x71: {  	_ =	shalt  }
0x72: {  	_ =	shalt  }
0x73: {  	_ =	shalt  }
0x74: {  	_ =	shalt  }
0x75: {  	_ =	shalt  }
0x76: {  	_ =	shalt  }
0x77: {  	_ =	shalt  }
0x78: {  	_ =	shalt  }
0x79: {  	_ =	shalt  }
0x7a: {  	_ =	shalt  }
0x7b: {  	_ =	shalt  }
0x7c: {  	_ =	shalt  }
0x7d: {  	_ =	shalt  }
0x7e: {  	_ =	shalt  }
0x7f: {  	_ =	shalt  }
0x80: {  	_ =	shalt  }
0x81: {  	_ =	shalt  }
0x82: {  	_ =	shalt  }
0x83: {  	_ =	shalt  }
0x84: {  	_ =	shalt  }
0x85: {  	_ =	shalt  }
0x86: {  	_ =	shalt  }
0x87: {  	_ =	shalt  }
.Lfunc_end0:
.L_simem_size_0:
called_computation_lowered:
.L_overlay_start_0:
0x88: {  	s2 =	sld [smem:$0x3FD9]  }
0x89: {  	s3 =	sld [smem:$0x3FFE];
	_ =	sdelay $0x1  }
0x8a: {  	s1 =	srdreg.scid  }
0x8b: {  	s0 =	sand.u32 $0x1, s1  }
0x8c: {  	s17 =	sshll.u32 s0, $0xA;
	s2 =	sadd.s32 s3, s2  }
0x8d: {  	s2 =	sadd.s32 s2, s17  }
0x8e: {  	[smem:$0x3FC6] =	sst s2  }
0x8f: {  	_ = 	snop  }
0x90: {  	s2 =	sld [smem:$0x3FC8];
	(tm) =	ssettm $0x1  }
0x91: {  	s18 =	sld [smem:$0x3FFB];
	_ =	sdelay $0x3  }
0x92: {  	_ =	strace s18  }
0x93: {  	s3 =	sld [smem:$0x3FFC];
	_ =	sdelay $0x3  }
0x94: {  	_ =	strace s3  }
0x95: {  	s3 =	sld [smem:$0x3FFD];
	_ =	sdelay $0x3  }
0x96: {  	_ =	strace s3  }
0x97: {  	_ =	strace $0x8FFFFFFF  }
0x98: {  	s19 =	sld [smem:$0x3FDB];
	_ =	sdelay $0x1  }
0x99: {  	s4 =	simm.s32 $_scs_section_size  }
0x9a: {  	s5 =	simm.s32 $_size__tile_overlayer_lowered;
	s6 =	simm.s32 $_tile_overlayer_lowered  }
0x9b: {  	s22 =	simm.s32 $0x1BFF;
	s21 =	sshll.u32 s6, $0x1;
	s3 =	sadd.s32 s4, s19  }
0x9c: {  	s7 =	simm.s32 $0x0;
	s20 =	sshll.u32 s5, $0x1;
	s5 =	sadd.s32 s21, s3  }
0x9d: {  	[timem:s7], [sflag:s22] =	dma.local [hbm:s5], s20  }
0x9e: {  	_ =	swait.ge [sflag:s22], s20  }
0x9f: {  	s4 =	ssub.s32 $0x0, s20;
	[sflag:s22] =	ssyncset.done $0x0  }
0xa0: {  	[sflag:s22] =	ssyncadd.s32 s4;
	_ =	sdelay $0x1  }
0xa1: {  	s23 =	simm.s32 $0x1B8B  }
0xa2: {  	_ =	swait.ge [sflag:s23], $0x1  }
0xa3: {  	[sflag:s23] =	ssyncset.done $0x0  }
0xa4: {  	s25 =	simm.s32 $0x1B8E;
	s24 =	sld [smem:$0x3FFE];
	[sflag:s23] =	ssyncadd.s32 $0xFFFFFFFF  }
0xa5: {  	s26 =	simm.s32 $execute0_lowered;
	[smem:$0x3FD2] =	sst s25  }
0xa6: {  	s5 =	sshll.u32 s26, $0x1;
	_ =	strace $0x80000046;
	[dreg:$0x1] =	wrdreg $0xFFFFFFFF  }
0xa7: {  	s28 =	simm.s32 $_size_execute0_lowered;
	s3 =	sadd.s32 s3, s5;
	[dreg:$0x0] =	wrdreg $0x0  }
0xa8: {  	s5 =	sshll.u32 s28, $0x1;
	[dreg:$0x2] =	wrdreg s3  }
0xa9: {  	[dreg:$0x3] =	wrdreg s5  }
0xaa: {  	[dreg:$0x4] =	wrdreg $0xC0  }
0xab: {  	_ =	task [dreg:s7], $0x5FFFF  }
0xac: {  	[dreg:$0x1] =	wrdreg $0xFFFFFFFF  }
0xad: {  	[dreg:$0x0] =	wrdreg $0x60  }
0xae: {  	[dreg:$0x2] =	wrdreg s24  }
0xaf: {  	[dreg:$0x3] =	wrdreg s2  }
0xb0: {  	[dreg:$0x4] =	wrdreg $0x9  }
0xb1: {  	_ =	task.clear_ibuf [dreg:s7], $0x5FFFF;
	_ =	strace $0x90000046  }
0xb2: {  	s29 =	simm.s32 $0x9;
	_ =	strace $0x80000048  }
0xb3: {  	_ =	swait.ge [sflag:s29], $0x1  }
0xb4: {  	[sflag:s29] =	ssyncadd.s32 $0xFFFFFFFF  }
0xb5: {  	_ =	strace $0x90000048  }
0xb6: {  	_ =	sfence  }
0xb7: {  	s30 =	sld [smem:$0x0];
	_ =	sdelay $0x2  }
0xb8: {  	s31 =	sshll.u32 s1, $0xD;
	s1 =	sshrl.u32 s1, $0x2  }
0xb9: {  	s3 =	sand.u32 $0x4000, s31;
	s1 =	sadd.s32 s1, s30  }
0xba: {  	s0 =	sor.u32 s3, s0;
	s1 =	sshll.u32 s1, $0x11  }
0xbb: {  	s0 =	sor.u32 s1, s0  }
0xbc: {  	s0 =	sadd.s32 $0x8F2B, s0  }
0xbd: {  	[sflag:s0] =	ssyncadd.remote.s32 $0x1  }
0xbe: {  	_ =	sfence.sel $0xFFFF  }
0xbf: {  	[dreg:$0x0] =	wrdreg $0xFFFFFFFF;
	(pc) =	sbr.abs _section_cstart, $3  }
0xc0: {  	[dreg:$0x1] =	wrdreg $0xFFFFFFFF  }
0xc1: {  	_ =	task.clear_ibuf [dreg:s7], $0x2FFFF;
	_ =	strace $0x9FFFFFFF  }
0xc2: {  	(tm) =	ssettm $0x7FFFFFFF  }
0xc3: {  	_ =	shalt  }
tec
execute0_lowered:
.L_overlay_start_1:
0x0: {  	(tag) =	ssettag $0x1  }
0x1: {  	s3 =	rddreg [dreg:$0x0]  }
0x2: {  	s4 =	rddreg [dreg:$0x1]  }
0x3: {  	s0 =	srdreg.scid;
	s2 =	simm.s32 $0x0;
	s1 =	stileid.u32  }
0x4: {  	s25 =	simm.s32 $0x1600;
	[smem:$0x7FF] =	sst s2;
	s7 =	sadd.s32 $0x400, s3  }
0x5: {  	s8 =	sadd.s32 $0x34D4, s3;
	_ =	strace $0x80000047;
	[dreg:$0x3] =	wrdreg s7  }
0x6: {  	v0 =	vlaneseq.u32;
	s26 =	simm.s32 $0x2600;
	s9 =	sadd.s32 $0x65A8, s3;
	[dreg:$0x5] =	wrdreg s8  }
0x7: {  	s28 =	simm.s32 $0xA200;
	s10 =	sadd.s32 $0x967C, s3;
	v0 =	vmul.u32 $0x8, v0;
	[dreg:$0x6] =	wrdreg s9  }
0x8: {  	s29 =	simm.s32 $0x8;
	s11 =	sadd.s32 $0xC750, s3;
	[dreg:$0x7] =	wrdreg s10  }
0x9: {  	s30 =	simm.s32 $0xA400;
	s12 =	sadd.s32 $0xF824, s3;
	[dreg:$0x8] =	wrdreg s11;
	v1 =	vor.u32 $0x80, v0;
	v5 =	vor.u32 $0x280, v0;
	v6 =	vor.u32 $0x300, v0  }
0xa: {  	s31 =	simm.s32 $0x9;
	s13 =	sadd.s32 $0x128F8, s3;
	[dreg:$0x9] =	wrdreg s12;
	v7 =	vor.u32 $0x380, v0;
	v8 =	vor.u32 $0x400, v0;
	v9 =	vor.u32 $0x480, v0  }
0xb: {  	s0 =	sand.u32 $0x1, s0;
	s14 =	sadd.s32 $0x159CC, s3;
	[dreg:$0xa] =	wrdreg s13;
	v10 =	vor.u32 $0x500, v0;
	v11 =	vor.u32 $0x580, v0;
	v12 =	vor.u32 $0x600, v0  }
0xc: {  	s5 =	sshll.u32 s1, $0x7;
	s6 =	sshll.u32 s0, $0x6;
	[dreg:$0xb] =	wrdreg s14;
	v13 =	vor.u32 $0x680, v0;
	v14 =	vor.u32 $0x700, v0;
	v15 =	vor.u32 $0x780, v0  }
0xd: {  	s0 =	ssub.s32 $0x2, s0;
	[dreg:$0x16] =	wrdreg s25;
	s7 =	simm.s32 $0x600;
	v16 =	vor.u32 $0x800, v0;
	v17 =	vor.u32 $0x880, v0;
	v18 =	vor.u32 $0x900, v0  }
0xe: {  	[dreg:$0x17] =	wrdreg s26;
	s11 =	simm.s32 $0x6600;
	s5 =	sor.u32 s6, s5;
	v19 =	vor.u32 $0x980, v0;
	v20 =	vor.u32 $0xA00, v0;
	v21 =	vor.u32 $0xA80, v0  }
0xf: {  	s12 =	simm.s32 $0x7600;
	s13 =	simm.s32 $0x8600;
	v22 =	vor.u32 $0xB00, v0;
	v23 =	vor.u32 $0xB80, v0;
	v24 =	vor.u32 $0xC00, v0;
	s4 =	sadd.s32 s4, s5  }
0x10: {  	v25 =	vor.u32 $0xC80, v0;
	v26 =	vor.u32 $0xD00, v0;
	v27 =	vor.u32 $0xD80, v0;
	s5 =	sadd.s32 s5, s3;
	s3 =	sadd.s32 $0x18AA0, s3;
	[dreg:$0x4] =	wrdreg s4  }
0x11: {  	s14 =	simm.s32 $0x1;
	v28 =	vor.u32 $0xE00, v0;
	v29 =	vor.u32 $0xE80, v0;
	v30 =	vor.u32 $0xF00, v0;
	[dreg:$0xc] =	wrdreg s3;
	s15 =	sadd.s32 $0x1BC00, s5  }
0x12: {  	s25 =	simm.s32 $0xA000;
	v31 =	vor.u32 $0xF80, v0;
	v32 =	vor.u32 $0x1000, v0;
	v33 =	vor.u32 $0x1080, v0;
	s16 =	sadd.s32 $0x1C400, s5;
	[dreg:$0xd] =	wrdreg s15  }
0x13: {  	s26 =	simm.s32 $0x7;
	v34 =	vor.u32 $0x1100, v0;
	v35 =	vor.u32 $0x1180, v0;
	v36 =	vor.u32 $0x1200, v0;
	s17 =	sadd.s32 $0x1CC00, s5;
	[dreg:$0xe] =	wrdreg s16  }
0x14: {  	s23 =	sshrl.u32 s0, $0x1;
	v37 =	vor.u32 $0x1280, v0;
	v38 =	vor.u32 $0x1300, v0;
	v39 =	vor.u32 $0x1380, v0;
	s18 =	sadd.s32 $0x1D400, s5;
	[dreg:$0xf] =	wrdreg s17  }
0x15: {  	s6 =	simm.s32 $0x400;
	v40 =	vor.u32 $0x1400, v0;
	v41 =	vor.u32 $0x1480, v0;
	v42 =	vor.u32 $0x1500, v0;
	s19 =	sadd.s32 $0x1DC00, s5;
	[dreg:$0x10] =	wrdreg s18  }
0x16: {  	v43 =	vor.u32 $0x1580, v0;
	v44 =	vor.u32 $0x1600, v0;
	v45 =	vor.u32 $0x1680, v0;
	s0 =	ssub.s32 s0, s23;
	s20 =	sadd.s32 $0x1E400, s5;
	[dreg:$0x11] =	wrdreg s19  }
0x17: {  	v46 =	vor.u32 $0x1700, v0;
	v47 =	vor.u32 $0x1780, v0;
	v48 =	vor.u32 $0x1800, v0;
	s23 =	simm.s32 $0x9E00;
	s21 =	sadd.s32 $0x1EC00, s5;
	[dreg:$0x12] =	wrdreg s20  }
0x18: {  	v49 =	vor.u32 $0x1880, v0;
	v50 =	vor.u32 $0x1900, v0;
	v51 =	vor.u32 $0x1980, v0;
	s22 =	sadd.s32 $0x1F400, s5;
	s24 =	sadd.s32 $0x1FC00, s5;
	[dreg:$0x13] =	wrdreg s21  }
0x19: {  	v52 =	vor.u32 $0x1A00, v0;
	v53 =	vor.u32 $0x1A80, v0;
	v54 =	vor.u32 $0x1B00, v0;
	s3 =	smax.u32 s0, $0x1;
	s4 =	simm.s32 $0xA;
	[dreg:$0x14] =	wrdreg s22  }
0x1a: {  	v55 =	vor.u32 $0x1B80, v0;
	v56 =	vor.u32 $0x1C00, v0;
	[tilespmem:$0x1FFC0] =	vst v1;
	v1 =	vor.u32 $0x100, v0;
	s5 =	simm.s32 $0x200;
	s0 =	simm.s32 $0xA600;
	[dreg:$0x15] =	wrdreg s24  }
0x1b: {  	v57 =	vor.u32 $0x1C80, v0;
	v58 =	vor.u32 $0x1D00, v0;
	[tilespmem:$0x1FFD0] =	vst v1;
	v1 =	vor.u32 $0x180, v0;
	s15 =	simm.s32 $0x9600;
	s16 =	simm.s32 $0x2;
	s17 =	simm.s32 $0x9800  }
0x1c: {  	v59 =	vor.u32 $0x1D80, v0;
	v60 =	vor.u32 $0x1E00, v0;
	[tilespmem:$0x1FFE0] =	vst v1;
	v1 =	vor.u32 $0x200, v0;
	s18 =	simm.s32 $0x3;
	s19 =	simm.s32 $0x9A00;
	s20 =	simm.s32 $0x4  }
0x1d: {  	v61 =	vor.u32 $0x1E80, v0;
	v62 =	vor.u32 $0x1F00, v0;
	v63 =	vor.u32 $0x1F80, v0;
	s21 =	simm.s32 $0x9C00;
	s22 =	simm.s32 $0x5;
	s24 =	simm.s32 $0x6;
	[tilespmem:$0x1FFF0] =	vst v1  }
.LBB2_1:
0x1e: {  	s1 =	rddreg [dreg:$0x4]  }
0x1f: {  	[tilespmem:s2], [sflag:$0xA] =	stream.linear.gather [hbm4b:s1+s2], $0x200, $0x38;
	[tilespmem:$0xA800] =	vst v63  }
0x20: {  	_ =	swait.ge [sflag:s4], $0x200  }
0x21: {  	[sflag:s4] =	ssyncset.done $0x0  }
0x22: {  	[sflag:s4] =	ssyncadd.s32 $0xFFFFFE00  }
0x23: {  	v1 =	vld [tilespmem:$0x0];
	_ =	sdelay $0x1  }
0x24: {  	v2 =	vld [tilespmem:$0x10];
	_ =	sdelay $0x1  }
0x25: {  	v3 =	vld [tilespmem:$0x20]  }
0x26: {  	v4 =	vand.u32 $0x7, v1  }
0x27: {  	v1 =	vshrl.u32 v1, $0x3;
	[tilespmem:$0x200] =	vst v4;
	v4 =	vld [tilespmem:$0x30]  }
0x28: {  	[tilespmem:$0x400] =	vst v1;
	v1 =	vand.u32 $0x7, v2  }
0x29: {  	[tilespmem:$0x210] =	vst v1;
	v1 =	vshrl.u32 v2, $0x3;
	v2 =	vld [tilespmem:$0x40]  }
0x2a: {  	[tilespmem:$0x410] =	vst v1;
	v1 =	vand.u32 $0x7, v3  }
0x2b: {  	[tilespmem:$0x220] =	vst v1;
	v1 =	vshrl.u32 v3, $0x3;
	v3 =	vld [tilespmem:$0x50]  }
0x2c: {  	[tilespmem:$0x420] =	vst v1;
	v1 =	vand.u32 $0x7, v4  }
0x2d: {  	[tilespmem:$0x230] =	vst v1;
	v1 =	vshrl.u32 v4, $0x3;
	v4 =	vld [tilespmem:$0x60]  }
0x2e: {  	[tilespmem:$0x430] =	vst v1;
	v1 =	vand.u32 $0x7, v2  }
0x2f: {  	[tilespmem:$0x240] =	vst v1;
	v1 =	vshrl.u32 v2, $0x3;
	v2 =	vld [tilespmem:$0x70]  }
0x30: {  	[tilespmem:$0x440] =	vst v1;
	v1 =	vand.u32 $0x7, v3  }
0x31: {  	[tilespmem:$0x250] =	vst v1;
	v1 =	vshrl.u32 v3, $0x3;
	v3 =	vld [tilespmem:$0x80]  }
0x32: {  	[tilespmem:$0x450] =	vst v1;
	v1 =	vand.u32 $0x7, v4  }
0x33: {  	[tilespmem:$0x260] =	vst v1;
	v1 =	vshrl.u32 v4, $0x3;
	v4 =	vld [tilespmem:$0x90]  }
0x34: {  	[tilespmem:$0x460] =	vst v1;
	v1 =	vand.u32 $0x7, v2  }
0x35: {  	[tilespmem:$0x270] =	vst v1;
	v1 =	vshrl.u32 v2, $0x3;
	v2 =	vld [tilespmem:$0xA0]  }
0x36: {  	[tilespmem:$0x470] =	vst v1;
	v1 =	vand.u32 $0x7, v3  }
0x37: {  	[tilespmem:$0x280] =	vst v1;
	v1 =	vshrl.u32 v3, $0x3;
	v3 =	vld [tilespmem:$0xB0]  }
0x38: {  	[tilespmem:$0x480] =	vst v1;
	v1 =	vand.u32 $0x7, v4  }
0x39: {  	[tilespmem:$0x290] =	vst v1;
	v1 =	vshrl.u32 v4, $0x3  }
0x3a: {  	[tilespmem:$0x490] =	vst v1;
	v1 =	vand.u32 $0x7, v2  }
0x3b: {  	[tilespmem:$0x2A0] =	vst v1;
	v1 =	vshrl.u32 v2, $0x3  }
0x3c: {  	[tilespmem:$0x4A0] =	vst v1;
	v1 =	vand.u32 $0x7, v3  }
0x3d: {  	[tilespmem:$0x2B0] =	vst v1;
	v1 =	vld [tilespmem:$0xC0];
	_ =	sdelay $0x1  }
0x3e: {  	v2 =	vld [tilespmem:$0xD0];
	_ =	sdelay $0x1  }
0x3f: {  	v4 =	vld [tilespmem:$0xE0];
	v3 =	vshrl.u32 v3, $0x3  }
0x40: {  	[tilespmem:$0x4B0] =	vst v3;
	v3 =	vand.u32 $0x7, v1  }
0x41: {  	v1 =	vshrl.u32 v1, $0x3;
	[tilespmem:$0x2C0] =	vst v3;
	v3 =	vld [tilespmem:$0xF0]  }
0x42: {  	[tilespmem:$0x4C0] =	vst v1;
	v1 =	vand.u32 $0x7, v2  }
0x43: {  	[tilespmem:$0x2D0] =	vst v1;
	v1 =	vshrl.u32 v2, $0x3;
	v2 =	vld [tilespmem:$0x100]  }
0x44: {  	[tilespmem:$0x4D0] =	vst v1;
	v1 =	vand.u32 $0x7, v4  }
0x45: {  	[tilespmem:$0x2E0] =	vst v1;
	v1 =	vshrl.u32 v4, $0x3;
	v4 =	vld [tilespmem:$0x110]  }
0x46: {  	[tilespmem:$0x4E0] =	vst v1;
	v1 =	vand.u32 $0x7, v3  }
0x47: {  	[tilespmem:$0x2F0] =	vst v1;
	v1 =	vshrl.u32 v3, $0x3;
	v3 =	vld [tilespmem:$0x120]  }
0x48: {  	[tilespmem:$0x4F0] =	vst v1;
	v1 =	vand.u32 $0x7, v2  }
0x49: {  	[tilespmem:$0x300] =	vst v1;
	v1 =	vshrl.u32 v2, $0x3;
	v2 =	vld [tilespmem:$0x130]  }
0x4a: {  	[tilespmem:$0x500] =	vst v1;
	v1 =	vand.u32 $0x7, v4  }
0x4b: {  	[tilespmem:$0x310] =	vst v1;
	v1 =	vshrl.u32 v4, $0x3;
	v4 =	vld [tilespmem:$0x140]  }
0x4c: {  	[tilespmem:$0x510] =	vst v1;
	v1 =	vand.u32 $0x7, v3  }
0x4d: {  	[tilespmem:$0x320] =	vst v1;
	v1 =	vshrl.u32 v3, $0x3;
	v3 =	vld [tilespmem:$0x150]  }
0x4e: {  	[tilespmem:$0x520] =	vst v1;
	v1 =	vand.u32 $0x7, v2  }
0x4f: {  	[tilespmem:$0x330] =	vst v1;
	v1 =	vshrl.u32 v2, $0x3;
	v2 =	vld [tilespmem:$0x160]  }
0x50: {  	[tilespmem:$0x530] =	vst v1;
	v1 =	vand.u32 $0x7, v4  }
0x51: {  	[tilespmem:$0x340] =	vst v1;
	v1 =	vshrl.u32 v4, $0x3;
	v4 =	vld [tilespmem:$0x170]  }
0x52: {  	[tilespmem:$0x540] =	vst v1;
	v1 =	vand.u32 $0x7, v3  }
0x53: {  	[tilespmem:$0x350] =	vst v1;
	v1 =	vshrl.u32 v3, $0x3;
	v3 =	vld [tilespmem:$0x180]  }
0x54: {  	[tilespmem:$0x550] =	vst v1;
	v1 =	vand.u32 $0x7, v2  }
0x55: {  	[tilespmem:$0x360] =	vst v1;
	v1 =	vshrl.u32 v2, $0x3;
	v2 =	vld [tilespmem:$0x190]  }
0x56: {  	[tilespmem:$0x560] =	vst v1;
	v1 =	vand.u32 $0x7, v4  }
0x57: {  	[tilespmem:$0x370] =	vst v1;
	v1 =	vshrl.u32 v4, $0x3;
	v4 =	vld [tilespmem:$0x1A0]  }
0x58: {  	[tilespmem:$0x570] =	vst v1;
	v1 =	vand.u32 $0x7, v3  }
0x59: {  	[tilespmem:$0x380] =	vst v1;
	v1 =	vshrl.u32 v3, $0x3;
	v3 =	vld [tilespmem:$0x1B0]  }
0x5a: {  	[tilespmem:$0x580] =	vst v1;
	v1 =	vand.u32 $0x7, v2  }
0x5b: {  	[tilespmem:$0x390] =	vst v1;
	v1 =	vshrl.u32 v2, $0x3;
	v2 =	vld [tilespmem:$0x1C0]  }
0x5c: {  	[tilespmem:$0x590] =	vst v1;
	v1 =	vand.u32 $0x7, v4  }
0x5d: {  	[tilespmem:$0x3A0] =	vst v1;
	v1 =	vshrl.u32 v4, $0x3;
	v4 =	vld [tilespmem:$0x1D0]  }
0x5e: {  	[tilespmem:$0x5A0] =	vst v1;
	v1 =	vand.u32 $0x7, v3  }
0x5f: {  	[tilespmem:$0x3B0] =	vst v1;
	v1 =	vshrl.u32 v3, $0x3;
	v3 =	vld [tilespmem:$0x1E0]  }
0x60: {  	[tilespmem:$0x5B0] =	vst v1;
	v1 =	vand.u32 $0x7, v2  }
0x61: {  	[tilespmem:$0x3C0] =	vst v1;
	v1 =	vshrl.u32 v2, $0x3;
	v2 =	vld [tilespmem:$0x1F0]  }
0x62: {  	[tilespmem:$0x5C0] =	vst v1;
	v1 =	vand.u32 $0x7, v4  }
0x63: {  	[tilespmem:$0x3D0] =	vst v1;
	v1 =	vshrl.u32 v4, $0x3  }
0x64: {  	[tilespmem:$0x5D0] =	vst v1;
	v1 =	vand.u32 $0x7, v3  }
0x65: {  	[tilespmem:$0x3E0] =	vst v1;
	v1 =	vshrl.u32 v3, $0x3  }
0x66: {  	s9 =	rddreg [dreg:$0x3];
	[tilespmem:$0x5E0] =	vst v1;
	v1 =	vand.u32 $0x7, v2  }
0x67: {  	s1 =	rddreg [dreg:$0x5];
	[tilespmem:$0x3F0] =	vst v1;
	v1 =	vshrl.u32 v2, $0x3  }
0x68: {  	s8 =	rddreg [dreg:$0x16];
	[tilespmem:$0x5F0] =	vst v1  }
0x69: {  	[tilespmem:s7], [sflag:$0x1] =	stream.indirect.gather [hbm4b:s9+s5], $0x8, s6, s5, $0xb8;
	[tilespmem:$0xA800] =	vst v63  }
0x6a: {  	s10 =	rddreg [dreg:$0x17]  }
0x6b: {  	[tilespmem:s8], [sflag:$0x2] =	stream.indirect.gather [hbm4b:s1+s5], $0x8, s6, s5, $0xb8;
	[tilespmem:$0xA800] =	vst v63  }
0x6c: {  	s9 =	rddreg [dreg:$0x6]  }
0x6d: {  	[tilespmem:s10], [sflag:$0x3] =	stream.indirect.gather [hbm4b:s9+s5], $0x8, s6, s5, $0xb8;
	[tilespmem:$0xA800] =	vst v63  }
0x6e: {  	s1 =	rddreg [dreg:$0x7];
	s10 =	simm.s32 $0x3600  }
0x6f: {  	[tilespmem:s10], [sflag:$0x4] =	stream.indirect.gather [hbm4b:s1+s5], $0x8, s6, s5, $0xb8;
	[tilespmem:$0xA800] =	vst v63  }
0x70: {  	s8 =	rddreg [dreg:$0x8];
	s10 =	simm.s32 $0x4600  }
0x71: {  	[tilespmem:s10], [sflag:$0x5] =	stream.indirect.gather [hbm4b:s8+s5], $0x8, s6, s5, $0xb8;
	[tilespmem:$0xA800] =	vst v63  }
0x72: {  	s1 =	rddreg [dreg:$0x9];
	s10 =	simm.s32 $0x5600  }
0x73: {  	[tilespmem:s10], [sflag:$0x6] =	stream.indirect.gather [hbm4b:s1+s5], $0x8, s6, s5, $0xb8;
	[tilespmem:$0xA800] =	vst v63  }
0x74: {  	s8 =	rddreg [dreg:$0xa]  }
0x75: {  	[tilespmem:s11], [sflag:$0x7] =	stream.indirect.gather [hbm4b:s8+s5], $0x8, s6, s5, $0xb8;
	[tilespmem:$0xA800] =	vst v63  }
0x76: {  	s9 =	rddreg [dreg:$0xb]  }
0x77: {  	[tilespmem:s12], [sflag:$0x8] =	stream.indirect.gather [hbm4b:s9+s5], $0x8, s6, s5, $0xb8;
	[tilespmem:$0xA800] =	vst v63  }
0x78: {  	s10 =	rddreg [dreg:$0xc]  }
0x79: {  	[tilespmem:s13], [sflag:$0x9] =	stream.indirect.gather [hbm4b:s10+s5], $0x8, s6, s5, $0xb8;
	[tilespmem:$0xA800] =	vst v63  }
0x7a: {  	_ =	swait.ge [sflag:s14], $0x1000  }
0x7b: {  	[sflag:s14] =	ssyncset.done $0x0  }
0x7c: {  	[sflag:s14] =	ssyncadd.s32 $0xFFFFF000  }
0x7d: {  	v1 =	vld [tilespmem:$0x200];
	_ =	sdelay $0x4  }
0x7e: {  	v3 =	vld [tilespmem:$0x1FFC0];
	v1 =	vadd.s32 v0, v1  }
0x7f: {  	v2 =	vld [tilespmem:$0x210];
	_ =	sdelay $0x3  }
0x80: {  	v1 =	vld.idx.msk [tilespmem:v1+s7+$0x0], $0xffff  }
0x81: {  	v2 =	vadd.s32 v3, v2;
	_ =	sdelay $0x3  }
0x82: {  	v3 =	vld [tilespmem:$0x220];
	[tilespmem:$0x9600] =	vst v1  }
0x83: {  	v1 =	vld.idx.msk [tilespmem:v2+s7+$0x0], $0xffff  }
0x84: {  	v2 =	vld [tilespmem:$0x1FFD0];
	_ =	sdelay $0x4  }
0x85: {  	v2 =	vadd.s32 v2, v3;
	_ =	sdelay $0x3  }
0x86: {  	v3 =	vld [tilespmem:$0x230];
	[tilespmem:$0x9610] =	vst v1  }
0x87: {  	v1 =	vld.idx.msk [tilespmem:v2+s7+$0x0], $0xffff  }
0x88: {  	v2 =	vld [tilespmem:$0x1FFE0];
	_ =	sdelay $0x4  }
0x89: {  	v2 =	vadd.s32 v2, v3;
	_ =	sdelay $0x3  }
0x8a: {  	v3 =	vld [tilespmem:$0x240];
	[tilespmem:$0x9620] =	vst v1  }
0x8b: {  	v1 =	vld.idx.msk [tilespmem:v2+s7+$0x0], $0xffff  }
0x8c: {  	v2 =	vld [tilespmem:$0x1FFF0];
	_ =	sdelay $0x4  }
0x8d: {  	v2 =	vadd.s32 v2, v3  }
0x8e: {  	v3 =	vld [tilespmem:$0x250];
	_ =	sdelay $0x2  }
0x8f: {  	[tilespmem:$0x9630] =	vst v1  }
0x90: {  	v1 =	vld.idx.msk [tilespmem:v2+s7+$0x0], $0xffff  }
0x91: {  	v2 =	vadd.s32 v5, v3  }
0x92: {  	v3 =	vld [tilespmem:$0x260];
	_ =	sdelay $0x2  }
0x93: {  	[tilespmem:$0x9640] =	vst v1  }
0x94: {  	v1 =	vld.idx.msk [tilespmem:v2+s7+$0x0], $0xffff  }
0x95: {  	v2 =	vadd.s32 v6, v3  }
0x96: {  	v3 =	vld [tilespmem:$0x270];
	_ =	sdelay $0x2  }
0x97: {  	[tilespmem:$0x9650] =	vst v1  }
0x98: {  	v1 =	vld.idx.msk [tilespmem:v2+s7+$0x0], $0xffff  }
0x99: {  	v2 =	vadd.s32 v7, v3  }
0x9a: {  	v3 =	vld [tilespmem:$0x280];
	_ =	sdelay $0x2  }
0x9b: {  	[tilespmem:$0x9660] =	vst v1  }
0x9c: {  	v1 =	vld.idx.msk [tilespmem:v2+s7+$0x0], $0xffff  }
0x9d: {  	v2 =	vadd.s32 v8, v3  }
0x9e: {  	v3 =	vld [tilespmem:$0x290];
	_ =	sdelay $0x2  }
0x9f: {  	[tilespmem:$0x9670] =	vst v1  }
0xa0: {  	v1 =	vld.idx.msk [tilespmem:v2+s7+$0x0], $0xffff  }
0xa1: {  	v2 =	vadd.s32 v9, v3  }
0xa2: {  	v3 =	vld [tilespmem:$0x2A0];
	_ =	sdelay $0x2  }
0xa3: {  	[tilespmem:$0x9680] =	vst v1  }
0xa4: {  	v1 =	vld.idx.msk [tilespmem:v2+s7+$0x0], $0xffff  }
0xa5: {  	v2 =	vadd.s32 v10, v3  }
0xa6: {  	v3 =	vld [tilespmem:$0x2B0];
	_ =	sdelay $0x2  }
0xa7: {  	[tilespmem:$0x9690] =	vst v1  }
0xa8: {  	v1 =	vld.idx.msk [tilespmem:v2+s7+$0x0], $0xffff  }
0xa9: {  	v2 =	vadd.s32 v11, v3  }
0xaa: {  	v3 =	vld [tilespmem:$0x2C0];
	_ =	sdelay $0x2  }
0xab: {  	[tilespmem:$0x96A0] =	vst v1  }
0xac: {  	v1 =	vld.idx.msk [tilespmem:v2+s7+$0x0], $0xffff  }
0xad: {  	v2 =	vadd.s32 v12, v3  }
0xae: {  	v3 =	vld [tilespmem:$0x2D0];
	_ =	sdelay $0x2  }
0xaf: {  	[tilespmem:$0x96B0] =	vst v1  }
0xb0: {  	v1 =	vld.idx.msk [tilespmem:v2+s7+$0x0], $0xffff  }
0xb1: {  	v2 =	vadd.s32 v13, v3  }
0xb2: {  	v3 =	vld [tilespmem:$0x2E0];
	_ =	sdelay $0x2  }
0xb3: {  	[tilespmem:$0x96C0] =	vst v1  }
0xb4: {  	v1 =	vld.idx.msk [tilespmem:v2+s7+$0x0], $0xffff  }
0xb5: {  	v2 =	vadd.s32 v14, v3  }
0xb6: {  	v3 =	vld [tilespmem:$0x2F0];
	_ =	sdelay $0x2  }
0xb7: {  	[tilespmem:$0x96D0] =	vst v1  }
0xb8: {  	v1 =	vld.idx.msk [tilespmem:v2+s7+$0x0], $0xffff  }
0xb9: {  	v2 =	vadd.s32 v15, v3  }
0xba: {  	v3 =	vld [tilespmem:$0x300];
	_ =	sdelay $0x2  }
0xbb: {  	[tilespmem:$0x96E0] =	vst v1  }
0xbc: {  	v1 =	vld.idx.msk [tilespmem:v2+s7+$0x0], $0xffff  }
0xbd: {  	v2 =	vadd.s32 v16, v3  }
0xbe: {  	v3 =	vld [tilespmem:$0x310];
	_ =	sdelay $0x2  }
0xbf: {  	[tilespmem:$0x96F0] =	vst v1  }
0xc0: {  	v1 =	vld.idx.msk [tilespmem:v2+s7+$0x0], $0xffff  }
0xc1: {  	v2 =	vadd.s32 v17, v3  }
0xc2: {  	v3 =	vld [tilespmem:$0x320];
	_ =	sdelay $0x2  }
0xc3: {  	[tilespmem:$0x9700] =	vst v1  }
0xc4: {  	v1 =	vld.idx.msk [tilespmem:v2+s7+$0x0], $0xffff  }
0xc5: {  	v2 =	vadd.s32 v18, v3  }
0xc6: {  	v3 =	vld [tilespmem:$0x330];
	_ =	sdelay $0x2  }
0xc7: {  	[tilespmem:$0x9710] =	vst v1  }
0xc8: {  	v1 =	vld.idx.msk [tilespmem:v2+s7+$0x0], $0xffff  }
0xc9: {  	v2 =	vadd.s32 v19, v3  }
0xca: {  	v3 =	vld [tilespmem:$0x340];
	_ =	sdelay $0x2  }
0xcb: {  	[tilespmem:$0x9720] =	vst v1  }
0xcc: {  	v1 =	vld.idx.msk [tilespmem:v2+s7+$0x0], $0xffff  }
0xcd: {  	v2 =	vadd.s32 v20, v3  }
0xce: {  	v3 =	vld [tilespmem:$0x350];
	_ =	sdelay $0x2  }
0xcf: {  	[tilespmem:$0x9730] =	vst v1  }
0xd0: {  	v1 =	vld.idx.msk [tilespmem:v2+s7+$0x0], $0xffff  }
0xd1: {  	v2 =	vadd.s32 v21, v3  }
0xd2: {  	v3 =	vld [tilespmem:$0x360];
	_ =	sdelay $0x2  }
0xd3: {  	[tilespmem:$0x9740] =	vst v1  }
0xd4: {  	v1 =	vld.idx.msk [tilespmem:v2+s7+$0x0], $0xffff  }
0xd5: {  	v2 =	vadd.s32 v22, v3  }
0xd6: {  	v3 =	vld [tilespmem:$0x370];
	_ =	sdelay $0x2  }
0xd7: {  	[tilespmem:$0x9750] =	vst v1  }
0xd8: {  	v1 =	vld.idx.msk [tilespmem:v2+s7+$0x0], $0xffff  }
0xd9: {  	v2 =	vadd.s32 v23, v3  }
0xda: {  	v3 =	vld [tilespmem:$0x380];
	_ =	sdelay $0x2  }
0xdb: {  	[tilespmem:$0x9760] =	vst v1  }
0xdc: {  	v1 =	vld.idx.msk [tilespmem:v2+s7+$0x0], $0xffff  }
0xdd: {  	v2 =	vadd.s32 v24, v3  }
0xde: {  	v3 =	vld [tilespmem:$0x390];
	_ =	sdelay $0x2  }
0xdf: {  	[tilespmem:$0x9770] =	vst v1  }
0xe0: {  	v1 =	vld.idx.msk [tilespmem:v2+s7+$0x0], $0xffff  }
0xe1: {  	v2 =	vadd.s32 v25, v3  }
0xe2: {  	v3 =	vld [tilespmem:$0x3A0];
	_ =	sdelay $0x2  }
0xe3: {  	[tilespmem:$0x9780] =	vst v1  }
0xe4: {  	v1 =	vld.idx.msk [tilespmem:v2+s7+$0x0], $0xffff  }
0xe5: {  	v2 =	vadd.s32 v26, v3  }
0xe6: {  	v3 =	vld [tilespmem:$0x3B0];
	_ =	sdelay $0x2  }
0xe7: {  	[tilespmem:$0x9790] =	vst v1  }
0xe8: {  	v1 =	vld.idx.msk [tilespmem:v2+s7+$0x0], $0xffff  }
0xe9: {  	v2 =	vadd.s32 v27, v3  }
0xea: {  	v3 =	vld [tilespmem:$0x3C0];
	_ =	sdelay $0x2  }
0xeb: {  	[tilespmem:$0x97A0] =	vst v1  }
0xec: {  	v1 =	vld.idx.msk [tilespmem:v2+s7+$0x0], $0xffff  }
0xed: {  	v2 =	vadd.s32 v28, v3  }
0xee: {  	v3 =	vld [tilespmem:$0x3D0];
	_ =	sdelay $0x2  }
0xef: {  	[tilespmem:$0x97B0] =	vst v1  }
0xf0: {  	v1 =	vld.idx.msk [tilespmem:v2+s7+$0x0], $0xffff  }
0xf1: {  	v2 =	vadd.s32 v29, v3  }
0xf2: {  	v3 =	vld [tilespmem:$0x3E0];
	_ =	sdelay $0x2  }
0xf3: {  	[tilespmem:$0x97C0] =	vst v1  }
0xf4: {  	v1 =	vld.idx.msk [tilespmem:v2+s7+$0x0], $0xffff  }
0xf5: {  	v2 =	vadd.s32 v30, v3  }
0xf6: {  	v3 =	vld [tilespmem:$0x3F0];
	_ =	sdelay $0x2  }
0xf7: {  	[tilespmem:$0x97D0] =	vst v1  }
0xf8: {  	v1 =	vld.idx.msk [tilespmem:v2+s7+$0x0], $0xffff  }
0xf9: {  	v2 =	vadd.s32 v31, v3;
	_ =	sdelay $0x3  }
0xfa: {  	[tilespmem:$0x97E0] =	vst v1  }
0xfb: {  	v1 =	vld.idx.msk [tilespmem:v2+s7+$0x0], $0xffff;
	_ =	sdelay $0x4  }
0xfc: {  	s8 =	rddreg [dreg:$0xd];
	[tilespmem:$0x97F0] =	vst v1  }
0xfd: {  	[hbm4b:s8+s2] =	stream.linear.scatter [tilespmem:s15], [sflag:$0x1], $0x200, $0x38;
	[tilespmem:$0xA800] =	vst v63  }
0xfe: {  	_ =	swait.ge [sflag:s16], $0x1000  }
0xff: {  	[sflag:s16] =	ssyncset.done $0x0  }
0x100: {  	[sflag:s16] =	ssyncadd.s32 $0xFFFFF000  }
0x101: {  	v1 =	vld [tilespmem:$0x200];
	_ =	sdelay $0x4  }
0x102: {  	v1 =	vadd.s32 v32, v1  }
0x103: {  	v2 =	vld [tilespmem:$0x210];
	_ =	sdelay $0x3  }
0x104: {  	v1 =	vld.idx.msk [tilespmem:v1+s7+$0x0], $0xffff  }
0x105: {  	v2 =	vadd.s32 v33, v2  }
0x106: {  	v3 =	vld [tilespmem:$0x220];
	_ =	sdelay $0x2  }
0x107: {  	[tilespmem:$0x9800] =	vst v1  }
0x108: {  	v1 =	vld.idx.msk [tilespmem:v2+s7+$0x0], $0xffff  }
0x109: {  	v2 =	vadd.s32 v34, v3  }
0x10a: {  	v3 =	vld [tilespmem:$0x230];
	_ =	sdelay $0x2  }
0x10b: {  	[tilespmem:$0x9810] =	vst v1  }
0x10c: {  	v1 =	vld.idx.msk [tilespmem:v2+s7+$0x0], $0xffff  }
0x10d: {  	v2 =	vadd.s32 v35, v3  }
0x10e: {  	v3 =	vld [tilespmem:$0x240];
	_ =	sdelay $0x2  }
0x10f: {  	[tilespmem:$0x9820] =	vst v1  }
0x110: {  	v1 =	vld.idx.msk [tilespmem:v2+s7+$0x0], $0xffff  }
0x111: {  	v2 =	vadd.s32 v36, v3  }
0x112: {  	v3 =	vld [tilespmem:$0x250];
	_ =	sdelay $0x2  }
0x113: {  	[tilespmem:$0x9830] =	vst v1  }
0x114: {  	v1 =	vld.idx.msk [tilespmem:v2+s7+$0x0], $0xffff  }
0x115: {  	v2 =	vadd.s32 v37, v3  }
0x116: {  	v3 =	vld [tilespmem:$0x260];
	_ =	sdelay $0x2  }
0x117: {  	[tilespmem:$0x9840] =	vst v1  }
0x118: {  	v1 =	vld.idx.msk [tilespmem:v2+s7+$0x0], $0xffff  }
0x119: {  	v2 =	vadd.s32 v38, v3  }
0x11a: {  	v3 =	vld [tilespmem:$0x270];
	_ =	sdelay $0x2  }
0x11b: {  	[tilespmem:$0x9850] =	vst v1  }
0x11c: {  	v1 =	vld.idx.msk [tilespmem:v2+s7+$0x0], $0xffff  }
0x11d: {  	v2 =	vadd.s32 v39, v3  }
0x11e: {  	v3 =	vld [tilespmem:$0x280];
	_ =	sdelay $0x2  }
0x11f: {  	[tilespmem:$0x9860] =	vst v1  }
0x120: {  	v1 =	vld.idx.msk [tilespmem:v2+s7+$0x0], $0xffff  }
0x121: {  	v2 =	vadd.s32 v40, v3  }
0x122: {  	v3 =	vld [tilespmem:$0x290];
	_ =	sdelay $0x2  }
0x123: {  	[tilespmem:$0x9870] =	vst v1  }
0x124: {  	v1 =	vld.idx.msk [tilespmem:v2+s7+$0x0], $0xffff  }
0x125: {  	v2 =	vadd.s32 v41, v3  }
0x126: {  	v3 =	vld [tilespmem:$0x2A0];
	_ =	sdelay $0x2  }
0x127: {  	[tilespmem:$0x9880] =	vst v1  }
0x128: {  	v1 =	vld.idx.msk [tilespmem:v2+s7+$0x0], $0xffff  }
0x129: {  	v2 =	vadd.s32 v42, v3  }
0x12a: {  	v3 =	vld [tilespmem:$0x2B0];
	_ =	sdelay $0x2  }
0x12b: {  	[tilespmem:$0x9890] =	vst v1  }
0x12c: {  	v1 =	vld.idx.msk [tilespmem:v2+s7+$0x0], $0xffff  }
0x12d: {  	v2 =	vadd.s32 v43, v3  }
0x12e: {  	v3 =	vld [tilespmem:$0x2C0];
	_ =	sdelay $0x2  }
0x12f: {  	[tilespmem:$0x98A0] =	vst v1  }
0x130: {  	v1 =	vld.idx.msk [tilespmem:v2+s7+$0x0], $0xffff  }
0x131: {  	v2 =	vadd.s32 v44, v3  }
0x132: {  	v3 =	vld [tilespmem:$0x2D0];
	_ =	sdelay $0x2  }
0x133: {  	[tilespmem:$0x98B0] =	vst v1  }
0x134: {  	v1 =	vld.idx.msk [tilespmem:v2+s7+$0x0], $0xffff  }
0x135: {  	v2 =	vadd.s32 v45, v3  }
0x136: {  	v3 =	vld [tilespmem:$0x2E0];
	_ =	sdelay $0x2  }
0x137: {  	[tilespmem:$0x98C0] =	vst v1  }
0x138: {  	v1 =	vld.idx.msk [tilespmem:v2+s7+$0x0], $0xffff  }
0x139: {  	v2 =	vadd.s32 v46, v3  }
0x13a: {  	v3 =	vld [tilespmem:$0x2F0];
	_ =	sdelay $0x2  }
0x13b: {  	[tilespmem:$0x98D0] =	vst v1  }
0x13c: {  	v1 =	vld.idx.msk [tilespmem:v2+s7+$0x0], $0xffff  }
0x13d: {  	v2 =	vadd.s32 v47, v3  }
0x13e: {  	v3 =	vld [tilespmem:$0x300];
	_ =	sdelay $0x2  }
0x13f: {  	[tilespmem:$0x98E0] =	vst v1  }
0x140: {  	v1 =	vld.idx.msk [tilespmem:v2+s7+$0x0], $0xffff  }
0x141: {  	v2 =	vadd.s32 v48, v3  }
0x142: {  	v3 =	vld [tilespmem:$0x310];
	_ =	sdelay $0x2  }
0x143: {  	[tilespmem:$0x98F0] =	vst v1  }
0x144: {  	v1 =	vld.idx.msk [tilespmem:v2+s7+$0x0], $0xffff  }
0x145: {  	v2 =	vadd.s32 v49, v3  }
0x146: {  	v3 =	vld [tilespmem:$0x320];
	_ =	sdelay $0x2  }
0x147: {  	[tilespmem:$0x9900] =	vst v1  }
0x148: {  	v1 =	vld.idx.msk [tilespmem:v2+s7+$0x0], $0xffff  }
0x149: {  	v2 =	vadd.s32 v50, v3  }
0x14a: {  	v3 =	vld [tilespmem:$0x330];
	_ =	sdelay $0x2  }
0x14b: {  	[tilespmem:$0x9910] =	vst v1  }
0x14c: {  	v1 =	vld.idx.msk [tilespmem:v2+s7+$0x0], $0xffff  }
0x14d: {  	v2 =	vadd.s32 v51, v3  }
0x14e: {  	v3 =	vld [tilespmem:$0x340];
	_ =	sdelay $0x2  }
0x14f: {  	[tilespmem:$0x9920] =	vst v1  }
0x150: {  	v1 =	vld.idx.msk [tilespmem:v2+s7+$0x0], $0xffff  }
0x151: {  	v2 =	vadd.s32 v52, v3  }
0x152: {  	v3 =	vld [tilespmem:$0x350];
	_ =	sdelay $0x2  }
0x153: {  	[tilespmem:$0x9930] =	vst v1  }
0x154: {  	v1 =	vld.idx.msk [tilespmem:v2+s7+$0x0], $0xffff  }
0x155: {  	v2 =	vadd.s32 v53, v3  }
0x156: {  	v3 =	vld [tilespmem:$0x360];
	_ =	sdelay $0x2  }
0x157: {  	[tilespmem:$0x9940] =	vst v1  }
0x158: {  	v1 =	vld.idx.msk [tilespmem:v2+s7+$0x0], $0xffff  }
0x159: {  	v2 =	vadd.s32 v54, v3  }
0x15a: {  	v3 =	vld [tilespmem:$0x370];
	_ =	sdelay $0x2  }
0x15b: {  	[tilespmem:$0x9950] =	vst v1  }
0x15c: {  	v1 =	vld.idx.msk [tilespmem:v2+s7+$0x0], $0xffff  }
0x15d: {  	v2 =	vadd.s32 v55, v3  }
0x15e: {  	v3 =	vld [tilespmem:$0x380];
	_ =	sdelay $0x2  }
0x15f: {  	[tilespmem:$0x9960] =	vst v1  }
0x160: {  	v1 =	vld.idx.msk [tilespmem:v2+s7+$0x0], $0xffff  }
0x161: {  	v2 =	vadd.s32 v56, v3  }
0x162: {  	v3 =	vld [tilespmem:$0x390];
	_ =	sdelay $0x2  }
0x163: {  	[tilespmem:$0x9970] =	vst v1  }
0x164: {  	v1 =	vld.idx.msk [tilespmem:v2+s7+$0x0], $0xffff  }
0x165: {  	v2 =	vadd.s32 v57, v3  }
0x166: {  	v3 =	vld [tilespmem:$0x3A0];
	_ =	sdelay $0x2  }
0x167: {  	[tilespmem:$0x9980] =	vst v1  }
0x168: {  	v1 =	vld.idx.msk [tilespmem:v2+s7+$0x0], $0xffff  }
0x169: {  	v2 =	vadd.s32 v58, v3  }
0x16a: {  	v3 =	vld [tilespmem:$0x3B0];
	_ =	sdelay $0x2  }
0x16b: {  	[tilespmem:$0x9990] =	vst v1  }
0x16c: {  	v1 =	vld.idx.msk [tilespmem:v2+s7+$0x0], $0xffff  }
0x16d: {  	v2 =	vadd.s32 v59, v3  }
0x16e: {  	v3 =	vld [tilespmem:$0x3C0];
	_ =	sdelay $0x2  }
0x16f: {  	[tilespmem:$0x99A0] =	vst v1  }
0x170: {  	v1 =	vld.idx.msk [tilespmem:v2+s7+$0x0], $0xffff  }
0x171: {  	v2 =	vadd.s32 v60, v3  }
0x172: {  	v3 =	vld [tilespmem:$0x3D0];
	_ =	sdelay $0x2  }
0x173: {  	[tilespmem:$0x99B0] =	vst v1  }
0x174: {  	v1 =	vld.idx.msk [tilespmem:v2+s7+$0x0], $0xffff  }
0x175: {  	v2 =	vadd.s32 v61, v3  }
0x176: {  	v3 =	vld [tilespmem:$0x3E0];
	_ =	sdelay $0x2  }
0x177: {  	[tilespmem:$0x99C0] =	vst v1  }
0x178: {  	v1 =	vld.idx.msk [tilespmem:v2+s7+$0x0], $0xffff  }
0x179: {  	v2 =	vadd.s32 v62, v3  }
0x17a: {  	v3 =	vld [tilespmem:$0x3F0];
	_ =	sdelay $0x2  }
0x17b: {  	[tilespmem:$0x99D0] =	vst v1  }
0x17c: {  	v1 =	vld.idx.msk [tilespmem:v2+s7+$0x0], $0xffff  }
0x17d: {  	v2 =	vadd.s32 v63, v3;
	_ =	sdelay $0x3  }
0x17e: {  	[tilespmem:$0x99E0] =	vst v1  }
0x17f: {  	v1 =	vld.idx.msk [tilespmem:v2+s7+$0x0], $0xffff;
	_ =	sdelay $0x4  }
0x180: {  	s9 =	rddreg [dreg:$0xe];
	[tilespmem:$0x99F0] =	vst v1  }
0x181: {  	[hbm4b:s9+s2] =	stream.linear.scatter [tilespmem:s17], [sflag:$0x2], $0x200, $0x38;
	[tilespmem:$0xA800] =	vst v63  }
0x182: {  	_ =	swait.ge [sflag:s18], $0x1000  }
0x183: {  	[sflag:s18] =	ssyncset.done $0x0  }
0x184: {  	[sflag:s18] =	ssyncadd.s32 $0xFFFFF000  }
0x185: {  	v1 =	vld [tilespmem:$0x200];
	_ =	sdelay $0x3  }
0x186: {  	v2 =	vor.u32 $0x2000, v0  }
0x187: {  	v1 =	vadd.s32 v2, v1  }
0x188: {  	v2 =	vld [tilespmem:$0x210];
	_ =	sdelay $0x3  }
0x189: {  	v3 =	vor.u32 $0x2080, v0;
	v1 =	vld.idx.msk [tilespmem:v1+s7+$0x0], $0xffff  }
0x18a: {  	v2 =	vadd.s32 v3, v2  }
0x18b: {  	v3 =	vld [tilespmem:$0x220];
	_ =	sdelay $0x2  }
0x18c: {  	[tilespmem:$0x9A00] =	vst v1  }
0x18d: {  	v1 =	vld.idx.msk [tilespmem:v2+s7+$0x0], $0xffff;
	v2 =	vor.u32 $0x2100, v0  }
0x18e: {  	v2 =	vadd.s32 v2, v3  }
0x18f: {  	v3 =	vld [tilespmem:$0x230];
	_ =	sdelay $0x2  }
0x190: {  	[tilespmem:$0x9A10] =	vst v1  }
0x191: {  	v1 =	vld.idx.msk [tilespmem:v2+s7+$0x0], $0xffff;
	v2 =	vor.u32 $0x2180, v0  }
0x192: {  	v2 =	vadd.s32 v2, v3  }
0x193: {  	v3 =	vld [tilespmem:$0x240];
	_ =	sdelay $0x2  }
0x194: {  	[tilespmem:$0x9A20] =	vst v1  }
0x195: {  	v1 =	vld.idx.msk [tilespmem:v2+s7+$0x0], $0xffff;
	v2 =	vor.u32 $0x2200, v0  }
0x196: {  	v2 =	vadd.s32 v2, v3  }
0x197: {  	v3 =	vld [tilespmem:$0x250];
	_ =	sdelay $0x2  }
0x198: {  	[tilespmem:$0x9A30] =	vst v1  }
0x199: {  	v1 =	vld.idx.msk [tilespmem:v2+s7+$0x0], $0xffff;
	v2 =	vor.u32 $0x2280, v0  }
0x19a: {  	v2 =	vadd.s32 v2, v3  }
0x19b: {  	v3 =	vld [tilespmem:$0x260];
	_ =	sdelay $0x2  }
0x19c: {  	[tilespmem:$0x9A40] =	vst v1  }
0x19d: {  	v1 =	vld.idx.msk [tilespmem:v2+s7+$0x0], $0xffff;
	v2 =	vor.u32 $0x2300, v0  }
0x19e: {  	v2 =	vadd.s32 v2, v3  }
0x19f: {  	v3 =	vld [tilespmem:$0x270];
	_ =	sdelay $0x2  }
0x1a0: {  	[tilespmem:$0x9A50] =	vst v1  }
0x1a1: {  	v1 =	vld.idx.msk [tilespmem:v2+s7+$0x0], $0xffff;
	v2 =	vor.u32 $0x2380, v0  }
0x1a2: {  	v2 =	vadd.s32 v2, v3  }
0x1a3: {  	v3 =	vld [tilespmem:$0x280];
	_ =	sdelay $0x2  }
0x1a4: {  	[tilespmem:$0x9A60] =	vst v1  }
0x1a5: {  	v1 =	vld.idx.msk [tilespmem:v2+s7+$0x0], $0xffff;
	v2 =	vor.u32 $0x2400, v0  }
0x1a6: {  	v2 =	vadd.s32 v2, v3  }
0x1a7: {  	v3 =	vld [tilespmem:$0x290];
	_ =	sdelay $0x2  }
0x1a8: {  	[tilespmem:$0x9A70] =	vst v1  }
0x1a9: {  	v1 =	vld.idx.msk [tilespmem:v2+s7+$0x0], $0xffff;
	v2 =	vor.u32 $0x2480, v0  }
0x1aa: {  	v2 =	vadd.s32 v2, v3  }
0x1ab: {  	v3 =	vld [tilespmem:$0x2A0];
	_ =	sdelay $0x2  }
0x1ac: {  	[tilespmem:$0x9A80] =	vst v1  }
0x1ad: {  	v1 =	vld.idx.msk [tilespmem:v2+s7+$0x0], $0xffff;
	v2 =	vor.u32 $0x2500, v0  }
0x1ae: {  	v2 =	vadd.s32 v2, v3  }
0x1af: {  	v3 =	vld [tilespmem:$0x2B0];
	_ =	sdelay $0x2  }
0x1b0: {  	[tilespmem:$0x9A90] =	vst v1  }
0x1b1: {  	v1 =	vld.idx.msk [tilespmem:v2+s7+$0x0], $0xffff;
	v2 =	vor.u32 $0x2580, v0  }
0x1b2: {  	v2 =	vadd.s32 v2, v3  }
0x1b3: {  	v3 =	vld [tilespmem:$0x2C0];
	_ =	sdelay $0x2  }
0x1b4: {  	[tilespmem:$0x9AA0] =	vst v1  }
0x1b5: {  	v1 =	vld.idx.msk [tilespmem:v2+s7+$0x0], $0xffff;
	v2 =	vor.u32 $0x2600, v0  }
0x1b6: {  	v2 =	vadd.s32 v2, v3  }
0x1b7: {  	v3 =	vld [tilespmem:$0x2D0];
	_ =	sdelay $0x2  }
0x1b8: {  	[tilespmem:$0x9AB0] =	vst v1  }
0x1b9: {  	v1 =	vld.idx.msk [tilespmem:v2+s7+$0x0], $0xffff;
	v2 =	vor.u32 $0x2680, v0  }
0x1ba: {  	v2 =	vadd.s32 v2, v3  }
0x1bb: {  	v3 =	vld [tilespmem:$0x2E0];
	_ =	sdelay $0x2  }
0x1bc: {  	[tilespmem:$0x9AC0] =	vst v1  }
0x1bd: {  	v1 =	vld.idx.msk [tilespmem:v2+s7+$0x0], $0xffff;
	v2 =	vor.u32 $0x2700, v0  }
0x1be: {  	v2 =	vadd.s32 v2, v3  }
0x1bf: {  	v3 =	vld [tilespmem:$0x2F0];
	_ =	sdelay $0x2  }
0x1c0: {  	[tilespmem:$0x9AD0] =	vst v1  }
0x1c1: {  	v1 =	vld.idx.msk [tilespmem:v2+s7+$0x0], $0xffff;
	v2 =	vor.u32 $0x2780, v0  }
0x1c2: {  	v2 =	vadd.s32 v2, v3  }
0x1c3: {  	v3 =	vld [tilespmem:$0x300];
	_ =	sdelay $0x2  }
0x1c4: {  	[tilespmem:$0x9AE0] =	vst v1  }
0x1c5: {  	v1 =	vld.idx.msk [tilespmem:v2+s7+$0x0], $0xffff;
	v2 =	vor.u32 $0x2800, v0  }
0x1c6: {  	v2 =	vadd.s32 v2, v3  }
0x1c7: {  	v3 =	vld [tilespmem:$0x310];
	_ =	sdelay $0x2  }
0x1c8: {  	[tilespmem:$0x9AF0] =	vst v1  }
0x1c9: {  	v1 =	vld.idx.msk [tilespmem:v2+s7+$0x0], $0xffff;
	v2 =	vor.u32 $0x2880, v0  }
0x1ca: {  	v2 =	vadd.s32 v2, v3  }
0x1cb: {  	v3 =	vld [tilespmem:$0x320];
	_ =	sdelay $0x2  }
0x1cc: {  	[tilespmem:$0x9B00] =	vst v1  }
0x1cd: {  	v1 =	vld.idx.msk [tilespmem:v2+s7+$0x0], $0xffff;
	v2 =	vor.u32 $0x2900, v0  }
0x1ce: {  	v2 =	vadd.s32 v2, v3  }
0x1cf: {  	v3 =	vld [tilespmem:$0x330];
	_ =	sdelay $0x2  }
0x1d0: {  	[tilespmem:$0x9B10] =	vst v1  }
0x1d1: {  	v1 =	vld.idx.msk [tilespmem:v2+s7+$0x0], $0xffff;
	v2 =	vor.u32 $0x2980, v0  }
0x1d2: {  	v2 =	vadd.s32 v2, v3  }
0x1d3: {  	v3 =	vld [tilespmem:$0x340];
	_ =	sdelay $0x2  }
0x1d4: {  	[tilespmem:$0x9B20] =	vst v1  }
0x1d5: {  	v1 =	vld.idx.msk [tilespmem:v2+s7+$0x0], $0xffff;
	v2 =	vor.u32 $0x2A00, v0  }
0x1d6: {  	v2 =	vadd.s32 v2, v3  }
0x1d7: {  	v3 =	vld [tilespmem:$0x350];
	_ =	sdelay $0x2  }
0x1d8: {  	[tilespmem:$0x9B30] =	vst v1  }
0x1d9: {  	v1 =	vld.idx.msk [tilespmem:v2+s7+$0x0], $0xffff;
	v2 =	vor.u32 $0x2A80, v0  }
0x1da: {  	v2 =	vadd.s32 v2, v3  }
0x1db: {  	v3 =	vld [tilespmem:$0x360];
	_ =	sdelay $0x2  }
0x1dc: {  	[tilespmem:$0x9B40] =	vst v1  }
0x1dd: {  	v1 =	vld.idx.msk [tilespmem:v2+s7+$0x0], $0xffff;
	v2 =	vor.u32 $0x2B00, v0  }
0x1de: {  	v2 =	vadd.s32 v2, v3  }
0x1df: {  	v3 =	vld [tilespmem:$0x370];
	_ =	sdelay $0x2  }
0x1e0: {  	[tilespmem:$0x9B50] =	vst v1  }
0x1e1: {  	v1 =	vld.idx.msk [tilespmem:v2+s7+$0x0], $0xffff;
	v2 =	vor.u32 $0x2B80, v0  }
0x1e2: {  	v2 =	vadd.s32 v2, v3  }
0x1e3: {  	v3 =	vld [tilespmem:$0x380];
	_ =	sdelay $0x2  }
0x1e4: {  	[tilespmem:$0x9B60] =	vst v1  }
0x1e5: {  	v1 =	vld.idx.msk [tilespmem:v2+s7+$0x0], $0xffff;
	v2 =	vor.u32 $0x2C00, v0  }
0x1e6: {  	v2 =	vadd.s32 v2, v3  }
0x1e7: {  	v3 =	vld [tilespmem:$0x390];
	_ =	sdelay $0x2  }
0x1e8: {  	[tilespmem:$0x9B70] =	vst v1  }
0x1e9: {  	v1 =	vld.idx.msk [tilespmem:v2+s7+$0x0], $0xffff;
	v2 =	vor.u32 $0x2C80, v0  }
0x1ea: {  	v2 =	vadd.s32 v2, v3  }
0x1eb: {  	v3 =	vld [tilespmem:$0x3A0];
	_ =	sdelay $0x2  }
0x1ec: {  	[tilespmem:$0x9B80] =	vst v1  }
0x1ed: {  	v1 =	vld.idx.msk [tilespmem:v2+s7+$0x0], $0xffff;
	v2 =	vor.u32 $0x2D00, v0  }
0x1ee: {  	v2 =	vadd.s32 v2, v3  }
0x1ef: {  	v3 =	vld [tilespmem:$0x3B0];
	_ =	sdelay $0x2  }
0x1f0: {  	[tilespmem:$0x9B90] =	vst v1  }
0x1f1: {  	v1 =	vld.idx.msk [tilespmem:v2+s7+$0x0], $0xffff;
	v2 =	vor.u32 $0x2D80, v0  }
0x1f2: {  	v2 =	vadd.s32 v2, v3  }
0x1f3: {  	v3 =	vld [tilespmem:$0x3C0];
	_ =	sdelay $0x2  }
0x1f4: {  	[tilespmem:$0x9BA0] =	vst v1  }
0x1f5: {  	v1 =	vld.idx.msk [tilespmem:v2+s7+$0x0], $0xffff;
	v2 =	vor.u32 $0x2E00, v0  }
0x1f6: {  	v2 =	vadd.s32 v2, v3  }
0x1f7: {  	v3 =	vld [tilespmem:$0x3D0];
	_ =	sdelay $0x2  }
0x1f8: {  	[tilespmem:$0x9BB0] =	vst v1  }
0x1f9: {  	v1 =	vld.idx.msk [tilespmem:v2+s7+$0x0], $0xffff;
	v2 =	vor.u32 $0x2E80, v0  }
0x1fa: {  	v2 =	vadd.s32 v2, v3  }
0x1fb: {  	v3 =	vld [tilespmem:$0x3E0];
	_ =	sdelay $0x2  }
0x1fc: {  	[tilespmem:$0x9BC0] =	vst v1  }
0x1fd: {  	v1 =	vld.idx.msk [tilespmem:v2+s7+$0x0], $0xffff;
	v2 =	vor.u32 $0x2F00, v0  }
0x1fe: {  	v2 =	vadd.s32 v2, v3  }
0x1ff: {  	v3 =	vld [tilespmem:$0x3F0];
	_ =	sdelay $0x2  }
0x200: {  	[tilespmem:$0x9BD0] =	vst v1  }
0x201: {  	v1 =	vld.idx.msk [tilespmem:v2+s7+$0x0], $0xffff;
	v2 =	vor.u32 $0x2F80, v0  }
0x202: {  	v2 =	vadd.s32 v2, v3;
	_ =	sdelay $0x3  }
0x203: {  	[tilespmem:$0x9BE0] =	vst v1  }
0x204: {  	v1 =	vld.idx.msk [tilespmem:v2+s7+$0x0], $0xffff;
	_ =	sdelay $0x4  }
0x205: {  	s10 =	rddreg [dreg:$0xf];
	[tilespmem:$0x9BF0] =	vst v1  }
0x206: {  	[hbm4b:s10+s2] =	stream.linear.scatter [tilespmem:s19], [sflag:$0x3], $0x200, $0x38;
	[tilespmem:$0xA800] =	vst v63  }
0x207: {  	_ =	swait.ge [sflag:s20], $0x1000  }
0x208: {  	[sflag:s20] =	ssyncset.done $0x0  }
0x209: {  	[sflag:s20] =	ssyncadd.s32 $0xFFFFF000  }
0x20a: {  	v1 =	vld [tilespmem:$0x200];
	_ =	sdelay $0x3  }
0x20b: {  	v2 =	vor.u32 $0x3000, v0  }
0x20c: {  	v1 =	vadd.s32 v2, v1  }
0x20d: {  	v2 =	vld [tilespmem:$0x210];
	_ =	sdelay $0x3  }
0x20e: {  	v3 =	vor.u32 $0x3080, v0;
	v1 =	vld.idx.msk [tilespmem:v1+s7+$0x0], $0xffff  }
0x20f: {  	v2 =	vadd.s32 v3, v2  }
0x210: {  	v3 =	vld [tilespmem:$0x220];
	_ =	sdelay $0x2  }
0x211: {  	[tilespmem:$0x9C00] =	vst v1  }
0x212: {  	v1 =	vld.idx.msk [tilespmem:v2+s7+$0x0], $0xffff;
	v2 =	vor.u32 $0x3100, v0  }
0x213: {  	v2 =	vadd.s32 v2, v3  }
0x214: {  	v3 =	vld [tilespmem:$0x230];
	_ =	sdelay $0x2  }
0x215: {  	[tilespmem:$0x9C10] =	vst v1  }
0x216: {  	v1 =	vld.idx.msk [tilespmem:v2+s7+$0x0], $0xffff;
	v2 =	vor.u32 $0x3180, v0  }
0x217: {  	v2 =	vadd.s32 v2, v3  }
0x218: {  	v3 =	vld [tilespmem:$0x240];
	_ =	sdelay $0x2  }
0x219: {  	[tilespmem:$0x9C20] =	vst v1  }
0x21a: {  	v1 =	vld.idx.msk [tilespmem:v2+s7+$0x0], $0xffff;
	v2 =	vor.u32 $0x3200, v0  }
0x21b: {  	v2 =	vadd.s32 v2, v3  }
0x21c: {  	v3 =	vld [tilespmem:$0x250];
	_ =	sdelay $0x2  }
0x21d: {  	[tilespmem:$0x9C30] =	vst v1  }
0x21e: {  	v1 =	vld.idx.msk [tilespmem:v2+s7+$0x0], $0xffff;
	v2 =	vor.u32 $0x3280, v0  }
0x21f: {  	v2 =	vadd.s32 v2, v3  }
0x220: {  	v3 =	vld [tilespmem:$0x260];
	_ =	sdelay $0x2  }
0x221: {  	[tilespmem:$0x9C40] =	vst v1  }
0x222: {  	v1 =	vld.idx.msk [tilespmem:v2+s7+$0x0], $0xffff;
	v2 =	vor.u32 $0x3300, v0  }
0x223: {  	v2 =	vadd.s32 v2, v3  }
0x224: {  	v3 =	vld [tilespmem:$0x270];
	_ =	sdelay $0x2  }
0x225: {  	[tilespmem:$0x9C50] =	vst v1  }
0x226: {  	v1 =	vld.idx.msk [tilespmem:v2+s7+$0x0], $0xffff;
	v2 =	vor.u32 $0x3380, v0  }
0x227: {  	v2 =	vadd.s32 v2, v3  }
0x228: {  	v3 =	vld [tilespmem:$0x280];
	_ =	sdelay $0x2  }
0x229: {  	[tilespmem:$0x9C60] =	vst v1  }
0x22a: {  	v1 =	vld.idx.msk [tilespmem:v2+s7+$0x0], $0xffff;
	v2 =	vor.u32 $0x3400, v0  }
0x22b: {  	v2 =	vadd.s32 v2, v3  }
0x22c: {  	v3 =	vld [tilespmem:$0x290];
	_ =	sdelay $0x2  }
0x22d: {  	[tilespmem:$0x9C70] =	vst v1  }
0x22e: {  	v1 =	vld.idx.msk [tilespmem:v2+s7+$0x0], $0xffff;
	v2 =	vor.u32 $0x3480, v0  }
0x22f: {  	v2 =	vadd.s32 v2, v3  }
0x230: {  	v3 =	vld [tilespmem:$0x2A0];
	_ =	sdelay $0x2  }
0x231: {  	[tilespmem:$0x9C80] =	vst v1  }
0x232: {  	v1 =	vld.idx.msk [tilespmem:v2+s7+$0x0], $0xffff;
	v2 =	vor.u32 $0x3500, v0  }
0x233: {  	v2 =	vadd.s32 v2, v3  }
0x234: {  	v3 =	vld [tilespmem:$0x2B0];
	_ =	sdelay $0x2  }
0x235: {  	[tilespmem:$0x9C90] =	vst v1  }
0x236: {  	v1 =	vld.idx.msk [tilespmem:v2+s7+$0x0], $0xffff;
	v2 =	vor.u32 $0x3580, v0  }
0x237: {  	v2 =	vadd.s32 v2, v3  }
0x238: {  	v3 =	vld [tilespmem:$0x2C0];
	_ =	sdelay $0x2  }
0x239: {  	[tilespmem:$0x9CA0] =	vst v1  }
0x23a: {  	v1 =	vld.idx.msk [tilespmem:v2+s7+$0x0], $0xffff;
	v2 =	vor.u32 $0x3600, v0  }
0x23b: {  	v2 =	vadd.s32 v2, v3  }
0x23c: {  	v3 =	vld [tilespmem:$0x2D0];
	_ =	sdelay $0x2  }
0x23d: {  	[tilespmem:$0x9CB0] =	vst v1  }
0x23e: {  	v1 =	vld.idx.msk [tilespmem:v2+s7+$0x0], $0xffff;
	v2 =	vor.u32 $0x3680, v0  }
0x23f: {  	v2 =	vadd.s32 v2, v3  }
0x240: {  	v3 =	vld [tilespmem:$0x2E0];
	_ =	sdelay $0x2  }
0x241: {  	[tilespmem:$0x9CC0] =	vst v1  }
0x242: {  	v1 =	vld.idx.msk [tilespmem:v2+s7+$0x0], $0xffff;
	v2 =	vor.u32 $0x3700, v0  }
0x243: {  	v2 =	vadd.s32 v2, v3  }
0x244: {  	v3 =	vld [tilespmem:$0x2F0];
	_ =	sdelay $0x2  }
0x245: {  	[tilespmem:$0x9CD0] =	vst v1  }
0x246: {  	v1 =	vld.idx.msk [tilespmem:v2+s7+$0x0], $0xffff;
	v2 =	vor.u32 $0x3780, v0  }
0x247: {  	v2 =	vadd.s32 v2, v3  }
0x248: {  	v3 =	vld [tilespmem:$0x300];
	_ =	sdelay $0x2  }
0x249: {  	[tilespmem:$0x9CE0] =	vst v1  }
0x24a: {  	v1 =	vld.idx.msk [tilespmem:v2+s7+$0x0], $0xffff;
	v2 =	vor.u32 $0x3800, v0  }
0x24b: {  	v2 =	vadd.s32 v2, v3  }
0x24c: {  	v3 =	vld [tilespmem:$0x310];
	_ =	sdelay $0x2  }
0x24d: {  	[tilespmem:$0x9CF0] =	vst v1  }
0x24e: {  	v1 =	vld.idx.msk [tilespmem:v2+s7+$0x0], $0xffff;
	v2 =	vor.u32 $0x3880, v0  }
0x24f: {  	v2 =	vadd.s32 v2, v3  }
0x250: {  	v3 =	vld [tilespmem:$0x320];
	_ =	sdelay $0x2  }
0x251: {  	[tilespmem:$0x9D00] =	vst v1  }
0x252: {  	v1 =	vld.idx.msk [tilespmem:v2+s7+$0x0], $0xffff;
	v2 =	vor.u32 $0x3900, v0  }
0x253: {  	v2 =	vadd.s32 v2, v3  }
0x254: {  	v3 =	vld [tilespmem:$0x330];
	_ =	sdelay $0x2  }
0x255: {  	[tilespmem:$0x9D10] =	vst v1  }
0x256: {  	v1 =	vld.idx.msk [tilespmem:v2+s7+$0x0], $0xffff;
	v2 =	vor.u32 $0x3980, v0  }
0x257: {  	v2 =	vadd.s32 v2, v3  }
0x258: {  	v3 =	vld [tilespmem:$0x340];
	_ =	sdelay $0x2  }
0x259: {  	[tilespmem:$0x9D20] =	vst v1  }
0x25a: {  	v1 =	vld.idx.msk [tilespmem:v2+s7+$0x0], $0xffff;
	v2 =	vor.u32 $0x3A00, v0  }
0x25b: {  	v2 =	vadd.s32 v2, v3  }
0x25c: {  	v3 =	vld [tilespmem:$0x350];
	_ =	sdelay $0x2  }
0x25d: {  	[tilespmem:$0x9D30] =	vst v1  }
0x25e: {  	v1 =	vld.idx.msk [tilespmem:v2+s7+$0x0], $0xffff;
	v2 =	vor.u32 $0x3A80, v0  }
0x25f: {  	v2 =	vadd.s32 v2, v3  }
0x260: {  	v3 =	vld [tilespmem:$0x360];
	_ =	sdelay $0x2  }
0x261: {  	[tilespmem:$0x9D40] =	vst v1  }
0x262: {  	v1 =	vld.idx.msk [tilespmem:v2+s7+$0x0], $0xffff;
	v2 =	vor.u32 $0x3B00, v0  }
0x263: {  	v2 =	vadd.s32 v2, v3  }
0x264: {  	v3 =	vld [tilespmem:$0x370];
	_ =	sdelay $0x2  }
0x265: {  	[tilespmem:$0x9D50] =	vst v1  }
0x266: {  	v1 =	vld.idx.msk [tilespmem:v2+s7+$0x0], $0xffff;
	v2 =	vor.u32 $0x3B80, v0  }
0x267: {  	v2 =	vadd.s32 v2, v3  }
0x268: {  	v3 =	vld [tilespmem:$0x380];
	_ =	sdelay $0x2  }
0x269: {  	[tilespmem:$0x9D60] =	vst v1  }
0x26a: {  	v1 =	vld.idx.msk [tilespmem:v2+s7+$0x0], $0xffff;
	v2 =	vor.u32 $0x3C00, v0  }
0x26b: {  	v2 =	vadd.s32 v2, v3  }
0x26c: {  	v3 =	vld [tilespmem:$0x390];
	_ =	sdelay $0x2  }
0x26d: {  	[tilespmem:$0x9D70] =	vst v1  }
0x26e: {  	v1 =	vld.idx.msk [tilespmem:v2+s7+$0x0], $0xffff;
	v2 =	vor.u32 $0x3C80, v0  }
0x26f: {  	v2 =	vadd.s32 v2, v3  }
0x270: {  	v3 =	vld [tilespmem:$0x3A0];
	_ =	sdelay $0x2  }
0x271: {  	[tilespmem:$0x9D80] =	vst v1  }
0x272: {  	v1 =	vld.idx.msk [tilespmem:v2+s7+$0x0], $0xffff;
	v2 =	vor.u32 $0x3D00, v0  }
0x273: {  	v2 =	vadd.s32 v2, v3  }
0x274: {  	v3 =	vld [tilespmem:$0x3B0];
	_ =	sdelay $0x2  }
0x275: {  	[tilespmem:$0x9D90] =	vst v1  }
0x276: {  	v1 =	vld.idx.msk [tilespmem:v2+s7+$0x0], $0xffff;
	v2 =	vor.u32 $0x3D80, v0  }
0x277: {  	v2 =	vadd.s32 v2, v3  }
0x278: {  	v3 =	vld [tilespmem:$0x3C0];
	_ =	sdelay $0x2  }
0x279: {  	[tilespmem:$0x9DA0] =	vst v1  }
0x27a: {  	v1 =	vld.idx.msk [tilespmem:v2+s7+$0x0], $0xffff;
	v2 =	vor.u32 $0x3E00, v0  }
0x27b: {  	v2 =	vadd.s32 v2, v3  }
0x27c: {  	v3 =	vld [tilespmem:$0x3D0];
	_ =	sdelay $0x2  }
0x27d: {  	[tilespmem:$0x9DB0] =	vst v1  }
0x27e: {  	v1 =	vld.idx.msk [tilespmem:v2+s7+$0x0], $0xffff;
	v2 =	vor.u32 $0x3E80, v0  }
0x27f: {  	v2 =	vadd.s32 v2, v3  }
0x280: {  	v3 =	vld [tilespmem:$0x3E0];
	_ =	sdelay $0x2  }
0x281: {  	[tilespmem:$0x9DC0] =	vst v1  }
0x282: {  	v1 =	vld.idx.msk [tilespmem:v2+s7+$0x0], $0xffff;
	v2 =	vor.u32 $0x3F00, v0  }
0x283: {  	v2 =	vadd.s32 v2, v3  }
0x284: {  	v3 =	vld [tilespmem:$0x3F0];
	_ =	sdelay $0x2  }
0x285: {  	[tilespmem:$0x9DD0] =	vst v1  }
0x286: {  	v1 =	vld.idx.msk [tilespmem:v2+s7+$0x0], $0xffff;
	v2 =	vor.u32 $0x3F80, v0  }
0x287: {  	v2 =	vadd.s32 v2, v3;
	_ =	sdelay $0x3  }
0x288: {  	[tilespmem:$0x9DE0] =	vst v1  }
0x289: {  	v1 =	vld.idx.msk [tilespmem:v2+s7+$0x0], $0xffff;
	_ =	sdelay $0x4  }
0x28a: {  	s8 =	rddreg [dreg:$0x10];
	[tilespmem:$0x9DF0] =	vst v1  }
0x28b: {  	[hbm4b:s8+s2] =	stream.linear.scatter [tilespmem:s21], [sflag:$0x4], $0x200, $0x38;
	[tilespmem:$0xA800] =	vst v63  }
0x28c: {  	_ =	swait.ge [sflag:s22], $0x1000  }
0x28d: {  	[sflag:s22] =	ssyncset.done $0x0  }
0x28e: {  	[sflag:s22] =	ssyncadd.s32 $0xFFFFF000  }
0x28f: {  	v1 =	vld [tilespmem:$0x200];
	_ =	sdelay $0x3  }
0x290: {  	v2 =	vor.u32 $0x4000, v0  }
0x291: {  	v1 =	vadd.s32 v2, v1  }
0x292: {  	v2 =	vld [tilespmem:$0x210];
	_ =	sdelay $0x3  }
0x293: {  	v3 =	vor.u32 $0x4080, v0;
	v1 =	vld.idx.msk [tilespmem:v1+s7+$0x0], $0xffff  }
0x294: {  	v2 =	vadd.s32 v3, v2  }
0x295: {  	v3 =	vld [tilespmem:$0x220];
	_ =	sdelay $0x2  }
0x296: {  	[tilespmem:$0x9E00] =	vst v1  }
0x297: {  	v1 =	vld.idx.msk [tilespmem:v2+s7+$0x0], $0xffff;
	v2 =	vor.u32 $0x4100, v0  }
0x298: {  	v2 =	vadd.s32 v2, v3  }
0x299: {  	v3 =	vld [tilespmem:$0x230];
	_ =	sdelay $0x2  }
0x29a: {  	[tilespmem:$0x9E10] =	vst v1  }
0x29b: {  	v1 =	vld.idx.msk [tilespmem:v2+s7+$0x0], $0xffff;
	v2 =	vor.u32 $0x4180, v0  }
0x29c: {  	v2 =	vadd.s32 v2, v3  }
0x29d: {  	v3 =	vld [tilespmem:$0x240];
	_ =	sdelay $0x2  }
0x29e: {  	[tilespmem:$0x9E20] =	vst v1  }
0x29f: {  	v1 =	vld.idx.msk [tilespmem:v2+s7+$0x0], $0xffff;
	v2 =	vor.u32 $0x4200, v0  }
0x2a0: {  	v2 =	vadd.s32 v2, v3  }
0x2a1: {  	v3 =	vld [tilespmem:$0x250];
	_ =	sdelay $0x2  }
0x2a2: {  	[tilespmem:$0x9E30] =	vst v1  }
0x2a3: {  	v1 =	vld.idx.msk [tilespmem:v2+s7+$0x0], $0xffff;
	v2 =	vor.u32 $0x4280, v0  }
0x2a4: {  	v2 =	vadd.s32 v2, v3;
	_ =	sdelay $0x3  }
0x2a5: {  	[tilespmem:$0x9E40] =	vst v1  }
0x2a6: {  	v1 =	vld.idx.msk [tilespmem:v2+s7+$0x0], $0xffff  }
0x2a7: {  	v2 =	vld [tilespmem:$0x260];
	_ =	sdelay $0x3  }
0x2a8: {  	v3 =	vor.u32 $0x4300, v0  }
0x2a9: {  	v2 =	vadd.s32 v3, v2  }
0x2aa: {  	v3 =	vld [tilespmem:$0x270];
	_ =	sdelay $0x2  }
0x2ab: {  	[tilespmem:$0x9E50] =	vst v1  }
0x2ac: {  	v1 =	vld.idx.msk [tilespmem:v2+s7+$0x0], $0xffff;
	v2 =	vor.u32 $0x4380, v0  }
0x2ad: {  	v2 =	vadd.s32 v2, v3  }
0x2ae: {  	v3 =	vld [tilespmem:$0x280];
	_ =	sdelay $0x2  }
0x2af: {  	[tilespmem:$0x9E60] =	vst v1  }
0x2b0: {  	v1 =	vld.idx.msk [tilespmem:v2+s7+$0x0], $0xffff;
	v2 =	vor.u32 $0x4400, v0  }
0x2b1: {  	v2 =	vadd.s32 v2, v3  }
0x2b2: {  	v3 =	vld [tilespmem:$0x290];
	_ =	sdelay $0x2  }
0x2b3: {  	[tilespmem:$0x9E70] =	vst v1  }
0x2b4: {  	v1 =	vld.idx.msk [tilespmem:v2+s7+$0x0], $0xffff;
	v2 =	vor.u32 $0x4480, v0  }
0x2b5: {  	v2 =	vadd.s32 v2, v3  }
0x2b6: {  	v3 =	vld [tilespmem:$0x2A0];
	_ =	sdelay $0x2  }
0x2b7: {  	[tilespmem:$0x9E80] =	vst v1  }
0x2b8: {  	v1 =	vld.idx.msk [tilespmem:v2+s7+$0x0], $0xffff;
	v2 =	vor.u32 $0x4500, v0  }
0x2b9: {  	v2 =	vadd.s32 v2, v3  }
0x2ba: {  	v3 =	vld [tilespmem:$0x2B0];
	_ =	sdelay $0x2  }
0x2bb: {  	[tilespmem:$0x9E90] =	vst v1  }
0x2bc: {  	v1 =	vld.idx.msk [tilespmem:v2+s7+$0x0], $0xffff;
	v2 =	vor.u32 $0x4580, v0  }
0x2bd: {  	v2 =	vadd.s32 v2, v3  }
0x2be: {  	v3 =	vld [tilespmem:$0x2C0];
	_ =	sdelay $0x2  }
0x2bf: {  	[tilespmem:$0x9EA0] =	vst v1  }
0x2c0: {  	v1 =	vld.idx.msk [tilespmem:v2+s7+$0x0], $0xffff;
	v2 =	vor.u32 $0x4600, v0  }
0x2c1: {  	v2 =	vadd.s32 v2, v3  }
0x2c2: {  	v3 =	vld [tilespmem:$0x2D0];
	_ =	sdelay $0x2  }
0x2c3: {  	[tilespmem:$0x9EB0] =	vst v1  }
0x2c4: {  	v1 =	vld.idx.msk [tilespmem:v2+s7+$0x0], $0xffff;
	v2 =	vor.u32 $0x4680, v0  }
0x2c5: {  	v2 =	vadd.s32 v2, v3  }
0x2c6: {  	v3 =	vld [tilespmem:$0x2E0];
	_ =	sdelay $0x2  }
0x2c7: {  	[tilespmem:$0x9EC0] =	vst v1  }
0x2c8: {  	v1 =	vld.idx.msk [tilespmem:v2+s7+$0x0], $0xffff;
	v2 =	vor.u32 $0x4700, v0  }
0x2c9: {  	v2 =	vadd.s32 v2, v3  }
0x2ca: {  	v3 =	vld [tilespmem:$0x2F0];
	_ =	sdelay $0x2  }
0x2cb: {  	[tilespmem:$0x9ED0] =	vst v1  }
0x2cc: {  	v1 =	vld.idx.msk [tilespmem:v2+s7+$0x0], $0xffff;
	v2 =	vor.u32 $0x4780, v0  }
0x2cd: {  	v2 =	vadd.s32 v2, v3  }
0x2ce: {  	v3 =	vld [tilespmem:$0x300];
	_ =	sdelay $0x2  }
0x2cf: {  	[tilespmem:$0x9EE0] =	vst v1  }
0x2d0: {  	v1 =	vld.idx.msk [tilespmem:v2+s7+$0x0], $0xffff;
	v2 =	vor.u32 $0x4800, v0  }
0x2d1: {  	v2 =	vadd.s32 v2, v3  }
0x2d2: {  	v3 =	vld [tilespmem:$0x310];
	_ =	sdelay $0x2  }
0x2d3: {  	[tilespmem:$0x9EF0] =	vst v1  }
0x2d4: {  	v1 =	vld.idx.msk [tilespmem:v2+s7+$0x0], $0xffff;
	v2 =	vor.u32 $0x4880, v0  }
0x2d5: {  	v2 =	vadd.s32 v2, v3  }
0x2d6: {  	v3 =	vld [tilespmem:$0x320];
	_ =	sdelay $0x2  }
0x2d7: {  	[tilespmem:$0x9F00] =	vst v1  }
0x2d8: {  	v1 =	vld.idx.msk [tilespmem:v2+s7+$0x0], $0xffff;
	v2 =	vor.u32 $0x4900, v0  }
0x2d9: {  	v2 =	vadd.s32 v2, v3  }
0x2da: {  	v3 =	vld [tilespmem:$0x330];
	_ =	sdelay $0x2  }
0x2db: {  	[tilespmem:$0x9F10] =	vst v1  }
0x2dc: {  	v1 =	vld.idx.msk [tilespmem:v2+s7+$0x0], $0xffff;
	v2 =	vor.u32 $0x4980, v0  }
0x2dd: {  	v2 =	vadd.s32 v2, v3  }
0x2de: {  	v3 =	vld [tilespmem:$0x340];
	_ =	sdelay $0x2  }
0x2df: {  	[tilespmem:$0x9F20] =	vst v1  }
0x2e0: {  	v1 =	vld.idx.msk [tilespmem:v2+s7+$0x0], $0xffff;
	v2 =	vor.u32 $0x4A00, v0  }
0x2e1: {  	v2 =	vadd.s32 v2, v3  }
0x2e2: {  	v3 =	vld [tilespmem:$0x350];
	_ =	sdelay $0x2  }
0x2e3: {  	[tilespmem:$0x9F30] =	vst v1  }
0x2e4: {  	v1 =	vld.idx.msk [tilespmem:v2+s7+$0x0], $0xffff;
	v2 =	vor.u32 $0x4A80, v0  }
0x2e5: {  	v2 =	vadd.s32 v2, v3  }
0x2e6: {  	v3 =	vld [tilespmem:$0x360];
	_ =	sdelay $0x2  }
0x2e7: {  	[tilespmem:$0x9F40] =	vst v1  }
0x2e8: {  	v1 =	vld.idx.msk [tilespmem:v2+s7+$0x0], $0xffff;
	v2 =	vor.u32 $0x4B00, v0  }
0x2e9: {  	v2 =	vadd.s32 v2, v3  }
0x2ea: {  	v3 =	vld [tilespmem:$0x370];
	_ =	sdelay $0x2  }
0x2eb: {  	[tilespmem:$0x9F50] =	vst v1  }
0x2ec: {  	v1 =	vld.idx.msk [tilespmem:v2+s7+$0x0], $0xffff;
	v2 =	vor.u32 $0x4B80, v0  }
0x2ed: {  	v2 =	vadd.s32 v2, v3  }
0x2ee: {  	v3 =	vld [tilespmem:$0x380];
	_ =	sdelay $0x2  }
0x2ef: {  	[tilespmem:$0x9F60] =	vst v1  }
0x2f0: {  	v1 =	vld.idx.msk [tilespmem:v2+s7+$0x0], $0xffff;
	v2 =	vor.u32 $0x4C00, v0  }
0x2f1: {  	v2 =	vadd.s32 v2, v3  }
0x2f2: {  	v3 =	vld [tilespmem:$0x390];
	_ =	sdelay $0x2  }
0x2f3: {  	[tilespmem:$0x9F70] =	vst v1  }
0x2f4: {  	v1 =	vld.idx.msk [tilespmem:v2+s7+$0x0], $0xffff;
	v2 =	vor.u32 $0x4C80, v0  }
0x2f5: {  	v2 =	vadd.s32 v2, v3  }
0x2f6: {  	v3 =	vld [tilespmem:$0x3A0];
	_ =	sdelay $0x2  }
0x2f7: {  	[tilespmem:$0x9F80] =	vst v1  }
0x2f8: {  	v1 =	vld.idx.msk [tilespmem:v2+s7+$0x0], $0xffff;
	v2 =	vor.u32 $0x4D00, v0  }
0x2f9: {  	v2 =	vadd.s32 v2, v3  }
0x2fa: {  	v3 =	vld [tilespmem:$0x3B0];
	_ =	sdelay $0x2  }
0x2fb: {  	[tilespmem:$0x9F90] =	vst v1  }
0x2fc: {  	v1 =	vld.idx.msk [tilespmem:v2+s7+$0x0], $0xffff;
	v2 =	vor.u32 $0x4D80, v0  }
0x2fd: {  	v2 =	vadd.s32 v2, v3  }
0x2fe: {  	v3 =	vld [tilespmem:$0x3C0];
	_ =	sdelay $0x2  }
0x2ff: {  	[tilespmem:$0x9FA0] =	vst v1  }
0x300: {  	v1 =	vld.idx.msk [tilespmem:v2+s7+$0x0], $0xffff;
	v2 =	vor.u32 $0x4E00, v0  }
0x301: {  	v2 =	vadd.s32 v2, v3  }
0x302: {  	v3 =	vld [tilespmem:$0x3D0];
	_ =	sdelay $0x2  }
0x303: {  	[tilespmem:$0x9FB0] =	vst v1  }
0x304: {  	v1 =	vld.idx.msk [tilespmem:v2+s7+$0x0], $0xffff;
	v2 =	vor.u32 $0x4E80, v0  }
0x305: {  	v2 =	vadd.s32 v2, v3  }
0x306: {  	v3 =	vld [tilespmem:$0x3E0];
	_ =	sdelay $0x2  }
0x307: {  	[tilespmem:$0x9FC0] =	vst v1  }
0x308: {  	v1 =	vld.idx.msk [tilespmem:v2+s7+$0x0], $0xffff;
	v2 =	vor.u32 $0x4F00, v0  }
0x309: {  	v2 =	vadd.s32 v2, v3  }
0x30a: {  	v3 =	vld [tilespmem:$0x3F0];
	_ =	sdelay $0x2  }
0x30b: {  	[tilespmem:$0x9FD0] =	vst v1  }
0x30c: {  	v1 =	vld.idx.msk [tilespmem:v2+s7+$0x0], $0xffff;
	v2 =	vor.u32 $0x4F80, v0  }
0x30d: {  	v2 =	vadd.s32 v2, v3;
	_ =	sdelay $0x3  }
0x30e: {  	[tilespmem:$0x9FE0] =	vst v1  }
0x30f: {  	v1 =	vld.idx.msk [tilespmem:v2+s7+$0x0], $0xffff;
	_ =	sdelay $0x4  }
0x310: {  	s9 =	rddreg [dreg:$0x11];
	[tilespmem:$0x9FF0] =	vst v1  }
0x311: {  	[hbm4b:s9+s2] =	stream.linear.scatter [tilespmem:s23], [sflag:$0x5], $0x200, $0x38;
	[tilespmem:$0xA800] =	vst v63  }
0x312: {  	_ =	swait.ge [sflag:s24], $0x1000  }
0x313: {  	[sflag:s24] =	ssyncset.done $0x0  }
0x314: {  	[sflag:s24] =	ssyncadd.s32 $0xFFFFF000  }
0x315: {  	v1 =	vld [tilespmem:$0x200];
	_ =	sdelay $0x3  }
0x316: {  	v2 =	vor.u32 $0x5000, v0  }
0x317: {  	v1 =	vadd.s32 v2, v1  }
0x318: {  	v2 =	vld [tilespmem:$0x210];
	_ =	sdelay $0x3  }
0x319: {  	v3 =	vor.u32 $0x5080, v0;
	v1 =	vld.idx.msk [tilespmem:v1+s7+$0x0], $0xffff  }
0x31a: {  	v2 =	vadd.s32 v3, v2  }
0x31b: {  	v3 =	vld [tilespmem:$0x220];
	_ =	sdelay $0x2  }
0x31c: {  	[tilespmem:$0xA000] =	vst v1  }
0x31d: {  	v1 =	vld.idx.msk [tilespmem:v2+s7+$0x0], $0xffff;
	v2 =	vor.u32 $0x5100, v0  }
0x31e: {  	v2 =	vadd.s32 v2, v3  }
0x31f: {  	v3 =	vld [tilespmem:$0x230];
	_ =	sdelay $0x2  }
0x320: {  	[tilespmem:$0xA010] =	vst v1  }
0x321: {  	v1 =	vld.idx.msk [tilespmem:v2+s7+$0x0], $0xffff;
	v2 =	vor.u32 $0x5180, v0  }
0x322: {  	v2 =	vadd.s32 v2, v3  }
0x323: {  	v3 =	vld [tilespmem:$0x240];
	_ =	sdelay $0x2  }
0x324: {  	[tilespmem:$0xA020] =	vst v1  }
0x325: {  	v1 =	vld.idx.msk [tilespmem:v2+s7+$0x0], $0xffff;
	v2 =	vor.u32 $0x5200, v0  }
0x326: {  	v2 =	vadd.s32 v2, v3  }
0x327: {  	v3 =	vld [tilespmem:$0x250];
	_ =	sdelay $0x2  }
0x328: {  	[tilespmem:$0xA030] =	vst v1  }
0x329: {  	v1 =	vld.idx.msk [tilespmem:v2+s7+$0x0], $0xffff;
	v2 =	vor.u32 $0x5280, v0  }
0x32a: {  	v2 =	vadd.s32 v2, v3  }
0x32b: {  	v3 =	vld [tilespmem:$0x260];
	_ =	sdelay $0x2  }
0x32c: {  	[tilespmem:$0xA040] =	vst v1  }
0x32d: {  	v1 =	vld.idx.msk [tilespmem:v2+s7+$0x0], $0xffff;
	v2 =	vor.u32 $0x5300, v0  }
0x32e: {  	v2 =	vadd.s32 v2, v3  }
0x32f: {  	v3 =	vld [tilespmem:$0x270];
	_ =	sdelay $0x2  }
0x330: {  	[tilespmem:$0xA050] =	vst v1  }
0x331: {  	v1 =	vld.idx.msk [tilespmem:v2+s7+$0x0], $0xffff;
	v2 =	vor.u32 $0x5380, v0  }
0x332: {  	v2 =	vadd.s32 v2, v3  }
0x333: {  	v3 =	vld [tilespmem:$0x280];
	_ =	sdelay $0x2  }
0x334: {  	[tilespmem:$0xA060] =	vst v1  }
0x335: {  	v1 =	vld.idx.msk [tilespmem:v2+s7+$0x0], $0xffff;
	v2 =	vor.u32 $0x5400, v0  }
0x336: {  	v2 =	vadd.s32 v2, v3  }
0x337: {  	v3 =	vld [tilespmem:$0x290];
	_ =	sdelay $0x2  }
0x338: {  	[tilespmem:$0xA070] =	vst v1  }
0x339: {  	v1 =	vld.idx.msk [tilespmem:v2+s7+$0x0], $0xffff;
	v2 =	vor.u32 $0x5480, v0  }
0x33a: {  	v2 =	vadd.s32 v2, v3  }
0x33b: {  	v3 =	vld [tilespmem:$0x2A0];
	_ =	sdelay $0x2  }
0x33c: {  	[tilespmem:$0xA080] =	vst v1  }
0x33d: {  	v1 =	vld.idx.msk [tilespmem:v2+s7+$0x0], $0xffff;
	v2 =	vor.u32 $0x5500, v0  }
0x33e: {  	v2 =	vadd.s32 v2, v3  }
0x33f: {  	v3 =	vld [tilespmem:$0x2B0];
	_ =	sdelay $0x2  }
0x340: {  	[tilespmem:$0xA090] =	vst v1  }
0x341: {  	v1 =	vld.idx.msk [tilespmem:v2+s7+$0x0], $0xffff;
	v2 =	vor.u32 $0x5580, v0  }
0x342: {  	v2 =	vadd.s32 v2, v3  }
0x343: {  	v3 =	vld [tilespmem:$0x2C0];
	_ =	sdelay $0x2  }
0x344: {  	[tilespmem:$0xA0A0] =	vst v1  }
0x345: {  	v1 =	vld.idx.msk [tilespmem:v2+s7+$0x0], $0xffff;
	v2 =	vor.u32 $0x5600, v0  }
0x346: {  	v2 =	vadd.s32 v2, v3  }
0x347: {  	v3 =	vld [tilespmem:$0x2D0];
	_ =	sdelay $0x2  }
0x348: {  	[tilespmem:$0xA0B0] =	vst v1  }
0x349: {  	v1 =	vld.idx.msk [tilespmem:v2+s7+$0x0], $0xffff;
	v2 =	vor.u32 $0x5680, v0  }
0x34a: {  	v2 =	vadd.s32 v2, v3  }
0x34b: {  	v3 =	vld [tilespmem:$0x2E0];
	_ =	sdelay $0x2  }
0x34c: {  	[tilespmem:$0xA0C0] =	vst v1  }
0x34d: {  	v1 =	vld.idx.msk [tilespmem:v2+s7+$0x0], $0xffff;
	v2 =	vor.u32 $0x5700, v0  }
0x34e: {  	v2 =	vadd.s32 v2, v3  }
0x34f: {  	v3 =	vld [tilespmem:$0x2F0];
	_ =	sdelay $0x2  }
0x350: {  	[tilespmem:$0xA0D0] =	vst v1  }
0x351: {  	v1 =	vld.idx.msk [tilespmem:v2+s7+$0x0], $0xffff;
	v2 =	vor.u32 $0x5780, v0  }
0x352: {  	v2 =	vadd.s32 v2, v3  }
0x353: {  	v3 =	vld [tilespmem:$0x300];
	_ =	sdelay $0x2  }
0x354: {  	[tilespmem:$0xA0E0] =	vst v1  }
0x355: {  	v1 =	vld.idx.msk [tilespmem:v2+s7+$0x0], $0xffff;
	v2 =	vor.u32 $0x5800, v0  }
0x356: {  	v2 =	vadd.s32 v2, v3  }
0x357: {  	v3 =	vld [tilespmem:$0x310];
	_ =	sdelay $0x2  }
0x358: {  	[tilespmem:$0xA0F0] =	vst v1  }
0x359: {  	v1 =	vld.idx.msk [tilespmem:v2+s7+$0x0], $0xffff;
	v2 =	vor.u32 $0x5880, v0  }
0x35a: {  	v2 =	vadd.s32 v2, v3  }
0x35b: {  	v3 =	vld [tilespmem:$0x320];
	_ =	sdelay $0x2  }
0x35c: {  	[tilespmem:$0xA100] =	vst v1  }
0x35d: {  	v1 =	vld.idx.msk [tilespmem:v2+s7+$0x0], $0xffff;
	v2 =	vor.u32 $0x5900, v0  }
0x35e: {  	v2 =	vadd.s32 v2, v3  }
0x35f: {  	v3 =	vld [tilespmem:$0x330];
	_ =	sdelay $0x2  }
0x360: {  	[tilespmem:$0xA110] =	vst v1  }
0x361: {  	v1 =	vld.idx.msk [tilespmem:v2+s7+$0x0], $0xffff;
	v2 =	vor.u32 $0x5980, v0  }
0x362: {  	v2 =	vadd.s32 v2, v3  }
0x363: {  	v3 =	vld [tilespmem:$0x340];
	_ =	sdelay $0x2  }
0x364: {  	[tilespmem:$0xA120] =	vst v1  }
0x365: {  	v1 =	vld.idx.msk [tilespmem:v2+s7+$0x0], $0xffff;
	v2 =	vor.u32 $0x5A00, v0  }
0x366: {  	v2 =	vadd.s32 v2, v3  }
0x367: {  	v3 =	vld [tilespmem:$0x350];
	_ =	sdelay $0x2  }
0x368: {  	[tilespmem:$0xA130] =	vst v1  }
0x369: {  	v1 =	vld.idx.msk [tilespmem:v2+s7+$0x0], $0xffff;
	v2 =	vor.u32 $0x5A80, v0  }
0x36a: {  	v2 =	vadd.s32 v2, v3  }
0x36b: {  	v3 =	vld [tilespmem:$0x360];
	_ =	sdelay $0x2  }
0x36c: {  	[tilespmem:$0xA140] =	vst v1  }
0x36d: {  	v1 =	vld.idx.msk [tilespmem:v2+s7+$0x0], $0xffff;
	v2 =	vor.u32 $0x5B00, v0  }
0x36e: {  	v2 =	vadd.s32 v2, v3  }
0x36f: {  	v3 =	vld [tilespmem:$0x370];
	_ =	sdelay $0x2  }
0x370: {  	[tilespmem:$0xA150] =	vst v1  }
0x371: {  	v1 =	vld.idx.msk [tilespmem:v2+s7+$0x0], $0xffff;
	v2 =	vor.u32 $0x5B80, v0  }
0x372: {  	v2 =	vadd.s32 v2, v3  }
0x373: {  	v3 =	vld [tilespmem:$0x380];
	_ =	sdelay $0x2  }
0x374: {  	[tilespmem:$0xA160] =	vst v1  }
0x375: {  	v1 =	vld.idx.msk [tilespmem:v2+s7+$0x0], $0xffff;
	v2 =	vor.u32 $0x5C00, v0  }
0x376: {  	v2 =	vadd.s32 v2, v3  }
0x377: {  	v3 =	vld [tilespmem:$0x390];
	_ =	sdelay $0x2  }
0x378: {  	[tilespmem:$0xA170] =	vst v1  }
0x379: {  	v1 =	vld.idx.msk [tilespmem:v2+s7+$0x0], $0xffff;
	v2 =	vor.u32 $0x5C80, v0  }
0x37a: {  	v2 =	vadd.s32 v2, v3  }
0x37b: {  	v3 =	vld [tilespmem:$0x3A0];
	_ =	sdelay $0x2  }
0x37c: {  	[tilespmem:$0xA180] =	vst v1  }
0x37d: {  	v1 =	vld.idx.msk [tilespmem:v2+s7+$0x0], $0xffff;
	v2 =	vor.u32 $0x5D00, v0  }
0x37e: {  	v2 =	vadd.s32 v2, v3  }
0x37f: {  	v3 =	vld [tilespmem:$0x3B0];
	_ =	sdelay $0x2  }
0x380: {  	[tilespmem:$0xA190] =	vst v1  }
0x381: {  	v1 =	vld.idx.msk [tilespmem:v2+s7+$0x0], $0xffff;
	v2 =	vor.u32 $0x5D80, v0  }
0x382: {  	v2 =	vadd.s32 v2, v3  }
0x383: {  	v3 =	vld [tilespmem:$0x3C0];
	_ =	sdelay $0x2  }
0x384: {  	[tilespmem:$0xA1A0] =	vst v1  }
0x385: {  	v1 =	vld.idx.msk [tilespmem:v2+s7+$0x0], $0xffff;
	v2 =	vor.u32 $0x5E00, v0  }
0x386: {  	v2 =	vadd.s32 v2, v3  }
0x387: {  	v3 =	vld [tilespmem:$0x3D0];
	_ =	sdelay $0x2  }
0x388: {  	[tilespmem:$0xA1B0] =	vst v1  }
0x389: {  	v1 =	vld.idx.msk [tilespmem:v2+s7+$0x0], $0xffff;
	v2 =	vor.u32 $0x5E80, v0  }
0x38a: {  	v2 =	vadd.s32 v2, v3  }
0x38b: {  	v3 =	vld [tilespmem:$0x3E0];
	_ =	sdelay $0x2  }
0x38c: {  	[tilespmem:$0xA1C0] =	vst v1  }
0x38d: {  	v1 =	vld.idx.msk [tilespmem:v2+s7+$0x0], $0xffff;
	v2 =	vor.u32 $0x5F00, v0  }
0x38e: {  	v2 =	vadd.s32 v2, v3  }
0x38f: {  	v3 =	vld [tilespmem:$0x3F0];
	_ =	sdelay $0x2  }
0x390: {  	[tilespmem:$0xA1D0] =	vst v1  }
0x391: {  	v1 =	vld.idx.msk [tilespmem:v2+s7+$0x0], $0xffff;
	v2 =	vor.u32 $0x5F80, v0  }
0x392: {  	v2 =	vadd.s32 v2, v3;
	_ =	sdelay $0x3  }
0x393: {  	[tilespmem:$0xA1E0] =	vst v1  }
0x394: {  	v1 =	vld.idx.msk [tilespmem:v2+s7+$0x0], $0xffff;
	_ =	sdelay $0x4  }
0x395: {  	s10 =	rddreg [dreg:$0x12];
	[tilespmem:$0xA1F0] =	vst v1  }
0x396: {  	[hbm4b:s10+s2] =	stream.linear.scatter [tilespmem:s25], [sflag:$0x6], $0x200, $0x38;
	[tilespmem:$0xA800] =	vst v63  }
0x397: {  	_ =	swait.ge [sflag:s26], $0x1000  }
0x398: {  	[sflag:s26] =	ssyncset.done $0x0  }
0x399: {  	[sflag:s26] =	ssyncadd.s32 $0xFFFFF000  }
0x39a: {  	v1 =	vld [tilespmem:$0x200];
	_ =	sdelay $0x3  }
0x39b: {  	v2 =	vor.u32 $0x6000, v0  }
0x39c: {  	v1 =	vadd.s32 v2, v1  }
0x39d: {  	v2 =	vld [tilespmem:$0x210];
	_ =	sdelay $0x3  }
0x39e: {  	v3 =	vor.u32 $0x6080, v0;
	v1 =	vld.idx.msk [tilespmem:v1+s7+$0x0], $0xffff  }
0x39f: {  	v2 =	vadd.s32 v3, v2  }
0x3a0: {  	v3 =	vld [tilespmem:$0x220];
	_ =	sdelay $0x2  }
0x3a1: {  	[tilespmem:$0xA200] =	vst v1  }
0x3a2: {  	v1 =	vld.idx.msk [tilespmem:v2+s7+$0x0], $0xffff;
	v2 =	vor.u32 $0x6100, v0  }
0x3a3: {  	v2 =	vadd.s32 v2, v3  }
0x3a4: {  	v3 =	vld [tilespmem:$0x230];
	_ =	sdelay $0x2  }
0x3a5: {  	[tilespmem:$0xA210] =	vst v1  }
0x3a6: {  	v1 =	vld.idx.msk [tilespmem:v2+s7+$0x0], $0xffff;
	v2 =	vor.u32 $0x6180, v0  }
0x3a7: {  	v2 =	vadd.s32 v2, v3  }
0x3a8: {  	v3 =	vld [tilespmem:$0x240];
	_ =	sdelay $0x2  }
0x3a9: {  	[tilespmem:$0xA220] =	vst v1  }
0x3aa: {  	v1 =	vld.idx.msk [tilespmem:v2+s7+$0x0], $0xffff;
	v2 =	vor.u32 $0x6200, v0  }
0x3ab: {  	v2 =	vadd.s32 v2, v3  }
0x3ac: {  	v3 =	vld [tilespmem:$0x250];
	_ =	sdelay $0x2  }
0x3ad: {  	[tilespmem:$0xA230] =	vst v1  }
0x3ae: {  	v1 =	vld.idx.msk [tilespmem:v2+s7+$0x0], $0xffff;
	v2 =	vor.u32 $0x6280, v0  }
0x3af: {  	v2 =	vadd.s32 v2, v3  }
0x3b0: {  	v3 =	vld [tilespmem:$0x260];
	_ =	sdelay $0x2  }
0x3b1: {  	[tilespmem:$0xA240] =	vst v1  }
0x3b2: {  	v1 =	vld.idx.msk [tilespmem:v2+s7+$0x0], $0xffff;
	v2 =	vor.u32 $0x6300, v0  }
0x3b3: {  	v2 =	vadd.s32 v2, v3  }
0x3b4: {  	v3 =	vld [tilespmem:$0x270];
	_ =	sdelay $0x2  }
0x3b5: {  	[tilespmem:$0xA250] =	vst v1  }
0x3b6: {  	v1 =	vld.idx.msk [tilespmem:v2+s7+$0x0], $0xffff;
	v2 =	vor.u32 $0x6380, v0  }
0x3b7: {  	v2 =	vadd.s32 v2, v3  }
0x3b8: {  	v3 =	vld [tilespmem:$0x280];
	_ =	sdelay $0x2  }
0x3b9: {  	[tilespmem:$0xA260] =	vst v1  }
0x3ba: {  	v1 =	vld.idx.msk [tilespmem:v2+s7+$0x0], $0xffff;
	v2 =	vor.u32 $0x6400, v0  }
0x3bb: {  	v2 =	vadd.s32 v2, v3  }
0x3bc: {  	v3 =	vld [tilespmem:$0x290];
	_ =	sdelay $0x2  }
0x3bd: {  	[tilespmem:$0xA270] =	vst v1  }
0x3be: {  	v1 =	vld.idx.msk [tilespmem:v2+s7+$0x0], $0xffff;
	v2 =	vor.u32 $0x6480, v0  }
0x3bf: {  	v2 =	vadd.s32 v2, v3  }
0x3c0: {  	v3 =	vld [tilespmem:$0x2A0];
	_ =	sdelay $0x2  }
0x3c1: {  	[tilespmem:$0xA280] =	vst v1  }
0x3c2: {  	v1 =	vld.idx.msk [tilespmem:v2+s7+$0x0], $0xffff;
	v2 =	vor.u32 $0x6500, v0  }
0x3c3: {  	v2 =	vadd.s32 v2, v3  }
0x3c4: {  	v3 =	vld [tilespmem:$0x2B0];
	_ =	sdelay $0x2  }
0x3c5: {  	[tilespmem:$0xA290] =	vst v1  }
0x3c6: {  	v1 =	vld.idx.msk [tilespmem:v2+s7+$0x0], $0xffff;
	v2 =	vor.u32 $0x6580, v0  }
0x3c7: {  	v2 =	vadd.s32 v2, v3  }
0x3c8: {  	v3 =	vld [tilespmem:$0x2C0];
	_ =	sdelay $0x2  }
0x3c9: {  	[tilespmem:$0xA2A0] =	vst v1  }
0x3ca: {  	v1 =	vld.idx.msk [tilespmem:v2+s7+$0x0], $0xffff;
	v2 =	vor.u32 $0x6600, v0  }
0x3cb: {  	v2 =	vadd.s32 v2, v3  }
0x3cc: {  	v3 =	vld [tilespmem:$0x2D0];
	_ =	sdelay $0x2  }
0x3cd: {  	[tilespmem:$0xA2B0] =	vst v1  }
0x3ce: {  	v1 =	vld.idx.msk [tilespmem:v2+s7+$0x0], $0xffff;
	v2 =	vor.u32 $0x6680, v0  }
0x3cf: {  	v2 =	vadd.s32 v2, v3  }
0x3d0: {  	v3 =	vld [tilespmem:$0x2E0];
	_ =	sdelay $0x2  }
0x3d1: {  	[tilespmem:$0xA2C0] =	vst v1  }
0x3d2: {  	v1 =	vld.idx.msk [tilespmem:v2+s7+$0x0], $0xffff;
	v2 =	vor.u32 $0x6700, v0  }
0x3d3: {  	v2 =	vadd.s32 v2, v3  }
0x3d4: {  	v3 =	vld [tilespmem:$0x2F0];
	_ =	sdelay $0x2  }
0x3d5: {  	[tilespmem:$0xA2D0] =	vst v1  }
0x3d6: {  	v1 =	vld.idx.msk [tilespmem:v2+s7+$0x0], $0xffff;
	v2 =	vor.u32 $0x6780, v0  }
0x3d7: {  	v2 =	vadd.s32 v2, v3  }
0x3d8: {  	v3 =	vld [tilespmem:$0x300];
	_ =	sdelay $0x2  }
0x3d9: {  	[tilespmem:$0xA2E0] =	vst v1  }
0x3da: {  	v1 =	vld.idx.msk [tilespmem:v2+s7+$0x0], $0xffff;
	v2 =	vor.u32 $0x6800, v0  }
0x3db: {  	v2 =	vadd.s32 v2, v3  }
0x3dc: {  	v3 =	vld [tilespmem:$0x310];
	_ =	sdelay $0x2  }
0x3dd: {  	[tilespmem:$0xA2F0] =	vst v1  }
0x3de: {  	v1 =	vld.idx.msk [tilespmem:v2+s7+$0x0], $0xffff;
	v2 =	vor.u32 $0x6880, v0  }
0x3df: {  	v2 =	vadd.s32 v2, v3  }
0x3e0: {  	v3 =	vld [tilespmem:$0x320];
	_ =	sdelay $0x2  }
0x3e1: {  	[tilespmem:$0xA300] =	vst v1  }
0x3e2: {  	v1 =	vld.idx.msk [tilespmem:v2+s7+$0x0], $0xffff;
	v2 =	vor.u32 $0x6900, v0  }
0x3e3: {  	v2 =	vadd.s32 v2, v3  }
0x3e4: {  	v3 =	vld [tilespmem:$0x330];
	_ =	sdelay $0x2  }
0x3e5: {  	[tilespmem:$0xA310] =	vst v1  }
0x3e6: {  	v1 =	vld.idx.msk [tilespmem:v2+s7+$0x0], $0xffff;
	v2 =	vor.u32 $0x6980, v0  }
0x3e7: {  	v2 =	vadd.s32 v2, v3  }
0x3e8: {  	v3 =	vld [tilespmem:$0x340];
	_ =	sdelay $0x2  }
0x3e9: {  	[tilespmem:$0xA320] =	vst v1  }
0x3ea: {  	v1 =	vld.idx.msk [tilespmem:v2+s7+$0x0], $0xffff;
	v2 =	vor.u32 $0x6A00, v0  }
0x3eb: {  	v2 =	vadd.s32 v2, v3  }
0x3ec: {  	v3 =	vld [tilespmem:$0x350];
	_ =	sdelay $0x2  }
0x3ed: {  	[tilespmem:$0xA330] =	vst v1  }
0x3ee: {  	v1 =	vld.idx.msk [tilespmem:v2+s7+$0x0], $0xffff;
	v2 =	vor.u32 $0x6A80, v0  }
0x3ef: {  	v2 =	vadd.s32 v2, v3  }
0x3f0: {  	v3 =	vld [tilespmem:$0x360];
	_ =	sdelay $0x2  }
0x3f1: {  	[tilespmem:$0xA340] =	vst v1  }
0x3f2: {  	v1 =	vld.idx.msk [tilespmem:v2+s7+$0x0], $0xffff;
	v2 =	vor.u32 $0x6B00, v0  }
0x3f3: {  	v2 =	vadd.s32 v2, v3  }
0x3f4: {  	v3 =	vld [tilespmem:$0x370];
	_ =	sdelay $0x2  }
0x3f5: {  	[tilespmem:$0xA350] =	vst v1  }
0x3f6: {  	v1 =	vld.idx.msk [tilespmem:v2+s7+$0x0], $0xffff;
	v2 =	vor.u32 $0x6B80, v0  }
0x3f7: {  	v2 =	vadd.s32 v2, v3  }
0x3f8: {  	v3 =	vld [tilespmem:$0x380];
	_ =	sdelay $0x2  }
0x3f9: {  	[tilespmem:$0xA360] =	vst v1  }
0x3fa: {  	v1 =	vld.idx.msk [tilespmem:v2+s7+$0x0], $0xffff;
	v2 =	vor.u32 $0x6C00, v0  }
0x3fb: {  	v2 =	vadd.s32 v2, v3  }
0x3fc: {  	v3 =	vld [tilespmem:$0x390];
	_ =	sdelay $0x2  }
0x3fd: {  	[tilespmem:$0xA370] =	vst v1  }
0x3fe: {  	v1 =	vld.idx.msk [tilespmem:v2+s7+$0x0], $0xffff;
	v2 =	vor.u32 $0x6C80, v0  }
0x3ff: {  	v2 =	vadd.s32 v2, v3  }
0x400: {  	v3 =	vld [tilespmem:$0x3A0];
	_ =	sdelay $0x2  }
0x401: {  	[tilespmem:$0xA380] =	vst v1  }
0x402: {  	v1 =	vld.idx.msk [tilespmem:v2+s7+$0x0], $0xffff;
	v2 =	vor.u32 $0x6D00, v0  }
0x403: {  	v2 =	vadd.s32 v2, v3  }
0x404: {  	v3 =	vld [tilespmem:$0x3B0];
	_ =	sdelay $0x2  }
0x405: {  	[tilespmem:$0xA390] =	vst v1  }
0x406: {  	v1 =	vld.idx.msk [tilespmem:v2+s7+$0x0], $0xffff;
	v2 =	vor.u32 $0x6D80, v0  }
0x407: {  	v2 =	vadd.s32 v2, v3  }
0x408: {  	v3 =	vld [tilespmem:$0x3C0];
	_ =	sdelay $0x2  }
0x409: {  	[tilespmem:$0xA3A0] =	vst v1  }
0x40a: {  	v1 =	vld.idx.msk [tilespmem:v2+s7+$0x0], $0xffff;
	v2 =	vor.u32 $0x6E00, v0  }
0x40b: {  	v2 =	vadd.s32 v2, v3  }
0x40c: {  	v3 =	vld [tilespmem:$0x3D0];
	_ =	sdelay $0x2  }
0x40d: {  	[tilespmem:$0xA3B0] =	vst v1  }
0x40e: {  	v1 =	vld.idx.msk [tilespmem:v2+s7+$0x0], $0xffff;
	v2 =	vor.u32 $0x6E80, v0  }
0x40f: {  	v2 =	vadd.s32 v2, v3  }
0x410: {  	v3 =	vld [tilespmem:$0x3E0];
	_ =	sdelay $0x2  }
0x411: {  	[tilespmem:$0xA3C0] =	vst v1  }
0x412: {  	v1 =	vld.idx.msk [tilespmem:v2+s7+$0x0], $0xffff;
	v2 =	vor.u32 $0x6F00, v0  }
0x413: {  	v2 =	vadd.s32 v2, v3  }
0x414: {  	v3 =	vld [tilespmem:$0x3F0];
	_ =	sdelay $0x2  }
0x415: {  	[tilespmem:$0xA3D0] =	vst v1  }
0x416: {  	v1 =	vld.idx.msk [tilespmem:v2+s7+$0x0], $0xffff;
	v2 =	vor.u32 $0x6F80, v0  }
0x417: {  	v2 =	vadd.s32 v2, v3;
	_ =	sdelay $0x3  }
0x418: {  	[tilespmem:$0xA3E0] =	vst v1  }
0x419: {  	v1 =	vld.idx.msk [tilespmem:v2+s7+$0x0], $0xffff;
	_ =	sdelay $0x4  }
0x41a: {  	s8 =	rddreg [dreg:$0x13];
	[tilespmem:$0xA3F0] =	vst v1  }
0x41b: {  	[hbm4b:s8+s2] =	stream.linear.scatter [tilespmem:s28], [sflag:$0x7], $0x200, $0x38;
	[tilespmem:$0xA800] =	vst v63  }
0x41c: {  	_ =	swait.ge [sflag:s29], $0x1000  }
0x41d: {  	[sflag:s29] =	ssyncset.done $0x0  }
0x41e: {  	[sflag:s29] =	ssyncadd.s32 $0xFFFFF000  }
0x41f: {  	v1 =	vld [tilespmem:$0x200];
	_ =	sdelay $0x3  }
0x420: {  	v2 =	vor.u32 $0x7000, v0  }
0x421: {  	v1 =	vadd.s32 v2, v1  }
0x422: {  	v2 =	vld [tilespmem:$0x210];
	_ =	sdelay $0x3  }
0x423: {  	v3 =	vor.u32 $0x7080, v0;
	v1 =	vld.idx.msk [tilespmem:v1+s7+$0x0], $0xffff  }
0x424: {  	v2 =	vadd.s32 v3, v2  }
0x425: {  	v3 =	vld [tilespmem:$0x220];
	_ =	sdelay $0x2  }
0x426: {  	[tilespmem:$0xA400] =	vst v1  }
0x427: {  	v1 =	vld.idx.msk [tilespmem:v2+s7+$0x0], $0xffff;
	v2 =	vor.u32 $0x7100, v0  }
0x428: {  	v2 =	vadd.s32 v2, v3  }
0x429: {  	v3 =	vld [tilespmem:$0x230];
	_ =	sdelay $0x2  }
0x42a: {  	[tilespmem:$0xA410] =	vst v1  }
0x42b: {  	v1 =	vld.idx.msk [tilespmem:v2+s7+$0x0], $0xffff;
	v2 =	vor.u32 $0x7180, v0  }
0x42c: {  	v2 =	vadd.s32 v2, v3  }
0x42d: {  	v3 =	vld [tilespmem:$0x240];
	_ =	sdelay $0x2  }
0x42e: {  	[tilespmem:$0xA420] =	vst v1  }
0x42f: {  	v1 =	vld.idx.msk [tilespmem:v2+s7+$0x0], $0xffff;
	v2 =	vor.u32 $0x7200, v0  }
0x430: {  	v2 =	vadd.s32 v2, v3  }
0x431: {  	v3 =	vld [tilespmem:$0x250];
	_ =	sdelay $0x2  }
0x432: {  	[tilespmem:$0xA430] =	vst v1  }
0x433: {  	v1 =	vld.idx.msk [tilespmem:v2+s7+$0x0], $0xffff;
	v2 =	vor.u32 $0x7280, v0  }
0x434: {  	v2 =	vadd.s32 v2, v3  }
0x435: {  	v3 =	vld [tilespmem:$0x260];
	_ =	sdelay $0x2  }
0x436: {  	[tilespmem:$0xA440] =	vst v1  }
0x437: {  	v1 =	vld.idx.msk [tilespmem:v2+s7+$0x0], $0xffff;
	v2 =	vor.u32 $0x7300, v0  }
0x438: {  	v2 =	vadd.s32 v2, v3  }
0x439: {  	v3 =	vld [tilespmem:$0x270];
	_ =	sdelay $0x2  }
0x43a: {  	[tilespmem:$0xA450] =	vst v1  }
0x43b: {  	v1 =	vld.idx.msk [tilespmem:v2+s7+$0x0], $0xffff;
	v2 =	vor.u32 $0x7380, v0  }
0x43c: {  	v2 =	vadd.s32 v2, v3  }
0x43d: {  	v3 =	vld [tilespmem:$0x280];
	_ =	sdelay $0x2  }
0x43e: {  	[tilespmem:$0xA460] =	vst v1  }
0x43f: {  	v1 =	vld.idx.msk [tilespmem:v2+s7+$0x0], $0xffff;
	v2 =	vor.u32 $0x7400, v0  }
0x440: {  	v2 =	vadd.s32 v2, v3  }
0x441: {  	v3 =	vld [tilespmem:$0x290];
	_ =	sdelay $0x2  }
0x442: {  	[tilespmem:$0xA470] =	vst v1  }
0x443: {  	v1 =	vld.idx.msk [tilespmem:v2+s7+$0x0], $0xffff;
	v2 =	vor.u32 $0x7480, v0  }
0x444: {  	v2 =	vadd.s32 v2, v3  }
0x445: {  	v3 =	vld [tilespmem:$0x2A0];
	_ =	sdelay $0x2  }
0x446: {  	[tilespmem:$0xA480] =	vst v1  }
0x447: {  	v1 =	vld.idx.msk [tilespmem:v2+s7+$0x0], $0xffff;
	v2 =	vor.u32 $0x7500, v0  }
0x448: {  	v2 =	vadd.s32 v2, v3  }
0x449: {  	v3 =	vld [tilespmem:$0x2B0];
	_ =	sdelay $0x2  }
0x44a: {  	[tilespmem:$0xA490] =	vst v1  }
0x44b: {  	v1 =	vld.idx.msk [tilespmem:v2+s7+$0x0], $0xffff;
	v2 =	vor.u32 $0x7580, v0  }
0x44c: {  	v2 =	vadd.s32 v2, v3  }
0x44d: {  	v3 =	vld [tilespmem:$0x2C0];
	_ =	sdelay $0x2  }
0x44e: {  	[tilespmem:$0xA4A0] =	vst v1  }
0x44f: {  	v1 =	vld.idx.msk [tilespmem:v2+s7+$0x0], $0xffff;
	v2 =	vor.u32 $0x7600, v0  }
0x450: {  	v2 =	vadd.s32 v2, v3  }
0x451: {  	v3 =	vld [tilespmem:$0x2D0];
	_ =	sdelay $0x2  }
0x452: {  	[tilespmem:$0xA4B0] =	vst v1  }
0x453: {  	v1 =	vld.idx.msk [tilespmem:v2+s7+$0x0], $0xffff;
	v2 =	vor.u32 $0x7680, v0  }
0x454: {  	v2 =	vadd.s32 v2, v3  }
0x455: {  	v3 =	vld [tilespmem:$0x2E0];
	_ =	sdelay $0x2  }
0x456: {  	[tilespmem:$0xA4C0] =	vst v1  }
0x457: {  	v1 =	vld.idx.msk [tilespmem:v2+s7+$0x0], $0xffff;
	v2 =	vor.u32 $0x7700, v0  }
0x458: {  	v2 =	vadd.s32 v2, v3  }
0x459: {  	v3 =	vld [tilespmem:$0x2F0];
	_ =	sdelay $0x2  }
0x45a: {  	[tilespmem:$0xA4D0] =	vst v1  }
0x45b: {  	v1 =	vld.idx.msk [tilespmem:v2+s7+$0x0], $0xffff;
	v2 =	vor.u32 $0x7780, v0  }
0x45c: {  	v2 =	vadd.s32 v2, v3  }
0x45d: {  	v3 =	vld [tilespmem:$0x300];
	_ =	sdelay $0x2  }
0x45e: {  	[tilespmem:$0xA4E0] =	vst v1  }
0x45f: {  	v1 =	vld.idx.msk [tilespmem:v2+s7+$0x0], $0xffff;
	v2 =	vor.u32 $0x7800, v0  }
0x460: {  	v2 =	vadd.s32 v2, v3  }
0x461: {  	v3 =	vld [tilespmem:$0x310];
	_ =	sdelay $0x2  }
0x462: {  	[tilespmem:$0xA4F0] =	vst v1  }
0x463: {  	v1 =	vld.idx.msk [tilespmem:v2+s7+$0x0], $0xffff;
	v2 =	vor.u32 $0x7880, v0  }
0x464: {  	v2 =	vadd.s32 v2, v3  }
0x465: {  	v3 =	vld [tilespmem:$0x320];
	_ =	sdelay $0x2  }
0x466: {  	[tilespmem:$0xA500] =	vst v1  }
0x467: {  	v1 =	vld.idx.msk [tilespmem:v2+s7+$0x0], $0xffff;
	v2 =	vor.u32 $0x7900, v0  }
0x468: {  	v2 =	vadd.s32 v2, v3  }
0x469: {  	v3 =	vld [tilespmem:$0x330];
	_ =	sdelay $0x2  }
0x46a: {  	[tilespmem:$0xA510] =	vst v1  }
0x46b: {  	v1 =	vld.idx.msk [tilespmem:v2+s7+$0x0], $0xffff;
	v2 =	vor.u32 $0x7980, v0  }
0x46c: {  	v2 =	vadd.s32 v2, v3  }
0x46d: {  	v3 =	vld [tilespmem:$0x340];
	_ =	sdelay $0x2  }
0x46e: {  	[tilespmem:$0xA520] =	vst v1  }
0x46f: {  	v1 =	vld.idx.msk [tilespmem:v2+s7+$0x0], $0xffff;
	v2 =	vor.u32 $0x7A00, v0  }
0x470: {  	v2 =	vadd.s32 v2, v3  }
0x471: {  	v3 =	vld [tilespmem:$0x350];
	_ =	sdelay $0x2  }
0x472: {  	[tilespmem:$0xA530] =	vst v1  }
0x473: {  	v1 =	vld.idx.msk [tilespmem:v2+s7+$0x0], $0xffff;
	v2 =	vor.u32 $0x7A80, v0  }
0x474: {  	v2 =	vadd.s32 v2, v3  }
0x475: {  	v3 =	vld [tilespmem:$0x360];
	_ =	sdelay $0x2  }
0x476: {  	[tilespmem:$0xA540] =	vst v1  }
0x477: {  	v1 =	vld.idx.msk [tilespmem:v2+s7+$0x0], $0xffff;
	v2 =	vor.u32 $0x7B00, v0  }
0x478: {  	v2 =	vadd.s32 v2, v3  }
0x479: {  	v3 =	vld [tilespmem:$0x370];
	_ =	sdelay $0x2  }
0x47a: {  	[tilespmem:$0xA550] =	vst v1  }
0x47b: {  	v1 =	vld.idx.msk [tilespmem:v2+s7+$0x0], $0xffff;
	v2 =	vor.u32 $0x7B80, v0  }
0x47c: {  	v2 =	vadd.s32 v2, v3  }
0x47d: {  	v3 =	vld [tilespmem:$0x380];
	_ =	sdelay $0x2  }
0x47e: {  	[tilespmem:$0xA560] =	vst v1  }
0x47f: {  	v1 =	vld.idx.msk [tilespmem:v2+s7+$0x0], $0xffff;
	v2 =	vor.u32 $0x7C00, v0  }
0x480: {  	v2 =	vadd.s32 v2, v3  }
0x481: {  	v3 =	vld [tilespmem:$0x390];
	_ =	sdelay $0x2  }
0x482: {  	[tilespmem:$0xA570] =	vst v1  }
0x483: {  	v1 =	vld.idx.msk [tilespmem:v2+s7+$0x0], $0xffff;
	v2 =	vor.u32 $0x7C80, v0  }
0x484: {  	v2 =	vadd.s32 v2, v3  }
0x485: {  	v3 =	vld [tilespmem:$0x3A0];
	_ =	sdelay $0x2  }
0x486: {  	[tilespmem:$0xA580] =	vst v1  }
0x487: {  	v1 =	vld.idx.msk [tilespmem:v2+s7+$0x0], $0xffff;
	v2 =	vor.u32 $0x7D00, v0  }
0x488: {  	v2 =	vadd.s32 v2, v3  }
0x489: {  	v3 =	vld [tilespmem:$0x3B0];
	_ =	sdelay $0x2  }
0x48a: {  	[tilespmem:$0xA590] =	vst v1  }
0x48b: {  	v1 =	vld.idx.msk [tilespmem:v2+s7+$0x0], $0xffff;
	v2 =	vor.u32 $0x7D80, v0  }
0x48c: {  	v2 =	vadd.s32 v2, v3  }
0x48d: {  	v3 =	vld [tilespmem:$0x3C0];
	_ =	sdelay $0x2  }
0x48e: {  	[tilespmem:$0xA5A0] =	vst v1  }
0x48f: {  	v1 =	vld.idx.msk [tilespmem:v2+s7+$0x0], $0xffff;
	v2 =	vor.u32 $0x7E00, v0  }
0x490: {  	v2 =	vadd.s32 v2, v3  }
0x491: {  	v3 =	vld [tilespmem:$0x3D0];
	_ =	sdelay $0x2  }
0x492: {  	[tilespmem:$0xA5B0] =	vst v1  }
0x493: {  	v1 =	vld.idx.msk [tilespmem:v2+s7+$0x0], $0xffff;
	v2 =	vor.u32 $0x7E80, v0  }
0x494: {  	v2 =	vadd.s32 v2, v3  }
0x495: {  	v3 =	vld [tilespmem:$0x3E0];
	_ =	sdelay $0x2  }
0x496: {  	[tilespmem:$0xA5C0] =	vst v1  }
0x497: {  	v1 =	vld.idx.msk [tilespmem:v2+s7+$0x0], $0xffff;
	v2 =	vor.u32 $0x7F00, v0  }
0x498: {  	v2 =	vadd.s32 v2, v3  }
0x499: {  	v3 =	vld [tilespmem:$0x3F0];
	_ =	sdelay $0x2  }
0x49a: {  	[tilespmem:$0xA5D0] =	vst v1  }
0x49b: {  	v1 =	vld.idx.msk [tilespmem:v2+s7+$0x0], $0xffff;
	v2 =	vor.u32 $0x7F80, v0  }
0x49c: {  	v2 =	vadd.s32 v2, v3;
	_ =	sdelay $0x3  }
0x49d: {  	[tilespmem:$0xA5E0] =	vst v1  }
0x49e: {  	v1 =	vld.idx.msk [tilespmem:v2+s7+$0x0], $0xffff;
	_ =	sdelay $0x4  }
0x49f: {  	s9 =	rddreg [dreg:$0x14];
	[tilespmem:$0xA5F0] =	vst v1  }
0x4a0: {  	[hbm4b:s9+s2] =	stream.linear.scatter [tilespmem:s30], [sflag:$0x8], $0x200, $0x38;
	[tilespmem:$0xA800] =	vst v63  }
0x4a1: {  	_ =	swait.ge [sflag:s31], $0x1000  }
0x4a2: {  	[sflag:s31] =	ssyncset.done $0x0  }
0x4a3: {  	[sflag:s31] =	ssyncadd.s32 $0xFFFFF000  }
0x4a4: {  	v1 =	vld [tilespmem:$0x200];
	_ =	sdelay $0x3  }
0x4a5: {  	v2 =	vor.u32 $0x8000, v0  }
0x4a6: {  	v1 =	vadd.s32 v2, v1  }
0x4a7: {  	v2 =	vld [tilespmem:$0x210];
	_ =	sdelay $0x3  }
0x4a8: {  	v3 =	vor.u32 $0x8080, v0;
	v1 =	vld.idx.msk [tilespmem:v1+s7+$0x0], $0xffff  }
0x4a9: {  	v2 =	vadd.s32 v3, v2  }
0x4aa: {  	v3 =	vld [tilespmem:$0x220];
	_ =	sdelay $0x2  }
0x4ab: {  	[tilespmem:$0xA600] =	vst v1  }
0x4ac: {  	v1 =	vld.idx.msk [tilespmem:v2+s7+$0x0], $0xffff;
	v2 =	vor.u32 $0x8100, v0  }
0x4ad: {  	v2 =	vadd.s32 v2, v3  }
0x4ae: {  	v3 =	vld [tilespmem:$0x230];
	_ =	sdelay $0x2  }
0x4af: {  	[tilespmem:$0xA610] =	vst v1  }
0x4b0: {  	v1 =	vld.idx.msk [tilespmem:v2+s7+$0x0], $0xffff;
	v2 =	vor.u32 $0x8180, v0  }
0x4b1: {  	v2 =	vadd.s32 v2, v3  }
0x4b2: {  	v3 =	vld [tilespmem:$0x240];
	_ =	sdelay $0x2  }
0x4b3: {  	[tilespmem:$0xA620] =	vst v1  }
0x4b4: {  	v1 =	vld.idx.msk [tilespmem:v2+s7+$0x0], $0xffff;
	v2 =	vor.u32 $0x8200, v0  }
0x4b5: {  	v2 =	vadd.s32 v2, v3  }
0x4b6: {  	v3 =	vld [tilespmem:$0x250];
	_ =	sdelay $0x2  }
0x4b7: {  	[tilespmem:$0xA630] =	vst v1  }
0x4b8: {  	v1 =	vld.idx.msk [tilespmem:v2+s7+$0x0], $0xffff;
	v2 =	vor.u32 $0x8280, v0  }
0x4b9: {  	v2 =	vadd.s32 v2, v3  }
0x4ba: {  	v3 =	vld [tilespmem:$0x260];
	_ =	sdelay $0x2  }
0x4bb: {  	[tilespmem:$0xA640] =	vst v1  }
0x4bc: {  	v1 =	vld.idx.msk [tilespmem:v2+s7+$0x0], $0xffff;
	v2 =	vor.u32 $0x8300, v0  }
0x4bd: {  	v2 =	vadd.s32 v2, v3  }
0x4be: {  	v3 =	vld [tilespmem:$0x270];
	_ =	sdelay $0x2  }
0x4bf: {  	[tilespmem:$0xA650] =	vst v1  }
0x4c0: {  	v1 =	vld.idx.msk [tilespmem:v2+s7+$0x0], $0xffff;
	v2 =	vor.u32 $0x8380, v0  }
0x4c1: {  	v2 =	vadd.s32 v2, v3  }
0x4c2: {  	v3 =	vld [tilespmem:$0x280];
	_ =	sdelay $0x2  }
0x4c3: {  	[tilespmem:$0xA660] =	vst v1  }
0x4c4: {  	v1 =	vld.idx.msk [tilespmem:v2+s7+$0x0], $0xffff;
	v2 =	vor.u32 $0x8400, v0  }
0x4c5: {  	v2 =	vadd.s32 v2, v3  }
0x4c6: {  	v3 =	vld [tilespmem:$0x290];
	_ =	sdelay $0x2  }
0x4c7: {  	[tilespmem:$0xA670] =	vst v1  }
0x4c8: {  	v1 =	vld.idx.msk [tilespmem:v2+s7+$0x0], $0xffff;
	v2 =	vor.u32 $0x8480, v0  }
0x4c9: {  	v2 =	vadd.s32 v2, v3  }
0x4ca: {  	v3 =	vld [tilespmem:$0x2A0];
	_ =	sdelay $0x2  }
0x4cb: {  	[tilespmem:$0xA680] =	vst v1  }
0x4cc: {  	v1 =	vld.idx.msk [tilespmem:v2+s7+$0x0], $0xffff;
	v2 =	vor.u32 $0x8500, v0  }
0x4cd: {  	v2 =	vadd.s32 v2, v3  }
0x4ce: {  	v3 =	vld [tilespmem:$0x2B0];
	_ =	sdelay $0x2  }
0x4cf: {  	[tilespmem:$0xA690] =	vst v1  }
0x4d0: {  	v1 =	vld.idx.msk [tilespmem:v2+s7+$0x0], $0xffff;
	v2 =	vor.u32 $0x8580, v0  }
0x4d1: {  	v2 =	vadd.s32 v2, v3  }
0x4d2: {  	v3 =	vld [tilespmem:$0x2C0];
	_ =	sdelay $0x2  }
0x4d3: {  	[tilespmem:$0xA6A0] =	vst v1  }
0x4d4: {  	v1 =	vld.idx.msk [tilespmem:v2+s7+$0x0], $0xffff;
	v2 =	vor.u32 $0x8600, v0  }
0x4d5: {  	v2 =	vadd.s32 v2, v3  }
0x4d6: {  	v3 =	vld [tilespmem:$0x2D0];
	_ =	sdelay $0x2  }
0x4d7: {  	[tilespmem:$0xA6B0] =	vst v1  }
0x4d8: {  	v1 =	vld.idx.msk [tilespmem:v2+s7+$0x0], $0xffff;
	v2 =	vor.u32 $0x8680, v0  }
0x4d9: {  	v2 =	vadd.s32 v2, v3  }
0x4da: {  	v3 =	vld [tilespmem:$0x2E0];
	_ =	sdelay $0x2  }
0x4db: {  	[tilespmem:$0xA6C0] =	vst v1  }
0x4dc: {  	v1 =	vld.idx.msk [tilespmem:v2+s7+$0x0], $0xffff;
	v2 =	vor.u32 $0x8700, v0  }
0x4dd: {  	v2 =	vadd.s32 v2, v3  }
0x4de: {  	v3 =	vld [tilespmem:$0x2F0];
	_ =	sdelay $0x2  }
0x4df: {  	[tilespmem:$0xA6D0] =	vst v1  }
0x4e0: {  	v1 =	vld.idx.msk [tilespmem:v2+s7+$0x0], $0xffff;
	v2 =	vor.u32 $0x8780, v0  }
0x4e1: {  	v2 =	vadd.s32 v2, v3  }
0x4e2: {  	v3 =	vld [tilespmem:$0x300];
	_ =	sdelay $0x2  }
0x4e3: {  	[tilespmem:$0xA6E0] =	vst v1  }
0x4e4: {  	v1 =	vld.idx.msk [tilespmem:v2+s7+$0x0], $0xffff;
	v2 =	vor.u32 $0x8800, v0  }
0x4e5: {  	v2 =	vadd.s32 v2, v3  }
0x4e6: {  	v3 =	vld [tilespmem:$0x310];
	_ =	sdelay $0x2  }
0x4e7: {  	[tilespmem:$0xA6F0] =	vst v1  }
0x4e8: {  	v1 =	vld.idx.msk [tilespmem:v2+s7+$0x0], $0xffff;
	v2 =	vor.u32 $0x8880, v0  }
0x4e9: {  	v2 =	vadd.s32 v2, v3  }
0x4ea: {  	v3 =	vld [tilespmem:$0x320];
	_ =	sdelay $0x2  }
0x4eb: {  	[tilespmem:$0xA700] =	vst v1  }
0x4ec: {  	v1 =	vld.idx.msk [tilespmem:v2+s7+$0x0], $0xffff;
	v2 =	vor.u32 $0x8900, v0  }
0x4ed: {  	v2 =	vadd.s32 v2, v3  }
0x4ee: {  	v3 =	vld [tilespmem:$0x330];
	_ =	sdelay $0x2  }
0x4ef: {  	[tilespmem:$0xA710] =	vst v1  }
0x4f0: {  	v1 =	vld.idx.msk [tilespmem:v2+s7+$0x0], $0xffff;
	v2 =	vor.u32 $0x8980, v0  }
0x4f1: {  	v2 =	vadd.s32 v2, v3  }
0x4f2: {  	v3 =	vld [tilespmem:$0x340];
	_ =	sdelay $0x2  }
0x4f3: {  	[tilespmem:$0xA720] =	vst v1  }
0x4f4: {  	v1 =	vld.idx.msk [tilespmem:v2+s7+$0x0], $0xffff;
	v2 =	vor.u32 $0x8A00, v0  }
0x4f5: {  	v2 =	vadd.s32 v2, v3  }
0x4f6: {  	v3 =	vld [tilespmem:$0x350];
	_ =	sdelay $0x2  }
0x4f7: {  	[tilespmem:$0xA730] =	vst v1  }
0x4f8: {  	v1 =	vld.idx.msk [tilespmem:v2+s7+$0x0], $0xffff;
	v2 =	vor.u32 $0x8A80, v0  }
0x4f9: {  	v2 =	vadd.s32 v2, v3  }
0x4fa: {  	v3 =	vld [tilespmem:$0x360];
	_ =	sdelay $0x2  }
0x4fb: {  	[tilespmem:$0xA740] =	vst v1  }
0x4fc: {  	v1 =	vld.idx.msk [tilespmem:v2+s7+$0x0], $0xffff;
	v2 =	vor.u32 $0x8B00, v0  }
0x4fd: {  	v2 =	vadd.s32 v2, v3  }
0x4fe: {  	v3 =	vld [tilespmem:$0x370];
	_ =	sdelay $0x2  }
0x4ff: {  	[tilespmem:$0xA750] =	vst v1  }
0x500: {  	v1 =	vld.idx.msk [tilespmem:v2+s7+$0x0], $0xffff;
	v2 =	vor.u32 $0x8B80, v0  }
0x501: {  	v2 =	vadd.s32 v2, v3  }
0x502: {  	v3 =	vld [tilespmem:$0x380];
	_ =	sdelay $0x2  }
0x503: {  	[tilespmem:$0xA760] =	vst v1  }
0x504: {  	v1 =	vld.idx.msk [tilespmem:v2+s7+$0x0], $0xffff;
	v2 =	vor.u32 $0x8C00, v0  }
0x505: {  	v2 =	vadd.s32 v2, v3  }
0x506: {  	v3 =	vld [tilespmem:$0x390];
	_ =	sdelay $0x2  }
0x507: {  	[tilespmem:$0xA770] =	vst v1  }
0x508: {  	v1 =	vld.idx.msk [tilespmem:v2+s7+$0x0], $0xffff;
	v2 =	vor.u32 $0x8C80, v0  }
0x509: {  	v2 =	vadd.s32 v2, v3  }
0x50a: {  	v3 =	vld [tilespmem:$0x3A0];
	_ =	sdelay $0x2  }
0x50b: {  	[tilespmem:$0xA780] =	vst v1  }
0x50c: {  	v1 =	vld.idx.msk [tilespmem:v2+s7+$0x0], $0xffff;
	v2 =	vor.u32 $0x8D00, v0  }
0x50d: {  	v2 =	vadd.s32 v2, v3  }
0x50e: {  	v3 =	vld [tilespmem:$0x3B0];
	_ =	sdelay $0x2  }
0x50f: {  	[tilespmem:$0xA790] =	vst v1  }
0x510: {  	v1 =	vld.idx.msk [tilespmem:v2+s7+$0x0], $0xffff;
	v2 =	vor.u32 $0x8D80, v0  }
0x511: {  	v2 =	vadd.s32 v2, v3  }
0x512: {  	v3 =	vld [tilespmem:$0x3C0];
	_ =	sdelay $0x2  }
0x513: {  	[tilespmem:$0xA7A0] =	vst v1  }
0x514: {  	v1 =	vld.idx.msk [tilespmem:v2+s7+$0x0], $0xffff;
	v2 =	vor.u32 $0x8E00, v0  }
0x515: {  	v2 =	vadd.s32 v2, v3  }
0x516: {  	v3 =	vld [tilespmem:$0x3D0];
	_ =	sdelay $0x2  }
0x517: {  	[tilespmem:$0xA7B0] =	vst v1  }
0x518: {  	v1 =	vld.idx.msk [tilespmem:v2+s7+$0x0], $0xffff;
	v2 =	vor.u32 $0x8E80, v0  }
0x519: {  	v2 =	vadd.s32 v2, v3  }
0x51a: {  	v3 =	vld [tilespmem:$0x3E0];
	_ =	sdelay $0x2  }
0x51b: {  	[tilespmem:$0xA7C0] =	vst v1  }
0x51c: {  	v1 =	vld.idx.msk [tilespmem:v2+s7+$0x0], $0xffff;
	v2 =	vor.u32 $0x8F00, v0  }
0x51d: {  	v2 =	vadd.s32 v2, v3  }
0x51e: {  	v3 =	vld [tilespmem:$0x3F0];
	_ =	sdelay $0x2  }
0x51f: {  	[tilespmem:$0xA7D0] =	vst v1  }
0x520: {  	v1 =	vld.idx.msk [tilespmem:v2+s7+$0x0], $0xffff;
	v2 =	vor.u32 $0x8F80, v0  }
0x521: {  	v2 =	vadd.s32 v2, v3;
	_ =	sdelay $0x3  }
0x522: {  	[tilespmem:$0xA7E0] =	vst v1  }
0x523: {  	v1 =	vld.idx.msk [tilespmem:v2+s7+$0x0], $0xffff;
	_ =	sdelay $0x4  }
0x524: {  	s10 =	rddreg [dreg:$0x15];
	[tilespmem:$0xA7F0] =	vst v1  }
0x525: {  	[hbm4b:s10+s2] =	stream.linear.scatter [tilespmem:s0], [sflag:$0x9], $0x200, $0x38;
	[tilespmem:$0xA800] =	vst v63  }
0x526: {  	_ =	swait.ge [sflag:s14], $0x200  }
0x527: {  	[sflag:s14] =	ssyncset.done $0x0  }
0x528: {  	[sflag:s14] =	ssyncadd.s32 $0xFFFFFE00  }
0x529: {  	_ =	swait.ge [sflag:s16], $0x200  }
0x52a: {  	[sflag:s16] =	ssyncset.done $0x0  }
0x52b: {  	[sflag:s16] =	ssyncadd.s32 $0xFFFFFE00  }
0x52c: {  	_ =	swait.ge [sflag:s18], $0x200  }
0x52d: {  	[sflag:s18] =	ssyncset.done $0x0  }
0x52e: {  	[sflag:s18] =	ssyncadd.s32 $0xFFFFFE00  }
0x52f: {  	_ =	swait.ge [sflag:s20], $0x200  }
0x530: {  	[sflag:s20] =	ssyncset.done $0x0  }
0x531: {  	[sflag:s20] =	ssyncadd.s32 $0xFFFFFE00  }
0x532: {  	_ =	swait.ge [sflag:s22], $0x200  }
0x533: {  	[sflag:s22] =	ssyncset.done $0x0  }
0x534: {  	[sflag:s22] =	ssyncadd.s32 $0xFFFFFE00  }
0x535: {  	_ =	swait.ge [sflag:s24], $0x200  }
0x536: {  	[sflag:s24] =	ssyncset.done $0x0  }
0x537: {  	[sflag:s24] =	ssyncadd.s32 $0xFFFFFE00  }
0x538: {  	_ =	swait.ge [sflag:s26], $0x200  }
0x539: {  	[sflag:s26] =	ssyncset.done $0x0  }
0x53a: {  	[sflag:s26] =	ssyncadd.s32 $0xFFFFFE00  }
0x53b: {  	p0 =	sne.s32 s3, $0x1;
	_ =	swait.ge [sflag:s29], $0x200  }
.Ltmp0:
0x53c: {  	[sflag:s29] =	ssyncset.done $0x0;
	(pc) =	sbr.rel @p0 .LBB2_1-.Ltmp0, $4  }
0x53d: {  	[sflag:s29] =	ssyncadd.s32 $0xFFFFFE00  }
0x53e: {  	_ =	swait.ge [sflag:s31], $0x200  }
0x53f: {  	[sflag:s31] =	ssyncset.done $0x0  }
0x540: {  	s3 =	sadd.s32 $0xFFFFFFFF, s3;
	[sflag:s31] =	ssyncadd.s32 $0xFFFFFE00  }
0x541: {  	_ =	sfence.sel $0x180000  }
0x542: {  	[bflag:$0x0] =	sbarrier.arrive $0xFFFF  }
0x543: {  	_ =	strace $0x90000047  }
0x544: {  	s0 =	stileid.u32;
	[bflag:$0x2] =	sbarrier.arrive $0xFFFF  }
0x545: {  	p0 =	sne.s32 s0, $0x0;
	s0 =	rddreg [dreg:$0x2]  }
0x546: {  	s0 =	sadd.s32 @!p0 $0x100000, s0  }
0x547: {  	[sflag:s0] =	ssyncadd.tile.s32 @!p0 $0x1;
	_ =	shalt  }
.Lfunc_end2:
_tile_overlayer_lowered:
.L_overlay_start_2:
0x548: {  	(tag) =	ssettag $0x2  }
0x549: {  	s0 =	rddreg [dreg:$0x0];
	s2 =	stileid.u32  }
0x54a: {  	s1 =	rddreg [dreg:$0x1];
	p0 =	sne.s32 s2, $0x0  }
0x54b: {  	s3 =	rddreg [dreg:$0x2];
	[bflag:$0x3] =	sbarrier.arrive $0xFFFF;
	s2 =	simm.s32 @!p0 $0x1C0A  }
0x54c: {  	[timem:s3], [sflag:s2] =	dma.local @!p0 [hbm:s0], s1  }
0x54d: {  	s0 =	simm.s32 @!p0 $0xA  }
0x54e: {  	_ =	swait.ge @!p0 [sflag:s0], s1  }
0x54f: {  	s1 =	ssub.s32 @!p0 $0x0, s1;
	[sflag:s0] =	ssyncset.done @!p0 $0x0  }
0x550: {  	[sflag:s0] =	ssyncadd.s32 @!p0 s1  }
0x551: {  	[bflag:$0x3] =	sbarrier.arrive $0xFFFF  }
0x552: {  	_ =	shalt  }

</sc_bundles>
